<compile_context>
chip_gen: v7x
topology: tpu7x:2x2x1
jax: 0.10.2.dev20260603
libtpu: 0.0.44.dev20260713+nightly
codegen_flags: <defaults>
</compile_context>

<pallas_src>
import functools

import numpy as np
import jax
import jax.numpy as jnp
from jax import lax
from jax.experimental import pallas as pl
from jax.experimental.pallas import tpu as pltpu
from jax.experimental.pallas import tpu_sc as plsc

_N = 10000
_E = 320000
_D = 128
_H = 8
_DH = 16
_NW = 32
_B = 16
_EP = 321024
_NT = _EP // _B // _NW
_NP = 10016
_CH = 80
_NCH = _N // _CH
_NZR = _N // 8
_NZP = 1280
_NCHZ = _NZP // _CH


_GDN = lax.GatherDimensionNumbers(
    offset_dims=(), collapsed_slice_dims=(0,), start_index_map=(0,))


def _lane_perm(x, idx):
    return lax.gather(x, idx[:, None], _GDN, slice_sizes=(1,),
                      mode=lax.GatherScatterMode.PROMISE_IN_BOUNDS)


def _lane_sum(x, lanes):
    for sh in (1, 2, 4, 8):
        x = x + _lane_perm(x, lanes ^ sh)
    return x


def _sc_attn_body(with_pe, *refs):
    if with_pe:
        (kvt, qt, pe, src, dst, wv_out, z_out, *scr) = refs
        scoreb = None
        score_out = None
    else:
        (kvt, qt, src, dst, score_out, wv_out, z_out, *scr) = refs
        pe = None
    (idx_s0, idx_s1, idx_d0, idx_d1, gkv0, gkv1, gq0, gq1, pb0, pb1,
     idx_z, scoreb2, contrib, zcon, zgb, zsmb, zbuf, shwv, shz,
     smk0, smk1, smq0, smq1, smp0, smp1) = scr
    if not with_pe:
        scoreb = scoreb2
    bufs = ((idx_s0, idx_d0, gkv0, gq0, pb0, smk0, smq0, smp0),
            (idx_s1, idx_d1, gkv1, gq1, pb1, smk1, smq1, smp1))

    cid = lax.axis_index("c")
    sid = lax.axis_index("s")
    wid = cid * 16 + sid
    zv16 = jnp.zeros((16,), jnp.float32)

    def zrow(i, carry):
        for v in range(_D // 16):
            zbuf[i, pl.ds(v * 16, 16)] = zv16
        return carry

    lax.fori_loop(0, _CH, zrow, 0)

    nch_t = (_NCH - sid + 15) // 16

    def zchunk(j, carry):
        cc = sid + 16 * j
        pltpu.sync_copy(zbuf, shwv.at[pl.ds(cc * _CH, _CH)])
        return carry

    lax.fori_loop(0, nch_t, zchunk, 0)

    nchz_t = (_NCHZ - sid + 15) // 16

    def zchunkz(j, carry):
        cc = sid + 16 * j
        pltpu.sync_copy(zbuf, shz.at[pl.ds(cc * _CH, _CH)])
        return carry

    lax.fori_loop(0, nchz_t, zchunkz, 0)
    plsc.subcore_barrier()

    def issue(t, bf):
        i_s, i_d, g_kv, g_q, p_b, s_k, s_q, s_p = bf
        base = (wid + _NW * t) * _B
        pltpu.sync_copy(src.at[pl.ds(base, _B)], i_s)
        pltpu.sync_copy(dst.at[pl.ds(base, _B)], i_d)
        pltpu.async_copy(kvt.at[i_s], g_kv, s_k)
        pltpu.async_copy(qt.at[i_d], g_q, s_q)
        if with_pe:
            pltpu.async_copy(pe.at[pl.ds(base, _B)], p_b, s_p)

    def process(t, bf):
        i_s, i_d, g_kv, g_q, p_b, s_k, s_q, s_p = bf
        base = (wid + _NW * t) * _B
        pltpu.make_async_copy(kvt.at[pl.ds(0, _B)], g_kv, s_k).wait()
        pltpu.make_async_copy(qt.at[pl.ds(0, _B)], g_q, s_q).wait()
        if with_pe:
            pltpu.make_async_copy(pe.at[pl.ds(0, _B)], p_b, s_p).wait()

        def zidx(g, carry):
            dv = i_d[pl.ds(g * 16, 16)]
            df = dv.astype(jnp.float32)
            gf = jnp.zeros((16,), jnp.float32)
            for k in range(1, _H):
                gf = gf + jnp.clip(df - (float(_NZR) * k - 1.0), 0.0, 1.0)
            idx_z[pl.ds(g * 16, 16)] = (df - float(_NZR) * gf
                                        ).astype(jnp.int32)
            zgb[g, pl.ds(0, 16)] = gf
            return carry

        lax.fori_loop(0, _B // 16, zidx, 0)

        @functools.partial(plsc.parallel_loop, 0, _B, unroll=4)
        def edge(i):
            lanes = lax.iota(jnp.int32, 16)
            lf = lanes.astype(jnp.float32)
            zsm = zv16
            for hh in range(_H):
                sl = pl.ds(hh * 16, 16)
                sv = g_kv[i, sl] * g_q[i, sl]
                if with_pe:
                    sv = sv * p_b[i, sl]
                else:
                    scoreb[i, sl] = sv
                ssum = _lane_sum(sv, lanes)
                w = jnp.exp(jnp.clip(ssum, -5.0, 5.0))
                contrib[i, sl] = w * g_kv[i, pl.ds(_D + hh * 16, 16)]
                onehot = jnp.maximum(1.0 - jnp.abs(lf - float(hh)), 0.0)
                zsm = zsm + onehot * w
            zsmb[i, pl.ds(0, 16)] = zsm

        def zfin(i, carry):
            zsm = zsmb[i, pl.ds(0, 16)]
            gvec = zgb[i // 16, pl.ds(0, 16)]
            gbf = _lane_perm(gvec, jnp.full((16,), i % 16, jnp.int32))
            for v in range(_H):
                dg = gbf - float(v)
                ind = jnp.maximum(1.0 - dg * dg, 0.0)
                zcon[i, pl.ds(v * 16, 16)] = ind * zsm
            return carry

        lax.fori_loop(0, _B, zfin, 0)
        if not with_pe:
            pltpu.sync_copy(scoreb, score_out.at[pl.ds(base, _B)])
        pltpu.sync_copy(contrib, shwv.at[i_d], add=True)
        pltpu.sync_copy(zcon, shz.at[idx_z], add=True)

    issue(0, bufs[0])

    def body2(tt, carry):
        issue(2 * tt + 1, bufs[1])
        process(2 * tt, bufs[0])
        issue(2 * tt + 2, bufs[0])
        process(2 * tt + 1, bufs[1])
        return carry

    lax.fori_loop(0, _NT // 2, body2, 0)
    process(_NT - 1, bufs[0])
    plsc.subcore_barrier()

    def ochunk(j, carry):
        cc = sid + 16 * j
        pltpu.sync_copy(shwv.at[pl.ds(cc * _CH, _CH)],
                        wv_out.at[cid, pl.ds(cc * _CH, _CH)])
        return carry

    lax.fori_loop(0, nch_t, ochunk, 0)

    def ochunkz(j, carry):
        cc = sid + 16 * j
        pltpu.sync_copy(shz.at[pl.ds(cc * _CH, _CH)],
                        z_out.at[cid, pl.ds(cc * _CH, _CH)])
        return carry

    lax.fori_loop(0, nchz_t, ochunkz, 0)


def _make_sc_attn(with_pe):
    mesh = plsc.VectorSubcoreMesh(core_axis_name="c", subcore_axis_name="s")
    accs = (jax.ShapeDtypeStruct((2, _N, _D), jnp.float32),
            jax.ShapeDtypeStruct((2, _NZP, _D), jnp.float32))
    if with_pe:
        out_type = accs
    else:
        out_type = (jax.ShapeDtypeStruct((_EP, _D), jnp.float32),) + accs
    scratch = [
        pltpu.VMEM((_B,), jnp.int32),
        pltpu.VMEM((_B,), jnp.int32),
        pltpu.VMEM((_B,), jnp.int32),
        pltpu.VMEM((_B,), jnp.int32),
        pltpu.VMEM((_B, 2 * _D), jnp.float32),
        pltpu.VMEM((_B, 2 * _D), jnp.float32),
        pltpu.VMEM((_B, _D), jnp.float32),
        pltpu.VMEM((_B, _D), jnp.float32),
        pltpu.VMEM((_B, _D), jnp.float32),
        pltpu.VMEM((_B, _D), jnp.float32),
        pltpu.VMEM((_B,), jnp.int32),
        pltpu.VMEM((_B, _D), jnp.float32),
        pltpu.VMEM((_B, _D), jnp.float32),
        pltpu.VMEM((_B, _D), jnp.float32),
        pltpu.VMEM((_B // 16, 16), jnp.float32),
        pltpu.VMEM((_B, 16), jnp.float32),
        pltpu.VMEM((_CH, _D), jnp.float32),
        pltpu.VMEM_SHARED((_NP, _D), jnp.float32),
        pltpu.VMEM_SHARED((_NZP, _D), jnp.float32),
        pltpu.SemaphoreType.DMA,
        pltpu.SemaphoreType.DMA,
        pltpu.SemaphoreType.DMA,
        pltpu.SemaphoreType.DMA,
        pltpu.SemaphoreType.DMA,
        pltpu.SemaphoreType.DMA,
    ]
    return pl.kernel(functools.partial(_sc_attn_body, with_pe),
                     out_type=out_type, mesh=mesh, scratch_types=scratch)


def _ln_rows(x, g, b):
    mu = jnp.mean(x, axis=-1, keepdims=True)
    var = jnp.mean((x - mu) ** 2, axis=-1, keepdims=True)
    return (x - mu) / jnp.sqrt(var + 1e-5) * g + b


def _prep_body(h, wemb, bemb, q1w, k1wp, v1w, hh, qh1, kv1):
    x = jnp.dot(h[...], wemb[...], preferred_element_type=jnp.float32)
    x = x + bemb[...]
    hh[...] = x
    qh1[...] = jnp.dot(x, q1w[...], preferred_element_type=jnp.float32)
    kv1[:, 0:_D] = jnp.dot(x, k1wp[...], preferred_element_type=jnp.float32)
    kv1[:, _D:2 * _D] = jnp.dot(x, v1w[...],
                                preferred_element_type=jnp.float32)


def _edge_chain_body(s, oew, biase, g1, b1, w1, bf1, w2, bf2, g2, b2,
                     projw, pe2):
    x1 = jnp.dot(s[...], oew[...], preferred_element_type=jnp.float32)
    x1 = _ln_rows(x1 + biase[...], g1[...], b1[...])
    t = jnp.maximum(
        jnp.dot(x1, w1[...], preferred_element_type=jnp.float32) + bf1[...],
        0.0)
    x2 = x1 + jnp.dot(t, w2[...], preferred_element_type=jnp.float32) + bf2[...]
    x2 = _ln_rows(x2, g2[...], b2[...])
    pe2[...] = jnp.dot(x2, projw[...], preferred_element_type=jnp.float32)


def _mk_selz():
    s = np.zeros((_H, 128, _H), dtype=np.float32)
    for g in range(_H):
        for hh in range(_H):
            s[g, 16 * g + hh, hh] = 1.0
    return s


_SELZ = _mk_selz()
_SEL8 = np.repeat(np.eye(_H, dtype=np.float32), _DH, axis=1)


def _attn_merge(acc_wv, acc_z, selz, sel8):
    wv = acc_wv[0] + acc_wv[1]
    zs = acc_z[0, 0:_NZR, :] + acc_z[1, 0:_NZR, :]
    zc = jnp.concatenate(
        [jnp.dot(zs, selz[g], preferred_element_type=jnp.float32)
         for g in range(_H)], axis=0)
    r = 1.0 / (zc + 1e-6)
    return wv * jnp.dot(r, sel8, preferred_element_type=jnp.float32)


def _node1_body(acc_wv, acc_z, selz, sel8, hh, ohw, ohb, g1, b1, w1, bf1,
                w2, bf2, g2, b2, q2w, k2w, v2w, hh1p, qh2, kv2):
    h_attn = _attn_merge(acc_wv[...], acc_z[...], selz[...], sel8[...])
    x = hh[...] + jnp.dot(h_attn, ohw[...],
                          preferred_element_type=jnp.float32) + ohb[...]
    x = _ln_rows(x, g1[...], b1[...])
    t = jnp.maximum(
        jnp.dot(x, w1[...], preferred_element_type=jnp.float32) + bf1[...],
        0.0)
    x2 = x + jnp.dot(t, w2[...], preferred_element_type=jnp.float32) + bf2[...]
    x2 = _ln_rows(x2, g2[...], b2[...])
    hh1p[...] = x2
    qh2[...] = jnp.dot(x2, q2w[...], preferred_element_type=jnp.float32)
    kv2[:, 0:_D] = jnp.dot(x2, k2w[...], preferred_element_type=jnp.float32)
    kv2[:, _D:2 * _D] = jnp.dot(x2, v2w[...],
                                preferred_element_type=jnp.float32)


def _node2_body(acc_wv, acc_z, selz, sel8, hh, ohw, ohb, g1, b1, w1, bf1,
                w2, bf2, g2, b2, m0w, m0b, m1w, m1b, m2w, m2b, out):
    h_attn = _attn_merge(acc_wv[...], acc_z[...], selz[...], sel8[...])
    x = hh[...] + jnp.dot(h_attn, ohw[...],
                          preferred_element_type=jnp.float32) + ohb[...]
    x = _ln_rows(x, g1[...], b1[...])
    t = jnp.maximum(
        jnp.dot(x, w1[...], preferred_element_type=jnp.float32) + bf1[...],
        0.0)
    x2 = x + jnp.dot(t, w2[...], preferred_element_type=jnp.float32) + bf2[...]
    x2 = _ln_rows(x2, g2[...], b2[...])
    y = jnp.mean(x2, axis=0, keepdims=True)
    y = jnp.maximum(
        jnp.dot(y, m0w[...], preferred_element_type=jnp.float32) + m0b[...],
        0.0)
    y = jnp.maximum(
        jnp.dot(y, m1w[...], preferred_element_type=jnp.float32) + m1b[...],
        0.0)
    out[...] = jnp.dot(y, m2w[...], preferred_element_type=jnp.float32) \
        + m2b[...]


_EB = 512


def kernel(h, e, params, edge_index):
    del e
    L0, L1 = params["layers"]
    src = jnp.concatenate(
        [edge_index[0], jnp.zeros((_EP - _E,), jnp.int32)])
    dst = jnp.concatenate(
        [edge_index[1], jnp.full((_EP - _E,), _N, jnp.int32)])

    c0 = params["emb_e"]["W"][0] + params["emb_e"]["b"]
    p1 = c0 @ L0["proj_e"]["W"]
    scale1 = p1 / np.float32(np.sqrt(_DH))
    k1wp = L0["K"]["W"] * scale1[None, :]
    bias_e = (c0 + L0["O_e"]["b"])[None, :]
    proj2wp = L1["proj_e"]["W"] / np.float32(np.sqrt(_DH))

    r2 = lambda v: v[None, :]

    prep = pl.pallas_call(
        _prep_body,
        out_shape=[jax.ShapeDtypeStruct((_N, _D), jnp.float32),
                   jax.ShapeDtypeStruct((_N, _D), jnp.float32),
                   jax.ShapeDtypeStruct((_N, 2 * _D), jnp.float32)],
    )
    hh, qh1, kv1 = prep(h, params["emb_h"]["W"], r2(params["emb_h"]["b"]),
                        L0["Q"]["W"], k1wp, L0["V"]["W"])

    score1, wv1, zz1 = _make_sc_attn(False)(kv1, qh1, src, dst)

    wspec = lambda shp: pl.BlockSpec(shp, lambda i: (0,) * len(shp))
    edge_chain = pl.pallas_call(
        _edge_chain_body,
        grid=(_EP // _EB,),
        in_specs=[pl.BlockSpec((_EB, _D), lambda i: (i, 0)),
                  wspec((_D, _D)), wspec((1, _D)), wspec((1, _D)),
                  wspec((1, _D)), wspec((_D, 2 * _D)), wspec((1, 2 * _D)),
                  wspec((2 * _D, _D)), wspec((1, _D)), wspec((1, _D)),
                  wspec((1, _D)), wspec((_D, _D))],
        out_specs=pl.BlockSpec((_EB, _D), lambda i: (i, 0)),
        out_shape=jax.ShapeDtypeStruct((_EP, _D), jnp.float32),
    )
    pe2 = edge_chain(score1, L0["O_e"]["W"], bias_e,
                     r2(L0["ln1_e"]["g"]), r2(L0["ln1_e"]["b"]),
                     L0["ffn_e1"]["W"], r2(L0["ffn_e1"]["b"]),
                     L0["ffn_e2"]["W"], r2(L0["ffn_e2"]["b"]),
                     r2(L0["ln2_e"]["g"]), r2(L0["ln2_e"]["b"]),
                     proj2wp)

    node1 = pl.pallas_call(
        _node1_body,
        out_shape=[jax.ShapeDtypeStruct((_N, _D), jnp.float32),
                   jax.ShapeDtypeStruct((_N, _D), jnp.float32),
                   jax.ShapeDtypeStruct((_N, 2 * _D), jnp.float32)],
    )
    selz = jnp.asarray(_SELZ)
    sel8 = jnp.asarray(_SEL8)
    hh1p, qh2, kv2 = node1(
        wv1, zz1, selz, sel8, hh, L0["O_h"]["W"], r2(L0["O_h"]["b"]),
        r2(L0["ln1_h"]["g"]), r2(L0["ln1_h"]["b"]),
        L0["ffn_h1"]["W"], r2(L0["ffn_h1"]["b"]),
        L0["ffn_h2"]["W"], r2(L0["ffn_h2"]["b"]),
        r2(L0["ln2_h"]["g"]), r2(L0["ln2_h"]["b"]),
        L1["Q"]["W"], L1["K"]["W"], L1["V"]["W"])

    wv2, zz2 = _make_sc_attn(True)(kv2, qh2, pe2, src, dst)

    mlp = params["mlp"]
    node2 = pl.pallas_call(
        _node2_body,
        out_shape=jax.ShapeDtypeStruct((1, 1), jnp.float32),
    )
    y = node2(wv2, zz2, selz, sel8, hh1p, L1["O_h"]["W"], r2(L1["O_h"]["b"]),
              r2(L1["ln1_h"]["g"]), r2(L1["ln1_h"]["b"]),
              L1["ffn_h1"]["W"], r2(L1["ffn_h1"]["b"]),
              L1["ffn_h2"]["W"], r2(L1["ffn_h2"]["b"]),
              r2(L1["ln2_h"]["g"]), r2(L1["ln2_h"]["b"]),
              mlp[0]["W"], r2(mlp[0]["b"]), mlp[1]["W"], r2(mlp[1]["b"]),
              mlp[2]["W"], r2(mlp[2]["b"]))
    return y

# --- scband reference (transcript-rebuilt; emitter-appended) ---
"""Pipeline reference for scband-graph-transformer-net-65103114273409 (READ-ONLY COPY).

The authoritative reference and input builder live on the scoring server;
editing this copy changes nothing except your own understanding.
"""

import jax, jax.numpy as jnp
import numpy as np

N = 10000
E = 320000
D = 128
H = 8
DH = D // H
L = 2
ACT = 1

def _lin(key, din, dout, bias=True):
    k1, k2 = jax.random.split(key)
    lim = 1.0 / np.sqrt(din)
    p = {"W": jax.random.uniform(k1, (din, dout), minval=-lim, maxval=lim, dtype=jnp.float32)}
    if bias:
        p["b"] = jax.random.uniform(k2, (dout,), minval=-lim, maxval=lim, dtype=jnp.float32)
    return p

def _ln():
    return {"g": jnp.ones((D,), dtype=jnp.float32), "b": jnp.zeros((D,), dtype=jnp.float32)}

def _make_layer(key):
    ks = jax.random.split(key, 10)
    return {
        "Q": _lin(ks[0], D, D, bias=False),
        "K": _lin(ks[1], D, D, bias=False),
        "V": _lin(ks[2], D, D, bias=False),
        "proj_e": _lin(ks[3], D, D, bias=False),
        "O_h": _lin(ks[4], D, D),
        "O_e": _lin(ks[5], D, D),
        "ln1_h": _ln(), "ln1_e": _ln(),
        "ffn_h1": _lin(ks[6], D, 2 * D),
        "ffn_h2": _lin(ks[7], 2 * D, D),
        "ffn_e1": _lin(ks[8], D, 2 * D),
        "ffn_e2": _lin(ks[9], 2 * D, D),
        "ln2_h": _ln(), "ln2_e": _ln(),
    }

def setup_inputs(seed: int = 0):
    key = jax.random.key(seed)
    ks = jax.random.split(key, 8)
    h = jax.random.normal(ks[0], (N, D), dtype=jnp.float32)
    e = jnp.ones((E, 1), dtype=jnp.float32)
    edge_index = jax.random.randint(ks[1], (2, E), 0, N, dtype=jnp.int32)
    params = {
        "emb_h": _lin(ks[2], D, D),
        "emb_e": _lin(ks[3], 1, D),
        "layers": [_make_layer(jax.random.fold_in(ks[4], i)) for i in range(L)],
        "mlp": [_lin(ks[5], D, D // 2), _lin(ks[6], D // 2, D // 4), _lin(ks[7], D // 4, ACT)],
    }
    return {"h": h, "e": e, "params": params, "edge_index": edge_index}

def _linear(x, p):
    y = x @ p["W"]
    if "b" in p:
        y = y + p["b"]
    return y

def _layer_norm(x, p):
    mu = jnp.mean(x, axis=-1, keepdims=True)
    var = jnp.mean((x - mu) ** 2, axis=-1, keepdims=True)
    return (x - mu) / jnp.sqrt(var + 1e-5) * p["g"] + p["b"]

def _forward(h, e, params, src, dst):
    # embedding_h + (edge_feat=False -> e replaced by ones(E,1)) embedding_e
    hh = _linear(h, params["emb_h"])
    ee = _linear(jnp.ones((e.shape[0], 1), dtype=jnp.float32), params["emb_e"])
    for lp in params["layers"]:
        h_in1, e_in1 = hh, ee
        Qh = _linear(hh, lp["Q"]).reshape(N, H, DH)
        Kh = _linear(hh, lp["K"]).reshape(N, H, DH)
        Vh = _linear(hh, lp["V"]).reshape(N, H, DH)
        pe = _linear(ee, lp["proj_e"]).reshape(E, H, DH)
        score = Kh[src] * Qh[dst] / np.sqrt(DH)
        score = score * pe
        e_out = score.reshape(E, D)
        sexp = jnp.exp(jnp.clip(jnp.sum(score, axis=-1, keepdims=True), -5.0, 5.0))
        wV = jax.ops.segment_sum(sexp * Vh[src], dst, num_segments=N)
        z = jax.ops.segment_sum(sexp, dst, num_segments=N)
        h_attn = (wV / (z + 1e-6)).reshape(N, D)
        hh = _linear(h_attn, lp["O_h"])
        ee_new = _linear(e_out, lp["O_e"])
        hh = h_in1 + hh
        ee = e_in1 + ee_new
        hh = _layer_norm(hh, lp["ln1_h"])
        ee = _layer_norm(ee, lp["ln1_e"])
        h_in2, e_in2 = hh, ee
        hh = _linear(jax.nn.relu(_linear(hh, lp["ffn_h1"])), lp["ffn_h2"])
        ee = _linear(jax.nn.relu(_linear(ee, lp["ffn_e1"])), lp["ffn_e2"])
        hh = h_in2 + hh
        ee = e_in2 + ee
        hh = _layer_norm(hh, lp["ln2_h"])
        ee = _layer_norm(ee, lp["ln2_e"])
    hg = jnp.mean(hh, axis=0, keepdims=True)  # dgl.mean_nodes, single graph batch
    y = hg
    n_mlp = len(params["mlp"])
    for i in range(n_mlp):
        y = _linear(y, params["mlp"][i])
        if i < n_mlp - 1:
            y = jax.nn.relu(y)
    return y

def reference(h, e, params, edge_index):
    src = edge_index[0]
    dst = edge_index[1]
    return _forward(h, e, params, src, dst)

if __name__ == "__main__":
    import jax
    _d = setup_inputs()
    print(jax.jit(kernel)(*tuple(_d.values())))

</pallas_src>

<mosaic_0001>
#map = affine_map<(d0, d1) -> (0, 0)>
#map1 = affine_map<(d0, d1) -> (0)>
#map2 = affine_map<(d0, d1) -> (0, 0, 0)>
module attributes {stable_mosaic.version = 14 : i64} {
  func.func @_sc_attn_body(%arg0: i32, %arg1: i32, %arg2: memref<10000x256xf32, #tpu.memory_space<hbm>>, %arg3: memref<10000x128xf32, #tpu.memory_space<hbm>>, %arg4: memref<321024xi32, #tpu.memory_space<hbm>>, %arg5: memref<321024xi32, #tpu.memory_space<hbm>>, %arg6: memref<321024x128xf32, #tpu.memory_space<hbm>>, %arg7: memref<2x10000x128xf32, #tpu.memory_space<hbm>>, %arg8: memref<2x1280x128xf32, #tpu.memory_space<hbm>>, %arg9: memref<16xi32, #tpu.memory_space<vmem>>, %arg10: memref<16xi32, #tpu.memory_space<vmem>>, %arg11: memref<16xi32, #tpu.memory_space<vmem>>, %arg12: memref<16xi32, #tpu.memory_space<vmem>>, %arg13: memref<16x256xf32, #tpu.memory_space<vmem>>, %arg14: memref<16x256xf32, #tpu.memory_space<vmem>>, %arg15: memref<16x128xf32, #tpu.memory_space<vmem>>, %arg16: memref<16x128xf32, #tpu.memory_space<vmem>>, %arg17: memref<16x128xf32, #tpu.memory_space<vmem>>, %arg18: memref<16x128xf32, #tpu.memory_space<vmem>>, %arg19: memref<16xi32, #tpu.memory_space<vmem>>, %arg20: memref<16x128xf32, #tpu.memory_space<vmem>>, %arg21: memref<16x128xf32, #tpu.memory_space<vmem>>, %arg22: memref<16x128xf32, #tpu.memory_space<vmem>>, %arg23: memref<1x16xf32, #tpu.memory_space<vmem>>, %arg24: memref<16x16xf32, #tpu.memory_space<vmem>>, %arg25: memref<80x128xf32, #tpu.memory_space<vmem>>, %arg26: memref<10016x128xf32, #tpu.memory_space<vmem_shared>>, %arg27: memref<1280x128xf32, #tpu.memory_space<vmem_shared>>, %arg28: memref<!tpu.dma_semaphore, #tpu.memory_space<semaphore_mem>>, %arg29: memref<!tpu.dma_semaphore, #tpu.memory_space<semaphore_mem>>, %arg30: memref<!tpu.dma_semaphore, #tpu.memory_space<semaphore_mem>>, %arg31: memref<!tpu.dma_semaphore, #tpu.memory_space<semaphore_mem>>, %arg32: memref<!tpu.dma_semaphore, #tpu.memory_space<semaphore_mem>>, %arg33: memref<!tpu.dma_semaphore, #tpu.memory_space<semaphore_mem>>) attributes {dimension_semantics = [#tpu.dimension_semantics<core_parallel>, #tpu.dimension_semantics<subcore_parallel>], iteration_bounds = array<i64: 2, 16>, scalar_prefetch = 0 : i64, scratch_operands = 25 : i64, tpu.core_type = #tpu.core_type<sc_vector_subcore>, window_params = [{transform_indices = #map}, {transform_indices = #map}, {transform_indices = #map1}, {transform_indices = #map1}, {transform_indices = #map}, {transform_indices = #map2}, {transform_indices = #map2}]} {
    %mul3A = arith.constant 16 : i32
    %mul3A_0 = arith.muli %arg0, %mul3A : i32
    %add3A = arith.addi %mul3A_0, %arg1 : i32
    %broadcast_in_dim3A = arith.constant 0.000000e+00 : f32
    %broadcast_in_dim3A_1 = vector.broadcast %broadcast_in_dim3A : f32 to vector<16xf32>
    %scan3A = arith.constant 0 : i32
    %scan3A_2 = arith.constant 0 : i32
    %scan3A_3 = arith.constant 80 : i32
    %scan3A_4 = arith.addi %scan3A_2, %scan3A_3 : i32
    %scan3A_5 = arith.constant 1 : i32
    scf.for %scan3A_223 = %scan3A_2 to %scan3A_4 step %scan3A_5  : i32 {
      %swap3A_224 = arith.index_cast %scan3A_223 : i32 to index
      %swap3A_225 = arith.constant 0 : index
      %swap3A_226 = tpu.vector_load %arg25[%swap3A_224, %swap3A_225] {strides = array<i32>} : memref<80x128xf32, #tpu.memory_space<vmem>>, vector<1x16xf32>,
      %swap3A_227 = vector.shape_cast %swap3A_226 : vector<1x16xf32> to vector<16xf32>
      %swap3A_228 = vector.shape_cast %broadcast_in_dim3A_1 : vector<16xf32> to vector<1x16xf32>
      tpu.vector_store %arg25[%swap3A_224, %swap3A_225], %swap3A_228 {strides = array<i32>} : memref<80x128xf32, #tpu.memory_space<vmem>>, vector<1x16xf32>,
      %swap3A_229 = arith.index_cast %scan3A_223 : i32 to index
      %swap3A_230 = arith.constant 16 : index
      %swap3A_231 = tpu.vector_load %arg25[%swap3A_229, %swap3A_230] {strides = array<i32>} : memref<80x128xf32, #tpu.memory_space<vmem>>, vector<1x16xf32>,
      %swap3A_232 = vector.shape_cast %swap3A_231 : vector<1x16xf32> to vector<16xf32>
      %swap3A_233 = vector.shape_cast %broadcast_in_dim3A_1 : vector<16xf32> to vector<1x16xf32>
      tpu.vector_store %arg25[%swap3A_229, %swap3A_230], %swap3A_233 {strides = array<i32>} : memref<80x128xf32, #tpu.memory_space<vmem>>, vector<1x16xf32>,
      %swap3A_234 = arith.index_cast %scan3A_223 : i32 to index
      %swap3A_235 = arith.constant 32 : index
      %swap3A_236 = tpu.vector_load %arg25[%swap3A_234, %swap3A_235] {strides = array<i32>} : memref<80x128xf32, #tpu.memory_space<vmem>>, vector<1x16xf32>,
      %swap3A_237 = vector.shape_cast %swap3A_236 : vector<1x16xf32> to vector<16xf32>
      %swap3A_238 = vector.shape_cast %broadcast_in_dim3A_1 : vector<16xf32> to vector<1x16xf32>
      tpu.vector_store %arg25[%swap3A_234, %swap3A_235], %swap3A_238 {strides = array<i32>} : memref<80x128xf32, #tpu.memory_space<vmem>>, vector<1x16xf32>,
      %swap3A_239 = arith.index_cast %scan3A_223 : i32 to index
      %swap3A_240 = arith.constant 48 : index
      %swap3A_241 = tpu.vector_load %arg25[%swap3A_239, %swap3A_240] {strides = array<i32>} : memref<80x128xf32, #tpu.memory_space<vmem>>, vector<1x16xf32>,
      %swap3A_242 = vector.shape_cast %swap3A_241 : vector<1x16xf32> to vector<16xf32>
      %swap3A_243 = vector.shape_cast %broadcast_in_dim3A_1 : vector<16xf32> to vector<1x16xf32>
      tpu.vector_store %arg25[%swap3A_239, %swap3A_240], %swap3A_243 {strides = array<i32>} : memref<80x128xf32, #tpu.memory_space<vmem>>, vector<1x16xf32>,
      %swap3A_244 = arith.index_cast %scan3A_223 : i32 to index
      %swap3A_245 = arith.constant 64 : index
      %swap3A_246 = tpu.vector_load %arg25[%swap3A_244, %swap3A_245] {strides = array<i32>} : memref<80x128xf32, #tpu.memory_space<vmem>>, vector<1x16xf32>,
      %swap3A_247 = vector.shape_cast %swap3A_246 : vector<1x16xf32> to vector<16xf32>
      %swap3A_248 = vector.shape_cast %broadcast_in_dim3A_1 : vector<16xf32> to vector<1x16xf32>
      tpu.vector_store %arg25[%swap3A_244, %swap3A_245], %swap3A_248 {strides = array<i32>} : memref<80x128xf32, #tpu.memory_space<vmem>>, vector<1x16xf32>,
      %swap3A_249 = arith.index_cast %scan3A_223 : i32 to index
      %swap3A_250 = arith.constant 80 : index
      %swap3A_251 = tpu.vector_load %arg25[%swap3A_249, %swap3A_250] {strides = array<i32>} : memref<80x128xf32, #tpu.memory_space<vmem>>, vector<1x16xf32>,
      %swap3A_252 = vector.shape_cast %swap3A_251 : vector<1x16xf32> to vector<16xf32>
      %swap3A_253 = vector.shape_cast %broadcast_in_dim3A_1 : vector<16xf32> to vector<1x16xf32>
      tpu.vector_store %arg25[%swap3A_249, %swap3A_250], %swap3A_253 {strides = array<i32>} : memref<80x128xf32, #tpu.memory_space<vmem>>, vector<1x16xf32>,
      %swap3A_254 = arith.index_cast %scan3A_223 : i32 to index
      %swap3A_255 = arith.constant 96 : index
      %swap3A_256 = tpu.vector_load %arg25[%swap3A_254, %swap3A_255] {strides = array<i32>} : memref<80x128xf32, #tpu.memory_space<vmem>>, vector<1x16xf32>,
      %swap3A_257 = vector.shape_cast %swap3A_256 : vector<1x16xf32> to vector<16xf32>
      %swap3A_258 = vector.shape_cast %broadcast_in_dim3A_1 : vector<16xf32> to vector<1x16xf32>
      tpu.vector_store %arg25[%swap3A_254, %swap3A_255], %swap3A_258 {strides = array<i32>} : memref<80x128xf32, #tpu.memory_space<vmem>>, vector<1x16xf32>,
      %swap3A_259 = arith.index_cast %scan3A_223 : i32 to index
      %swap3A_260 = arith.constant 112 : index
      %swap3A_261 = tpu.vector_load %arg25[%swap3A_259, %swap3A_260] {strides = array<i32>} : memref<80x128xf32, #tpu.memory_space<vmem>>, vector<1x16xf32>,
      %swap3A_262 = vector.shape_cast %swap3A_261 : vector<1x16xf32> to vector<16xf32>
      %swap3A_263 = vector.shape_cast %broadcast_in_dim3A_1 : vector<16xf32> to vector<1x16xf32>
      tpu.vector_store %arg25[%swap3A_259, %swap3A_260], %swap3A_263 {strides = array<i32>} : memref<80x128xf32, #tpu.memory_space<vmem>>, vector<1x16xf32>,
    }
    %scan3A_6 = arith.constant 80 : i32
    %sub3A = arith.constant 125 : i32
    %sub3A_7 = arith.subi %sub3A, %arg1 : i32
    %add3A_8 = arith.constant 15 : i32
    %add3A_9 = arith.addi %sub3A_7, %add3A_8 : i32
    %jit3A = arith.constant 16 : i32
    %div3A = arith.divsi %add3A_9, %jit3A : i32
    %sign3A = arith.constant 0 : i32
    %sign3A_10 = arith.cmpi sgt, %add3A_9, %sign3A : i32
    %sign3A_11 = arith.extui %sign3A_10 : i1 to i32
    %sign3A_12 = arith.constant 0 : i32
    %sign3A_13 = arith.cmpi slt, %add3A_9, %sign3A_12 : i32
    %sign3A_14 = arith.extui %sign3A_13 : i1 to i32
    %sign3A_15 = arith.subi %sign3A_11, %sign3A_14 : i32
    %sign3A_16 = arith.constant 0 : i32
    %sign3A_17 = arith.cmpi sgt, %jit3A, %sign3A_16 : i32
    %sign3A_18 = arith.extui %sign3A_17 : i1 to i32
    %sign3A_19 = arith.constant 0 : i32
    %sign3A_20 = arith.cmpi slt, %jit3A, %sign3A_19 : i32
    %sign3A_21 = arith.extui %sign3A_20 : i1 to i32
    %sign3A_22 = arith.subi %sign3A_18, %sign3A_21 : i32
    %ne3A = arith.cmpi ne, %sign3A_15, %sign3A_22 : i32
    %rem3A = arith.remsi %add3A_9, %jit3A : i32
    %ne3A_23 = arith.constant 0 : i32
    %ne3A_24 = arith.cmpi ne, %rem3A, %ne3A_23 : i32
    %and3A = arith.andi %ne3A, %ne3A_24 : i1
    %sub3A_25 = arith.constant 1 : i32
    %sub3A_26 = arith.subi %div3A, %sub3A_25 : i32
    %select_n3A = arith.select %and3A, %sub3A_26, %div3A : i32
    %while3A = arith.constant 0 : i32
    %while3A_27 = arith.constant 0 : i32
    %while3A_28 = arith.subi %select_n3A, %while3A_27 : i32
    %while3A_29 = arith.addi %while3A_27, %while3A_28 : i32
    %while3A_30 = arith.constant 1 : i32
    %while3A_31 = arith.divsi %while3A_28, %while3A_30 : i32
    %while3A_32 = arith.muli %while3A_31, %while3A_30 : i32
    %while3A_33 = arith.addi %while3A_27, %while3A_32 : i32
    %while3A_34 = arith.constant 1 : i32
    scf.for %while3A_223 = %while3A_27 to %while3A_33 step %while3A_34  : i32 {
      %mul3A_224 = arith.constant 16 : i32
      %mul3A_225 = arith.muli %mul3A_224, %while3A_223 : i32
      %add3A_226 = arith.addi %arg1, %mul3A_225 : i32
      %mul3A_227 = arith.constant 80 : i32
      %mul3A_228 = arith.muli %add3A_226, %mul3A_227 : i32
      "tpu.region"() ({
        %run_scoped3A = tpu.sem_alloc : memref<!tpu.dma_semaphore, #tpu.memory_space<semaphore_mem>>
        %dma_start3A_229 = arith.constant 0 : i32
        %dma_start3A_230 = tpu.memref_slice %arg26[%mul3A_228, %dma_start3A_229] : memref<10016x128xf32, #tpu.memory_space<vmem_shared>> -> memref<80x128xf32, #tpu.memory_space<vmem_shared>>
        %dma_start3A_231 = arith.constant 0 : i32
        %dma_start3A_232 = tpu.memref_slice %arg26[%mul3A_228, %dma_start3A_231] : memref<10016x128xf32, #tpu.memory_space<vmem_shared>> -> memref<80x128xf32, #tpu.memory_space<vmem_shared>>
        tpu.enqueue_dma source(%arg25 : memref<80x128xf32, #tpu.memory_space<vmem>>) target(%dma_start3A_232 : memref<80x128xf32, #tpu.memory_space<vmem_shared>>) target_semaphore(%run_scoped3A : memref<!tpu.dma_semaphore, #tpu.memory_space<semaphore_mem>>)
        %dma_wait3A_233 = arith.constant 0 : i32
        %dma_wait3A_234 = tpu.memref_slice %arg26[%mul3A_228, %dma_wait3A_233] : memref<10016x128xf32, #tpu.memory_space<vmem_shared>> -> memref<80x128xf32, #tpu.memory_space<vmem_shared>>
        %dma_wait3A_235 = arith.constant 0 : i32
        %dma_wait3A_236 = tpu.memref_slice %arg26[%mul3A_228, %dma_wait3A_235] : memref<10016x128xf32, #tpu.memory_space<vmem_shared>> -> memref<80x128xf32, #tpu.memory_space<vmem_shared>>
        tpu.wait_dma2 semaphore(%run_scoped3A : memref<!tpu.dma_semaphore, #tpu.memory_space<semaphore_mem>>) src(%arg25 : memref<80x128xf32, #tpu.memory_space<vmem>>) dst(%dma_wait3A_236 : memref<80x128xf32, #tpu.memory_space<vmem_shared>>)
        tpu.yield
      }) : () -> ()
    }
    %while3A_35 = arith.constant 1 : i32
    scf.for %while3A_223 = %while3A_33 to %while3A_29 step %while3A_35  : i32 {
      %mul3A_224 = arith.constant 16 : i32
      %mul3A_225 = arith.muli %mul3A_224, %while3A_223 : i32
      %add3A_226 = arith.addi %arg1, %mul3A_225 : i32
      %mul3A_227 = arith.constant 80 : i32
      %mul3A_228 = arith.muli %add3A_226, %mul3A_227 : i32
      "tpu.region"() ({
        %run_scoped3A = tpu.sem_alloc : memref<!tpu.dma_semaphore, #tpu.memory_space<semaphore_mem>>
        %dma_start3A_229 = arith.constant 0 : i32
        %dma_start3A_230 = tpu.memref_slice %arg26[%mul3A_228, %dma_start3A_229] : memref<10016x128xf32, #tpu.memory_space<vmem_shared>> -> memref<80x128xf32, #tpu.memory_space<vmem_shared>>
        %dma_start3A_231 = arith.constant 0 : i32
        %dma_start3A_232 = tpu.memref_slice %arg26[%mul3A_228, %dma_start3A_231] : memref<10016x128xf32, #tpu.memory_space<vmem_shared>> -> memref<80x128xf32, #tpu.memory_space<vmem_shared>>
        tpu.enqueue_dma source(%arg25 : memref<80x128xf32, #tpu.memory_space<vmem>>) target(%dma_start3A_232 : memref<80x128xf32, #tpu.memory_space<vmem_shared>>) target_semaphore(%run_scoped3A : memref<!tpu.dma_semaphore, #tpu.memory_space<semaphore_mem>>)
        %dma_wait3A_233 = arith.constant 0 : i32
        %dma_wait3A_234 = tpu.memref_slice %arg26[%mul3A_228, %dma_wait3A_233] : memref<10016x128xf32, #tpu.memory_space<vmem_shared>> -> memref<80x128xf32, #tpu.memory_space<vmem_shared>>
        %dma_wait3A_235 = arith.constant 0 : i32
        %dma_wait3A_236 = tpu.memref_slice %arg26[%mul3A_228, %dma_wait3A_235] : memref<10016x128xf32, #tpu.memory_space<vmem_shared>> -> memref<80x128xf32, #tpu.memory_space<vmem_shared>>
        tpu.wait_dma2 semaphore(%run_scoped3A : memref<!tpu.dma_semaphore, #tpu.memory_space<semaphore_mem>>) src(%arg25 : memref<80x128xf32, #tpu.memory_space<vmem>>) dst(%dma_wait3A_236 : memref<80x128xf32, #tpu.memory_space<vmem_shared>>)
        tpu.yield
      }) : () -> ()
    }
    %sub3A_36 = arith.constant 16 : i32
    %sub3A_37 = arith.subi %sub3A_36, %arg1 : i32
    %add3A_38 = arith.constant 15 : i32
    %add3A_39 = arith.addi %sub3A_37, %add3A_38 : i32
    %jit3A_40 = arith.constant 16 : i32
    %div3A_41 = arith.divsi %add3A_39, %jit3A_40 : i32
    %sign3A_42 = arith.constant 0 : i32
    %sign3A_43 = arith.cmpi sgt, %add3A_39, %sign3A_42 : i32
    %sign3A_44 = arith.extui %sign3A_43 : i1 to i32
    %sign3A_45 = arith.constant 0 : i32
    %sign3A_46 = arith.cmpi slt, %add3A_39, %sign3A_45 : i32
    %sign3A_47 = arith.extui %sign3A_46 : i1 to i32
    %sign3A_48 = arith.subi %sign3A_44, %sign3A_47 : i32
    %sign3A_49 = arith.constant 0 : i32
    %sign3A_50 = arith.cmpi sgt, %jit3A_40, %sign3A_49 : i32
    %sign3A_51 = arith.extui %sign3A_50 : i1 to i32
    %sign3A_52 = arith.constant 0 : i32
    %sign3A_53 = arith.cmpi slt, %jit3A_40, %sign3A_52 : i32
    %sign3A_54 = arith.extui %sign3A_53 : i1 to i32
    %sign3A_55 = arith.subi %sign3A_51, %sign3A_54 : i32
    %ne3A_56 = arith.cmpi ne, %sign3A_48, %sign3A_55 : i32
    %rem3A_57 = arith.remsi %add3A_39, %jit3A_40 : i32
    %ne3A_58 = arith.constant 0 : i32
    %ne3A_59 = arith.cmpi ne, %rem3A_57, %ne3A_58 : i32
    %and3A_60 = arith.andi %ne3A_56, %ne3A_59 : i1
    %sub3A_61 = arith.constant 1 : i32
    %sub3A_62 = arith.subi %div3A_41, %sub3A_61 : i32
    %select_n3A_63 = arith.select %and3A_60, %sub3A_62, %div3A_41 : i32
    %while3A_64 = arith.constant 0 : i32
    %while3A_65 = arith.constant 0 : i32
    %while3A_66 = arith.subi %select_n3A_63, %while3A_65 : i32
    %while3A_67 = arith.addi %while3A_65, %while3A_66 : i32
    %while3A_68 = arith.constant 1 : i32
    %while3A_69 = arith.divsi %while3A_66, %while3A_68 : i32
    %while3A_70 = arith.muli %while3A_69, %while3A_68 : i32
    %while3A_71 = arith.addi %while3A_65, %while3A_70 : i32
    %while3A_72 = arith.constant 1 : i32
    scf.for %while3A_223 = %while3A_65 to %while3A_71 step %while3A_72  : i32 {
      %mul3A_224 = arith.constant 16 : i32
      %mul3A_225 = arith.muli %mul3A_224, %while3A_223 : i32
      %add3A_226 = arith.addi %arg1, %mul3A_225 : i32
      %mul3A_227 = arith.constant 80 : i32
      %mul3A_228 = arith.muli %add3A_226, %mul3A_227 : i32
      "tpu.region"() ({
        %run_scoped3A = tpu.sem_alloc : memref<!tpu.dma_semaphore, #tpu.memory_space<semaphore_mem>>
        %dma_start3A_229 = arith.constant 0 : i32
        %dma_start3A_230 = tpu.memref_slice %arg27[%mul3A_228, %dma_start3A_229] : memref<1280x128xf32, #tpu.memory_space<vmem_shared>> -> memref<80x128xf32, #tpu.memory_space<vmem_shared>>
        %dma_start3A_231 = arith.constant 0 : i32
        %dma_start3A_232 = tpu.memref_slice %arg27[%mul3A_228, %dma_start3A_231] : memref<1280x128xf32, #tpu.memory_space<vmem_shared>> -> memref<80x128xf32, #tpu.memory_space<vmem_shared>>
        tpu.enqueue_dma source(%arg25 : memref<80x128xf32, #tpu.memory_space<vmem>>) target(%dma_start3A_232 : memref<80x128xf32, #tpu.memory_space<vmem_shared>>) target_semaphore(%run_scoped3A : memref<!tpu.dma_semaphore, #tpu.memory_space<semaphore_mem>>)
        %dma_wait3A_233 = arith.constant 0 : i32
        %dma_wait3A_234 = tpu.memref_slice %arg27[%mul3A_228, %dma_wait3A_233] : memref<1280x128xf32, #tpu.memory_space<vmem_shared>> -> memref<80x128xf32, #tpu.memory_space<vmem_shared>>
        %dma_wait3A_235 = arith.constant 0 : i32
        %dma_wait3A_236 = tpu.memref_slice %arg27[%mul3A_228, %dma_wait3A_235] : memref<1280x128xf32, #tpu.memory_space<vmem_shared>> -> memref<80x128xf32, #tpu.memory_space<vmem_shared>>
        tpu.wait_dma2 semaphore(%run_scoped3A : memref<!tpu.dma_semaphore, #tpu.memory_space<semaphore_mem>>) src(%arg25 : memref<80x128xf32, #tpu.memory_space<vmem>>) dst(%dma_wait3A_236 : memref<80x128xf32, #tpu.memory_space<vmem_shared>>)
        tpu.yield
      }) : () -> ()
    }
    %while3A_73 = arith.constant 1 : i32
    scf.for %while3A_223 = %while3A_71 to %while3A_67 step %while3A_73  : i32 {
      %mul3A_224 = arith.constant 16 : i32
      %mul3A_225 = arith.muli %mul3A_224, %while3A_223 : i32
      %add3A_226 = arith.addi %arg1, %mul3A_225 : i32
      %mul3A_227 = arith.constant 80 : i32
      %mul3A_228 = arith.muli %add3A_226, %mul3A_227 : i32
      "tpu.region"() ({
        %run_scoped3A = tpu.sem_alloc : memref<!tpu.dma_semaphore, #tpu.memory_space<semaphore_mem>>
        %dma_start3A_229 = arith.constant 0 : i32
        %dma_start3A_230 = tpu.memref_slice %arg27[%mul3A_228, %dma_start3A_229] : memref<1280x128xf32, #tpu.memory_space<vmem_shared>> -> memref<80x128xf32, #tpu.memory_space<vmem_shared>>
        %dma_start3A_231 = arith.constant 0 : i32
        %dma_start3A_232 = tpu.memref_slice %arg27[%mul3A_228, %dma_start3A_231] : memref<1280x128xf32, #tpu.memory_space<vmem_shared>> -> memref<80x128xf32, #tpu.memory_space<vmem_shared>>
        tpu.enqueue_dma source(%arg25 : memref<80x128xf32, #tpu.memory_space<vmem>>) target(%dma_start3A_232 : memref<80x128xf32, #tpu.memory_space<vmem_shared>>) target_semaphore(%run_scoped3A : memref<!tpu.dma_semaphore, #tpu.memory_space<semaphore_mem>>)
        %dma_wait3A_233 = arith.constant 0 : i32
        %dma_wait3A_234 = tpu.memref_slice %arg27[%mul3A_228, %dma_wait3A_233] : memref<1280x128xf32, #tpu.memory_space<vmem_shared>> -> memref<80x128xf32, #tpu.memory_space<vmem_shared>>
        %dma_wait3A_235 = arith.constant 0 : i32
        %dma_wait3A_236 = tpu.memref_slice %arg27[%mul3A_228, %dma_wait3A_235] : memref<1280x128xf32, #tpu.memory_space<vmem_shared>> -> memref<80x128xf32, #tpu.memory_space<vmem_shared>>
        tpu.wait_dma2 semaphore(%run_scoped3A : memref<!tpu.dma_semaphore, #tpu.memory_space<semaphore_mem>>) src(%arg25 : memref<80x128xf32, #tpu.memory_space<vmem>>) dst(%dma_wait3A_236 : memref<80x128xf32, #tpu.memory_space<vmem_shared>>)
        tpu.yield
      }) : () -> ()
    }
    %barrier3A = arith.constant 0 : index
    tpu.barrier barrier_id(%barrier3A)
    %add3A_74 = arith.constant 0 : i32
    %add3A_75 = arith.addi %add3A, %add3A_74 : i32
    %mul3A_76 = arith.constant 16 : i32
    %mul3A_77 = arith.muli %add3A_75, %mul3A_76 : i32
    "tpu.region"() ({
      %run_scoped3A = tpu.sem_alloc : memref<!tpu.dma_semaphore, #tpu.memory_space<semaphore_mem>>
      %dma_start3A_223 = tpu.memref_slice %arg4[%mul3A_77] : memref<321024xi32, #tpu.memory_space<hbm>> -> memref<16xi32, #tpu.memory_space<hbm>>
      %dma_start3A_224 = tpu.memref_slice %arg4[%mul3A_77] : memref<321024xi32, #tpu.memory_space<hbm>> -> memref<16xi32, #tpu.memory_space<hbm>>
      tpu.enqueue_dma source(%dma_start3A_224 : memref<16xi32, #tpu.memory_space<hbm>>) target(%arg9 : memref<16xi32, #tpu.memory_space<vmem>>) target_semaphore(%run_scoped3A : memref<!tpu.dma_semaphore, #tpu.memory_space<semaphore_mem>>)
      %dma_wait3A_225 = tpu.memref_slice %arg4[%mul3A_77] : memref<321024xi32, #tpu.memory_space<hbm>> -> memref<16xi32, #tpu.memory_space<hbm>>
      %dma_wait3A_226 = tpu.memref_slice %arg4[%mul3A_77] : memref<321024xi32, #tpu.memory_space<hbm>> -> memref<16xi32, #tpu.memory_space<hbm>>
      tpu.wait_dma2 semaphore(%run_scoped3A : memref<!tpu.dma_semaphore, #tpu.memory_space<semaphore_mem>>) src(%dma_wait3A_226 : memref<16xi32, #tpu.memory_space<hbm>>) dst(%arg9 : memref<16xi32, #tpu.memory_space<vmem>>)
      tpu.yield
    }) : () -> ()
    "tpu.region"() ({
      %run_scoped3A = tpu.sem_alloc : memref<!tpu.dma_semaphore, #tpu.memory_space<semaphore_mem>>
      %dma_start3A_223 = tpu.memref_slice %arg5[%mul3A_77] : memref<321024xi32, #tpu.memory_space<hbm>> -> memref<16xi32, #tpu.memory_space<hbm>>
      %dma_start3A_224 = tpu.memref_slice %arg5[%mul3A_77] : memref<321024xi32, #tpu.memory_space<hbm>> -> memref<16xi32, #tpu.memory_space<hbm>>
      tpu.enqueue_dma source(%dma_start3A_224 : memref<16xi32, #tpu.memory_space<hbm>>) target(%arg11 : memref<16xi32, #tpu.memory_space<vmem>>) target_semaphore(%run_scoped3A : memref<!tpu.dma_semaphore, #tpu.memory_space<semaphore_mem>>)
      %dma_wait3A_225 = tpu.memref_slice %arg5[%mul3A_77] : memref<321024xi32, #tpu.memory_space<hbm>> -> memref<16xi32, #tpu.memory_space<hbm>>
      %dma_wait3A_226 = tpu.memref_slice %arg5[%mul3A_77] : memref<321024xi32, #tpu.memory_space<hbm>> -> memref<16xi32, #tpu.memory_space<hbm>>
      tpu.wait_dma2 semaphore(%run_scoped3A : memref<!tpu.dma_semaphore, #tpu.memory_space<semaphore_mem>>) src(%dma_wait3A_226 : memref<16xi32, #tpu.memory_space<hbm>>) dst(%arg11 : memref<16xi32, #tpu.memory_space<vmem>>)
      tpu.yield
    }) : () -> ()
    %dma_start3A = arith.constant 0 : i32
    %dma_start3A_78 = arith.constant 0 : i32
    %dma_start3A_79 = tpu.memref_slice %arg2[%dma_start3A, %dma_start3A_78] : memref<10000x256xf32, #tpu.memory_space<hbm>> -> memref<10000x256xf32, #tpu.memory_space<hbm>>
    tpu.enqueue_indirect_dma source(%dma_start3A_79 : memref<10000x256xf32, #tpu.memory_space<hbm>>) target(%arg13 : memref<16x256xf32, #tpu.memory_space<vmem>>) offsets(%arg9 : memref<16xi32, #tpu.memory_space<vmem>>) semaphore(%arg28 : memref<!tpu.dma_semaphore, #tpu.memory_space<semaphore_mem>>)
    %dma_start3A_80 = arith.constant 0 : i32
    %dma_start3A_81 = arith.constant 0 : i32
    %dma_start3A_82 = tpu.memref_slice %arg3[%dma_start3A_80, %dma_start3A_81] : memref<10000x128xf32, #tpu.memory_space<hbm>> -> memref<10000x128xf32, #tpu.memory_space<hbm>>
    tpu.enqueue_indirect_dma source(%dma_start3A_82 : memref<10000x128xf32, #tpu.memory_space<hbm>>) target(%arg15 : memref<16x128xf32, #tpu.memory_space<vmem>>) offsets(%arg11 : memref<16xi32, #tpu.memory_space<vmem>>) semaphore(%arg30 : memref<!tpu.dma_semaphore, #tpu.memory_space<semaphore_mem>>)
    %scan3A_83 = arith.constant 0 : i32
    %scan3A_84 = arith.constant 0 : i32
    %scan3A_85 = arith.constant 313 : i32
    %scan3A_86 = arith.addi %scan3A_84, %scan3A_85 : i32
    %scan3A_87 = arith.constant 1 : i32
    scf.for %scan3A_223 = %scan3A_84 to %scan3A_86 step %scan3A_87  : i32 {
      %mul3A_224 = arith.constant 2 : i32
      %mul3A_225 = arith.muli %mul3A_224, %scan3A_223 : i32
      %add3A_226 = arith.constant 1 : i32
      %add3A_227 = arith.addi %mul3A_225, %add3A_226 : i32
      %mul3A_228 = arith.constant 32 : i32
      %mul3A_229 = arith.muli %mul3A_228, %add3A_227 : i32
      %add3A_230 = arith.addi %add3A, %mul3A_229 : i32
      %mul3A_231 = arith.constant 16 : i32
      %mul3A_232 = arith.muli %add3A_230, %mul3A_231 : i32
      "tpu.region"() ({
        %run_scoped3A = tpu.sem_alloc : memref<!tpu.dma_semaphore, #tpu.memory_space<semaphore_mem>>
        %dma_start3A_500 = tpu.memref_slice %arg4[%mul3A_232] : memref<321024xi32, #tpu.memory_space<hbm>> -> memref<16xi32, #tpu.memory_space<hbm>>
        %dma_start3A_501 = tpu.memref_slice %arg4[%mul3A_232] : memref<321024xi32, #tpu.memory_space<hbm>> -> memref<16xi32, #tpu.memory_space<hbm>>
        tpu.enqueue_dma source(%dma_start3A_501 : memref<16xi32, #tpu.memory_space<hbm>>) target(%arg10 : memref<16xi32, #tpu.memory_space<vmem>>) target_semaphore(%run_scoped3A : memref<!tpu.dma_semaphore, #tpu.memory_space<semaphore_mem>>)
        %dma_wait3A_502 = tpu.memref_slice %arg4[%mul3A_232] : memref<321024xi32, #tpu.memory_space<hbm>> -> memref<16xi32, #tpu.memory_space<hbm>>
        %dma_wait3A_503 = tpu.memref_slice %arg4[%mul3A_232] : memref<321024xi32, #tpu.memory_space<hbm>> -> memref<16xi32, #tpu.memory_space<hbm>>
        tpu.wait_dma2 semaphore(%run_scoped3A : memref<!tpu.dma_semaphore, #tpu.memory_space<semaphore_mem>>) src(%dma_wait3A_503 : memref<16xi32, #tpu.memory_space<hbm>>) dst(%arg10 : memref<16xi32, #tpu.memory_space<vmem>>)
        tpu.yield
      }) : () -> ()
      "tpu.region"() ({
        %run_scoped3A = tpu.sem_alloc : memref<!tpu.dma_semaphore, #tpu.memory_space<semaphore_mem>>
        %dma_start3A_500 = tpu.memref_slice %arg5[%mul3A_232] : memref<321024xi32, #tpu.memory_space<hbm>> -> memref<16xi32, #tpu.memory_space<hbm>>
        %dma_start3A_501 = tpu.memref_slice %arg5[%mul3A_232] : memref<321024xi32, #tpu.memory_space<hbm>> -> memref<16xi32, #tpu.memory_space<hbm>>
        tpu.enqueue_dma source(%dma_start3A_501 : memref<16xi32, #tpu.memory_space<hbm>>) target(%arg12 : memref<16xi32, #tpu.memory_space<vmem>>) target_semaphore(%run_scoped3A : memref<!tpu.dma_semaphore, #tpu.memory_space<semaphore_mem>>)
        %dma_wait3A_502 = tpu.memref_slice %arg5[%mul3A_232] : memref<321024xi32, #tpu.memory_space<hbm>> -> memref<16xi32, #tpu.memory_space<hbm>>
        %dma_wait3A_503 = tpu.memref_slice %arg5[%mul3A_232] : memref<321024xi32, #tpu.memory_space<hbm>> -> memref<16xi32, #tpu.memory_space<hbm>>
        tpu.wait_dma2 semaphore(%run_scoped3A : memref<!tpu.dma_semaphore, #tpu.memory_space<semaphore_mem>>) src(%dma_wait3A_503 : memref<16xi32, #tpu.memory_space<hbm>>) dst(%arg12 : memref<16xi32, #tpu.memory_space<vmem>>)
        tpu.yield
      }) : () -> ()
      %dma_start3A_233 = arith.constant 0 : i32
      %dma_start3A_234 = arith.constant 0 : i32
      %dma_start3A_235 = tpu.memref_slice %arg2[%dma_start3A_233, %dma_start3A_234] : memref<10000x256xf32, #tpu.memory_space<hbm>> -> memref<10000x256xf32, #tpu.memory_space<hbm>>
      tpu.enqueue_indirect_dma source(%dma_start3A_235 : memref<10000x256xf32, #tpu.memory_space<hbm>>) target(%arg14 : memref<16x256xf32, #tpu.memory_space<vmem>>) offsets(%arg10 : memref<16xi32, #tpu.memory_space<vmem>>) semaphore(%arg29 : memref<!tpu.dma_semaphore, #tpu.memory_space<semaphore_mem>>)
      %dma_start3A_236 = arith.constant 0 : i32
      %dma_start3A_237 = arith.constant 0 : i32
      %dma_start3A_238 = tpu.memref_slice %arg3[%dma_start3A_236, %dma_start3A_237] : memref<10000x128xf32, #tpu.memory_space<hbm>> -> memref<10000x128xf32, #tpu.memory_space<hbm>>
      tpu.enqueue_indirect_dma source(%dma_start3A_238 : memref<10000x128xf32, #tpu.memory_space<hbm>>) target(%arg16 : memref<16x128xf32, #tpu.memory_space<vmem>>) offsets(%arg12 : memref<16xi32, #tpu.memory_space<vmem>>) semaphore(%arg31 : memref<!tpu.dma_semaphore, #tpu.memory_space<semaphore_mem>>)
      %mul3A_239 = arith.constant 2 : i32
      %mul3A_240 = arith.muli %mul3A_239, %scan3A_223 : i32
      %mul3A_241 = arith.constant 32 : i32
      %mul3A_242 = arith.muli %mul3A_241, %mul3A_240 : i32
      %add3A_243 = arith.addi %add3A, %mul3A_242 : i32
      %mul3A_244 = arith.constant 16 : i32
      %mul3A_245 = arith.muli %add3A_243, %mul3A_244 : i32
      %dma_wait3A_246 = arith.constant 0 : i32
      %dma_wait3A_247 = arith.constant 0 : i32
      %dma_wait3A_248 = tpu.memref_slice %arg2[%dma_wait3A_246, %dma_wait3A_247] : memref<10000x256xf32, #tpu.memory_space<hbm>> -> memref<16x256xf32, #tpu.memory_space<hbm>>
      %dma_wait3A_249 = arith.constant 0 : i32
      %dma_wait3A_250 = arith.constant 0 : i32
      %dma_wait3A_251 = tpu.memref_slice %arg2[%dma_wait3A_249, %dma_wait3A_250] : memref<10000x256xf32, #tpu.memory_space<hbm>> -> memref<16x256xf32, #tpu.memory_space<hbm>>
      tpu.wait_dma2 semaphore(%arg28 : memref<!tpu.dma_semaphore, #tpu.memory_space<semaphore_mem>>) src(%dma_wait3A_251 : memref<16x256xf32, #tpu.memory_space<hbm>>) dst(%arg13 : memref<16x256xf32, #tpu.memory_space<vmem>>)
      %dma_wait3A_252 = arith.constant 0 : i32
      %dma_wait3A_253 = arith.constant 0 : i32
      %dma_wait3A_254 = tpu.memref_slice %arg3[%dma_wait3A_252, %dma_wait3A_253] : memref<10000x128xf32, #tpu.memory_space<hbm>> -> memref<16x128xf32, #tpu.memory_space<hbm>>
      %dma_wait3A_255 = arith.constant 0 : i32
      %dma_wait3A_256 = arith.constant 0 : i32
      %dma_wait3A_257 = tpu.memref_slice %arg3[%dma_wait3A_255, %dma_wait3A_256] : memref<10000x128xf32, #tpu.memory_space<hbm>> -> memref<16x128xf32, #tpu.memory_space<hbm>>
      tpu.wait_dma2 semaphore(%arg30 : memref<!tpu.dma_semaphore, #tpu.memory_space<semaphore_mem>>) src(%dma_wait3A_257 : memref<16x128xf32, #tpu.memory_space<hbm>>) dst(%arg15 : memref<16x128xf32, #tpu.memory_space<vmem>>)
      %scan3A_258 = arith.constant 0 : i32
      %scan3A_259 = arith.constant 0 : i32
      %mul3A_260 = arith.constant 16 : i32
      %mul3A_261 = arith.muli %scan3A_259, %mul3A_260 : i32
      %get3A_262 = arith.index_cast %mul3A_261 : i32 to index
      %get3A_263 = tpu.vector_load %arg11[%get3A_262] {strides = array<i32>} : memref<16xi32, #tpu.memory_space<vmem>>, vector<16xi32>,
      %get3A_264 = vector.shape_cast %get3A_263 : vector<16xi32> to vector<16xi32>
      %convert_element_type3A_265 = arith.sitofp %get3A_264 : vector<16xi32> to vector<16xf32>
      %broadcast_in_dim3A_266 = arith.constant 0.000000e+00 : f32
      %broadcast_in_dim3A_267 = vector.broadcast %broadcast_in_dim3A_266 : f32 to vector<16xf32>
      %sub3A_268 = arith.constant 1.249000e+03 : f32
      %sub3A_269 = vector.broadcast %sub3A_268 : f32 to vector<16xf32>
      %sub3A_270 = arith.subf %convert_element_type3A_265, %sub3A_269 : vector<16xf32>
      %jit3A_271 = arith.constant 0.000000e+00 : f32
      %jit3A_272 = arith.constant 1.000000e+00 : f32
      %max3A_273 = vector.broadcast %jit3A_271 : f32 to vector<16xf32>
      %max3A_274 = arith.maximumf %max3A_273, %sub3A_270 : vector<16xf32>
      %min3A_275 = vector.broadcast %jit3A_272 : f32 to vector<16xf32>
      %min3A_276 = arith.minimumf %min3A_275, %max3A_274 : vector<16xf32>
      %add3A_277 = arith.addf %broadcast_in_dim3A_267, %min3A_276 : vector<16xf32>
      %sub3A_278 = arith.constant 2.499000e+03 : f32
      %sub3A_279 = vector.broadcast %sub3A_278 : f32 to vector<16xf32>
      %sub3A_280 = arith.subf %convert_element_type3A_265, %sub3A_279 : vector<16xf32>
      %jit3A_281 = arith.constant 0.000000e+00 : f32
      %jit3A_282 = arith.constant 1.000000e+00 : f32
      %max3A_283 = vector.broadcast %jit3A_281 : f32 to vector<16xf32>
      %max3A_284 = arith.maximumf %max3A_283, %sub3A_280 : vector<16xf32>
      %min3A_285 = vector.broadcast %jit3A_282 : f32 to vector<16xf32>
      %min3A_286 = arith.minimumf %min3A_285, %max3A_284 : vector<16xf32>
      %add3A_287 = arith.addf %add3A_277, %min3A_286 : vector<16xf32>
      %sub3A_288 = arith.constant 3.749000e+03 : f32
      %sub3A_289 = vector.broadcast %sub3A_288 : f32 to vector<16xf32>
      %sub3A_290 = arith.subf %convert_element_type3A_265, %sub3A_289 : vector<16xf32>
      %jit3A_291 = arith.constant 0.000000e+00 : f32
      %jit3A_292 = arith.constant 1.000000e+00 : f32
      %max3A_293 = vector.broadcast %jit3A_291 : f32 to vector<16xf32>
      %max3A_294 = arith.maximumf %max3A_293, %sub3A_290 : vector<16xf32>
      %min3A_295 = vector.broadcast %jit3A_292 : f32 to vector<16xf32>
      %min3A_296 = arith.minimumf %min3A_295, %max3A_294 : vector<16xf32>
      %add3A_297 = arith.addf %add3A_287, %min3A_296 : vector<16xf32>
      %sub3A_298 = arith.constant 4.999000e+03 : f32
      %sub3A_299 = vector.broadcast %sub3A_298 : f32 to vector<16xf32>
      %sub3A_300 = arith.subf %convert_element_type3A_265, %sub3A_299 : vector<16xf32>
      %jit3A_301 = arith.constant 0.000000e+00 : f32
      %jit3A_302 = arith.constant 1.000000e+00 : f32
      %max3A_303 = vector.broadcast %jit3A_301 : f32 to vector<16xf32>
      %max3A_304 = arith.maximumf %max3A_303, %sub3A_300 : vector<16xf32>
      %min3A_305 = vector.broadcast %jit3A_302 : f32 to vector<16xf32>
      %min3A_306 = arith.minimumf %min3A_305, %max3A_304 : vector<16xf32>
      %add3A_307 = arith.addf %add3A_297, %min3A_306 : vector<16xf32>
      %sub3A_308 = arith.constant 6.249000e+03 : f32
      %sub3A_309 = vector.broadcast %sub3A_308 : f32 to vector<16xf32>
      %sub3A_310 = arith.subf %convert_element_type3A_265, %sub3A_309 : vector<16xf32>
      %jit3A_311 = arith.constant 0.000000e+00 : f32
      %jit3A_312 = arith.constant 1.000000e+00 : f32
      %max3A_313 = vector.broadcast %jit3A_311 : f32 to vector<16xf32>
      %max3A_314 = arith.maximumf %max3A_313, %sub3A_310 : vector<16xf32>
      %min3A_315 = vector.broadcast %jit3A_312 : f32 to vector<16xf32>
      %min3A_316 = arith.minimumf %min3A_315, %max3A_314 : vector<16xf32>
      %add3A_317 = arith.addf %add3A_307, %min3A_316 : vector<16xf32>
      %sub3A_318 = arith.constant 7.499000e+03 : f32
      %sub3A_319 = vector.broadcast %sub3A_318 : f32 to vector<16xf32>
      %sub3A_320 = arith.subf %convert_element_type3A_265, %sub3A_319 : vector<16xf32>
      %jit3A_321 = arith.constant 0.000000e+00 : f32
      %jit3A_322 = arith.constant 1.000000e+00 : f32
      %max3A_323 = vector.broadcast %jit3A_321 : f32 to vector<16xf32>
      %max3A_324 = arith.maximumf %max3A_323, %sub3A_320 : vector<16xf32>
      %min3A_325 = vector.broadcast %jit3A_322 : f32 to vector<16xf32>
      %min3A_326 = arith.minimumf %min3A_325, %max3A_324 : vector<16xf32>
      %add3A_327 = arith.addf %add3A_317, %min3A_326 : vector<16xf32>
      %sub3A_328 = arith.constant 8.749000e+03 : f32
      %sub3A_329 = vector.broadcast %sub3A_328 : f32 to vector<16xf32>
      %sub3A_330 = arith.subf %convert_element_type3A_265, %sub3A_329 : vector<16xf32>
      %jit3A_331 = arith.constant 0.000000e+00 : f32
      %jit3A_332 = arith.constant 1.000000e+00 : f32
      %max3A_333 = vector.broadcast %jit3A_331 : f32 to vector<16xf32>
      %max3A_334 = arith.maximumf %max3A_333, %sub3A_330 : vector<16xf32>
      %min3A_335 = vector.broadcast %jit3A_332 : f32 to vector<16xf32>
      %min3A_336 = arith.minimumf %min3A_335, %max3A_334 : vector<16xf32>
      %add3A_337 = arith.addf %add3A_327, %min3A_336 : vector<16xf32>
      %mul3A_338 = arith.constant 1.250000e+03 : f32
      %mul3A_339 = vector.broadcast %mul3A_338 : f32 to vector<16xf32>
      %mul3A_340 = arith.mulf %mul3A_339, %add3A_337 : vector<16xf32>
      %sub3A_341 = arith.subf %convert_element_type3A_265, %mul3A_340 : vector<16xf32>
      %convert_element_type3A_342 = arith.fptosi %sub3A_341 : vector<16xf32> to vector<16xi32>
      %mul3A_343 = arith.constant 16 : i32
      %mul3A_344 = arith.muli %scan3A_259, %mul3A_343 : i32
      %swap3A_345 = arith.index_cast %mul3A_344 : i32 to index
      %swap3A_346 = tpu.vector_load %arg19[%swap3A_345] {strides = array<i32>} : memref<16xi32, #tpu.memory_space<vmem>>, vector<16xi32>,
      %swap3A_347 = vector.shape_cast %swap3A_346 : vector<16xi32> to vector<16xi32>
      %swap3A_348 = vector.shape_cast %convert_element_type3A_342 : vector<16xi32> to vector<16xi32>
      tpu.vector_store %arg19[%swap3A_345], %swap3A_348 {strides = array<i32>} : memref<16xi32, #tpu.memory_space<vmem>>, vector<16xi32>,
      %swap3A_349 = arith.index_cast %scan3A_259 : i32 to index
      %swap3A_350 = arith.constant 0 : index
      %swap3A_351 = tpu.vector_load %arg23[%swap3A_349, %swap3A_350] {strides = array<i32>} : memref<1x16xf32, #tpu.memory_space<vmem>>, vector<1x16xf32>,
      %swap3A_352 = vector.shape_cast %swap3A_351 : vector<1x16xf32> to vector<16xf32>
      %swap3A_353 = vector.shape_cast %add3A_337 : vector<16xf32> to vector<1x16xf32>
      tpu.vector_store %arg23[%swap3A_349, %swap3A_350], %swap3A_353 {strides = array<i32>} : memref<1x16xf32, #tpu.memory_space<vmem>>, vector<1x16xf32>,
      %scan3A_354 = arith.constant 1 : i32
      %scan3A_355 = arith.constant 0 : i32
      %scan3A_356 = arith.constant 0 : i32
      %scan3A_357 = arith.constant 16 : i32
      %scan3A_358 = arith.addi %scan3A_356, %scan3A_357 : i32
      %scan3A_359 = arith.constant 1 : i32
      scf.for %scan3A_500 = %scan3A_356 to %scan3A_358 step %scan3A_359  : i32 {
        %get3A_501 = arith.index_cast %scan3A_500 : i32 to index
        %get3A_502 = arith.constant 0 : index
        %get3A_503 = tpu.vector_load %arg24[%get3A_501, %get3A_502] {strides = array<i32>} : memref<16x16xf32, #tpu.memory_space<vmem>>, vector<1x16xf32>,
        %get3A_504 = vector.shape_cast %get3A_503 : vector<1x16xf32> to vector<16xf32>
        %jit3A_505 = arith.constant 16 : i32
        %div3A_506 = arith.divsi %scan3A_500, %jit3A_505 : i32
        %sign3A_507 = arith.constant 0 : i32
        %sign3A_508 = arith.cmpi sgt, %scan3A_500, %sign3A_507 : i32
        %sign3A_509 = arith.extui %sign3A_508 : i1 to i32
        %sign3A_510 = arith.constant 0 : i32
        %sign3A_511 = arith.cmpi slt, %scan3A_500, %sign3A_510 : i32
        %sign3A_512 = arith.extui %sign3A_511 : i1 to i32
        %sign3A_513 = arith.subi %sign3A_509, %sign3A_512 : i32
        %sign3A_514 = arith.constant 0 : i32
        %sign3A_515 = arith.cmpi sgt, %jit3A_505, %sign3A_514 : i32
        %sign3A_516 = arith.extui %sign3A_515 : i1 to i32
        %sign3A_517 = arith.constant 0 : i32
        %sign3A_518 = arith.cmpi slt, %jit3A_505, %sign3A_517 : i32
        %sign3A_519 = arith.extui %sign3A_518 : i1 to i32
        %sign3A_520 = arith.subi %sign3A_516, %sign3A_519 : i32
        %ne3A_521 = arith.cmpi ne, %sign3A_513, %sign3A_520 : i32
        %rem3A_522 = arith.remsi %scan3A_500, %jit3A_505 : i32
        %ne3A_523 = arith.constant 0 : i32
        %ne3A_524 = arith.cmpi ne, %rem3A_522, %ne3A_523 : i32
        %and3A_525 = arith.andi %ne3A_521, %ne3A_524 : i1
        %sub3A_526 = arith.constant 1 : i32
        %sub3A_527 = arith.subi %div3A_506, %sub3A_526 : i32
        %select_n3A_528 = arith.select %and3A_525, %sub3A_527, %div3A_506 : i32
        %get3A_529 = arith.index_cast %select_n3A_528 : i32 to index
        %get3A_530 = arith.constant 0 : index
        %get3A_531 = tpu.vector_load %arg23[%get3A_529, %get3A_530] {strides = array<i32>} : memref<1x16xf32, #tpu.memory_space<vmem>>, vector<1x16xf32>,
        %get3A_532 = vector.shape_cast %get3A_531 : vector<1x16xf32> to vector<16xf32>
        %jit3A_533 = arith.constant 16 : i32
        %eq3A = arith.constant 0 : i32
        %eq3A_534 = arith.cmpi eq, %jit3A_533, %eq3A : i32
        %jit3A_535 = arith.constant 1 : i32
        %select_n3A_536 = arith.select %eq3A_534, %jit3A_535, %jit3A_533 : i32
        %rem3A_537 = arith.remsi %scan3A_500, %select_n3A_536 : i32
        %ne3A_538 = arith.constant 0 : i32
        %ne3A_539 = arith.cmpi ne, %rem3A_537, %ne3A_538 : i32
        %lt3A = arith.constant 0 : i32
        %lt3A_540 = arith.cmpi slt, %rem3A_537, %lt3A : i32
        %lt3A_541 = arith.constant 0 : i32
        %lt3A_542 = arith.cmpi slt, %select_n3A_536, %lt3A_541 : i32
        %ne3A_543 = arith.xori %lt3A_540, %lt3A_542 : i1
        %and3A_544 = arith.andi %ne3A_543, %ne3A_539 : i1
        %add3A_545 = arith.addi %rem3A_537, %select_n3A_536 : i32
        %select_n3A_546 = arith.select %and3A_544, %add3A_545, %rem3A_537 : i32
        %broadcast_in_dim3A_547 = vector.broadcast %select_n3A_546 : i32 to vector<16xi32>
        %broadcast_in_dim3A_548 = vector.shape_cast %broadcast_in_dim3A_547 : vector<16xi32> to vector<16x1xi32>
        %gather3A = vector.shape_cast %broadcast_in_dim3A_548 : vector<16x1xi32> to vector<16xi32>
        %gather3A_549 = tpu.dynamic_gather %get3A_532[%gather3A] in [0] : vector<16xf32>, vector<16xi32> -> vector<16xf32>
        %sub3A_550 = arith.constant 0.000000e+00 : f32
        %sub3A_551 = vector.broadcast %sub3A_550 : f32 to vector<16xf32>
        %sub3A_552 = arith.subf %gather3A_549, %sub3A_551 : vector<16xf32>
        %mul3A_553 = arith.mulf %sub3A_552, %sub3A_552 : vector<16xf32>
        %sub3A_554 = arith.constant 1.000000e+00 : f32
        %sub3A_555 = vector.broadcast %sub3A_554 : f32 to vector<16xf32>
        %sub3A_556 = arith.subf %sub3A_555, %mul3A_553 : vector<16xf32>
        %max3A_557 = arith.constant 0.000000e+00 : f32
        %max3A_558 = vector.broadcast %max3A_557 : f32 to vector<16xf32>
        %max3A_559 = arith.maximumf %sub3A_556, %max3A_558 : vector<16xf32>
        %mul3A_560 = arith.mulf %max3A_559, %get3A_504 : vector<16xf32>
        %swap3A_561 = arith.index_cast %scan3A_500 : i32 to index
        %swap3A_562 = arith.constant 0 : index
        %swap3A_563 = tpu.vector_load %arg22[%swap3A_561, %swap3A_562] {strides = array<i32>} : memref<16x128xf32, #tpu.memory_space<vmem>>, vector<1x16xf32>,
        %swap3A_564 = vector.shape_cast %swap3A_563 : vector<1x16xf32> to vector<16xf32>
        %swap3A_565 = vector.shape_cast %mul3A_560 : vector<16xf32> to vector<1x16xf32>
        tpu.vector_store %arg22[%swap3A_561, %swap3A_562], %swap3A_565 {strides = array<i32>} : memref<16x128xf32, #tpu.memory_space<vmem>>, vector<1x16xf32>,
        %sub3A_566 = arith.constant 1.000000e+00 : f32
        %sub3A_567 = vector.broadcast %sub3A_566 : f32 to vector<16xf32>
        %sub3A_568 = arith.subf %gather3A_549, %sub3A_567 : vector<16xf32>
        %mul3A_569 = arith.mulf %sub3A_568, %sub3A_568 : vector<16xf32>
        %sub3A_570 = arith.constant 1.000000e+00 : f32
        %sub3A_571 = vector.broadcast %sub3A_570 : f32 to vector<16xf32>
        %sub3A_572 = arith.subf %sub3A_571, %mul3A_569 : vector<16xf32>
        %max3A_573 = arith.constant 0.000000e+00 : f32
        %max3A_574 = vector.broadcast %max3A_573 : f32 to vector<16xf32>
        %max3A_575 = arith.maximumf %sub3A_572, %max3A_574 : vector<16xf32>
        %mul3A_576 = arith.mulf %max3A_575, %get3A_504 : vector<16xf32>
        %swap3A_577 = arith.index_cast %scan3A_500 : i32 to index
        %swap3A_578 = arith.constant 16 : index
        %swap3A_579 = tpu.vector_load %arg22[%swap3A_577, %swap3A_578] {strides = array<i32>} : memref<16x128xf32, #tpu.memory_space<vmem>>, vector<1x16xf32>,
        %swap3A_580 = vector.shape_cast %swap3A_579 : vector<1x16xf32> to vector<16xf32>
        %swap3A_581 = vector.shape_cast %mul3A_576 : vector<16xf32> to vector<1x16xf32>
        tpu.vector_store %arg22[%swap3A_577, %swap3A_578], %swap3A_581 {strides = array<i32>} : memref<16x128xf32, #tpu.memory_space<vmem>>, vector<1x16xf32>,
        %sub3A_582 = arith.constant 2.000000e+00 : f32
        %sub3A_583 = vector.broadcast %sub3A_582 : f32 to vector<16xf32>
        %sub3A_584 = arith.subf %gather3A_549, %sub3A_583 : vector<16xf32>
        %mul3A_585 = arith.mulf %sub3A_584, %sub3A_584 : vector<16xf32>
        %sub3A_586 = arith.constant 1.000000e+00 : f32
        %sub3A_587 = vector.broadcast %sub3A_586 : f32 to vector<16xf32>
        %sub3A_588 = arith.subf %sub3A_587, %mul3A_585 : vector<16xf32>
        %max3A_589 = arith.constant 0.000000e+00 : f32
        %max3A_590 = vector.broadcast %max3A_589 : f32 to vector<16xf32>
        %max3A_591 = arith.maximumf %sub3A_588, %max3A_590 : vector<16xf32>
        %mul3A_592 = arith.mulf %max3A_591, %get3A_504 : vector<16xf32>
        %swap3A_593 = arith.index_cast %scan3A_500 : i32 to index
        %swap3A_594 = arith.constant 32 : index
        %swap3A_595 = tpu.vector_load %arg22[%swap3A_593, %swap3A_594] {strides = array<i32>} : memref<16x128xf32, #tpu.memory_space<vmem>>, vector<1x16xf32>,
        %swap3A_596 = vector.shape_cast %swap3A_595 : vector<1x16xf32> to vector<16xf32>
        %swap3A_597 = vector.shape_cast %mul3A_592 : vector<16xf32> to vector<1x16xf32>
        tpu.vector_store %arg22[%swap3A_593, %swap3A_594], %swap3A_597 {strides = array<i32>} : memref<16x128xf32, #tpu.memory_space<vmem>>, vector<1x16xf32>,
        %sub3A_598 = arith.constant 3.000000e+00 : f32
        %sub3A_599 = vector.broadcast %sub3A_598 : f32 to vector<16xf32>
        %sub3A_600 = arith.subf %gather3A_549, %sub3A_599 : vector<16xf32>
        %mul3A_601 = arith.mulf %sub3A_600, %sub3A_600 : vector<16xf32>
        %sub3A_602 = arith.constant 1.000000e+00 : f32
        %sub3A_603 = vector.broadcast %sub3A_602 : f32 to vector<16xf32>
        %sub3A_604 = arith.subf %sub3A_603, %mul3A_601 : vector<16xf32>
        %max3A_605 = arith.constant 0.000000e+00 : f32
        %max3A_606 = vector.broadcast %max3A_605 : f32 to vector<16xf32>
        %max3A_607 = arith.maximumf %sub3A_604, %max3A_606 : vector<16xf32>
        %mul3A_608 = arith.mulf %max3A_607, %get3A_504 : vector<16xf32>
        %swap3A_609 = arith.index_cast %scan3A_500 : i32 to index
        %swap3A_610 = arith.constant 48 : index
        %swap3A_611 = tpu.vector_load %arg22[%swap3A_609, %swap3A_610] {strides = array<i32>} : memref<16x128xf32, #tpu.memory_space<vmem>>, vector<1x16xf32>,
        %swap3A_612 = vector.shape_cast %swap3A_611 : vector<1x16xf32> to vector<16xf32>
        %swap3A_613 = vector.shape_cast %mul3A_608 : vector<16xf32> to vector<1x16xf32>
        tpu.vector_store %arg22[%swap3A_609, %swap3A_610], %swap3A_613 {strides = array<i32>} : memref<16x128xf32, #tpu.memory_space<vmem>>, vector<1x16xf32>,
        %sub3A_614 = arith.constant 4.000000e+00 : f32
        %sub3A_615 = vector.broadcast %sub3A_614 : f32 to vector<16xf32>
        %sub3A_616 = arith.subf %gather3A_549, %sub3A_615 : vector<16xf32>
        %mul3A_617 = arith.mulf %sub3A_616, %sub3A_616 : vector<16xf32>
        %sub3A_618 = arith.constant 1.000000e+00 : f32
        %sub3A_619 = vector.broadcast %sub3A_618 : f32 to vector<16xf32>
        %sub3A_620 = arith.subf %sub3A_619, %mul3A_617 : vector<16xf32>
        %max3A_621 = arith.constant 0.000000e+00 : f32
        %max3A_622 = vector.broadcast %max3A_621 : f32 to vector<16xf32>
        %max3A_623 = arith.maximumf %sub3A_620, %max3A_622 : vector<16xf32>
        %mul3A_624 = arith.mulf %max3A_623, %get3A_504 : vector<16xf32>
        %swap3A_625 = arith.index_cast %scan3A_500 : i32 to index
        %swap3A_626 = arith.constant 64 : index
        %swap3A_627 = tpu.vector_load %arg22[%swap3A_625, %swap3A_626] {strides = array<i32>} : memref<16x128xf32, #tpu.memory_space<vmem>>, vector<1x16xf32>,
        %swap3A_628 = vector.shape_cast %swap3A_627 : vector<1x16xf32> to vector<16xf32>
        %swap3A_629 = vector.shape_cast %mul3A_624 : vector<16xf32> to vector<1x16xf32>
        tpu.vector_store %arg22[%swap3A_625, %swap3A_626], %swap3A_629 {strides = array<i32>} : memref<16x128xf32, #tpu.memory_space<vmem>>, vector<1x16xf32>,
        %sub3A_630 = arith.constant 5.000000e+00 : f32
        %sub3A_631 = vector.broadcast %sub3A_630 : f32 to vector<16xf32>
        %sub3A_632 = arith.subf %gather3A_549, %sub3A_631 : vector<16xf32>
        %mul3A_633 = arith.mulf %sub3A_632, %sub3A_632 : vector<16xf32>
        %sub3A_634 = arith.constant 1.000000e+00 : f32
        %sub3A_635 = vector.broadcast %sub3A_634 : f32 to vector<16xf32>
        %sub3A_636 = arith.subf %sub3A_635, %mul3A_633 : vector<16xf32>
        %max3A_637 = arith.constant 0.000000e+00 : f32
        %max3A_638 = vector.broadcast %max3A_637 : f32 to vector<16xf32>
        %max3A_639 = arith.maximumf %sub3A_636, %max3A_638 : vector<16xf32>
        %mul3A_640 = arith.mulf %max3A_639, %get3A_504 : vector<16xf32>
        %swap3A_641 = arith.index_cast %scan3A_500 : i32 to index
        %swap3A_642 = arith.constant 80 : index
        %swap3A_643 = tpu.vector_load %arg22[%swap3A_641, %swap3A_642] {strides = array<i32>} : memref<16x128xf32, #tpu.memory_space<vmem>>, vector<1x16xf32>,
        %swap3A_644 = vector.shape_cast %swap3A_643 : vector<1x16xf32> to vector<16xf32>
        %swap3A_645 = vector.shape_cast %mul3A_640 : vector<16xf32> to vector<1x16xf32>
        tpu.vector_store %arg22[%swap3A_641, %swap3A_642], %swap3A_645 {strides = array<i32>} : memref<16x128xf32, #tpu.memory_space<vmem>>, vector<1x16xf32>,
        %sub3A_646 = arith.constant 6.000000e+00 : f32
        %sub3A_647 = vector.broadcast %sub3A_646 : f32 to vector<16xf32>
        %sub3A_648 = arith.subf %gather3A_549, %sub3A_647 : vector<16xf32>
        %mul3A_649 = arith.mulf %sub3A_648, %sub3A_648 : vector<16xf32>
        %sub3A_650 = arith.constant 1.000000e+00 : f32
        %sub3A_651 = vector.broadcast %sub3A_650 : f32 to vector<16xf32>
        %sub3A_652 = arith.subf %sub3A_651, %mul3A_649 : vector<16xf32>
        %max3A_653 = arith.constant 0.000000e+00 : f32
        %max3A_654 = vector.broadcast %max3A_653 : f32 to vector<16xf32>
        %max3A_655 = arith.maximumf %sub3A_652, %max3A_654 : vector<16xf32>
        %mul3A_656 = arith.mulf %max3A_655, %get3A_504 : vector<16xf32>
        %swap3A_657 = arith.index_cast %scan3A_500 : i32 to index
        %swap3A_658 = arith.constant 96 : index
        %swap3A_659 = tpu.vector_load %arg22[%swap3A_657, %swap3A_658] {strides = array<i32>} : memref<16x128xf32, #tpu.memory_space<vmem>>, vector<1x16xf32>,
        %swap3A_660 = vector.shape_cast %swap3A_659 : vector<1x16xf32> to vector<16xf32>
        %swap3A_661 = vector.shape_cast %mul3A_656 : vector<16xf32> to vector<1x16xf32>
        tpu.vector_store %arg22[%swap3A_657, %swap3A_658], %swap3A_661 {strides = array<i32>} : memref<16x128xf32, #tpu.memory_space<vmem>>, vector<1x16xf32>,
        %sub3A_662 = arith.constant 7.000000e+00 : f32
        %sub3A_663 = vector.broadcast %sub3A_662 : f32 to vector<16xf32>
        %sub3A_664 = arith.subf %gather3A_549, %sub3A_663 : vector<16xf32>
        %mul3A_665 = arith.mulf %sub3A_664, %sub3A_664 : vector<16xf32>
        %sub3A_666 = arith.constant 1.000000e+00 : f32
        %sub3A_667 = vector.broadcast %sub3A_666 : f32 to vector<16xf32>
        %sub3A_668 = arith.subf %sub3A_667, %mul3A_665 : vector<16xf32>
        %max3A_669 = arith.constant 0.000000e+00 : f32
        %max3A_670 = vector.broadcast %max3A_669 : f32 to vector<16xf32>
        %max3A_671 = arith.maximumf %sub3A_668, %max3A_670 : vector<16xf32>
        %mul3A_672 = arith.mulf %max3A_671, %get3A_504 : vector<16xf32>
        %swap3A_673 = arith.index_cast %scan3A_500 : i32 to index
        %swap3A_674 = arith.constant 112 : index
        %swap3A_675 = tpu.vector_load %arg22[%swap3A_673, %swap3A_674] {strides = array<i32>} : memref<16x128xf32, #tpu.memory_space<vmem>>, vector<1x16xf32>,
        %swap3A_676 = vector.shape_cast %swap3A_675 : vector<1x16xf32> to vector<16xf32>
        %swap3A_677 = vector.shape_cast %mul3A_672 : vector<16xf32> to vector<1x16xf32>
        tpu.vector_store %arg22[%swap3A_673, %swap3A_674], %swap3A_677 {strides = array<i32>} : memref<16x128xf32, #tpu.memory_space<vmem>>, vector<1x16xf32>,
      }
      %scan3A_360 = arith.constant 16 : i32
      "tpu.region"() ({
        %run_scoped3A = tpu.sem_alloc : memref<!tpu.dma_semaphore, #tpu.memory_space<semaphore_mem>>
        %dma_start3A_500 = arith.constant 0 : i32
        %dma_start3A_501 = tpu.memref_slice %arg6[%mul3A_245, %dma_start3A_500] : memref<321024x128xf32, #tpu.memory_space<hbm>> -> memref<16x128xf32, #tpu.memory_space<hbm>>
        %dma_start3A_502 = arith.constant 0 : i32
        %dma_start3A_503 = tpu.memref_slice %arg6[%mul3A_245, %dma_start3A_502] : memref<321024x128xf32, #tpu.memory_space<hbm>> -> memref<16x128xf32, #tpu.memory_space<hbm>>
        tpu.enqueue_dma source(%arg20 : memref<16x128xf32, #tpu.memory_space<vmem>>) target(%dma_start3A_503 : memref<16x128xf32, #tpu.memory_space<hbm>>) target_semaphore(%run_scoped3A : memref<!tpu.dma_semaphore, #tpu.memory_space<semaphore_mem>>)
        %dma_wait3A_504 = arith.constant 0 : i32
        %dma_wait3A_505 = tpu.memref_slice %arg6[%mul3A_245, %dma_wait3A_504] : memref<321024x128xf32, #tpu.memory_space<hbm>> -> memref<16x128xf32, #tpu.memory_space<hbm>>
        %dma_wait3A_506 = arith.constant 0 : i32
        %dma_wait3A_507 = tpu.memref_slice %arg6[%mul3A_245, %dma_wait3A_506] : memref<321024x128xf32, #tpu.memory_space<hbm>> -> memref<16x128xf32, #tpu.memory_space<hbm>>
        tpu.wait_dma2 semaphore(%run_scoped3A : memref<!tpu.dma_semaphore, #tpu.memory_space<semaphore_mem>>) src(%arg20 : memref<16x128xf32, #tpu.memory_space<vmem>>) dst(%dma_wait3A_507 : memref<16x128xf32, #tpu.memory_space<hbm>>)
        tpu.yield
      }) : () -> ()
      "tpu.region"() ({
        %run_scoped3A = tpu.sem_alloc : memref<!tpu.dma_semaphore, #tpu.memory_space<semaphore_mem>>
        %dma_start3A_500 = arith.constant 0 : i32
        %dma_start3A_501 = arith.constant 0 : i32
        %dma_start3A_502 = tpu.memref_slice %arg26[%dma_start3A_500, %dma_start3A_501] : memref<10016x128xf32, #tpu.memory_space<vmem_shared>> -> memref<10016x128xf32, #tpu.memory_space<vmem_shared>>
        tpu.enqueue_indirect_dma source(%arg21 : memref<16x128xf32, #tpu.memory_space<vmem>>) target(%dma_start3A_502 : memref<10016x128xf32, #tpu.memory_space<vmem_shared>>) offsets(%arg11 : memref<16xi32, #tpu.memory_space<vmem>>) semaphore(%run_scoped3A : memref<!tpu.dma_semaphore, #tpu.memory_space<semaphore_mem>>) {add = true}
        %dma_wait3A_503 = arith.constant 0 : i32
        %dma_wait3A_504 = arith.constant 0 : i32
        %dma_wait3A_505 = tpu.memref_slice %arg26[%dma_wait3A_503, %dma_wait3A_504] : memref<10016x128xf32, #tpu.memory_space<vmem_shared>> -> memref<10016x128xf32, #tpu.memory_space<vmem_shared>>
        tpu.wait_indirect_dma semaphore(%run_scoped3A : memref<!tpu.dma_semaphore, #tpu.memory_space<semaphore_mem>>) src(%arg21 : memref<16x128xf32, #tpu.memory_space<vmem>>) dst(%dma_wait3A_505 : memref<10016x128xf32, #tpu.memory_space<vmem_shared>>)
        tpu.yield
      }) : () -> ()
      "tpu.region"() ({
        %run_scoped3A = tpu.sem_alloc : memref<!tpu.dma_semaphore, #tpu.memory_space<semaphore_mem>>
        %dma_start3A_500 = arith.constant 0 : i32
        %dma_start3A_501 = arith.constant 0 : i32
        %dma_start3A_502 = tpu.memref_slice %arg27[%dma_start3A_500, %dma_start3A_501] : memref<1280x128xf32, #tpu.memory_space<vmem_shared>> -> memref<1280x128xf32, #tpu.memory_space<vmem_shared>>
        tpu.enqueue_indirect_dma source(%arg22 : memref<16x128xf32, #tpu.memory_space<vmem>>) target(%dma_start3A_502 : memref<1280x128xf32, #tpu.memory_space<vmem_shared>>) offsets(%arg19 : memref<16xi32, #tpu.memory_space<vmem>>) semaphore(%run_scoped3A : memref<!tpu.dma_semaphore, #tpu.memory_space<semaphore_mem>>) {add = true}
        %dma_wait3A_503 = arith.constant 0 : i32
        %dma_wait3A_504 = arith.constant 0 : i32
        %dma_wait3A_505 = tpu.memref_slice %arg27[%dma_wait3A_503, %dma_wait3A_504] : memref<1280x128xf32, #tpu.memory_space<vmem_shared>> -> memref<1280x128xf32, #tpu.memory_space<vmem_shared>>
        tpu.wait_indirect_dma semaphore(%run_scoped3A : memref<!tpu.dma_semaphore, #tpu.memory_space<semaphore_mem>>) src(%arg22 : memref<16x128xf32, #tpu.memory_space<vmem>>) dst(%dma_wait3A_505 : memref<1280x128xf32, #tpu.memory_space<vmem_shared>>)
        tpu.yield
      }) : () -> ()
      %mul3A_361 = arith.constant 2 : i32
      %mul3A_362 = arith.muli %mul3A_361, %scan3A_223 : i32
      %add3A_363 = arith.constant 2 : i32
      %add3A_364 = arith.addi %mul3A_362, %add3A_363 : i32
      %mul3A_365 = arith.constant 32 : i32
      %mul3A_366 = arith.muli %mul3A_365, %add3A_364 : i32
      %add3A_367 = arith.addi %add3A, %mul3A_366 : i32
      %mul3A_368 = arith.constant 16 : i32
      %mul3A_369 = arith.muli %add3A_367, %mul3A_368 : i32
      "tpu.region"() ({
        %run_scoped3A = tpu.sem_alloc : memref<!tpu.dma_semaphore, #tpu.memory_space<semaphore_mem>>
        %dma_start3A_500 = tpu.memref_slice %arg4[%mul3A_369] : memref<321024xi32, #tpu.memory_space<hbm>> -> memref<16xi32, #tpu.memory_space<hbm>>
        %dma_start3A_501 = tpu.memref_slice %arg4[%mul3A_369] : memref<321024xi32, #tpu.memory_space<hbm>> -> memref<16xi32, #tpu.memory_space<hbm>>
        tpu.enqueue_dma source(%dma_start3A_501 : memref<16xi32, #tpu.memory_space<hbm>>) target(%arg9 : memref<16xi32, #tpu.memory_space<vmem>>) target_semaphore(%run_scoped3A : memref<!tpu.dma_semaphore, #tpu.memory_space<semaphore_mem>>)
        %dma_wait3A_502 = tpu.memref_slice %arg4[%mul3A_369] : memref<321024xi32, #tpu.memory_space<hbm>> -> memref<16xi32, #tpu.memory_space<hbm>>
        %dma_wait3A_503 = tpu.memref_slice %arg4[%mul3A_369] : memref<321024xi32, #tpu.memory_space<hbm>> -> memref<16xi32, #tpu.memory_space<hbm>>
        tpu.wait_dma2 semaphore(%run_scoped3A : memref<!tpu.dma_semaphore, #tpu.memory_space<semaphore_mem>>) src(%dma_wait3A_503 : memref<16xi32, #tpu.memory_space<hbm>>) dst(%arg9 : memref<16xi32, #tpu.memory_space<vmem>>)
        tpu.yield
      }) : () -> ()
      "tpu.region"() ({
        %run_scoped3A = tpu.sem_alloc : memref<!tpu.dma_semaphore, #tpu.memory_space<semaphore_mem>>
        %dma_start3A_500 = tpu.memref_slice %arg5[%mul3A_369] : memref<321024xi32, #tpu.memory_space<hbm>> -> memref<16xi32, #tpu.memory_space<hbm>>
        %dma_start3A_501 = tpu.memref_slice %arg5[%mul3A_369] : memref<321024xi32, #tpu.memory_space<hbm>> -> memref<16xi32, #tpu.memory_space<hbm>>
        tpu.enqueue_dma source(%dma_start3A_501 : memref<16xi32, #tpu.memory_space<hbm>>) target(%arg11 : memref<16xi32, #tpu.memory_space<vmem>>) target_semaphore(%run_scoped3A : memref<!tpu.dma_semaphore, #tpu.memory_space<semaphore_mem>>)
        %dma_wait3A_502 = tpu.memref_slice %arg5[%mul3A_369] : memref<321024xi32, #tpu.memory_space<hbm>> -> memref<16xi32, #tpu.memory_space<hbm>>
        %dma_wait3A_503 = tpu.memref_slice %arg5[%mul3A_369] : memref<321024xi32, #tpu.memory_space<hbm>> -> memref<16xi32, #tpu.memory_space<hbm>>
        tpu.wait_dma2 semaphore(%run_scoped3A : memref<!tpu.dma_semaphore, #tpu.memory_space<semaphore_mem>>) src(%dma_wait3A_503 : memref<16xi32, #tpu.memory_space<hbm>>) dst(%arg11 : memref<16xi32, #tpu.memory_space<vmem>>)
        tpu.yield
      }) : () -> ()
      %dma_start3A_370 = arith.constant 0 : i32
      %dma_start3A_371 = arith.constant 0 : i32
      %dma_start3A_372 = tpu.memref_slice %arg2[%dma_start3A_370, %dma_start3A_371] : memref<10000x256xf32, #tpu.memory_space<hbm>> -> memref<10000x256xf32, #tpu.memory_space<hbm>>
      tpu.enqueue_indirect_dma source(%dma_start3A_372 : memref<10000x256xf32, #tpu.memory_space<hbm>>) target(%arg13 : memref<16x256xf32, #tpu.memory_space<vmem>>) offsets(%arg9 : memref<16xi32, #tpu.memory_space<vmem>>) semaphore(%arg28 : memref<!tpu.dma_semaphore, #tpu.memory_space<semaphore_mem>>)
      %dma_start3A_373 = arith.constant 0 : i32
      %dma_start3A_374 = arith.constant 0 : i32
      %dma_start3A_375 = tpu.memref_slice %arg3[%dma_start3A_373, %dma_start3A_374] : memref<10000x128xf32, #tpu.memory_space<hbm>> -> memref<10000x128xf32, #tpu.memory_space<hbm>>
      tpu.enqueue_indirect_dma source(%dma_start3A_375 : memref<10000x128xf32, #tpu.memory_space<hbm>>) target(%arg15 : memref<16x128xf32, #tpu.memory_space<vmem>>) offsets(%arg11 : memref<16xi32, #tpu.memory_space<vmem>>) semaphore(%arg30 : memref<!tpu.dma_semaphore, #tpu.memory_space<semaphore_mem>>)
      %mul3A_376 = arith.constant 2 : i32
      %mul3A_377 = arith.muli %mul3A_376, %scan3A_223 : i32
      %add3A_378 = arith.constant 1 : i32
      %add3A_379 = arith.addi %mul3A_377, %add3A_378 : i32
      %mul3A_380 = arith.constant 32 : i32
      %mul3A_381 = arith.muli %mul3A_380, %add3A_379 : i32
      %add3A_382 = arith.addi %add3A, %mul3A_381 : i32
      %mul3A_383 = arith.constant 16 : i32
      %mul3A_384 = arith.muli %add3A_382, %mul3A_383 : i32
      %dma_wait3A_385 = arith.constant 0 : i32
      %dma_wait3A_386 = arith.constant 0 : i32
      %dma_wait3A_387 = tpu.memref_slice %arg2[%dma_wait3A_385, %dma_wait3A_386] : memref<10000x256xf32, #tpu.memory_space<hbm>> -> memref<16x256xf32, #tpu.memory_space<hbm>>
      %dma_wait3A_388 = arith.constant 0 : i32
      %dma_wait3A_389 = arith.constant 0 : i32
      %dma_wait3A_390 = tpu.memref_slice %arg2[%dma_wait3A_388, %dma_wait3A_389] : memref<10000x256xf32, #tpu.memory_space<hbm>> -> memref<16x256xf32, #tpu.memory_space<hbm>>
      tpu.wait_dma2 semaphore(%arg29 : memref<!tpu.dma_semaphore, #tpu.memory_space<semaphore_mem>>) src(%dma_wait3A_390 : memref<16x256xf32, #tpu.memory_space<hbm>>) dst(%arg14 : memref<16x256xf32, #tpu.memory_space<vmem>>)
      %dma_wait3A_391 = arith.constant 0 : i32
      %dma_wait3A_392 = arith.constant 0 : i32
      %dma_wait3A_393 = tpu.memref_slice %arg3[%dma_wait3A_391, %dma_wait3A_392] : memref<10000x128xf32, #tpu.memory_space<hbm>> -> memref<16x128xf32, #tpu.memory_space<hbm>>
      %dma_wait3A_394 = arith.constant 0 : i32
      %dma_wait3A_395 = arith.constant 0 : i32
      %dma_wait3A_396 = tpu.memref_slice %arg3[%dma_wait3A_394, %dma_wait3A_395] : memref<10000x128xf32, #tpu.memory_space<hbm>> -> memref<16x128xf32, #tpu.memory_space<hbm>>
      tpu.wait_dma2 semaphore(%arg31 : memref<!tpu.dma_semaphore, #tpu.memory_space<semaphore_mem>>) src(%dma_wait3A_396 : memref<16x128xf32, #tpu.memory_space<hbm>>) dst(%arg16 : memref<16x128xf32, #tpu.memory_space<vmem>>)
      %scan3A_397 = arith.constant 0 : i32
      %scan3A_398 = arith.constant 0 : i32
      %mul3A_399 = arith.constant 16 : i32
      %mul3A_400 = arith.muli %scan3A_398, %mul3A_399 : i32
      %get3A_401 = arith.index_cast %mul3A_400 : i32 to index
      %get3A_402 = tpu.vector_load %arg12[%get3A_401] {strides = array<i32>} : memref<16xi32, #tpu.memory_space<vmem>>, vector<16xi32>,
      %get3A_403 = vector.shape_cast %get3A_402 : vector<16xi32> to vector<16xi32>
      %convert_element_type3A_404 = arith.sitofp %get3A_403 : vector<16xi32> to vector<16xf32>
      %broadcast_in_dim3A_405 = arith.constant 0.000000e+00 : f32
      %broadcast_in_dim3A_406 = vector.broadcast %broadcast_in_dim3A_405 : f32 to vector<16xf32>
      %sub3A_407 = arith.constant 1.249000e+03 : f32
      %sub3A_408 = vector.broadcast %sub3A_407 : f32 to vector<16xf32>
      %sub3A_409 = arith.subf %convert_element_type3A_404, %sub3A_408 : vector<16xf32>
      %jit3A_410 = arith.constant 0.000000e+00 : f32
      %jit3A_411 = arith.constant 1.000000e+00 : f32
      %max3A_412 = vector.broadcast %jit3A_410 : f32 to vector<16xf32>
      %max3A_413 = arith.maximumf %max3A_412, %sub3A_409 : vector<16xf32>
      %min3A_414 = vector.broadcast %jit3A_411 : f32 to vector<16xf32>
      %min3A_415 = arith.minimumf %min3A_414, %max3A_413 : vector<16xf32>
      %add3A_416 = arith.addf %broadcast_in_dim3A_406, %min3A_415 : vector<16xf32>
      %sub3A_417 = arith.constant 2.499000e+03 : f32
      %sub3A_418 = vector.broadcast %sub3A_417 : f32 to vector<16xf32>
      %sub3A_419 = arith.subf %convert_element_type3A_404, %sub3A_418 : vector<16xf32>
      %jit3A_420 = arith.constant 0.000000e+00 : f32
      %jit3A_421 = arith.constant 1.000000e+00 : f32
      %max3A_422 = vector.broadcast %jit3A_420 : f32 to vector<16xf32>
      %max3A_423 = arith.maximumf %max3A_422, %sub3A_419 : vector<16xf32>
      %min3A_424 = vector.broadcast %jit3A_421 : f32 to vector<16xf32>
      %min3A_425 = arith.minimumf %min3A_424, %max3A_423 : vector<16xf32>
      %add3A_426 = arith.addf %add3A_416, %min3A_425 : vector<16xf32>
      %sub3A_427 = arith.constant 3.749000e+03 : f32
      %sub3A_428 = vector.broadcast %sub3A_427 : f32 to vector<16xf32>
      %sub3A_429 = arith.subf %convert_element_type3A_404, %sub3A_428 : vector<16xf32>
      %jit3A_430 = arith.constant 0.000000e+00 : f32
      %jit3A_431 = arith.constant 1.000000e+00 : f32
      %max3A_432 = vector.broadcast %jit3A_430 : f32 to vector<16xf32>
      %max3A_433 = arith.maximumf %max3A_432, %sub3A_429 : vector<16xf32>
      %min3A_434 = vector.broadcast %jit3A_431 : f32 to vector<16xf32>
      %min3A_435 = arith.minimumf %min3A_434, %max3A_433 : vector<16xf32>
      %add3A_436 = arith.addf %add3A_426, %min3A_435 : vector<16xf32>
      %sub3A_437 = arith.constant 4.999000e+03 : f32
      %sub3A_438 = vector.broadcast %sub3A_437 : f32 to vector<16xf32>
      %sub3A_439 = arith.subf %convert_element_type3A_404, %sub3A_438 : vector<16xf32>
      %jit3A_440 = arith.constant 0.000000e+00 : f32
      %jit3A_441 = arith.constant 1.000000e+00 : f32
      %max3A_442 = vector.broadcast %jit3A_440 : f32 to vector<16xf32>
      %max3A_443 = arith.maximumf %max3A_442, %sub3A_439 : vector<16xf32>
      %min3A_444 = vector.broadcast %jit3A_441 : f32 to vector<16xf32>
      %min3A_445 = arith.minimumf %min3A_444, %max3A_443 : vector<16xf32>
      %add3A_446 = arith.addf %add3A_436, %min3A_445 : vector<16xf32>
      %sub3A_447 = arith.constant 6.249000e+03 : f32
      %sub3A_448 = vector.broadcast %sub3A_447 : f32 to vector<16xf32>
      %sub3A_449 = arith.subf %convert_element_type3A_404, %sub3A_448 : vector<16xf32>
      %jit3A_450 = arith.constant 0.000000e+00 : f32
      %jit3A_451 = arith.constant 1.000000e+00 : f32
      %max3A_452 = vector.broadcast %jit3A_450 : f32 to vector<16xf32>
      %max3A_453 = arith.maximumf %max3A_452, %sub3A_449 : vector<16xf32>
      %min3A_454 = vector.broadcast %jit3A_451 : f32 to vector<16xf32>
      %min3A_455 = arith.minimumf %min3A_454, %max3A_453 : vector<16xf32>
      %add3A_456 = arith.addf %add3A_446, %min3A_455 : vector<16xf32>
      %sub3A_457 = arith.constant 7.499000e+03 : f32
      %sub3A_458 = vector.broadcast %sub3A_457 : f32 to vector<16xf32>
      %sub3A_459 = arith.subf %convert_element_type3A_404, %sub3A_458 : vector<16xf32>
      %jit3A_460 = arith.constant 0.000000e+00 : f32
      %jit3A_461 = arith.constant 1.000000e+00 : f32
      %max3A_462 = vector.broadcast %jit3A_460 : f32 to vector<16xf32>
      %max3A_463 = arith.maximumf %max3A_462, %sub3A_459 : vector<16xf32>
      %min3A_464 = vector.broadcast %jit3A_461 : f32 to vector<16xf32>
      %min3A_465 = arith.minimumf %min3A_464, %max3A_463 : vector<16xf32>
      %add3A_466 = arith.addf %add3A_456, %min3A_465 : vector<16xf32>
      %sub3A_467 = arith.constant 8.749000e+03 : f32
      %sub3A_468 = vector.broadcast %sub3A_467 : f32 to vector<16xf32>
      %sub3A_469 = arith.subf %convert_element_type3A_404, %sub3A_468 : vector<16xf32>
      %jit3A_470 = arith.constant 0.000000e+00 : f32
      %jit3A_471 = arith.constant 1.000000e+00 : f32
      %max3A_472 = vector.broadcast %jit3A_470 : f32 to vector<16xf32>
      %max3A_473 = arith.maximumf %max3A_472, %sub3A_469 : vector<16xf32>
      %min3A_474 = vector.broadcast %jit3A_471 : f32 to vector<16xf32>
      %min3A_475 = arith.minimumf %min3A_474, %max3A_473 : vector<16xf32>
      %add3A_476 = arith.addf %add3A_466, %min3A_475 : vector<16xf32>
      %mul3A_477 = arith.constant 1.250000e+03 : f32
      %mul3A_478 = vector.broadcast %mul3A_477 : f32 to vector<16xf32>
      %mul3A_479 = arith.mulf %mul3A_478, %add3A_476 : vector<16xf32>
      %sub3A_480 = arith.subf %convert_element_type3A_404, %mul3A_479 : vector<16xf32>
      %convert_element_type3A_481 = arith.fptosi %sub3A_480 : vector<16xf32> to vector<16xi32>
      %mul3A_482 = arith.constant 16 : i32
      %mul3A_483 = arith.muli %scan3A_398, %mul3A_482 : i32
      %swap3A_484 = arith.index_cast %mul3A_483 : i32 to index
      %swap3A_485 = tpu.vector_load %arg19[%swap3A_484] {strides = array<i32>} : memref<16xi32, #tpu.memory_space<vmem>>, vector<16xi32>,
      %swap3A_486 = vector.shape_cast %swap3A_485 : vector<16xi32> to vector<16xi32>
      %swap3A_487 = vector.shape_cast %convert_element_type3A_481 : vector<16xi32> to vector<16xi32>
      tpu.vector_store %arg19[%swap3A_484], %swap3A_487 {strides = array<i32>} : memref<16xi32, #tpu.memory_space<vmem>>, vector<16xi32>,
      %swap3A_488 = arith.index_cast %scan3A_398 : i32 to index
      %swap3A_489 = arith.constant 0 : index
      %swap3A_490 = tpu.vector_load %arg23[%swap3A_488, %swap3A_489] {strides = array<i32>} : memref<1x16xf32, #tpu.memory_space<vmem>>, vector<1x16xf32>,
      %swap3A_491 = vector.shape_cast %swap3A_490 : vector<1x16xf32> to vector<16xf32>
      %swap3A_492 = vector.shape_cast %add3A_476 : vector<16xf32> to vector<1x16xf32>
      tpu.vector_store %arg23[%swap3A_488, %swap3A_489], %swap3A_492 {strides = array<i32>} : memref<1x16xf32, #tpu.memory_space<vmem>>, vector<1x16xf32>,
      %scan3A_493 = arith.constant 1 : i32
      %scan3A_494 = arith.constant 0 : i32
      %scan3A_495 = arith.constant 0 : i32
      %scan3A_496 = arith.constant 16 : i32
      %scan3A_497 = arith.addi %scan3A_495, %scan3A_496 : i32
      %scan3A_498 = arith.constant 1 : i32
      scf.for %scan3A_500 = %scan3A_495 to %scan3A_497 step %scan3A_498  : i32 {
        %get3A_501 = arith.index_cast %scan3A_500 : i32 to index
        %get3A_502 = arith.constant 0 : index
        %get3A_503 = tpu.vector_load %arg24[%get3A_501, %get3A_502] {strides = array<i32>} : memref<16x16xf32, #tpu.memory_space<vmem>>, vector<1x16xf32>,
        %get3A_504 = vector.shape_cast %get3A_503 : vector<1x16xf32> to vector<16xf32>
        %jit3A_505 = arith.constant 16 : i32
        %div3A_506 = arith.divsi %scan3A_500, %jit3A_505 : i32
        %sign3A_507 = arith.constant 0 : i32
        %sign3A_508 = arith.cmpi sgt, %scan3A_500, %sign3A_507 : i32
        %sign3A_509 = arith.extui %sign3A_508 : i1 to i32
        %sign3A_510 = arith.constant 0 : i32
        %sign3A_511 = arith.cmpi slt, %scan3A_500, %sign3A_510 : i32
        %sign3A_512 = arith.extui %sign3A_511 : i1 to i32
        %sign3A_513 = arith.subi %sign3A_509, %sign3A_512 : i32
        %sign3A_514 = arith.constant 0 : i32
        %sign3A_515 = arith.cmpi sgt, %jit3A_505, %sign3A_514 : i32
        %sign3A_516 = arith.extui %sign3A_515 : i1 to i32
        %sign3A_517 = arith.constant 0 : i32
        %sign3A_518 = arith.cmpi slt, %jit3A_505, %sign3A_517 : i32
        %sign3A_519 = arith.extui %sign3A_518 : i1 to i32
        %sign3A_520 = arith.subi %sign3A_516, %sign3A_519 : i32
        %ne3A_521 = arith.cmpi ne, %sign3A_513, %sign3A_520 : i32
        %rem3A_522 = arith.remsi %scan3A_500, %jit3A_505 : i32
        %ne3A_523 = arith.constant 0 : i32
        %ne3A_524 = arith.cmpi ne, %rem3A_522, %ne3A_523 : i32
        %and3A_525 = arith.andi %ne3A_521, %ne3A_524 : i1
        %sub3A_526 = arith.constant 1 : i32
        %sub3A_527 = arith.subi %div3A_506, %sub3A_526 : i32
        %select_n3A_528 = arith.select %and3A_525, %sub3A_527, %div3A_506 : i32
        %get3A_529 = arith.index_cast %select_n3A_528 : i32 to index
        %get3A_530 = arith.constant 0 : index
        %get3A_531 = tpu.vector_load %arg23[%get3A_529, %get3A_530] {strides = array<i32>} : memref<1x16xf32, #tpu.memory_space<vmem>>, vector<1x16xf32>,
        %get3A_532 = vector.shape_cast %get3A_531 : vector<1x16xf32> to vector<16xf32>
        %jit3A_533 = arith.constant 16 : i32
        %eq3A = arith.constant 0 : i32
        %eq3A_534 = arith.cmpi eq, %jit3A_533, %eq3A : i32
        %jit3A_535 = arith.constant 1 : i32
        %select_n3A_536 = arith.select %eq3A_534, %jit3A_535, %jit3A_533 : i32
        %rem3A_537 = arith.remsi %scan3A_500, %select_n3A_536 : i32
        %ne3A_538 = arith.constant 0 : i32
        %ne3A_539 = arith.cmpi ne, %rem3A_537, %ne3A_538 : i32
        %lt3A = arith.constant 0 : i32
        %lt3A_540 = arith.cmpi slt, %rem3A_537, %lt3A : i32
        %lt3A_541 = arith.constant 0 : i32
        %lt3A_542 = arith.cmpi slt, %select_n3A_536, %lt3A_541 : i32
        %ne3A_543 = arith.xori %lt3A_540, %lt3A_542 : i1
        %and3A_544 = arith.andi %ne3A_543, %ne3A_539 : i1
        %add3A_545 = arith.addi %rem3A_537, %select_n3A_536 : i32
        %select_n3A_546 = arith.select %and3A_544, %add3A_545, %rem3A_537 : i32
        %broadcast_in_dim3A_547 = vector.broadcast %select_n3A_546 : i32 to vector<16xi32>
        %broadcast_in_dim3A_548 = vector.shape_cast %broadcast_in_dim3A_547 : vector<16xi32> to vector<16x1xi32>
        %gather3A = vector.shape_cast %broadcast_in_dim3A_548 : vector<16x1xi32> to vector<16xi32>
        %gather3A_549 = tpu.dynamic_gather %get3A_532[%gather3A] in [0] : vector<16xf32>, vector<16xi32> -> vector<16xf32>
        %sub3A_550 = arith.constant 0.000000e+00 : f32
        %sub3A_551 = vector.broadcast %sub3A_550 : f32 to vector<16xf32>
        %sub3A_552 = arith.subf %gather3A_549, %sub3A_551 : vector<16xf32>
        %mul3A_553 = arith.mulf %sub3A_552, %sub3A_552 : vector<16xf32>
        %sub3A_554 = arith.constant 1.000000e+00 : f32
        %sub3A_555 = vector.broadcast %sub3A_554 : f32 to vector<16xf32>
        %sub3A_556 = arith.subf %sub3A_555, %mul3A_553 : vector<16xf32>
        %max3A_557 = arith.constant 0.000000e+00 : f32
        %max3A_558 = vector.broadcast %max3A_557 : f32 to vector<16xf32>
        %max3A_559 = arith.maximumf %sub3A_556, %max3A_558 : vector<16xf32>
        %mul3A_560 = arith.mulf %max3A_559, %get3A_504 : vector<16xf32>
        %swap3A_561 = arith.index_cast %scan3A_500 : i32 to index
        %swap3A_562 = arith.constant 0 : index
        %swap3A_563 = tpu.vector_load %arg22[%swap3A_561, %swap3A_562] {strides = array<i32>} : memref<16x128xf32, #tpu.memory_space<vmem>>, vector<1x16xf32>,
        %swap3A_564 = vector.shape_cast %swap3A_563 : vector<1x16xf32> to vector<16xf32>
        %swap3A_565 = vector.shape_cast %mul3A_560 : vector<16xf32> to vector<1x16xf32>
        tpu.vector_store %arg22[%swap3A_561, %swap3A_562], %swap3A_565 {strides = array<i32>} : memref<16x128xf32, #tpu.memory_space<vmem>>, vector<1x16xf32>,
        %sub3A_566 = arith.constant 1.000000e+00 : f32
        %sub3A_567 = vector.broadcast %sub3A_566 : f32 to vector<16xf32>
        %sub3A_568 = arith.subf %gather3A_549, %sub3A_567 : vector<16xf32>
        %mul3A_569 = arith.mulf %sub3A_568, %sub3A_568 : vector<16xf32>
        %sub3A_570 = arith.constant 1.000000e+00 : f32
        %sub3A_571 = vector.broadcast %sub3A_570 : f32 to vector<16xf32>
        %sub3A_572 = arith.subf %sub3A_571, %mul3A_569 : vector<16xf32>
        %max3A_573 = arith.constant 0.000000e+00 : f32
        %max3A_574 = vector.broadcast %max3A_573 : f32 to vector<16xf32>
        %max3A_575 = arith.maximumf %sub3A_572, %max3A_574 : vector<16xf32>
        %mul3A_576 = arith.mulf %max3A_575, %get3A_504 : vector<16xf32>
        %swap3A_577 = arith.index_cast %scan3A_500 : i32 to index
        %swap3A_578 = arith.constant 16 : index
        %swap3A_579 = tpu.vector_load %arg22[%swap3A_577, %swap3A_578] {strides = array<i32>} : memref<16x128xf32, #tpu.memory_space<vmem>>, vector<1x16xf32>,
        %swap3A_580 = vector.shape_cast %swap3A_579 : vector<1x16xf32> to vector<16xf32>
        %swap3A_581 = vector.shape_cast %mul3A_576 : vector<16xf32> to vector<1x16xf32>
        tpu.vector_store %arg22[%swap3A_577, %swap3A_578], %swap3A_581 {strides = array<i32>} : memref<16x128xf32, #tpu.memory_space<vmem>>, vector<1x16xf32>,
        %sub3A_582 = arith.constant 2.000000e+00 : f32
        %sub3A_583 = vector.broadcast %sub3A_582 : f32 to vector<16xf32>
        %sub3A_584 = arith.subf %gather3A_549, %sub3A_583 : vector<16xf32>
        %mul3A_585 = arith.mulf %sub3A_584, %sub3A_584 : vector<16xf32>
        %sub3A_586 = arith.constant 1.000000e+00 : f32
        %sub3A_587 = vector.broadcast %sub3A_586 : f32 to vector<16xf32>
        %sub3A_588 = arith.subf %sub3A_587, %mul3A_585 : vector<16xf32>
        %max3A_589 = arith.constant 0.000000e+00 : f32
        %max3A_590 = vector.broadcast %max3A_589 : f32 to vector<16xf32>
        %max3A_591 = arith.maximumf %sub3A_588, %max3A_590 : vector<16xf32>
        %mul3A_592 = arith.mulf %max3A_591, %get3A_504 : vector<16xf32>
        %swap3A_593 = arith.index_cast %scan3A_500 : i32 to index
        %swap3A_594 = arith.constant 32 : index
        %swap3A_595 = tpu.vector_load %arg22[%swap3A_593, %swap3A_594] {strides = array<i32>} : memref<16x128xf32, #tpu.memory_space<vmem>>, vector<1x16xf32>,
        %swap3A_596 = vector.shape_cast %swap3A_595 : vector<1x16xf32> to vector<16xf32>
        %swap3A_597 = vector.shape_cast %mul3A_592 : vector<16xf32> to vector<1x16xf32>
        tpu.vector_store %arg22[%swap3A_593, %swap3A_594], %swap3A_597 {strides = array<i32>} : memref<16x128xf32, #tpu.memory_space<vmem>>, vector<1x16xf32>,
        %sub3A_598 = arith.constant 3.000000e+00 : f32
        %sub3A_599 = vector.broadcast %sub3A_598 : f32 to vector<16xf32>
        %sub3A_600 = arith.subf %gather3A_549, %sub3A_599 : vector<16xf32>
        %mul3A_601 = arith.mulf %sub3A_600, %sub3A_600 : vector<16xf32>
        %sub3A_602 = arith.constant 1.000000e+00 : f32
        %sub3A_603 = vector.broadcast %sub3A_602 : f32 to vector<16xf32>
        %sub3A_604 = arith.subf %sub3A_603, %mul3A_601 : vector<16xf32>
        %max3A_605 = arith.constant 0.000000e+00 : f32
        %max3A_606 = vector.broadcast %max3A_605 : f32 to vector<16xf32>
        %max3A_607 = arith.maximumf %sub3A_604, %max3A_606 : vector<16xf32>
        %mul3A_608 = arith.mulf %max3A_607, %get3A_504 : vector<16xf32>
        %swap3A_609 = arith.index_cast %scan3A_500 : i32 to index
        %swap3A_610 = arith.constant 48 : index
        %swap3A_611 = tpu.vector_load %arg22[%swap3A_609, %swap3A_610] {strides = array<i32>} : memref<16x128xf32, #tpu.memory_space<vmem>>, vector<1x16xf32>,
        %swap3A_612 = vector.shape_cast %swap3A_611 : vector<1x16xf32> to vector<16xf32>
        %swap3A_613 = vector.shape_cast %mul3A_608 : vector<16xf32> to vector<1x16xf32>
        tpu.vector_store %arg22[%swap3A_609, %swap3A_610], %swap3A_613 {strides = array<i32>} : memref<16x128xf32, #tpu.memory_space<vmem>>, vector<1x16xf32>,
        %sub3A_614 = arith.constant 4.000000e+00 : f32
        %sub3A_615 = vector.broadcast %sub3A_614 : f32 to vector<16xf32>
        %sub3A_616 = arith.subf %gather3A_549, %sub3A_615 : vector<16xf32>
        %mul3A_617 = arith.mulf %sub3A_616, %sub3A_616 : vector<16xf32>
        %sub3A_618 = arith.constant 1.000000e+00 : f32
        %sub3A_619 = vector.broadcast %sub3A_618 : f32 to vector<16xf32>
        %sub3A_620 = arith.subf %sub3A_619, %mul3A_617 : vector<16xf32>
        %max3A_621 = arith.constant 0.000000e+00 : f32
        %max3A_622 = vector.broadcast %max3A_621 : f32 to vector<16xf32>
        %max3A_623 = arith.maximumf %sub3A_620, %max3A_622 : vector<16xf32>
        %mul3A_624 = arith.mulf %max3A_623, %get3A_504 : vector<16xf32>
        %swap3A_625 = arith.index_cast %scan3A_500 : i32 to index
        %swap3A_626 = arith.constant 64 : index
        %swap3A_627 = tpu.vector_load %arg22[%swap3A_625, %swap3A_626] {strides = array<i32>} : memref<16x128xf32, #tpu.memory_space<vmem>>, vector<1x16xf32>,
        %swap3A_628 = vector.shape_cast %swap3A_627 : vector<1x16xf32> to vector<16xf32>
        %swap3A_629 = vector.shape_cast %mul3A_624 : vector<16xf32> to vector<1x16xf32>
        tpu.vector_store %arg22[%swap3A_625, %swap3A_626], %swap3A_629 {strides = array<i32>} : memref<16x128xf32, #tpu.memory_space<vmem>>, vector<1x16xf32>,
        %sub3A_630 = arith.constant 5.000000e+00 : f32
        %sub3A_631 = vector.broadcast %sub3A_630 : f32 to vector<16xf32>
        %sub3A_632 = arith.subf %gather3A_549, %sub3A_631 : vector<16xf32>
        %mul3A_633 = arith.mulf %sub3A_632, %sub3A_632 : vector<16xf32>
        %sub3A_634 = arith.constant 1.000000e+00 : f32
        %sub3A_635 = vector.broadcast %sub3A_634 : f32 to vector<16xf32>
        %sub3A_636 = arith.subf %sub3A_635, %mul3A_633 : vector<16xf32>
        %max3A_637 = arith.constant 0.000000e+00 : f32
        %max3A_638 = vector.broadcast %max3A_637 : f32 to vector<16xf32>
        %max3A_639 = arith.maximumf %sub3A_636, %max3A_638 : vector<16xf32>
        %mul3A_640 = arith.mulf %max3A_639, %get3A_504 : vector<16xf32>
        %swap3A_641 = arith.index_cast %scan3A_500 : i32 to index
        %swap3A_642 = arith.constant 80 : index
        %swap3A_643 = tpu.vector_load %arg22[%swap3A_641, %swap3A_642] {strides = array<i32>} : memref<16x128xf32, #tpu.memory_space<vmem>>, vector<1x16xf32>,
        %swap3A_644 = vector.shape_cast %swap3A_643 : vector<1x16xf32> to vector<16xf32>
        %swap3A_645 = vector.shape_cast %mul3A_640 : vector<16xf32> to vector<1x16xf32>
        tpu.vector_store %arg22[%swap3A_641, %swap3A_642], %swap3A_645 {strides = array<i32>} : memref<16x128xf32, #tpu.memory_space<vmem>>, vector<1x16xf32>,
        %sub3A_646 = arith.constant 6.000000e+00 : f32
        %sub3A_647 = vector.broadcast %sub3A_646 : f32 to vector<16xf32>
        %sub3A_648 = arith.subf %gather3A_549, %sub3A_647 : vector<16xf32>
        %mul3A_649 = arith.mulf %sub3A_648, %sub3A_648 : vector<16xf32>
        %sub3A_650 = arith.constant 1.000000e+00 : f32
        %sub3A_651 = vector.broadcast %sub3A_650 : f32 to vector<16xf32>
        %sub3A_652 = arith.subf %sub3A_651, %mul3A_649 : vector<16xf32>
        %max3A_653 = arith.constant 0.000000e+00 : f32
        %max3A_654 = vector.broadcast %max3A_653 : f32 to vector<16xf32>
        %max3A_655 = arith.maximumf %sub3A_652, %max3A_654 : vector<16xf32>
        %mul3A_656 = arith.mulf %max3A_655, %get3A_504 : vector<16xf32>
        %swap3A_657 = arith.index_cast %scan3A_500 : i32 to index
        %swap3A_658 = arith.constant 96 : index
        %swap3A_659 = tpu.vector_load %arg22[%swap3A_657, %swap3A_658] {strides = array<i32>} : memref<16x128xf32, #tpu.memory_space<vmem>>, vector<1x16xf32>,
        %swap3A_660 = vector.shape_cast %swap3A_659 : vector<1x16xf32> to vector<16xf32>
        %swap3A_661 = vector.shape_cast %mul3A_656 : vector<16xf32> to vector<1x16xf32>
        tpu.vector_store %arg22[%swap3A_657, %swap3A_658], %swap3A_661 {strides = array<i32>} : memref<16x128xf32, #tpu.memory_space<vmem>>, vector<1x16xf32>,
        %sub3A_662 = arith.constant 7.000000e+00 : f32
        %sub3A_663 = vector.broadcast %sub3A_662 : f32 to vector<16xf32>
        %sub3A_664 = arith.subf %gather3A_549, %sub3A_663 : vector<16xf32>
        %mul3A_665 = arith.mulf %sub3A_664, %sub3A_664 : vector<16xf32>
        %sub3A_666 = arith.constant 1.000000e+00 : f32
        %sub3A_667 = vector.broadcast %sub3A_666 : f32 to vector<16xf32>
        %sub3A_668 = arith.subf %sub3A_667, %mul3A_665 : vector<16xf32>
        %max3A_669 = arith.constant 0.000000e+00 : f32
        %max3A_670 = vector.broadcast %max3A_669 : f32 to vector<16xf32>
        %max3A_671 = arith.maximumf %sub3A_668, %max3A_670 : vector<16xf32>
        %mul3A_672 = arith.mulf %max3A_671, %get3A_504 : vector<16xf32>
        %swap3A_673 = arith.index_cast %scan3A_500 : i32 to index
        %swap3A_674 = arith.constant 112 : index
        %swap3A_675 = tpu.vector_load %arg22[%swap3A_673, %swap3A_674] {strides = array<i32>} : memref<16x128xf32, #tpu.memory_space<vmem>>, vector<1x16xf32>,
        %swap3A_676 = vector.shape_cast %swap3A_675 : vector<1x16xf32> to vector<16xf32>
        %swap3A_677 = vector.shape_cast %mul3A_672 : vector<16xf32> to vector<1x16xf32>
        tpu.vector_store %arg22[%swap3A_673, %swap3A_674], %swap3A_677 {strides = array<i32>} : memref<16x128xf32, #tpu.memory_space<vmem>>, vector<1x16xf32>,
      }
      %scan3A_499 = arith.constant 16 : i32
      "tpu.region"() ({
        %run_scoped3A = tpu.sem_alloc : memref<!tpu.dma_semaphore, #tpu.memory_space<semaphore_mem>>
        %dma_start3A_500 = arith.constant 0 : i32
        %dma_start3A_501 = tpu.memref_slice %arg6[%mul3A_384, %dma_start3A_500] : memref<321024x128xf32, #tpu.memory_space<hbm>> -> memref<16x128xf32, #tpu.memory_space<hbm>>
        %dma_start3A_502 = arith.constant 0 : i32
        %dma_start3A_503 = tpu.memref_slice %arg6[%mul3A_384, %dma_start3A_502] : memref<321024x128xf32, #tpu.memory_space<hbm>> -> memref<16x128xf32, #tpu.memory_space<hbm>>
        tpu.enqueue_dma source(%arg20 : memref<16x128xf32, #tpu.memory_space<vmem>>) target(%dma_start3A_503 : memref<16x128xf32, #tpu.memory_space<hbm>>) target_semaphore(%run_scoped3A : memref<!tpu.dma_semaphore, #tpu.memory_space<semaphore_mem>>)
        %dma_wait3A_504 = arith.constant 0 : i32
        %dma_wait3A_505 = tpu.memref_slice %arg6[%mul3A_384, %dma_wait3A_504] : memref<321024x128xf32, #tpu.memory_space<hbm>> -> memref<16x128xf32, #tpu.memory_space<hbm>>
        %dma_wait3A_506 = arith.constant 0 : i32
        %dma_wait3A_507 = tpu.memref_slice %arg6[%mul3A_384, %dma_wait3A_506] : memref<321024x128xf32, #tpu.memory_space<hbm>> -> memref<16x128xf32, #tpu.memory_space<hbm>>
        tpu.wait_dma2 semaphore(%run_scoped3A : memref<!tpu.dma_semaphore, #tpu.memory_space<semaphore_mem>>) src(%arg20 : memref<16x128xf32, #tpu.memory_space<vmem>>) dst(%dma_wait3A_507 : memref<16x128xf32, #tpu.memory_space<hbm>>)
        tpu.yield
      }) : () -> ()
      "tpu.region"() ({
        %run_scoped3A = tpu.sem_alloc : memref<!tpu.dma_semaphore, #tpu.memory_space<semaphore_mem>>
        %dma_start3A_500 = arith.constant 0 : i32
        %dma_start3A_501 = arith.constant 0 : i32
        %dma_start3A_502 = tpu.memref_slice %arg26[%dma_start3A_500, %dma_start3A_501] : memref<10016x128xf32, #tpu.memory_space<vmem_shared>> -> memref<10016x128xf32, #tpu.memory_space<vmem_shared>>
        tpu.enqueue_indirect_dma source(%arg21 : memref<16x128xf32, #tpu.memory_space<vmem>>) target(%dma_start3A_502 : memref<10016x128xf32, #tpu.memory_space<vmem_shared>>) offsets(%arg12 : memref<16xi32, #tpu.memory_space<vmem>>) semaphore(%run_scoped3A : memref<!tpu.dma_semaphore, #tpu.memory_space<semaphore_mem>>) {add = true}
        %dma_wait3A_503 = arith.constant 0 : i32
        %dma_wait3A_504 = arith.constant 0 : i32
        %dma_wait3A_505 = tpu.memref_slice %arg26[%dma_wait3A_503, %dma_wait3A_504] : memref<10016x128xf32, #tpu.memory_space<vmem_shared>> -> memref<10016x128xf32, #tpu.memory_space<vmem_shared>>
        tpu.wait_indirect_dma semaphore(%run_scoped3A : memref<!tpu.dma_semaphore, #tpu.memory_space<semaphore_mem>>) src(%arg21 : memref<16x128xf32, #tpu.memory_space<vmem>>) dst(%dma_wait3A_505 : memref<10016x128xf32, #tpu.memory_space<vmem_shared>>)
        tpu.yield
      }) : () -> ()
      "tpu.region"() ({
        %run_scoped3A = tpu.sem_alloc : memref<!tpu.dma_semaphore, #tpu.memory_space<semaphore_mem>>
        %dma_start3A_500 = arith.constant 0 : i32
        %dma_start3A_501 = arith.constant 0 : i32
        %dma_start3A_502 = tpu.memref_slice %arg27[%dma_start3A_500, %dma_start3A_501] : memref<1280x128xf32, #tpu.memory_space<vmem_shared>> -> memref<1280x128xf32, #tpu.memory_space<vmem_shared>>
        tpu.enqueue_indirect_dma source(%arg22 : memref<16x128xf32, #tpu.memory_space<vmem>>) target(%dma_start3A_502 : memref<1280x128xf32, #tpu.memory_space<vmem_shared>>) offsets(%arg19 : memref<16xi32, #tpu.memory_space<vmem>>) semaphore(%run_scoped3A : memref<!tpu.dma_semaphore, #tpu.memory_space<semaphore_mem>>) {add = true}
        %dma_wait3A_503 = arith.constant 0 : i32
        %dma_wait3A_504 = arith.constant 0 : i32
        %dma_wait3A_505 = tpu.memref_slice %arg27[%dma_wait3A_503, %dma_wait3A_504] : memref<1280x128xf32, #tpu.memory_space<vmem_shared>> -> memref<1280x128xf32, #tpu.memory_space<vmem_shared>>
        tpu.wait_indirect_dma semaphore(%run_scoped3A : memref<!tpu.dma_semaphore, #tpu.memory_space<semaphore_mem>>) src(%arg22 : memref<16x128xf32, #tpu.memory_space<vmem>>) dst(%dma_wait3A_505 : memref<1280x128xf32, #tpu.memory_space<vmem_shared>>)
        tpu.yield
      }) : () -> ()
    }
    %scan3A_88 = arith.constant 313 : i32
    %add3A_89 = arith.constant 20032 : i32
    %add3A_90 = arith.addi %add3A, %add3A_89 : i32
    %mul3A_91 = arith.constant 16 : i32
    %mul3A_92 = arith.muli %add3A_90, %mul3A_91 : i32
    %dma_wait3A = arith.constant 0 : i32
    %dma_wait3A_93 = arith.constant 0 : i32
    %dma_wait3A_94 = tpu.memref_slice %arg2[%dma_wait3A, %dma_wait3A_93] : memref<10000x256xf32, #tpu.memory_space<hbm>> -> memref<16x256xf32, #tpu.memory_space<hbm>>
    %dma_wait3A_95 = arith.constant 0 : i32
    %dma_wait3A_96 = arith.constant 0 : i32
    %dma_wait3A_97 = tpu.memref_slice %arg2[%dma_wait3A_95, %dma_wait3A_96] : memref<10000x256xf32, #tpu.memory_space<hbm>> -> memref<16x256xf32, #tpu.memory_space<hbm>>
    tpu.wait_dma2 semaphore(%arg28 : memref<!tpu.dma_semaphore, #tpu.memory_space<semaphore_mem>>) src(%dma_wait3A_97 : memref<16x256xf32, #tpu.memory_space<hbm>>) dst(%arg13 : memref<16x256xf32, #tpu.memory_space<vmem>>)
    %dma_wait3A_98 = arith.constant 0 : i32
    %dma_wait3A_99 = arith.constant 0 : i32
    %dma_wait3A_100 = tpu.memref_slice %arg3[%dma_wait3A_98, %dma_wait3A_99] : memref<10000x128xf32, #tpu.memory_space<hbm>> -> memref<16x128xf32, #tpu.memory_space<hbm>>
    %dma_wait3A_101 = arith.constant 0 : i32
    %dma_wait3A_102 = arith.constant 0 : i32
    %dma_wait3A_103 = tpu.memref_slice %arg3[%dma_wait3A_101, %dma_wait3A_102] : memref<10000x128xf32, #tpu.memory_space<hbm>> -> memref<16x128xf32, #tpu.memory_space<hbm>>
    tpu.wait_dma2 semaphore(%arg30 : memref<!tpu.dma_semaphore, #tpu.memory_space<semaphore_mem>>) src(%dma_wait3A_103 : memref<16x128xf32, #tpu.memory_space<hbm>>) dst(%arg15 : memref<16x128xf32, #tpu.memory_space<vmem>>)
    %scan3A_104 = arith.constant 0 : i32
    %scan3A_105 = arith.constant 0 : i32
    %mul3A_106 = arith.constant 16 : i32
    %mul3A_107 = arith.muli %scan3A_105, %mul3A_106 : i32
    %get3A = arith.index_cast %mul3A_107 : i32 to index
    %get3A_108 = tpu.vector_load %arg11[%get3A] {strides = array<i32>} : memref<16xi32, #tpu.memory_space<vmem>>, vector<16xi32>,
    %get3A_109 = vector.shape_cast %get3A_108 : vector<16xi32> to vector<16xi32>
    %convert_element_type3A = arith.sitofp %get3A_109 : vector<16xi32> to vector<16xf32>
    %broadcast_in_dim3A_110 = arith.constant 0.000000e+00 : f32
    %broadcast_in_dim3A_111 = vector.broadcast %broadcast_in_dim3A_110 : f32 to vector<16xf32>
    %sub3A_112 = arith.constant 1.249000e+03 : f32
    %sub3A_113 = vector.broadcast %sub3A_112 : f32 to vector<16xf32>
    %sub3A_114 = arith.subf %convert_element_type3A, %sub3A_113 : vector<16xf32>
    %jit3A_115 = arith.constant 0.000000e+00 : f32
    %jit3A_116 = arith.constant 1.000000e+00 : f32
    %max3A = vector.broadcast %jit3A_115 : f32 to vector<16xf32>
    %max3A_117 = arith.maximumf %max3A, %sub3A_114 : vector<16xf32>
    %min3A = vector.broadcast %jit3A_116 : f32 to vector<16xf32>
    %min3A_118 = arith.minimumf %min3A, %max3A_117 : vector<16xf32>
    %add3A_119 = arith.addf %broadcast_in_dim3A_111, %min3A_118 : vector<16xf32>
    %sub3A_120 = arith.constant 2.499000e+03 : f32
    %sub3A_121 = vector.broadcast %sub3A_120 : f32 to vector<16xf32>
    %sub3A_122 = arith.subf %convert_element_type3A, %sub3A_121 : vector<16xf32>
    %jit3A_123 = arith.constant 0.000000e+00 : f32
    %jit3A_124 = arith.constant 1.000000e+00 : f32
    %max3A_125 = vector.broadcast %jit3A_123 : f32 to vector<16xf32>
    %max3A_126 = arith.maximumf %max3A_125, %sub3A_122 : vector<16xf32>
    %min3A_127 = vector.broadcast %jit3A_124 : f32 to vector<16xf32>
    %min3A_128 = arith.minimumf %min3A_127, %max3A_126 : vector<16xf32>
    %add3A_129 = arith.addf %add3A_119, %min3A_128 : vector<16xf32>
    %sub3A_130 = arith.constant 3.749000e+03 : f32
    %sub3A_131 = vector.broadcast %sub3A_130 : f32 to vector<16xf32>
    %sub3A_132 = arith.subf %convert_element_type3A, %sub3A_131 : vector<16xf32>
    %jit3A_133 = arith.constant 0.000000e+00 : f32
    %jit3A_134 = arith.constant 1.000000e+00 : f32
    %max3A_135 = vector.broadcast %jit3A_133 : f32 to vector<16xf32>
    %max3A_136 = arith.maximumf %max3A_135, %sub3A_132 : vector<16xf32>
    %min3A_137 = vector.broadcast %jit3A_134 : f32 to vector<16xf32>
    %min3A_138 = arith.minimumf %min3A_137, %max3A_136 : vector<16xf32>
    %add3A_139 = arith.addf %add3A_129, %min3A_138 : vector<16xf32>
    %sub3A_140 = arith.constant 4.999000e+03 : f32
    %sub3A_141 = vector.broadcast %sub3A_140 : f32 to vector<16xf32>
    %sub3A_142 = arith.subf %convert_element_type3A, %sub3A_141 : vector<16xf32>
    %jit3A_143 = arith.constant 0.000000e+00 : f32
    %jit3A_144 = arith.constant 1.000000e+00 : f32
    %max3A_145 = vector.broadcast %jit3A_143 : f32 to vector<16xf32>
    %max3A_146 = arith.maximumf %max3A_145, %sub3A_142 : vector<16xf32>
    %min3A_147 = vector.broadcast %jit3A_144 : f32 to vector<16xf32>
    %min3A_148 = arith.minimumf %min3A_147, %max3A_146 : vector<16xf32>
    %add3A_149 = arith.addf %add3A_139, %min3A_148 : vector<16xf32>
    %sub3A_150 = arith.constant 6.249000e+03 : f32
    %sub3A_151 = vector.broadcast %sub3A_150 : f32 to vector<16xf32>
    %sub3A_152 = arith.subf %convert_element_type3A, %sub3A_151 : vector<16xf32>
    %jit3A_153 = arith.constant 0.000000e+00 : f32
    %jit3A_154 = arith.constant 1.000000e+00 : f32
    %max3A_155 = vector.broadcast %jit3A_153 : f32 to vector<16xf32>
    %max3A_156 = arith.maximumf %max3A_155, %sub3A_152 : vector<16xf32>
    %min3A_157 = vector.broadcast %jit3A_154 : f32 to vector<16xf32>
    %min3A_158 = arith.minimumf %min3A_157, %max3A_156 : vector<16xf32>
    %add3A_159 = arith.addf %add3A_149, %min3A_158 : vector<16xf32>
    %sub3A_160 = arith.constant 7.499000e+03 : f32
    %sub3A_161 = vector.broadcast %sub3A_160 : f32 to vector<16xf32>
    %sub3A_162 = arith.subf %convert_element_type3A, %sub3A_161 : vector<16xf32>
    %jit3A_163 = arith.constant 0.000000e+00 : f32
    %jit3A_164 = arith.constant 1.000000e+00 : f32
    %max3A_165 = vector.broadcast %jit3A_163 : f32 to vector<16xf32>
    %max3A_166 = arith.maximumf %max3A_165, %sub3A_162 : vector<16xf32>
    %min3A_167 = vector.broadcast %jit3A_164 : f32 to vector<16xf32>
    %min3A_168 = arith.minimumf %min3A_167, %max3A_166 : vector<16xf32>
    %add3A_169 = arith.addf %add3A_159, %min3A_168 : vector<16xf32>
    %sub3A_170 = arith.constant 8.749000e+03 : f32
    %sub3A_171 = vector.broadcast %sub3A_170 : f32 to vector<16xf32>
    %sub3A_172 = arith.subf %convert_element_type3A, %sub3A_171 : vector<16xf32>
    %jit3A_173 = arith.constant 0.000000e+00 : f32
    %jit3A_174 = arith.constant 1.000000e+00 : f32
    %max3A_175 = vector.broadcast %jit3A_173 : f32 to vector<16xf32>
    %max3A_176 = arith.maximumf %max3A_175, %sub3A_172 : vector<16xf32>
    %min3A_177 = vector.broadcast %jit3A_174 : f32 to vector<16xf32>
    %min3A_178 = arith.minimumf %min3A_177, %max3A_176 : vector<16xf32>
    %add3A_179 = arith.addf %add3A_169, %min3A_178 : vector<16xf32>
    %mul3A_180 = arith.constant 1.250000e+03 : f32
    %mul3A_181 = vector.broadcast %mul3A_180 : f32 to vector<16xf32>
    %mul3A_182 = arith.mulf %mul3A_181, %add3A_179 : vector<16xf32>
    %sub3A_183 = arith.subf %convert_element_type3A, %mul3A_182 : vector<16xf32>
    %convert_element_type3A_184 = arith.fptosi %sub3A_183 : vector<16xf32> to vector<16xi32>
    %mul3A_185 = arith.constant 16 : i32
    %mul3A_186 = arith.muli %scan3A_105, %mul3A_185 : i32
    %swap3A = arith.index_cast %mul3A_186 : i32 to index
    %swap3A_187 = tpu.vector_load %arg19[%swap3A] {strides = array<i32>} : memref<16xi32, #tpu.memory_space<vmem>>, vector<16xi32>,
    %swap3A_188 = vector.shape_cast %swap3A_187 : vector<16xi32> to vector<16xi32>
    %swap3A_189 = vector.shape_cast %convert_element_type3A_184 : vector<16xi32> to vector<16xi32>
    tpu.vector_store %arg19[%swap3A], %swap3A_189 {strides = array<i32>} : memref<16xi32, #tpu.memory_space<vmem>>, vector<16xi32>,
    %swap3A_190 = arith.index_cast %scan3A_105 : i32 to index
    %swap3A_191 = arith.constant 0 : index
    %swap3A_192 = tpu.vector_load %arg23[%swap3A_190, %swap3A_191] {strides = array<i32>} : memref<1x16xf32, #tpu.memory_space<vmem>>, vector<1x16xf32>,
    %swap3A_193 = vector.shape_cast %swap3A_192 : vector<1x16xf32> to vector<16xf32>
    %swap3A_194 = vector.shape_cast %add3A_179 : vector<16xf32> to vector<1x16xf32>
    tpu.vector_store %arg23[%swap3A_190, %swap3A_191], %swap3A_194 {strides = array<i32>} : memref<1x16xf32, #tpu.memory_space<vmem>>, vector<1x16xf32>,
    %scan3A_195 = arith.constant 1 : i32
    %scan3A_196 = arith.constant 0 : i32
    %scan3A_197 = arith.constant 0 : i32
    %scan3A_198 = arith.constant 16 : i32
    %scan3A_199 = arith.addi %scan3A_197, %scan3A_198 : i32
    %scan3A_200 = arith.constant 1 : i32
    scf.for %scan3A_223 = %scan3A_197 to %scan3A_199 step %scan3A_200  : i32 {
      %get3A_224 = arith.index_cast %scan3A_223 : i32 to index
      %get3A_225 = arith.constant 0 : index
      %get3A_226 = tpu.vector_load %arg24[%get3A_224, %get3A_225] {strides = array<i32>} : memref<16x16xf32, #tpu.memory_space<vmem>>, vector<1x16xf32>,
      %get3A_227 = vector.shape_cast %get3A_226 : vector<1x16xf32> to vector<16xf32>
      %jit3A_228 = arith.constant 16 : i32
      %div3A_229 = arith.divsi %scan3A_223, %jit3A_228 : i32
      %sign3A_230 = arith.constant 0 : i32
      %sign3A_231 = arith.cmpi sgt, %scan3A_223, %sign3A_230 : i32
      %sign3A_232 = arith.extui %sign3A_231 : i1 to i32
      %sign3A_233 = arith.constant 0 : i32
      %sign3A_234 = arith.cmpi slt, %scan3A_223, %sign3A_233 : i32
      %sign3A_235 = arith.extui %sign3A_234 : i1 to i32
      %sign3A_236 = arith.subi %sign3A_232, %sign3A_235 : i32
      %sign3A_237 = arith.constant 0 : i32
      %sign3A_238 = arith.cmpi sgt, %jit3A_228, %sign3A_237 : i32
      %sign3A_239 = arith.extui %sign3A_238 : i1 to i32
      %sign3A_240 = arith.constant 0 : i32
      %sign3A_241 = arith.cmpi slt, %jit3A_228, %sign3A_240 : i32
      %sign3A_242 = arith.extui %sign3A_241 : i1 to i32
      %sign3A_243 = arith.subi %sign3A_239, %sign3A_242 : i32
      %ne3A_244 = arith.cmpi ne, %sign3A_236, %sign3A_243 : i32
      %rem3A_245 = arith.remsi %scan3A_223, %jit3A_228 : i32
      %ne3A_246 = arith.constant 0 : i32
      %ne3A_247 = arith.cmpi ne, %rem3A_245, %ne3A_246 : i32
      %and3A_248 = arith.andi %ne3A_244, %ne3A_247 : i1
      %sub3A_249 = arith.constant 1 : i32
      %sub3A_250 = arith.subi %div3A_229, %sub3A_249 : i32
      %select_n3A_251 = arith.select %and3A_248, %sub3A_250, %div3A_229 : i32
      %get3A_252 = arith.index_cast %select_n3A_251 : i32 to index
      %get3A_253 = arith.constant 0 : index
      %get3A_254 = tpu.vector_load %arg23[%get3A_252, %get3A_253] {strides = array<i32>} : memref<1x16xf32, #tpu.memory_space<vmem>>, vector<1x16xf32>,
      %get3A_255 = vector.shape_cast %get3A_254 : vector<1x16xf32> to vector<16xf32>
      %jit3A_256 = arith.constant 16 : i32
      %eq3A = arith.constant 0 : i32
      %eq3A_257 = arith.cmpi eq, %jit3A_256, %eq3A : i32
      %jit3A_258 = arith.constant 1 : i32
      %select_n3A_259 = arith.select %eq3A_257, %jit3A_258, %jit3A_256 : i32
      %rem3A_260 = arith.remsi %scan3A_223, %select_n3A_259 : i32
      %ne3A_261 = arith.constant 0 : i32
      %ne3A_262 = arith.cmpi ne, %rem3A_260, %ne3A_261 : i32
      %lt3A = arith.constant 0 : i32
      %lt3A_263 = arith.cmpi slt, %rem3A_260, %lt3A : i32
      %lt3A_264 = arith.constant 0 : i32
      %lt3A_265 = arith.cmpi slt, %select_n3A_259, %lt3A_264 : i32
      %ne3A_266 = arith.xori %lt3A_263, %lt3A_265 : i1
      %and3A_267 = arith.andi %ne3A_266, %ne3A_262 : i1
      %add3A_268 = arith.addi %rem3A_260, %select_n3A_259 : i32
      %select_n3A_269 = arith.select %and3A_267, %add3A_268, %rem3A_260 : i32
      %broadcast_in_dim3A_270 = vector.broadcast %select_n3A_269 : i32 to vector<16xi32>
      %broadcast_in_dim3A_271 = vector.shape_cast %broadcast_in_dim3A_270 : vector<16xi32> to vector<16x1xi32>
      %gather3A = vector.shape_cast %broadcast_in_dim3A_271 : vector<16x1xi32> to vector<16xi32>
      %gather3A_272 = tpu.dynamic_gather %get3A_255[%gather3A] in [0] : vector<16xf32>, vector<16xi32> -> vector<16xf32>
      %sub3A_273 = arith.constant 0.000000e+00 : f32
      %sub3A_274 = vector.broadcast %sub3A_273 : f32 to vector<16xf32>
      %sub3A_275 = arith.subf %gather3A_272, %sub3A_274 : vector<16xf32>
      %mul3A_276 = arith.mulf %sub3A_275, %sub3A_275 : vector<16xf32>
      %sub3A_277 = arith.constant 1.000000e+00 : f32
      %sub3A_278 = vector.broadcast %sub3A_277 : f32 to vector<16xf32>
      %sub3A_279 = arith.subf %sub3A_278, %mul3A_276 : vector<16xf32>
      %max3A_280 = arith.constant 0.000000e+00 : f32
      %max3A_281 = vector.broadcast %max3A_280 : f32 to vector<16xf32>
      %max3A_282 = arith.maximumf %sub3A_279, %max3A_281 : vector<16xf32>
      %mul3A_283 = arith.mulf %max3A_282, %get3A_227 : vector<16xf32>
      %swap3A_284 = arith.index_cast %scan3A_223 : i32 to index
      %swap3A_285 = arith.constant 0 : index
      %swap3A_286 = tpu.vector_load %arg22[%swap3A_284, %swap3A_285] {strides = array<i32>} : memref<16x128xf32, #tpu.memory_space<vmem>>, vector<1x16xf32>,
      %swap3A_287 = vector.shape_cast %swap3A_286 : vector<1x16xf32> to vector<16xf32>
      %swap3A_288 = vector.shape_cast %mul3A_283 : vector<16xf32> to vector<1x16xf32>
      tpu.vector_store %arg22[%swap3A_284, %swap3A_285], %swap3A_288 {strides = array<i32>} : memref<16x128xf32, #tpu.memory_space<vmem>>, vector<1x16xf32>,
      %sub3A_289 = arith.constant 1.000000e+00 : f32
      %sub3A_290 = vector.broadcast %sub3A_289 : f32 to vector<16xf32>
      %sub3A_291 = arith.subf %gather3A_272, %sub3A_290 : vector<16xf32>
      %mul3A_292 = arith.mulf %sub3A_291, %sub3A_291 : vector<16xf32>
      %sub3A_293 = arith.constant 1.000000e+00 : f32
      %sub3A_294 = vector.broadcast %sub3A_293 : f32 to vector<16xf32>
      %sub3A_295 = arith.subf %sub3A_294, %mul3A_292 : vector<16xf32>
      %max3A_296 = arith.constant 0.000000e+00 : f32
      %max3A_297 = vector.broadcast %max3A_296 : f32 to vector<16xf32>
      %max3A_298 = arith.maximumf %sub3A_295, %max3A_297 : vector<16xf32>
      %mul3A_299 = arith.mulf %max3A_298, %get3A_227 : vector<16xf32>
      %swap3A_300 = arith.index_cast %scan3A_223 : i32 to index
      %swap3A_301 = arith.constant 16 : index
      %swap3A_302 = tpu.vector_load %arg22[%swap3A_300, %swap3A_301] {strides = array<i32>} : memref<16x128xf32, #tpu.memory_space<vmem>>, vector<1x16xf32>,
      %swap3A_303 = vector.shape_cast %swap3A_302 : vector<1x16xf32> to vector<16xf32>
      %swap3A_304 = vector.shape_cast %mul3A_299 : vector<16xf32> to vector<1x16xf32>
      tpu.vector_store %arg22[%swap3A_300, %swap3A_301], %swap3A_304 {strides = array<i32>} : memref<16x128xf32, #tpu.memory_space<vmem>>, vector<1x16xf32>,
      %sub3A_305 = arith.constant 2.000000e+00 : f32
      %sub3A_306 = vector.broadcast %sub3A_305 : f32 to vector<16xf32>
      %sub3A_307 = arith.subf %gather3A_272, %sub3A_306 : vector<16xf32>
      %mul3A_308 = arith.mulf %sub3A_307, %sub3A_307 : vector<16xf32>
      %sub3A_309 = arith.constant 1.000000e+00 : f32
      %sub3A_310 = vector.broadcast %sub3A_309 : f32 to vector<16xf32>
      %sub3A_311 = arith.subf %sub3A_310, %mul3A_308 : vector<16xf32>
      %max3A_312 = arith.constant 0.000000e+00 : f32
      %max3A_313 = vector.broadcast %max3A_312 : f32 to vector<16xf32>
      %max3A_314 = arith.maximumf %sub3A_311, %max3A_313 : vector<16xf32>
      %mul3A_315 = arith.mulf %max3A_314, %get3A_227 : vector<16xf32>
      %swap3A_316 = arith.index_cast %scan3A_223 : i32 to index
      %swap3A_317 = arith.constant 32 : index
      %swap3A_318 = tpu.vector_load %arg22[%swap3A_316, %swap3A_317] {strides = array<i32>} : memref<16x128xf32, #tpu.memory_space<vmem>>, vector<1x16xf32>,
      %swap3A_319 = vector.shape_cast %swap3A_318 : vector<1x16xf32> to vector<16xf32>
      %swap3A_320 = vector.shape_cast %mul3A_315 : vector<16xf32> to vector<1x16xf32>
      tpu.vector_store %arg22[%swap3A_316, %swap3A_317], %swap3A_320 {strides = array<i32>} : memref<16x128xf32, #tpu.memory_space<vmem>>, vector<1x16xf32>,
      %sub3A_321 = arith.constant 3.000000e+00 : f32
      %sub3A_322 = vector.broadcast %sub3A_321 : f32 to vector<16xf32>
      %sub3A_323 = arith.subf %gather3A_272, %sub3A_322 : vector<16xf32>
      %mul3A_324 = arith.mulf %sub3A_323, %sub3A_323 : vector<16xf32>
      %sub3A_325 = arith.constant 1.000000e+00 : f32
      %sub3A_326 = vector.broadcast %sub3A_325 : f32 to vector<16xf32>
      %sub3A_327 = arith.subf %sub3A_326, %mul3A_324 : vector<16xf32>
      %max3A_328 = arith.constant 0.000000e+00 : f32
      %max3A_329 = vector.broadcast %max3A_328 : f32 to vector<16xf32>
      %max3A_330 = arith.maximumf %sub3A_327, %max3A_329 : vector<16xf32>
      %mul3A_331 = arith.mulf %max3A_330, %get3A_227 : vector<16xf32>
      %swap3A_332 = arith.index_cast %scan3A_223 : i32 to index
      %swap3A_333 = arith.constant 48 : index
      %swap3A_334 = tpu.vector_load %arg22[%swap3A_332, %swap3A_333] {strides = array<i32>} : memref<16x128xf32, #tpu.memory_space<vmem>>, vector<1x16xf32>,
      %swap3A_335 = vector.shape_cast %swap3A_334 : vector<1x16xf32> to vector<16xf32>
      %swap3A_336 = vector.shape_cast %mul3A_331 : vector<16xf32> to vector<1x16xf32>
      tpu.vector_store %arg22[%swap3A_332, %swap3A_333], %swap3A_336 {strides = array<i32>} : memref<16x128xf32, #tpu.memory_space<vmem>>, vector<1x16xf32>,
      %sub3A_337 = arith.constant 4.000000e+00 : f32
      %sub3A_338 = vector.broadcast %sub3A_337 : f32 to vector<16xf32>
      %sub3A_339 = arith.subf %gather3A_272, %sub3A_338 : vector<16xf32>
      %mul3A_340 = arith.mulf %sub3A_339, %sub3A_339 : vector<16xf32>
      %sub3A_341 = arith.constant 1.000000e+00 : f32
      %sub3A_342 = vector.broadcast %sub3A_341 : f32 to vector<16xf32>
      %sub3A_343 = arith.subf %sub3A_342, %mul3A_340 : vector<16xf32>
      %max3A_344 = arith.constant 0.000000e+00 : f32
      %max3A_345 = vector.broadcast %max3A_344 : f32 to vector<16xf32>
      %max3A_346 = arith.maximumf %sub3A_343, %max3A_345 : vector<16xf32>
      %mul3A_347 = arith.mulf %max3A_346, %get3A_227 : vector<16xf32>
      %swap3A_348 = arith.index_cast %scan3A_223 : i32 to index
      %swap3A_349 = arith.constant 64 : index
      %swap3A_350 = tpu.vector_load %arg22[%swap3A_348, %swap3A_349] {strides = array<i32>} : memref<16x128xf32, #tpu.memory_space<vmem>>, vector<1x16xf32>,
      %swap3A_351 = vector.shape_cast %swap3A_350 : vector<1x16xf32> to vector<16xf32>
      %swap3A_352 = vector.shape_cast %mul3A_347 : vector<16xf32> to vector<1x16xf32>
      tpu.vector_store %arg22[%swap3A_348, %swap3A_349], %swap3A_352 {strides = array<i32>} : memref<16x128xf32, #tpu.memory_space<vmem>>, vector<1x16xf32>,
      %sub3A_353 = arith.constant 5.000000e+00 : f32
      %sub3A_354 = vector.broadcast %sub3A_353 : f32 to vector<16xf32>
      %sub3A_355 = arith.subf %gather3A_272, %sub3A_354 : vector<16xf32>
      %mul3A_356 = arith.mulf %sub3A_355, %sub3A_355 : vector<16xf32>
      %sub3A_357 = arith.constant 1.000000e+00 : f32
      %sub3A_358 = vector.broadcast %sub3A_357 : f32 to vector<16xf32>
      %sub3A_359 = arith.subf %sub3A_358, %mul3A_356 : vector<16xf32>
      %max3A_360 = arith.constant 0.000000e+00 : f32
      %max3A_361 = vector.broadcast %max3A_360 : f32 to vector<16xf32>
      %max3A_362 = arith.maximumf %sub3A_359, %max3A_361 : vector<16xf32>
      %mul3A_363 = arith.mulf %max3A_362, %get3A_227 : vector<16xf32>
      %swap3A_364 = arith.index_cast %scan3A_223 : i32 to index
      %swap3A_365 = arith.constant 80 : index
      %swap3A_366 = tpu.vector_load %arg22[%swap3A_364, %swap3A_365] {strides = array<i32>} : memref<16x128xf32, #tpu.memory_space<vmem>>, vector<1x16xf32>,
      %swap3A_367 = vector.shape_cast %swap3A_366 : vector<1x16xf32> to vector<16xf32>
      %swap3A_368 = vector.shape_cast %mul3A_363 : vector<16xf32> to vector<1x16xf32>
      tpu.vector_store %arg22[%swap3A_364, %swap3A_365], %swap3A_368 {strides = array<i32>} : memref<16x128xf32, #tpu.memory_space<vmem>>, vector<1x16xf32>,
      %sub3A_369 = arith.constant 6.000000e+00 : f32
      %sub3A_370 = vector.broadcast %sub3A_369 : f32 to vector<16xf32>
      %sub3A_371 = arith.subf %gather3A_272, %sub3A_370 : vector<16xf32>
      %mul3A_372 = arith.mulf %sub3A_371, %sub3A_371 : vector<16xf32>
      %sub3A_373 = arith.constant 1.000000e+00 : f32
      %sub3A_374 = vector.broadcast %sub3A_373 : f32 to vector<16xf32>
      %sub3A_375 = arith.subf %sub3A_374, %mul3A_372 : vector<16xf32>
      %max3A_376 = arith.constant 0.000000e+00 : f32
      %max3A_377 = vector.broadcast %max3A_376 : f32 to vector<16xf32>
      %max3A_378 = arith.maximumf %sub3A_375, %max3A_377 : vector<16xf32>
      %mul3A_379 = arith.mulf %max3A_378, %get3A_227 : vector<16xf32>
      %swap3A_380 = arith.index_cast %scan3A_223 : i32 to index
      %swap3A_381 = arith.constant 96 : index
      %swap3A_382 = tpu.vector_load %arg22[%swap3A_380, %swap3A_381] {strides = array<i32>} : memref<16x128xf32, #tpu.memory_space<vmem>>, vector<1x16xf32>,
      %swap3A_383 = vector.shape_cast %swap3A_382 : vector<1x16xf32> to vector<16xf32>
      %swap3A_384 = vector.shape_cast %mul3A_379 : vector<16xf32> to vector<1x16xf32>
      tpu.vector_store %arg22[%swap3A_380, %swap3A_381], %swap3A_384 {strides = array<i32>} : memref<16x128xf32, #tpu.memory_space<vmem>>, vector<1x16xf32>,
      %sub3A_385 = arith.constant 7.000000e+00 : f32
      %sub3A_386 = vector.broadcast %sub3A_385 : f32 to vector<16xf32>
      %sub3A_387 = arith.subf %gather3A_272, %sub3A_386 : vector<16xf32>
      %mul3A_388 = arith.mulf %sub3A_387, %sub3A_387 : vector<16xf32>
      %sub3A_389 = arith.constant 1.000000e+00 : f32
      %sub3A_390 = vector.broadcast %sub3A_389 : f32 to vector<16xf32>
      %sub3A_391 = arith.subf %sub3A_390, %mul3A_388 : vector<16xf32>
      %max3A_392 = arith.constant 0.000000e+00 : f32
      %max3A_393 = vector.broadcast %max3A_392 : f32 to vector<16xf32>
      %max3A_394 = arith.maximumf %sub3A_391, %max3A_393 : vector<16xf32>
      %mul3A_395 = arith.mulf %max3A_394, %get3A_227 : vector<16xf32>
      %swap3A_396 = arith.index_cast %scan3A_223 : i32 to index
      %swap3A_397 = arith.constant 112 : index
      %swap3A_398 = tpu.vector_load %arg22[%swap3A_396, %swap3A_397] {strides = array<i32>} : memref<16x128xf32, #tpu.memory_space<vmem>>, vector<1x16xf32>,
      %swap3A_399 = vector.shape_cast %swap3A_398 : vector<1x16xf32> to vector<16xf32>
      %swap3A_400 = vector.shape_cast %mul3A_395 : vector<16xf32> to vector<1x16xf32>
      tpu.vector_store %arg22[%swap3A_396, %swap3A_397], %swap3A_400 {strides = array<i32>} : memref<16x128xf32, #tpu.memory_space<vmem>>, vector<1x16xf32>,
    }
    %scan3A_201 = arith.constant 16 : i32
    "tpu.region"() ({
      %run_scoped3A = tpu.sem_alloc : memref<!tpu.dma_semaphore, #tpu.memory_space<semaphore_mem>>
      %dma_start3A_223 = arith.constant 0 : i32
      %dma_start3A_224 = tpu.memref_slice %arg6[%mul3A_92, %dma_start3A_223] : memref<321024x128xf32, #tpu.memory_space<hbm>> -> memref<16x128xf32, #tpu.memory_space<hbm>>
      %dma_start3A_225 = arith.constant 0 : i32
      %dma_start3A_226 = tpu.memref_slice %arg6[%mul3A_92, %dma_start3A_225] : memref<321024x128xf32, #tpu.memory_space<hbm>> -> memref<16x128xf32, #tpu.memory_space<hbm>>
      tpu.enqueue_dma source(%arg20 : memref<16x128xf32, #tpu.memory_space<vmem>>) target(%dma_start3A_226 : memref<16x128xf32, #tpu.memory_space<hbm>>) target_semaphore(%run_scoped3A : memref<!tpu.dma_semaphore, #tpu.memory_space<semaphore_mem>>)
      %dma_wait3A_227 = arith.constant 0 : i32
      %dma_wait3A_228 = tpu.memref_slice %arg6[%mul3A_92, %dma_wait3A_227] : memref<321024x128xf32, #tpu.memory_space<hbm>> -> memref<16x128xf32, #tpu.memory_space<hbm>>
      %dma_wait3A_229 = arith.constant 0 : i32
      %dma_wait3A_230 = tpu.memref_slice %arg6[%mul3A_92, %dma_wait3A_229] : memref<321024x128xf32, #tpu.memory_space<hbm>> -> memref<16x128xf32, #tpu.memory_space<hbm>>
      tpu.wait_dma2 semaphore(%run_scoped3A : memref<!tpu.dma_semaphore, #tpu.memory_space<semaphore_mem>>) src(%arg20 : memref<16x128xf32, #tpu.memory_space<vmem>>) dst(%dma_wait3A_230 : memref<16x128xf32, #tpu.memory_space<hbm>>)
      tpu.yield
    }) : () -> ()
    "tpu.region"() ({
      %run_scoped3A = tpu.sem_alloc : memref<!tpu.dma_semaphore, #tpu.memory_space<semaphore_mem>>
      %dma_start3A_223 = arith.constant 0 : i32
      %dma_start3A_224 = arith.constant 0 : i32
      %dma_start3A_225 = tpu.memref_slice %arg26[%dma_start3A_223, %dma_start3A_224] : memref<10016x128xf32, #tpu.memory_space<vmem_shared>> -> memref<10016x128xf32, #tpu.memory_space<vmem_shared>>
      tpu.enqueue_indirect_dma source(%arg21 : memref<16x128xf32, #tpu.memory_space<vmem>>) target(%dma_start3A_225 : memref<10016x128xf32, #tpu.memory_space<vmem_shared>>) offsets(%arg11 : memref<16xi32, #tpu.memory_space<vmem>>) semaphore(%run_scoped3A : memref<!tpu.dma_semaphore, #tpu.memory_space<semaphore_mem>>) {add = true}
      %dma_wait3A_226 = arith.constant 0 : i32
      %dma_wait3A_227 = arith.constant 0 : i32
      %dma_wait3A_228 = tpu.memref_slice %arg26[%dma_wait3A_226, %dma_wait3A_227] : memref<10016x128xf32, #tpu.memory_space<vmem_shared>> -> memref<10016x128xf32, #tpu.memory_space<vmem_shared>>
      tpu.wait_indirect_dma semaphore(%run_scoped3A : memref<!tpu.dma_semaphore, #tpu.memory_space<semaphore_mem>>) src(%arg21 : memref<16x128xf32, #tpu.memory_space<vmem>>) dst(%dma_wait3A_228 : memref<10016x128xf32, #tpu.memory_space<vmem_shared>>)
      tpu.yield
    }) : () -> ()
    "tpu.region"() ({
      %run_scoped3A = tpu.sem_alloc : memref<!tpu.dma_semaphore, #tpu.memory_space<semaphore_mem>>
      %dma_start3A_223 = arith.constant 0 : i32
      %dma_start3A_224 = arith.constant 0 : i32
      %dma_start3A_225 = tpu.memref_slice %arg27[%dma_start3A_223, %dma_start3A_224] : memref<1280x128xf32, #tpu.memory_space<vmem_shared>> -> memref<1280x128xf32, #tpu.memory_space<vmem_shared>>
      tpu.enqueue_indirect_dma source(%arg22 : memref<16x128xf32, #tpu.memory_space<vmem>>) target(%dma_start3A_225 : memref<1280x128xf32, #tpu.memory_space<vmem_shared>>) offsets(%arg19 : memref<16xi32, #tpu.memory_space<vmem>>) semaphore(%run_scoped3A : memref<!tpu.dma_semaphore, #tpu.memory_space<semaphore_mem>>) {add = true}
      %dma_wait3A_226 = arith.constant 0 : i32
      %dma_wait3A_227 = arith.constant 0 : i32
      %dma_wait3A_228 = tpu.memref_slice %arg27[%dma_wait3A_226, %dma_wait3A_227] : memref<1280x128xf32, #tpu.memory_space<vmem_shared>> -> memref<1280x128xf32, #tpu.memory_space<vmem_shared>>
      tpu.wait_indirect_dma semaphore(%run_scoped3A : memref<!tpu.dma_semaphore, #tpu.memory_space<semaphore_mem>>) src(%arg22 : memref<16x128xf32, #tpu.memory_space<vmem>>) dst(%dma_wait3A_228 : memref<1280x128xf32, #tpu.memory_space<vmem_shared>>)
      tpu.yield
    }) : () -> ()
    %barrier3A_202 = arith.constant 0 : index
    tpu.barrier barrier_id(%barrier3A_202)
    %while3A_203 = arith.constant 0 : i32
    %while3A_204 = arith.constant 0 : i32
    %while3A_205 = arith.subi %select_n3A, %while3A_204 : i32
    %while3A_206 = arith.addi %while3A_204, %while3A_205 : i32
    %while3A_207 = arith.constant 1 : i32
    %while3A_208 = arith.divsi %while3A_205, %while3A_207 : i32
    %while3A_209 = arith.muli %while3A_208, %while3A_207 : i32
    %while3A_210 = arith.addi %while3A_204, %while3A_209 : i32
    %while3A_211 = arith.constant 1 : i32
    scf.for %while3A_223 = %while3A_204 to %while3A_210 step %while3A_211  : i32 {
      %mul3A_224 = arith.constant 16 : i32
      %mul3A_225 = arith.muli %mul3A_224, %while3A_223 : i32
      %add3A_226 = arith.addi %arg1, %mul3A_225 : i32
      %mul3A_227 = arith.constant 80 : i32
      %mul3A_228 = arith.muli %add3A_226, %mul3A_227 : i32
      %mul3A_229 = arith.constant 80 : i32
      %mul3A_230 = arith.muli %add3A_226, %mul3A_229 : i32
      "tpu.region"() ({
        %run_scoped3A = tpu.sem_alloc : memref<!tpu.dma_semaphore, #tpu.memory_space<semaphore_mem>>
        %dma_start3A_231 = arith.constant 0 : i32
        %dma_start3A_232 = tpu.memref_slice %arg7[%arg0, %mul3A_230, %dma_start3A_231] : memref<2x10000x128xf32, #tpu.memory_space<hbm>> -> memref<1x80x128xf32, #tpu.memory_space<hbm>>
        %dma_start3A_233 = tpu.memref_squeeze %dma_start3A_232 : memref<1x80x128xf32, #tpu.memory_space<hbm>> -> memref<80x128xf32, #tpu.memory_space<hbm>>
        %dma_start3A_234 = arith.constant 0 : i32
        %dma_start3A_235 = tpu.memref_slice %arg26[%mul3A_228, %dma_start3A_234] : memref<10016x128xf32, #tpu.memory_space<vmem_shared>> -> memref<80x128xf32, #tpu.memory_space<vmem_shared>>
        tpu.enqueue_dma source(%dma_start3A_235 : memref<80x128xf32, #tpu.memory_space<vmem_shared>>) target(%dma_start3A_233 : memref<80x128xf32, #tpu.memory_space<hbm>>) target_semaphore(%run_scoped3A : memref<!tpu.dma_semaphore, #tpu.memory_space<semaphore_mem>>)
        %dma_wait3A_236 = arith.constant 0 : i32
        %dma_wait3A_237 = tpu.memref_slice %arg7[%arg0, %mul3A_230, %dma_wait3A_236] : memref<2x10000x128xf32, #tpu.memory_space<hbm>> -> memref<1x80x128xf32, #tpu.memory_space<hbm>>
        %dma_wait3A_238 = tpu.memref_squeeze %dma_wait3A_237 : memref<1x80x128xf32, #tpu.memory_space<hbm>> -> memref<80x128xf32, #tpu.memory_space<hbm>>
        %dma_wait3A_239 = arith.constant 0 : i32
        %dma_wait3A_240 = tpu.memref_slice %arg26[%mul3A_228, %dma_wait3A_239] : memref<10016x128xf32, #tpu.memory_space<vmem_shared>> -> memref<80x128xf32, #tpu.memory_space<vmem_shared>>
        tpu.wait_dma2 semaphore(%run_scoped3A : memref<!tpu.dma_semaphore, #tpu.memory_space<semaphore_mem>>) src(%dma_wait3A_240 : memref<80x128xf32, #tpu.memory_space<vmem_shared>>) dst(%dma_wait3A_238 : memref<80x128xf32, #tpu.memory_space<hbm>>)
        tpu.yield
      }) : () -> ()
    }
    %while3A_212 = arith.constant 1 : i32
    scf.for %while3A_223 = %while3A_210 to %while3A_206 step %while3A_212  : i32 {
      %mul3A_224 = arith.constant 16 : i32
      %mul3A_225 = arith.muli %mul3A_224, %while3A_223 : i32
      %add3A_226 = arith.addi %arg1, %mul3A_225 : i32
      %mul3A_227 = arith.constant 80 : i32
      %mul3A_228 = arith.muli %add3A_226, %mul3A_227 : i32
      %mul3A_229 = arith.constant 80 : i32
      %mul3A_230 = arith.muli %add3A_226, %mul3A_229 : i32
      "tpu.region"() ({
        %run_scoped3A = tpu.sem_alloc : memref<!tpu.dma_semaphore, #tpu.memory_space<semaphore_mem>>
        %dma_start3A_231 = arith.constant 0 : i32
        %dma_start3A_232 = tpu.memref_slice %arg7[%arg0, %mul3A_230, %dma_start3A_231] : memref<2x10000x128xf32, #tpu.memory_space<hbm>> -> memref<1x80x128xf32, #tpu.memory_space<hbm>>
        %dma_start3A_233 = tpu.memref_squeeze %dma_start3A_232 : memref<1x80x128xf32, #tpu.memory_space<hbm>> -> memref<80x128xf32, #tpu.memory_space<hbm>>
        %dma_start3A_234 = arith.constant 0 : i32
        %dma_start3A_235 = tpu.memref_slice %arg26[%mul3A_228, %dma_start3A_234] : memref<10016x128xf32, #tpu.memory_space<vmem_shared>> -> memref<80x128xf32, #tpu.memory_space<vmem_shared>>
        tpu.enqueue_dma source(%dma_start3A_235 : memref<80x128xf32, #tpu.memory_space<vmem_shared>>) target(%dma_start3A_233 : memref<80x128xf32, #tpu.memory_space<hbm>>) target_semaphore(%run_scoped3A : memref<!tpu.dma_semaphore, #tpu.memory_space<semaphore_mem>>)
        %dma_wait3A_236 = arith.constant 0 : i32
        %dma_wait3A_237 = tpu.memref_slice %arg7[%arg0, %mul3A_230, %dma_wait3A_236] : memref<2x10000x128xf32, #tpu.memory_space<hbm>> -> memref<1x80x128xf32, #tpu.memory_space<hbm>>
        %dma_wait3A_238 = tpu.memref_squeeze %dma_wait3A_237 : memref<1x80x128xf32, #tpu.memory_space<hbm>> -> memref<80x128xf32, #tpu.memory_space<hbm>>
        %dma_wait3A_239 = arith.constant 0 : i32
        %dma_wait3A_240 = tpu.memref_slice %arg26[%mul3A_228, %dma_wait3A_239] : memref<10016x128xf32, #tpu.memory_space<vmem_shared>> -> memref<80x128xf32, #tpu.memory_space<vmem_shared>>
        tpu.wait_dma2 semaphore(%run_scoped3A : memref<!tpu.dma_semaphore, #tpu.memory_space<semaphore_mem>>) src(%dma_wait3A_240 : memref<80x128xf32, #tpu.memory_space<vmem_shared>>) dst(%dma_wait3A_238 : memref<80x128xf32, #tpu.memory_space<hbm>>)
        tpu.yield
      }) : () -> ()
    }
    %while3A_213 = arith.constant 0 : i32
    %while3A_214 = arith.constant 0 : i32
    %while3A_215 = arith.subi %select_n3A_63, %while3A_214 : i32
    %while3A_216 = arith.addi %while3A_214, %while3A_215 : i32
    %while3A_217 = arith.constant 1 : i32
    %while3A_218 = arith.divsi %while3A_215, %while3A_217 : i32
    %while3A_219 = arith.muli %while3A_218, %while3A_217 : i32
    %while3A_220 = arith.addi %while3A_214, %while3A_219 : i32
    %while3A_221 = arith.constant 1 : i32
    scf.for %while3A_223 = %while3A_214 to %while3A_220 step %while3A_221  : i32 {
      %mul3A_224 = arith.constant 16 : i32
      %mul3A_225 = arith.muli %mul3A_224, %while3A_223 : i32
      %add3A_226 = arith.addi %arg1, %mul3A_225 : i32
      %mul3A_227 = arith.constant 80 : i32
      %mul3A_228 = arith.muli %add3A_226, %mul3A_227 : i32
      %mul3A_229 = arith.constant 80 : i32
      %mul3A_230 = arith.muli %add3A_226, %mul3A_229 : i32
      "tpu.region"() ({
        %run_scoped3A = tpu.sem_alloc : memref<!tpu.dma_semaphore, #tpu.memory_space<semaphore_mem>>
        %dma_start3A_231 = arith.constant 0 : i32
        %dma_start3A_232 = tpu.memref_slice %arg8[%arg0, %mul3A_230, %dma_start3A_231] : memref<2x1280x128xf32, #tpu.memory_space<hbm>> -> memref<1x80x128xf32, #tpu.memory_space<hbm>>
        %dma_start3A_233 = tpu.memref_squeeze %dma_start3A_232 : memref<1x80x128xf32, #tpu.memory_space<hbm>> -> memref<80x128xf32, #tpu.memory_space<hbm>>
        %dma_start3A_234 = arith.constant 0 : i32
        %dma_start3A_235 = tpu.memref_slice %arg27[%mul3A_228, %dma_start3A_234] : memref<1280x128xf32, #tpu.memory_space<vmem_shared>> -> memref<80x128xf32, #tpu.memory_space<vmem_shared>>
        tpu.enqueue_dma source(%dma_start3A_235 : memref<80x128xf32, #tpu.memory_space<vmem_shared>>) target(%dma_start3A_233 : memref<80x128xf32, #tpu.memory_space<hbm>>) target_semaphore(%run_scoped3A : memref<!tpu.dma_semaphore, #tpu.memory_space<semaphore_mem>>)
        %dma_wait3A_236 = arith.constant 0 : i32
        %dma_wait3A_237 = tpu.memref_slice %arg8[%arg0, %mul3A_230, %dma_wait3A_236] : memref<2x1280x128xf32, #tpu.memory_space<hbm>> -> memref<1x80x128xf32, #tpu.memory_space<hbm>>
        %dma_wait3A_238 = tpu.memref_squeeze %dma_wait3A_237 : memref<1x80x128xf32, #tpu.memory_space<hbm>> -> memref<80x128xf32, #tpu.memory_space<hbm>>
        %dma_wait3A_239 = arith.constant 0 : i32
        %dma_wait3A_240 = tpu.memref_slice %arg27[%mul3A_228, %dma_wait3A_239] : memref<1280x128xf32, #tpu.memory_space<vmem_shared>> -> memref<80x128xf32, #tpu.memory_space<vmem_shared>>
        tpu.wait_dma2 semaphore(%run_scoped3A : memref<!tpu.dma_semaphore, #tpu.memory_space<semaphore_mem>>) src(%dma_wait3A_240 : memref<80x128xf32, #tpu.memory_space<vmem_shared>>) dst(%dma_wait3A_238 : memref<80x128xf32, #tpu.memory_space<hbm>>)
        tpu.yield
      }) : () -> ()
    }
    %while3A_222 = arith.constant 1 : i32
    scf.for %while3A_223 = %while3A_220 to %while3A_216 step %while3A_222  : i32 {
      %mul3A_224 = arith.constant 16 : i32
      %mul3A_225 = arith.muli %mul3A_224, %while3A_223 : i32
      %add3A_226 = arith.addi %arg1, %mul3A_225 : i32
      %mul3A_227 = arith.constant 80 : i32
      %mul3A_228 = arith.muli %add3A_226, %mul3A_227 : i32
      %mul3A_229 = arith.constant 80 : i32
      %mul3A_230 = arith.muli %add3A_226, %mul3A_229 : i32
      "tpu.region"() ({
        %run_scoped3A = tpu.sem_alloc : memref<!tpu.dma_semaphore, #tpu.memory_space<semaphore_mem>>
        %dma_start3A_231 = arith.constant 0 : i32
        %dma_start3A_232 = tpu.memref_slice %arg8[%arg0, %mul3A_230, %dma_start3A_231] : memref<2x1280x128xf32, #tpu.memory_space<hbm>> -> memref<1x80x128xf32, #tpu.memory_space<hbm>>
        %dma_start3A_233 = tpu.memref_squeeze %dma_start3A_232 : memref<1x80x128xf32, #tpu.memory_space<hbm>> -> memref<80x128xf32, #tpu.memory_space<hbm>>
        %dma_start3A_234 = arith.constant 0 : i32
        %dma_start3A_235 = tpu.memref_slice %arg27[%mul3A_228, %dma_start3A_234] : memref<1280x128xf32, #tpu.memory_space<vmem_shared>> -> memref<80x128xf32, #tpu.memory_space<vmem_shared>>
        tpu.enqueue_dma source(%dma_start3A_235 : memref<80x128xf32, #tpu.memory_space<vmem_shared>>) target(%dma_start3A_233 : memref<80x128xf32, #tpu.memory_space<hbm>>) target_semaphore(%run_scoped3A : memref<!tpu.dma_semaphore, #tpu.memory_space<semaphore_mem>>)
        %dma_wait3A_236 = arith.constant 0 : i32
        %dma_wait3A_237 = tpu.memref_slice %arg8[%arg0, %mul3A_230, %dma_wait3A_236] : memref<2x1280x128xf32, #tpu.memory_space<hbm>> -> memref<1x80x128xf32, #tpu.memory_space<hbm>>
        %dma_wait3A_238 = tpu.memref_squeeze %dma_wait3A_237 : memref<1x80x128xf32, #tpu.memory_space<hbm>> -> memref<80x128xf32, #tpu.memory_space<hbm>>
        %dma_wait3A_239 = arith.constant 0 : i32
        %dma_wait3A_240 = tpu.memref_slice %arg27[%mul3A_228, %dma_wait3A_239] : memref<1280x128xf32, #tpu.memory_space<vmem_shared>> -> memref<80x128xf32, #tpu.memory_space<vmem_shared>>
        tpu.wait_dma2 semaphore(%run_scoped3A : memref<!tpu.dma_semaphore, #tpu.memory_space<semaphore_mem>>) src(%dma_wait3A_240 : memref<80x128xf32, #tpu.memory_space<vmem_shared>>) dst(%dma_wait3A_238 : memref<80x128xf32, #tpu.memory_space<hbm>>)
        tpu.yield
      }) : () -> ()
    }
    return
  }
}

#map = affine_map<(d0, d1) -> (0, 0)>
#map1 = affine_map<(d0, d1) -> (0)>
#map2 = affine_map<(d0, d1) -> (0, 0, 0)>
module attributes {stable_mosaic.version = 14 : i64} {
  func.func @_sc_attn_body(%arg0: i32, %arg1: i32, %arg2: memref<10000x256xf32, #tpu.memory_space<hbm>>, %arg3: memref<10000x128xf32, #tpu.memory_space<hbm>>, %arg4: memref<321024x128xf32, #tpu.memory_space<hbm>>, %arg5: memref<321024xi32, #tpu.memory_space<hbm>>, %arg6: memref<321024xi32, #tpu.memory_space<hbm>>, %arg7: memref<2x10000x128xf32, #tpu.memory_space<hbm>>, %arg8: memref<2x1280x128xf32, #tpu.memory_space<hbm>>, %arg9: memref<16xi32, #tpu.memory_space<vmem>>, %arg10: memref<16xi32, #tpu.memory_space<vmem>>, %arg11: memref<16xi32, #tpu.memory_space<vmem>>, %arg12: memref<16xi32, #tpu.memory_space<vmem>>, %arg13: memref<16x256xf32, #tpu.memory_space<vmem>>, %arg14: memref<16x256xf32, #tpu.memory_space<vmem>>, %arg15: memref<16x128xf32, #tpu.memory_space<vmem>>, %arg16: memref<16x128xf32, #tpu.memory_space<vmem>>, %arg17: memref<16x128xf32, #tpu.memory_space<vmem>>, %arg18: memref<16x128xf32, #tpu.memory_space<vmem>>, %arg19: memref<16xi32, #tpu.memory_space<vmem>>, %arg20: memref<16x128xf32, #tpu.memory_space<vmem>>, %arg21: memref<16x128xf32, #tpu.memory_space<vmem>>, %arg22: memref<16x128xf32, #tpu.memory_space<vmem>>, %arg23: memref<1x16xf32, #tpu.memory_space<vmem>>, %arg24: memref<16x16xf32, #tpu.memory_space<vmem>>, %arg25: memref<80x128xf32, #tpu.memory_space<vmem>>, %arg26: memref<10016x128xf32, #tpu.memory_space<vmem_shared>>, %arg27: memref<1280x128xf32, #tpu.memory_space<vmem_shared>>, %arg28: memref<!tpu.dma_semaphore, #tpu.memory_space<semaphore_mem>>, %arg29: memref<!tpu.dma_semaphore, #tpu.memory_space<semaphore_mem>>, %arg30: memref<!tpu.dma_semaphore, #tpu.memory_space<semaphore_mem>>, %arg31: memref<!tpu.dma_semaphore, #tpu.memory_space<semaphore_mem>>, %arg32: memref<!tpu.dma_semaphore, #tpu.memory_space<semaphore_mem>>, %arg33: memref<!tpu.dma_semaphore, #tpu.memory_space<semaphore_mem>>) attributes {dimension_semantics = [#tpu.dimension_semantics<core_parallel>, #tpu.dimension_semantics<subcore_parallel>], iteration_bounds = array<i64: 2, 16>, scalar_prefetch = 0 : i64, scratch_operands = 25 : i64, tpu.core_type = #tpu.core_type<sc_vector_subcore>, window_params = [{transform_indices = #map}, {transform_indices = #map}, {transform_indices = #map}, {transform_indices = #map1}, {transform_indices = #map1}, {transform_indices = #map2}, {transform_indices = #map2}]} {
    %mul3A = arith.constant 16 : i32
    %mul3A_0 = arith.muli %arg0, %mul3A : i32
    %add3A = arith.addi %mul3A_0, %arg1 : i32
    %broadcast_in_dim3A = arith.constant 0.000000e+00 : f32
    %broadcast_in_dim3A_1 = vector.broadcast %broadcast_in_dim3A : f32 to vector<16xf32>
    %scan3A = arith.constant 0 : i32
    %scan3A_2 = arith.constant 0 : i32
    %scan3A_3 = arith.constant 80 : i32
    %scan3A_4 = arith.addi %scan3A_2, %scan3A_3 : i32
    %scan3A_5 = arith.constant 1 : i32
    scf.for %scan3A_233 = %scan3A_2 to %scan3A_4 step %scan3A_5  : i32 {
      %swap3A_234 = arith.index_cast %scan3A_233 : i32 to index
      %swap3A_235 = arith.constant 0 : index
      %swap3A_236 = tpu.vector_load %arg25[%swap3A_234, %swap3A_235] {strides = array<i32>} : memref<80x128xf32, #tpu.memory_space<vmem>>, vector<1x16xf32>,
      %swap3A_237 = vector.shape_cast %swap3A_236 : vector<1x16xf32> to vector<16xf32>
      %swap3A_238 = vector.shape_cast %broadcast_in_dim3A_1 : vector<16xf32> to vector<1x16xf32>
      tpu.vector_store %arg25[%swap3A_234, %swap3A_235], %swap3A_238 {strides = array<i32>} : memref<80x128xf32, #tpu.memory_space<vmem>>, vector<1x16xf32>,
      %swap3A_239 = arith.index_cast %scan3A_233 : i32 to index
      %swap3A_240 = arith.constant 16 : index
      %swap3A_241 = tpu.vector_load %arg25[%swap3A_239, %swap3A_240] {strides = array<i32>} : memref<80x128xf32, #tpu.memory_space<vmem>>, vector<1x16xf32>,
      %swap3A_242 = vector.shape_cast %swap3A_241 : vector<1x16xf32> to vector<16xf32>
      %swap3A_243 = vector.shape_cast %broadcast_in_dim3A_1 : vector<16xf32> to vector<1x16xf32>
      tpu.vector_store %arg25[%swap3A_239, %swap3A_240], %swap3A_243 {strides = array<i32>} : memref<80x128xf32, #tpu.memory_space<vmem>>, vector<1x16xf32>,
      %swap3A_244 = arith.index_cast %scan3A_233 : i32 to index
      %swap3A_245 = arith.constant 32 : index
      %swap3A_246 = tpu.vector_load %arg25[%swap3A_244, %swap3A_245] {strides = array<i32>} : memref<80x128xf32, #tpu.memory_space<vmem>>, vector<1x16xf32>,
      %swap3A_247 = vector.shape_cast %swap3A_246 : vector<1x16xf32> to vector<16xf32>
      %swap3A_248 = vector.shape_cast %broadcast_in_dim3A_1 : vector<16xf32> to vector<1x16xf32>
      tpu.vector_store %arg25[%swap3A_244, %swap3A_245], %swap3A_248 {strides = array<i32>} : memref<80x128xf32, #tpu.memory_space<vmem>>, vector<1x16xf32>,
      %swap3A_249 = arith.index_cast %scan3A_233 : i32 to index
      %swap3A_250 = arith.constant 48 : index
      %swap3A_251 = tpu.vector_load %arg25[%swap3A_249, %swap3A_250] {strides = array<i32>} : memref<80x128xf32, #tpu.memory_space<vmem>>, vector<1x16xf32>,
      %swap3A_252 = vector.shape_cast %swap3A_251 : vector<1x16xf32> to vector<16xf32>
      %swap3A_253 = vector.shape_cast %broadcast_in_dim3A_1 : vector<16xf32> to vector<1x16xf32>
      tpu.vector_store %arg25[%swap3A_249, %swap3A_250], %swap3A_253 {strides = array<i32>} : memref<80x128xf32, #tpu.memory_space<vmem>>, vector<1x16xf32>,
      %swap3A_254 = arith.index_cast %scan3A_233 : i32 to index
      %swap3A_255 = arith.constant 64 : index
      %swap3A_256 = tpu.vector_load %arg25[%swap3A_254, %swap3A_255] {strides = array<i32>} : memref<80x128xf32, #tpu.memory_space<vmem>>, vector<1x16xf32>,
      %swap3A_257 = vector.shape_cast %swap3A_256 : vector<1x16xf32> to vector<16xf32>
      %swap3A_258 = vector.shape_cast %broadcast_in_dim3A_1 : vector<16xf32> to vector<1x16xf32>
      tpu.vector_store %arg25[%swap3A_254, %swap3A_255], %swap3A_258 {strides = array<i32>} : memref<80x128xf32, #tpu.memory_space<vmem>>, vector<1x16xf32>,
      %swap3A_259 = arith.index_cast %scan3A_233 : i32 to index
      %swap3A_260 = arith.constant 80 : index
      %swap3A_261 = tpu.vector_load %arg25[%swap3A_259, %swap3A_260] {strides = array<i32>} : memref<80x128xf32, #tpu.memory_space<vmem>>, vector<1x16xf32>,
      %swap3A_262 = vector.shape_cast %swap3A_261 : vector<1x16xf32> to vector<16xf32>
      %swap3A_263 = vector.shape_cast %broadcast_in_dim3A_1 : vector<16xf32> to vector<1x16xf32>
      tpu.vector_store %arg25[%swap3A_259, %swap3A_260], %swap3A_263 {strides = array<i32>} : memref<80x128xf32, #tpu.memory_space<vmem>>, vector<1x16xf32>,
      %swap3A_264 = arith.index_cast %scan3A_233 : i32 to index
      %swap3A_265 = arith.constant 96 : index
      %swap3A_266 = tpu.vector_load %arg25[%swap3A_264, %swap3A_265] {strides = array<i32>} : memref<80x128xf32, #tpu.memory_space<vmem>>, vector<1x16xf32>,
      %swap3A_267 = vector.shape_cast %swap3A_266 : vector<1x16xf32> to vector<16xf32>
      %swap3A_268 = vector.shape_cast %broadcast_in_dim3A_1 : vector<16xf32> to vector<1x16xf32>
      tpu.vector_store %arg25[%swap3A_264, %swap3A_265], %swap3A_268 {strides = array<i32>} : memref<80x128xf32, #tpu.memory_space<vmem>>, vector<1x16xf32>,
      %swap3A_269 = arith.index_cast %scan3A_233 : i32 to index
      %swap3A_270 = arith.constant 112 : index
      %swap3A_271 = tpu.vector_load %arg25[%swap3A_269, %swap3A_270] {strides = array<i32>} : memref<80x128xf32, #tpu.memory_space<vmem>>, vector<1x16xf32>,
      %swap3A_272 = vector.shape_cast %swap3A_271 : vector<1x16xf32> to vector<16xf32>
      %swap3A_273 = vector.shape_cast %broadcast_in_dim3A_1 : vector<16xf32> to vector<1x16xf32>
      tpu.vector_store %arg25[%swap3A_269, %swap3A_270], %swap3A_273 {strides = array<i32>} : memref<80x128xf32, #tpu.memory_space<vmem>>, vector<1x16xf32>,
    }
    %scan3A_6 = arith.constant 80 : i32
    %sub3A = arith.constant 125 : i32
    %sub3A_7 = arith.subi %sub3A, %arg1 : i32
    %add3A_8 = arith.constant 15 : i32
    %add3A_9 = arith.addi %sub3A_7, %add3A_8 : i32
    %jit3A = arith.constant 16 : i32
    %div3A = arith.divsi %add3A_9, %jit3A : i32
    %sign3A = arith.constant 0 : i32
    %sign3A_10 = arith.cmpi sgt, %add3A_9, %sign3A : i32
    %sign3A_11 = arith.extui %sign3A_10 : i1 to i32
    %sign3A_12 = arith.constant 0 : i32
    %sign3A_13 = arith.cmpi slt, %add3A_9, %sign3A_12 : i32
    %sign3A_14 = arith.extui %sign3A_13 : i1 to i32
    %sign3A_15 = arith.subi %sign3A_11, %sign3A_14 : i32
    %sign3A_16 = arith.constant 0 : i32
    %sign3A_17 = arith.cmpi sgt, %jit3A, %sign3A_16 : i32
    %sign3A_18 = arith.extui %sign3A_17 : i1 to i32
    %sign3A_19 = arith.constant 0 : i32
    %sign3A_20 = arith.cmpi slt, %jit3A, %sign3A_19 : i32
    %sign3A_21 = arith.extui %sign3A_20 : i1 to i32
    %sign3A_22 = arith.subi %sign3A_18, %sign3A_21 : i32
    %ne3A = arith.cmpi ne, %sign3A_15, %sign3A_22 : i32
    %rem3A = arith.remsi %add3A_9, %jit3A : i32
    %ne3A_23 = arith.constant 0 : i32
    %ne3A_24 = arith.cmpi ne, %rem3A, %ne3A_23 : i32
    %and3A = arith.andi %ne3A, %ne3A_24 : i1
    %sub3A_25 = arith.constant 1 : i32
    %sub3A_26 = arith.subi %div3A, %sub3A_25 : i32
    %select_n3A = arith.select %and3A, %sub3A_26, %div3A : i32
    %while3A = arith.constant 0 : i32
    %while3A_27 = arith.constant 0 : i32
    %while3A_28 = arith.subi %select_n3A, %while3A_27 : i32
    %while3A_29 = arith.addi %while3A_27, %while3A_28 : i32
    %while3A_30 = arith.constant 1 : i32
    %while3A_31 = arith.divsi %while3A_28, %while3A_30 : i32
    %while3A_32 = arith.muli %while3A_31, %while3A_30 : i32
    %while3A_33 = arith.addi %while3A_27, %while3A_32 : i32
    %while3A_34 = arith.constant 1 : i32
    scf.for %while3A_233 = %while3A_27 to %while3A_33 step %while3A_34  : i32 {
      %mul3A_234 = arith.constant 16 : i32
      %mul3A_235 = arith.muli %mul3A_234, %while3A_233 : i32
      %add3A_236 = arith.addi %arg1, %mul3A_235 : i32
      %mul3A_237 = arith.constant 80 : i32
      %mul3A_238 = arith.muli %add3A_236, %mul3A_237 : i32
      "tpu.region"() ({
        %run_scoped3A = tpu.sem_alloc : memref<!tpu.dma_semaphore, #tpu.memory_space<semaphore_mem>>
        %dma_start3A_239 = arith.constant 0 : i32
        %dma_start3A_240 = tpu.memref_slice %arg26[%mul3A_238, %dma_start3A_239] : memref<10016x128xf32, #tpu.memory_space<vmem_shared>> -> memref<80x128xf32, #tpu.memory_space<vmem_shared>>
        %dma_start3A_241 = arith.constant 0 : i32
        %dma_start3A_242 = tpu.memref_slice %arg26[%mul3A_238, %dma_start3A_241] : memref<10016x128xf32, #tpu.memory_space<vmem_shared>> -> memref<80x128xf32, #tpu.memory_space<vmem_shared>>
        tpu.enqueue_dma source(%arg25 : memref<80x128xf32, #tpu.memory_space<vmem>>) target(%dma_start3A_242 : memref<80x128xf32, #tpu.memory_space<vmem_shared>>) target_semaphore(%run_scoped3A : memref<!tpu.dma_semaphore, #tpu.memory_space<semaphore_mem>>)
        %dma_wait3A_243 = arith.constant 0 : i32
        %dma_wait3A_244 = tpu.memref_slice %arg26[%mul3A_238, %dma_wait3A_243] : memref<10016x128xf32, #tpu.memory_space<vmem_shared>> -> memref<80x128xf32, #tpu.memory_space<vmem_shared>>
        %dma_wait3A_245 = arith.constant 0 : i32
        %dma_wait3A_246 = tpu.memref_slice %arg26[%mul3A_238, %dma_wait3A_245] : memref<10016x128xf32, #tpu.memory_space<vmem_shared>> -> memref<80x128xf32, #tpu.memory_space<vmem_shared>>
        tpu.wait_dma2 semaphore(%run_scoped3A : memref<!tpu.dma_semaphore, #tpu.memory_space<semaphore_mem>>) src(%arg25 : memref<80x128xf32, #tpu.memory_space<vmem>>) dst(%dma_wait3A_246 : memref<80x128xf32, #tpu.memory_space<vmem_shared>>)
        tpu.yield
      }) : () -> ()
    }
    %while3A_35 = arith.constant 1 : i32
    scf.for %while3A_233 = %while3A_33 to %while3A_29 step %while3A_35  : i32 {
      %mul3A_234 = arith.constant 16 : i32
      %mul3A_235 = arith.muli %mul3A_234, %while3A_233 : i32
      %add3A_236 = arith.addi %arg1, %mul3A_235 : i32
      %mul3A_237 = arith.constant 80 : i32
      %mul3A_238 = arith.muli %add3A_236, %mul3A_237 : i32
      "tpu.region"() ({
        %run_scoped3A = tpu.sem_alloc : memref<!tpu.dma_semaphore, #tpu.memory_space<semaphore_mem>>
        %dma_start3A_239 = arith.constant 0 : i32
        %dma_start3A_240 = tpu.memref_slice %arg26[%mul3A_238, %dma_start3A_239] : memref<10016x128xf32, #tpu.memory_space<vmem_shared>> -> memref<80x128xf32, #tpu.memory_space<vmem_shared>>
        %dma_start3A_241 = arith.constant 0 : i32
        %dma_start3A_242 = tpu.memref_slice %arg26[%mul3A_238, %dma_start3A_241] : memref<10016x128xf32, #tpu.memory_space<vmem_shared>> -> memref<80x128xf32, #tpu.memory_space<vmem_shared>>
        tpu.enqueue_dma source(%arg25 : memref<80x128xf32, #tpu.memory_space<vmem>>) target(%dma_start3A_242 : memref<80x128xf32, #tpu.memory_space<vmem_shared>>) target_semaphore(%run_scoped3A : memref<!tpu.dma_semaphore, #tpu.memory_space<semaphore_mem>>)
        %dma_wait3A_243 = arith.constant 0 : i32
        %dma_wait3A_244 = tpu.memref_slice %arg26[%mul3A_238, %dma_wait3A_243] : memref<10016x128xf32, #tpu.memory_space<vmem_shared>> -> memref<80x128xf32, #tpu.memory_space<vmem_shared>>
        %dma_wait3A_245 = arith.constant 0 : i32
        %dma_wait3A_246 = tpu.memref_slice %arg26[%mul3A_238, %dma_wait3A_245] : memref<10016x128xf32, #tpu.memory_space<vmem_shared>> -> memref<80x128xf32, #tpu.memory_space<vmem_shared>>
        tpu.wait_dma2 semaphore(%run_scoped3A : memref<!tpu.dma_semaphore, #tpu.memory_space<semaphore_mem>>) src(%arg25 : memref<80x128xf32, #tpu.memory_space<vmem>>) dst(%dma_wait3A_246 : memref<80x128xf32, #tpu.memory_space<vmem_shared>>)
        tpu.yield
      }) : () -> ()
    }
    %sub3A_36 = arith.constant 16 : i32
    %sub3A_37 = arith.subi %sub3A_36, %arg1 : i32
    %add3A_38 = arith.constant 15 : i32
    %add3A_39 = arith.addi %sub3A_37, %add3A_38 : i32
    %jit3A_40 = arith.constant 16 : i32
    %div3A_41 = arith.divsi %add3A_39, %jit3A_40 : i32
    %sign3A_42 = arith.constant 0 : i32
    %sign3A_43 = arith.cmpi sgt, %add3A_39, %sign3A_42 : i32
    %sign3A_44 = arith.extui %sign3A_43 : i1 to i32
    %sign3A_45 = arith.constant 0 : i32
    %sign3A_46 = arith.cmpi slt, %add3A_39, %sign3A_45 : i32
    %sign3A_47 = arith.extui %sign3A_46 : i1 to i32
    %sign3A_48 = arith.subi %sign3A_44, %sign3A_47 : i32
    %sign3A_49 = arith.constant 0 : i32
    %sign3A_50 = arith.cmpi sgt, %jit3A_40, %sign3A_49 : i32
    %sign3A_51 = arith.extui %sign3A_50 : i1 to i32
    %sign3A_52 = arith.constant 0 : i32
    %sign3A_53 = arith.cmpi slt, %jit3A_40, %sign3A_52 : i32
    %sign3A_54 = arith.extui %sign3A_53 : i1 to i32
    %sign3A_55 = arith.subi %sign3A_51, %sign3A_54 : i32
    %ne3A_56 = arith.cmpi ne, %sign3A_48, %sign3A_55 : i32
    %rem3A_57 = arith.remsi %add3A_39, %jit3A_40 : i32
    %ne3A_58 = arith.constant 0 : i32
    %ne3A_59 = arith.cmpi ne, %rem3A_57, %ne3A_58 : i32
    %and3A_60 = arith.andi %ne3A_56, %ne3A_59 : i1
    %sub3A_61 = arith.constant 1 : i32
    %sub3A_62 = arith.subi %div3A_41, %sub3A_61 : i32
    %select_n3A_63 = arith.select %and3A_60, %sub3A_62, %div3A_41 : i32
    %while3A_64 = arith.constant 0 : i32
    %while3A_65 = arith.constant 0 : i32
    %while3A_66 = arith.subi %select_n3A_63, %while3A_65 : i32
    %while3A_67 = arith.addi %while3A_65, %while3A_66 : i32
    %while3A_68 = arith.constant 1 : i32
    %while3A_69 = arith.divsi %while3A_66, %while3A_68 : i32
    %while3A_70 = arith.muli %while3A_69, %while3A_68 : i32
    %while3A_71 = arith.addi %while3A_65, %while3A_70 : i32
    %while3A_72 = arith.constant 1 : i32
    scf.for %while3A_233 = %while3A_65 to %while3A_71 step %while3A_72  : i32 {
      %mul3A_234 = arith.constant 16 : i32
      %mul3A_235 = arith.muli %mul3A_234, %while3A_233 : i32
      %add3A_236 = arith.addi %arg1, %mul3A_235 : i32
      %mul3A_237 = arith.constant 80 : i32
      %mul3A_238 = arith.muli %add3A_236, %mul3A_237 : i32
      "tpu.region"() ({
        %run_scoped3A = tpu.sem_alloc : memref<!tpu.dma_semaphore, #tpu.memory_space<semaphore_mem>>
        %dma_start3A_239 = arith.constant 0 : i32
        %dma_start3A_240 = tpu.memref_slice %arg27[%mul3A_238, %dma_start3A_239] : memref<1280x128xf32, #tpu.memory_space<vmem_shared>> -> memref<80x128xf32, #tpu.memory_space<vmem_shared>>
        %dma_start3A_241 = arith.constant 0 : i32
        %dma_start3A_242 = tpu.memref_slice %arg27[%mul3A_238, %dma_start3A_241] : memref<1280x128xf32, #tpu.memory_space<vmem_shared>> -> memref<80x128xf32, #tpu.memory_space<vmem_shared>>
        tpu.enqueue_dma source(%arg25 : memref<80x128xf32, #tpu.memory_space<vmem>>) target(%dma_start3A_242 : memref<80x128xf32, #tpu.memory_space<vmem_shared>>) target_semaphore(%run_scoped3A : memref<!tpu.dma_semaphore, #tpu.memory_space<semaphore_mem>>)
        %dma_wait3A_243 = arith.constant 0 : i32
        %dma_wait3A_244 = tpu.memref_slice %arg27[%mul3A_238, %dma_wait3A_243] : memref<1280x128xf32, #tpu.memory_space<vmem_shared>> -> memref<80x128xf32, #tpu.memory_space<vmem_shared>>
        %dma_wait3A_245 = arith.constant 0 : i32
        %dma_wait3A_246 = tpu.memref_slice %arg27[%mul3A_238, %dma_wait3A_245] : memref<1280x128xf32, #tpu.memory_space<vmem_shared>> -> memref<80x128xf32, #tpu.memory_space<vmem_shared>>
        tpu.wait_dma2 semaphore(%run_scoped3A : memref<!tpu.dma_semaphore, #tpu.memory_space<semaphore_mem>>) src(%arg25 : memref<80x128xf32, #tpu.memory_space<vmem>>) dst(%dma_wait3A_246 : memref<80x128xf32, #tpu.memory_space<vmem_shared>>)
        tpu.yield
      }) : () -> ()
    }
    %while3A_73 = arith.constant 1 : i32
    scf.for %while3A_233 = %while3A_71 to %while3A_67 step %while3A_73  : i32 {
      %mul3A_234 = arith.constant 16 : i32
      %mul3A_235 = arith.muli %mul3A_234, %while3A_233 : i32
      %add3A_236 = arith.addi %arg1, %mul3A_235 : i32
      %mul3A_237 = arith.constant 80 : i32
      %mul3A_238 = arith.muli %add3A_236, %mul3A_237 : i32
      "tpu.region"() ({
        %run_scoped3A = tpu.sem_alloc : memref<!tpu.dma_semaphore, #tpu.memory_space<semaphore_mem>>
        %dma_start3A_239 = arith.constant 0 : i32
        %dma_start3A_240 = tpu.memref_slice %arg27[%mul3A_238, %dma_start3A_239] : memref<1280x128xf32, #tpu.memory_space<vmem_shared>> -> memref<80x128xf32, #tpu.memory_space<vmem_shared>>
        %dma_start3A_241 = arith.constant 0 : i32
        %dma_start3A_242 = tpu.memref_slice %arg27[%mul3A_238, %dma_start3A_241] : memref<1280x128xf32, #tpu.memory_space<vmem_shared>> -> memref<80x128xf32, #tpu.memory_space<vmem_shared>>
        tpu.enqueue_dma source(%arg25 : memref<80x128xf32, #tpu.memory_space<vmem>>) target(%dma_start3A_242 : memref<80x128xf32, #tpu.memory_space<vmem_shared>>) target_semaphore(%run_scoped3A : memref<!tpu.dma_semaphore, #tpu.memory_space<semaphore_mem>>)
        %dma_wait3A_243 = arith.constant 0 : i32
        %dma_wait3A_244 = tpu.memref_slice %arg27[%mul3A_238, %dma_wait3A_243] : memref<1280x128xf32, #tpu.memory_space<vmem_shared>> -> memref<80x128xf32, #tpu.memory_space<vmem_shared>>
        %dma_wait3A_245 = arith.constant 0 : i32
        %dma_wait3A_246 = tpu.memref_slice %arg27[%mul3A_238, %dma_wait3A_245] : memref<1280x128xf32, #tpu.memory_space<vmem_shared>> -> memref<80x128xf32, #tpu.memory_space<vmem_shared>>
        tpu.wait_dma2 semaphore(%run_scoped3A : memref<!tpu.dma_semaphore, #tpu.memory_space<semaphore_mem>>) src(%arg25 : memref<80x128xf32, #tpu.memory_space<vmem>>) dst(%dma_wait3A_246 : memref<80x128xf32, #tpu.memory_space<vmem_shared>>)
        tpu.yield
      }) : () -> ()
    }
    %barrier3A = arith.constant 0 : index
    tpu.barrier barrier_id(%barrier3A)
    %add3A_74 = arith.constant 0 : i32
    %add3A_75 = arith.addi %add3A, %add3A_74 : i32
    %mul3A_76 = arith.constant 16 : i32
    %mul3A_77 = arith.muli %add3A_75, %mul3A_76 : i32
    "tpu.region"() ({
      %run_scoped3A = tpu.sem_alloc : memref<!tpu.dma_semaphore, #tpu.memory_space<semaphore_mem>>
      %dma_start3A_233 = tpu.memref_slice %arg5[%mul3A_77] : memref<321024xi32, #tpu.memory_space<hbm>> -> memref<16xi32, #tpu.memory_space<hbm>>
      %dma_start3A_234 = tpu.memref_slice %arg5[%mul3A_77] : memref<321024xi32, #tpu.memory_space<hbm>> -> memref<16xi32, #tpu.memory_space<hbm>>
      tpu.enqueue_dma source(%dma_start3A_234 : memref<16xi32, #tpu.memory_space<hbm>>) target(%arg9 : memref<16xi32, #tpu.memory_space<vmem>>) target_semaphore(%run_scoped3A : memref<!tpu.dma_semaphore, #tpu.memory_space<semaphore_mem>>)
      %dma_wait3A_235 = tpu.memref_slice %arg5[%mul3A_77] : memref<321024xi32, #tpu.memory_space<hbm>> -> memref<16xi32, #tpu.memory_space<hbm>>
      %dma_wait3A_236 = tpu.memref_slice %arg5[%mul3A_77] : memref<321024xi32, #tpu.memory_space<hbm>> -> memref<16xi32, #tpu.memory_space<hbm>>
      tpu.wait_dma2 semaphore(%run_scoped3A : memref<!tpu.dma_semaphore, #tpu.memory_space<semaphore_mem>>) src(%dma_wait3A_236 : memref<16xi32, #tpu.memory_space<hbm>>) dst(%arg9 : memref<16xi32, #tpu.memory_space<vmem>>)
      tpu.yield
    }) : () -> ()
    "tpu.region"() ({
      %run_scoped3A = tpu.sem_alloc : memref<!tpu.dma_semaphore, #tpu.memory_space<semaphore_mem>>
      %dma_start3A_233 = tpu.memref_slice %arg6[%mul3A_77] : memref<321024xi32, #tpu.memory_space<hbm>> -> memref<16xi32, #tpu.memory_space<hbm>>
      %dma_start3A_234 = tpu.memref_slice %arg6[%mul3A_77] : memref<321024xi32, #tpu.memory_space<hbm>> -> memref<16xi32, #tpu.memory_space<hbm>>
      tpu.enqueue_dma source(%dma_start3A_234 : memref<16xi32, #tpu.memory_space<hbm>>) target(%arg11 : memref<16xi32, #tpu.memory_space<vmem>>) target_semaphore(%run_scoped3A : memref<!tpu.dma_semaphore, #tpu.memory_space<semaphore_mem>>)
      %dma_wait3A_235 = tpu.memref_slice %arg6[%mul3A_77] : memref<321024xi32, #tpu.memory_space<hbm>> -> memref<16xi32, #tpu.memory_space<hbm>>
      %dma_wait3A_236 = tpu.memref_slice %arg6[%mul3A_77] : memref<321024xi32, #tpu.memory_space<hbm>> -> memref<16xi32, #tpu.memory_space<hbm>>
      tpu.wait_dma2 semaphore(%run_scoped3A : memref<!tpu.dma_semaphore, #tpu.memory_space<semaphore_mem>>) src(%dma_wait3A_236 : memref<16xi32, #tpu.memory_space<hbm>>) dst(%arg11 : memref<16xi32, #tpu.memory_space<vmem>>)
      tpu.yield
    }) : () -> ()
    %dma_start3A = arith.constant 0 : i32
    %dma_start3A_78 = arith.constant 0 : i32
    %dma_start3A_79 = tpu.memref_slice %arg2[%dma_start3A, %dma_start3A_78] : memref<10000x256xf32, #tpu.memory_space<hbm>> -> memref<10000x256xf32, #tpu.memory_space<hbm>>
    tpu.enqueue_indirect_dma source(%dma_start3A_79 : memref<10000x256xf32, #tpu.memory_space<hbm>>) target(%arg13 : memref<16x256xf32, #tpu.memory_space<vmem>>) offsets(%arg9 : memref<16xi32, #tpu.memory_space<vmem>>) semaphore(%arg28 : memref<!tpu.dma_semaphore, #tpu.memory_space<semaphore_mem>>)
    %dma_start3A_80 = arith.constant 0 : i32
    %dma_start3A_81 = arith.constant 0 : i32
    %dma_start3A_82 = tpu.memref_slice %arg3[%dma_start3A_80, %dma_start3A_81] : memref<10000x128xf32, #tpu.memory_space<hbm>> -> memref<10000x128xf32, #tpu.memory_space<hbm>>
    tpu.enqueue_indirect_dma source(%dma_start3A_82 : memref<10000x128xf32, #tpu.memory_space<hbm>>) target(%arg15 : memref<16x128xf32, #tpu.memory_space<vmem>>) offsets(%arg11 : memref<16xi32, #tpu.memory_space<vmem>>) semaphore(%arg30 : memref<!tpu.dma_semaphore, #tpu.memory_space<semaphore_mem>>)
    %dma_start3A_83 = arith.constant 0 : i32
    %dma_start3A_84 = tpu.memref_slice %arg4[%mul3A_77, %dma_start3A_83] : memref<321024x128xf32, #tpu.memory_space<hbm>> -> memref<16x128xf32, #tpu.memory_space<hbm>>
    %dma_start3A_85 = arith.constant 0 : i32
    %dma_start3A_86 = tpu.memref_slice %arg4[%mul3A_77, %dma_start3A_85] : memref<321024x128xf32, #tpu.memory_space<hbm>> -> memref<16x128xf32, #tpu.memory_space<hbm>>
    tpu.enqueue_dma source(%dma_start3A_86 : memref<16x128xf32, #tpu.memory_space<hbm>>) target(%arg17 : memref<16x128xf32, #tpu.memory_space<vmem>>) target_semaphore(%arg32 : memref<!tpu.dma_semaphore, #tpu.memory_space<semaphore_mem>>)
    %scan3A_87 = arith.constant 0 : i32
    %scan3A_88 = arith.constant 0 : i32
    %scan3A_89 = arith.constant 313 : i32
    %scan3A_90 = arith.addi %scan3A_88, %scan3A_89 : i32
    %scan3A_91 = arith.constant 1 : i32
    scf.for %scan3A_233 = %scan3A_88 to %scan3A_90 step %scan3A_91  : i32 {
      %mul3A_234 = arith.constant 2 : i32
      %mul3A_235 = arith.muli %mul3A_234, %scan3A_233 : i32
      %add3A_236 = arith.constant 1 : i32
      %add3A_237 = arith.addi %mul3A_235, %add3A_236 : i32
      %mul3A_238 = arith.constant 32 : i32
      %mul3A_239 = arith.muli %mul3A_238, %add3A_237 : i32
      %add3A_240 = arith.addi %add3A, %mul3A_239 : i32
      %mul3A_241 = arith.constant 16 : i32
      %mul3A_242 = arith.muli %add3A_240, %mul3A_241 : i32
      "tpu.region"() ({
        %run_scoped3A = tpu.sem_alloc : memref<!tpu.dma_semaphore, #tpu.memory_space<semaphore_mem>>
        %dma_start3A_530 = tpu.memref_slice %arg5[%mul3A_242] : memref<321024xi32, #tpu.memory_space<hbm>> -> memref<16xi32, #tpu.memory_space<hbm>>
        %dma_start3A_531 = tpu.memref_slice %arg5[%mul3A_242] : memref<321024xi32, #tpu.memory_space<hbm>> -> memref<16xi32, #tpu.memory_space<hbm>>
        tpu.enqueue_dma source(%dma_start3A_531 : memref<16xi32, #tpu.memory_space<hbm>>) target(%arg10 : memref<16xi32, #tpu.memory_space<vmem>>) target_semaphore(%run_scoped3A : memref<!tpu.dma_semaphore, #tpu.memory_space<semaphore_mem>>)
        %dma_wait3A_532 = tpu.memref_slice %arg5[%mul3A_242] : memref<321024xi32, #tpu.memory_space<hbm>> -> memref<16xi32, #tpu.memory_space<hbm>>
        %dma_wait3A_533 = tpu.memref_slice %arg5[%mul3A_242] : memref<321024xi32, #tpu.memory_space<hbm>> -> memref<16xi32, #tpu.memory_space<hbm>>
        tpu.wait_dma2 semaphore(%run_scoped3A : memref<!tpu.dma_semaphore, #tpu.memory_space<semaphore_mem>>) src(%dma_wait3A_533 : memref<16xi32, #tpu.memory_space<hbm>>) dst(%arg10 : memref<16xi32, #tpu.memory_space<vmem>>)
        tpu.yield
      }) : () -> ()
      "tpu.region"() ({
        %run_scoped3A = tpu.sem_alloc : memref<!tpu.dma_semaphore, #tpu.memory_space<semaphore_mem>>
        %dma_start3A_530 = tpu.memref_slice %arg6[%mul3A_242] : memref<321024xi32, #tpu.memory_space<hbm>> -> memref<16xi32, #tpu.memory_space<hbm>>
        %dma_start3A_531 = tpu.memref_slice %arg6[%mul3A_242] : memref<321024xi32, #tpu.memory_space<hbm>> -> memref<16xi32, #tpu.memory_space<hbm>>
        tpu.enqueue_dma source(%dma_start3A_531 : memref<16xi32, #tpu.memory_space<hbm>>) target(%arg12 : memref<16xi32, #tpu.memory_space<vmem>>) target_semaphore(%run_scoped3A : memref<!tpu.dma_semaphore, #tpu.memory_space<semaphore_mem>>)
        %dma_wait3A_532 = tpu.memref_slice %arg6[%mul3A_242] : memref<321024xi32, #tpu.memory_space<hbm>> -> memref<16xi32, #tpu.memory_space<hbm>>
        %dma_wait3A_533 = tpu.memref_slice %arg6[%mul3A_242] : memref<321024xi32, #tpu.memory_space<hbm>> -> memref<16xi32, #tpu.memory_space<hbm>>
        tpu.wait_dma2 semaphore(%run_scoped3A : memref<!tpu.dma_semaphore, #tpu.memory_space<semaphore_mem>>) src(%dma_wait3A_533 : memref<16xi32, #tpu.memory_space<hbm>>) dst(%arg12 : memref<16xi32, #tpu.memory_space<vmem>>)
        tpu.yield
      }) : () -> ()
      %dma_start3A_243 = arith.constant 0 : i32
      %dma_start3A_244 = arith.constant 0 : i32
      %dma_start3A_245 = tpu.memref_slice %arg2[%dma_start3A_243, %dma_start3A_244] : memref<10000x256xf32, #tpu.memory_space<hbm>> -> memref<10000x256xf32, #tpu.memory_space<hbm>>
      tpu.enqueue_indirect_dma source(%dma_start3A_245 : memref<10000x256xf32, #tpu.memory_space<hbm>>) target(%arg14 : memref<16x256xf32, #tpu.memory_space<vmem>>) offsets(%arg10 : memref<16xi32, #tpu.memory_space<vmem>>) semaphore(%arg29 : memref<!tpu.dma_semaphore, #tpu.memory_space<semaphore_mem>>)
      %dma_start3A_246 = arith.constant 0 : i32
      %dma_start3A_247 = arith.constant 0 : i32
      %dma_start3A_248 = tpu.memref_slice %arg3[%dma_start3A_246, %dma_start3A_247] : memref<10000x128xf32, #tpu.memory_space<hbm>> -> memref<10000x128xf32, #tpu.memory_space<hbm>>
      tpu.enqueue_indirect_dma source(%dma_start3A_248 : memref<10000x128xf32, #tpu.memory_space<hbm>>) target(%arg16 : memref<16x128xf32, #tpu.memory_space<vmem>>) offsets(%arg12 : memref<16xi32, #tpu.memory_space<vmem>>) semaphore(%arg31 : memref<!tpu.dma_semaphore, #tpu.memory_space<semaphore_mem>>)
      %dma_start3A_249 = arith.constant 0 : i32
      %dma_start3A_250 = tpu.memref_slice %arg4[%mul3A_242, %dma_start3A_249] : memref<321024x128xf32, #tpu.memory_space<hbm>> -> memref<16x128xf32, #tpu.memory_space<hbm>>
      %dma_start3A_251 = arith.constant 0 : i32
      %dma_start3A_252 = tpu.memref_slice %arg4[%mul3A_242, %dma_start3A_251] : memref<321024x128xf32, #tpu.memory_space<hbm>> -> memref<16x128xf32, #tpu.memory_space<hbm>>
      tpu.enqueue_dma source(%dma_start3A_252 : memref<16x128xf32, #tpu.memory_space<hbm>>) target(%arg18 : memref<16x128xf32, #tpu.memory_space<vmem>>) target_semaphore(%arg33 : memref<!tpu.dma_semaphore, #tpu.memory_space<semaphore_mem>>)
      %mul3A_253 = arith.constant 2 : i32
      %mul3A_254 = arith.muli %mul3A_253, %scan3A_233 : i32
      %mul3A_255 = arith.constant 32 : i32
      %mul3A_256 = arith.muli %mul3A_255, %mul3A_254 : i32
      %add3A_257 = arith.addi %add3A, %mul3A_256 : i32
      %mul3A_258 = arith.constant 16 : i32
      %mul3A_259 = arith.muli %add3A_257, %mul3A_258 : i32
      %dma_wait3A_260 = arith.constant 0 : i32
      %dma_wait3A_261 = arith.constant 0 : i32
      %dma_wait3A_262 = tpu.memref_slice %arg2[%dma_wait3A_260, %dma_wait3A_261] : memref<10000x256xf32, #tpu.memory_space<hbm>> -> memref<16x256xf32, #tpu.memory_space<hbm>>
      %dma_wait3A_263 = arith.constant 0 : i32
      %dma_wait3A_264 = arith.constant 0 : i32
      %dma_wait3A_265 = tpu.memref_slice %arg2[%dma_wait3A_263, %dma_wait3A_264] : memref<10000x256xf32, #tpu.memory_space<hbm>> -> memref<16x256xf32, #tpu.memory_space<hbm>>
      tpu.wait_dma2 semaphore(%arg28 : memref<!tpu.dma_semaphore, #tpu.memory_space<semaphore_mem>>) src(%dma_wait3A_265 : memref<16x256xf32, #tpu.memory_space<hbm>>) dst(%arg13 : memref<16x256xf32, #tpu.memory_space<vmem>>)
      %dma_wait3A_266 = arith.constant 0 : i32
      %dma_wait3A_267 = arith.constant 0 : i32
      %dma_wait3A_268 = tpu.memref_slice %arg3[%dma_wait3A_266, %dma_wait3A_267] : memref<10000x128xf32, #tpu.memory_space<hbm>> -> memref<16x128xf32, #tpu.memory_space<hbm>>
      %dma_wait3A_269 = arith.constant 0 : i32
      %dma_wait3A_270 = arith.constant 0 : i32
      %dma_wait3A_271 = tpu.memref_slice %arg3[%dma_wait3A_269, %dma_wait3A_270] : memref<10000x128xf32, #tpu.memory_space<hbm>> -> memref<16x128xf32, #tpu.memory_space<hbm>>
      tpu.wait_dma2 semaphore(%arg30 : memref<!tpu.dma_semaphore, #tpu.memory_space<semaphore_mem>>) src(%dma_wait3A_271 : memref<16x128xf32, #tpu.memory_space<hbm>>) dst(%arg15 : memref<16x128xf32, #tpu.memory_space<vmem>>)
      %dma_wait3A_272 = arith.constant 0 : i32
      %dma_wait3A_273 = arith.constant 0 : i32
      %dma_wait3A_274 = tpu.memref_slice %arg4[%dma_wait3A_272, %dma_wait3A_273] : memref<321024x128xf32, #tpu.memory_space<hbm>> -> memref<16x128xf32, #tpu.memory_space<hbm>>
      %dma_wait3A_275 = arith.constant 0 : i32
      %dma_wait3A_276 = arith.constant 0 : i32
      %dma_wait3A_277 = tpu.memref_slice %arg4[%dma_wait3A_275, %dma_wait3A_276] : memref<321024x128xf32, #tpu.memory_space<hbm>> -> memref<16x128xf32, #tpu.memory_space<hbm>>
      tpu.wait_dma2 semaphore(%arg32 : memref<!tpu.dma_semaphore, #tpu.memory_space<semaphore_mem>>) src(%dma_wait3A_277 : memref<16x128xf32, #tpu.memory_space<hbm>>) dst(%arg17 : memref<16x128xf32, #tpu.memory_space<vmem>>)
      %scan3A_278 = arith.constant 0 : i32
      %scan3A_279 = arith.constant 0 : i32
      %mul3A_280 = arith.constant 16 : i32
      %mul3A_281 = arith.muli %scan3A_279, %mul3A_280 : i32
      %get3A_282 = arith.index_cast %mul3A_281 : i32 to index
      %get3A_283 = tpu.vector_load %arg11[%get3A_282] {strides = array<i32>} : memref<16xi32, #tpu.memory_space<vmem>>, vector<16xi32>,
      %get3A_284 = vector.shape_cast %get3A_283 : vector<16xi32> to vector<16xi32>
      %convert_element_type3A_285 = arith.sitofp %get3A_284 : vector<16xi32> to vector<16xf32>
      %broadcast_in_dim3A_286 = arith.constant 0.000000e+00 : f32
      %broadcast_in_dim3A_287 = vector.broadcast %broadcast_in_dim3A_286 : f32 to vector<16xf32>
      %sub3A_288 = arith.constant 1.249000e+03 : f32
      %sub3A_289 = vector.broadcast %sub3A_288 : f32 to vector<16xf32>
      %sub3A_290 = arith.subf %convert_element_type3A_285, %sub3A_289 : vector<16xf32>
      %jit3A_291 = arith.constant 0.000000e+00 : f32
      %jit3A_292 = arith.constant 1.000000e+00 : f32
      %max3A_293 = vector.broadcast %jit3A_291 : f32 to vector<16xf32>
      %max3A_294 = arith.maximumf %max3A_293, %sub3A_290 : vector<16xf32>
      %min3A_295 = vector.broadcast %jit3A_292 : f32 to vector<16xf32>
      %min3A_296 = arith.minimumf %min3A_295, %max3A_294 : vector<16xf32>
      %add3A_297 = arith.addf %broadcast_in_dim3A_287, %min3A_296 : vector<16xf32>
      %sub3A_298 = arith.constant 2.499000e+03 : f32
      %sub3A_299 = vector.broadcast %sub3A_298 : f32 to vector<16xf32>
      %sub3A_300 = arith.subf %convert_element_type3A_285, %sub3A_299 : vector<16xf32>
      %jit3A_301 = arith.constant 0.000000e+00 : f32
      %jit3A_302 = arith.constant 1.000000e+00 : f32
      %max3A_303 = vector.broadcast %jit3A_301 : f32 to vector<16xf32>
      %max3A_304 = arith.maximumf %max3A_303, %sub3A_300 : vector<16xf32>
      %min3A_305 = vector.broadcast %jit3A_302 : f32 to vector<16xf32>
      %min3A_306 = arith.minimumf %min3A_305, %max3A_304 : vector<16xf32>
      %add3A_307 = arith.addf %add3A_297, %min3A_306 : vector<16xf32>
      %sub3A_308 = arith.constant 3.749000e+03 : f32
      %sub3A_309 = vector.broadcast %sub3A_308 : f32 to vector<16xf32>
      %sub3A_310 = arith.subf %convert_element_type3A_285, %sub3A_309 : vector<16xf32>
      %jit3A_311 = arith.constant 0.000000e+00 : f32
      %jit3A_312 = arith.constant 1.000000e+00 : f32
      %max3A_313 = vector.broadcast %jit3A_311 : f32 to vector<16xf32>
      %max3A_314 = arith.maximumf %max3A_313, %sub3A_310 : vector<16xf32>
      %min3A_315 = vector.broadcast %jit3A_312 : f32 to vector<16xf32>
      %min3A_316 = arith.minimumf %min3A_315, %max3A_314 : vector<16xf32>
      %add3A_317 = arith.addf %add3A_307, %min3A_316 : vector<16xf32>
      %sub3A_318 = arith.constant 4.999000e+03 : f32
      %sub3A_319 = vector.broadcast %sub3A_318 : f32 to vector<16xf32>
      %sub3A_320 = arith.subf %convert_element_type3A_285, %sub3A_319 : vector<16xf32>
      %jit3A_321 = arith.constant 0.000000e+00 : f32
      %jit3A_322 = arith.constant 1.000000e+00 : f32
      %max3A_323 = vector.broadcast %jit3A_321 : f32 to vector<16xf32>
      %max3A_324 = arith.maximumf %max3A_323, %sub3A_320 : vector<16xf32>
      %min3A_325 = vector.broadcast %jit3A_322 : f32 to vector<16xf32>
      %min3A_326 = arith.minimumf %min3A_325, %max3A_324 : vector<16xf32>
      %add3A_327 = arith.addf %add3A_317, %min3A_326 : vector<16xf32>
      %sub3A_328 = arith.constant 6.249000e+03 : f32
      %sub3A_329 = vector.broadcast %sub3A_328 : f32 to vector<16xf32>
      %sub3A_330 = arith.subf %convert_element_type3A_285, %sub3A_329 : vector<16xf32>
      %jit3A_331 = arith.constant 0.000000e+00 : f32
      %jit3A_332 = arith.constant 1.000000e+00 : f32
      %max3A_333 = vector.broadcast %jit3A_331 : f32 to vector<16xf32>
      %max3A_334 = arith.maximumf %max3A_333, %sub3A_330 : vector<16xf32>
      %min3A_335 = vector.broadcast %jit3A_332 : f32 to vector<16xf32>
      %min3A_336 = arith.minimumf %min3A_335, %max3A_334 : vector<16xf32>
      %add3A_337 = arith.addf %add3A_327, %min3A_336 : vector<16xf32>
      %sub3A_338 = arith.constant 7.499000e+03 : f32
      %sub3A_339 = vector.broadcast %sub3A_338 : f32 to vector<16xf32>
      %sub3A_340 = arith.subf %convert_element_type3A_285, %sub3A_339 : vector<16xf32>
      %jit3A_341 = arith.constant 0.000000e+00 : f32
      %jit3A_342 = arith.constant 1.000000e+00 : f32
      %max3A_343 = vector.broadcast %jit3A_341 : f32 to vector<16xf32>
      %max3A_344 = arith.maximumf %max3A_343, %sub3A_340 : vector<16xf32>
      %min3A_345 = vector.broadcast %jit3A_342 : f32 to vector<16xf32>
      %min3A_346 = arith.minimumf %min3A_345, %max3A_344 : vector<16xf32>
      %add3A_347 = arith.addf %add3A_337, %min3A_346 : vector<16xf32>
      %sub3A_348 = arith.constant 8.749000e+03 : f32
      %sub3A_349 = vector.broadcast %sub3A_348 : f32 to vector<16xf32>
      %sub3A_350 = arith.subf %convert_element_type3A_285, %sub3A_349 : vector<16xf32>
      %jit3A_351 = arith.constant 0.000000e+00 : f32
      %jit3A_352 = arith.constant 1.000000e+00 : f32
      %max3A_353 = vector.broadcast %jit3A_351 : f32 to vector<16xf32>
      %max3A_354 = arith.maximumf %max3A_353, %sub3A_350 : vector<16xf32>
      %min3A_355 = vector.broadcast %jit3A_352 : f32 to vector<16xf32>
      %min3A_356 = arith.minimumf %min3A_355, %max3A_354 : vector<16xf32>
      %add3A_357 = arith.addf %add3A_347, %min3A_356 : vector<16xf32>
      %mul3A_358 = arith.constant 1.250000e+03 : f32
      %mul3A_359 = vector.broadcast %mul3A_358 : f32 to vector<16xf32>
      %mul3A_360 = arith.mulf %mul3A_359, %add3A_357 : vector<16xf32>
      %sub3A_361 = arith.subf %convert_element_type3A_285, %mul3A_360 : vector<16xf32>
      %convert_element_type3A_362 = arith.fptosi %sub3A_361 : vector<16xf32> to vector<16xi32>
      %mul3A_363 = arith.constant 16 : i32
      %mul3A_364 = arith.muli %scan3A_279, %mul3A_363 : i32
      %swap3A_365 = arith.index_cast %mul3A_364 : i32 to index
      %swap3A_366 = tpu.vector_load %arg19[%swap3A_365] {strides = array<i32>} : memref<16xi32, #tpu.memory_space<vmem>>, vector<16xi32>,
      %swap3A_367 = vector.shape_cast %swap3A_366 : vector<16xi32> to vector<16xi32>
      %swap3A_368 = vector.shape_cast %convert_element_type3A_362 : vector<16xi32> to vector<16xi32>
      tpu.vector_store %arg19[%swap3A_365], %swap3A_368 {strides = array<i32>} : memref<16xi32, #tpu.memory_space<vmem>>, vector<16xi32>,
      %swap3A_369 = arith.index_cast %scan3A_279 : i32 to index
      %swap3A_370 = arith.constant 0 : index
      %swap3A_371 = tpu.vector_load %arg23[%swap3A_369, %swap3A_370] {strides = array<i32>} : memref<1x16xf32, #tpu.memory_space<vmem>>, vector<1x16xf32>,
      %swap3A_372 = vector.shape_cast %swap3A_371 : vector<1x16xf32> to vector<16xf32>
      %swap3A_373 = vector.shape_cast %add3A_357 : vector<16xf32> to vector<1x16xf32>
      tpu.vector_store %arg23[%swap3A_369, %swap3A_370], %swap3A_373 {strides = array<i32>} : memref<1x16xf32, #tpu.memory_space<vmem>>, vector<1x16xf32>,
      %scan3A_374 = arith.constant 1 : i32
      %scan3A_375 = arith.constant 0 : i32
      %scan3A_376 = arith.constant 0 : i32
      %scan3A_377 = arith.constant 16 : i32
      %scan3A_378 = arith.addi %scan3A_376, %scan3A_377 : i32
      %scan3A_379 = arith.constant 1 : i32
      scf.for %scan3A_530 = %scan3A_376 to %scan3A_378 step %scan3A_379  : i32 {
        %get3A_531 = arith.index_cast %scan3A_530 : i32 to index
        %get3A_532 = arith.constant 0 : index
        %get3A_533 = tpu.vector_load %arg24[%get3A_531, %get3A_532] {strides = array<i32>} : memref<16x16xf32, #tpu.memory_space<vmem>>, vector<1x16xf32>,
        %get3A_534 = vector.shape_cast %get3A_533 : vector<1x16xf32> to vector<16xf32>
        %jit3A_535 = arith.constant 16 : i32
        %div3A_536 = arith.divsi %scan3A_530, %jit3A_535 : i32
        %sign3A_537 = arith.constant 0 : i32
        %sign3A_538 = arith.cmpi sgt, %scan3A_530, %sign3A_537 : i32
        %sign3A_539 = arith.extui %sign3A_538 : i1 to i32
        %sign3A_540 = arith.constant 0 : i32
        %sign3A_541 = arith.cmpi slt, %scan3A_530, %sign3A_540 : i32
        %sign3A_542 = arith.extui %sign3A_541 : i1 to i32
        %sign3A_543 = arith.subi %sign3A_539, %sign3A_542 : i32
        %sign3A_544 = arith.constant 0 : i32
        %sign3A_545 = arith.cmpi sgt, %jit3A_535, %sign3A_544 : i32
        %sign3A_546 = arith.extui %sign3A_545 : i1 to i32
        %sign3A_547 = arith.constant 0 : i32
        %sign3A_548 = arith.cmpi slt, %jit3A_535, %sign3A_547 : i32
        %sign3A_549 = arith.extui %sign3A_548 : i1 to i32
        %sign3A_550 = arith.subi %sign3A_546, %sign3A_549 : i32
        %ne3A_551 = arith.cmpi ne, %sign3A_543, %sign3A_550 : i32
        %rem3A_552 = arith.remsi %scan3A_530, %jit3A_535 : i32
        %ne3A_553 = arith.constant 0 : i32
        %ne3A_554 = arith.cmpi ne, %rem3A_552, %ne3A_553 : i32
        %and3A_555 = arith.andi %ne3A_551, %ne3A_554 : i1
        %sub3A_556 = arith.constant 1 : i32
        %sub3A_557 = arith.subi %div3A_536, %sub3A_556 : i32
        %select_n3A_558 = arith.select %and3A_555, %sub3A_557, %div3A_536 : i32
        %get3A_559 = arith.index_cast %select_n3A_558 : i32 to index
        %get3A_560 = arith.constant 0 : index
        %get3A_561 = tpu.vector_load %arg23[%get3A_559, %get3A_560] {strides = array<i32>} : memref<1x16xf32, #tpu.memory_space<vmem>>, vector<1x16xf32>,
        %get3A_562 = vector.shape_cast %get3A_561 : vector<1x16xf32> to vector<16xf32>
        %jit3A_563 = arith.constant 16 : i32
        %eq3A = arith.constant 0 : i32
        %eq3A_564 = arith.cmpi eq, %jit3A_563, %eq3A : i32
        %jit3A_565 = arith.constant 1 : i32
        %select_n3A_566 = arith.select %eq3A_564, %jit3A_565, %jit3A_563 : i32
        %rem3A_567 = arith.remsi %scan3A_530, %select_n3A_566 : i32
        %ne3A_568 = arith.constant 0 : i32
        %ne3A_569 = arith.cmpi ne, %rem3A_567, %ne3A_568 : i32
        %lt3A = arith.constant 0 : i32
        %lt3A_570 = arith.cmpi slt, %rem3A_567, %lt3A : i32
        %lt3A_571 = arith.constant 0 : i32
        %lt3A_572 = arith.cmpi slt, %select_n3A_566, %lt3A_571 : i32
        %ne3A_573 = arith.xori %lt3A_570, %lt3A_572 : i1
        %and3A_574 = arith.andi %ne3A_573, %ne3A_569 : i1
        %add3A_575 = arith.addi %rem3A_567, %select_n3A_566 : i32
        %select_n3A_576 = arith.select %and3A_574, %add3A_575, %rem3A_567 : i32
        %broadcast_in_dim3A_577 = vector.broadcast %select_n3A_576 : i32 to vector<16xi32>
        %broadcast_in_dim3A_578 = vector.shape_cast %broadcast_in_dim3A_577 : vector<16xi32> to vector<16x1xi32>
        %gather3A = vector.shape_cast %broadcast_in_dim3A_578 : vector<16x1xi32> to vector<16xi32>
        %gather3A_579 = tpu.dynamic_gather %get3A_562[%gather3A] in [0] : vector<16xf32>, vector<16xi32> -> vector<16xf32>
        %sub3A_580 = arith.constant 0.000000e+00 : f32
        %sub3A_581 = vector.broadcast %sub3A_580 : f32 to vector<16xf32>
        %sub3A_582 = arith.subf %gather3A_579, %sub3A_581 : vector<16xf32>
        %mul3A_583 = arith.mulf %sub3A_582, %sub3A_582 : vector<16xf32>
        %sub3A_584 = arith.constant 1.000000e+00 : f32
        %sub3A_585 = vector.broadcast %sub3A_584 : f32 to vector<16xf32>
        %sub3A_586 = arith.subf %sub3A_585, %mul3A_583 : vector<16xf32>
        %max3A_587 = arith.constant 0.000000e+00 : f32
        %max3A_588 = vector.broadcast %max3A_587 : f32 to vector<16xf32>
        %max3A_589 = arith.maximumf %sub3A_586, %max3A_588 : vector<16xf32>
        %mul3A_590 = arith.mulf %max3A_589, %get3A_534 : vector<16xf32>
        %swap3A_591 = arith.index_cast %scan3A_530 : i32 to index
        %swap3A_592 = arith.constant 0 : index
        %swap3A_593 = tpu.vector_load %arg22[%swap3A_591, %swap3A_592] {strides = array<i32>} : memref<16x128xf32, #tpu.memory_space<vmem>>, vector<1x16xf32>,
        %swap3A_594 = vector.shape_cast %swap3A_593 : vector<1x16xf32> to vector<16xf32>
        %swap3A_595 = vector.shape_cast %mul3A_590 : vector<16xf32> to vector<1x16xf32>
        tpu.vector_store %arg22[%swap3A_591, %swap3A_592], %swap3A_595 {strides = array<i32>} : memref<16x128xf32, #tpu.memory_space<vmem>>, vector<1x16xf32>,
        %sub3A_596 = arith.constant 1.000000e+00 : f32
        %sub3A_597 = vector.broadcast %sub3A_596 : f32 to vector<16xf32>
        %sub3A_598 = arith.subf %gather3A_579, %sub3A_597 : vector<16xf32>
        %mul3A_599 = arith.mulf %sub3A_598, %sub3A_598 : vector<16xf32>
        %sub3A_600 = arith.constant 1.000000e+00 : f32
        %sub3A_601 = vector.broadcast %sub3A_600 : f32 to vector<16xf32>
        %sub3A_602 = arith.subf %sub3A_601, %mul3A_599 : vector<16xf32>
        %max3A_603 = arith.constant 0.000000e+00 : f32
        %max3A_604 = vector.broadcast %max3A_603 : f32 to vector<16xf32>
        %max3A_605 = arith.maximumf %sub3A_602, %max3A_604 : vector<16xf32>
        %mul3A_606 = arith.mulf %max3A_605, %get3A_534 : vector<16xf32>
        %swap3A_607 = arith.index_cast %scan3A_530 : i32 to index
        %swap3A_608 = arith.constant 16 : index
        %swap3A_609 = tpu.vector_load %arg22[%swap3A_607, %swap3A_608] {strides = array<i32>} : memref<16x128xf32, #tpu.memory_space<vmem>>, vector<1x16xf32>,
        %swap3A_610 = vector.shape_cast %swap3A_609 : vector<1x16xf32> to vector<16xf32>
        %swap3A_611 = vector.shape_cast %mul3A_606 : vector<16xf32> to vector<1x16xf32>
        tpu.vector_store %arg22[%swap3A_607, %swap3A_608], %swap3A_611 {strides = array<i32>} : memref<16x128xf32, #tpu.memory_space<vmem>>, vector<1x16xf32>,
        %sub3A_612 = arith.constant 2.000000e+00 : f32
        %sub3A_613 = vector.broadcast %sub3A_612 : f32 to vector<16xf32>
        %sub3A_614 = arith.subf %gather3A_579, %sub3A_613 : vector<16xf32>
        %mul3A_615 = arith.mulf %sub3A_614, %sub3A_614 : vector<16xf32>
        %sub3A_616 = arith.constant 1.000000e+00 : f32
        %sub3A_617 = vector.broadcast %sub3A_616 : f32 to vector<16xf32>
        %sub3A_618 = arith.subf %sub3A_617, %mul3A_615 : vector<16xf32>
        %max3A_619 = arith.constant 0.000000e+00 : f32
        %max3A_620 = vector.broadcast %max3A_619 : f32 to vector<16xf32>
        %max3A_621 = arith.maximumf %sub3A_618, %max3A_620 : vector<16xf32>
        %mul3A_622 = arith.mulf %max3A_621, %get3A_534 : vector<16xf32>
        %swap3A_623 = arith.index_cast %scan3A_530 : i32 to index
        %swap3A_624 = arith.constant 32 : index
        %swap3A_625 = tpu.vector_load %arg22[%swap3A_623, %swap3A_624] {strides = array<i32>} : memref<16x128xf32, #tpu.memory_space<vmem>>, vector<1x16xf32>,
        %swap3A_626 = vector.shape_cast %swap3A_625 : vector<1x16xf32> to vector<16xf32>
        %swap3A_627 = vector.shape_cast %mul3A_622 : vector<16xf32> to vector<1x16xf32>
        tpu.vector_store %arg22[%swap3A_623, %swap3A_624], %swap3A_627 {strides = array<i32>} : memref<16x128xf32, #tpu.memory_space<vmem>>, vector<1x16xf32>,
        %sub3A_628 = arith.constant 3.000000e+00 : f32
        %sub3A_629 = vector.broadcast %sub3A_628 : f32 to vector<16xf32>
        %sub3A_630 = arith.subf %gather3A_579, %sub3A_629 : vector<16xf32>
        %mul3A_631 = arith.mulf %sub3A_630, %sub3A_630 : vector<16xf32>
        %sub3A_632 = arith.constant 1.000000e+00 : f32
        %sub3A_633 = vector.broadcast %sub3A_632 : f32 to vector<16xf32>
        %sub3A_634 = arith.subf %sub3A_633, %mul3A_631 : vector<16xf32>
        %max3A_635 = arith.constant 0.000000e+00 : f32
        %max3A_636 = vector.broadcast %max3A_635 : f32 to vector<16xf32>
        %max3A_637 = arith.maximumf %sub3A_634, %max3A_636 : vector<16xf32>
        %mul3A_638 = arith.mulf %max3A_637, %get3A_534 : vector<16xf32>
        %swap3A_639 = arith.index_cast %scan3A_530 : i32 to index
        %swap3A_640 = arith.constant 48 : index
        %swap3A_641 = tpu.vector_load %arg22[%swap3A_639, %swap3A_640] {strides = array<i32>} : memref<16x128xf32, #tpu.memory_space<vmem>>, vector<1x16xf32>,
        %swap3A_642 = vector.shape_cast %swap3A_641 : vector<1x16xf32> to vector<16xf32>
        %swap3A_643 = vector.shape_cast %mul3A_638 : vector<16xf32> to vector<1x16xf32>
        tpu.vector_store %arg22[%swap3A_639, %swap3A_640], %swap3A_643 {strides = array<i32>} : memref<16x128xf32, #tpu.memory_space<vmem>>, vector<1x16xf32>,
        %sub3A_644 = arith.constant 4.000000e+00 : f32
        %sub3A_645 = vector.broadcast %sub3A_644 : f32 to vector<16xf32>
        %sub3A_646 = arith.subf %gather3A_579, %sub3A_645 : vector<16xf32>
        %mul3A_647 = arith.mulf %sub3A_646, %sub3A_646 : vector<16xf32>
        %sub3A_648 = arith.constant 1.000000e+00 : f32
        %sub3A_649 = vector.broadcast %sub3A_648 : f32 to vector<16xf32>
        %sub3A_650 = arith.subf %sub3A_649, %mul3A_647 : vector<16xf32>
        %max3A_651 = arith.constant 0.000000e+00 : f32
        %max3A_652 = vector.broadcast %max3A_651 : f32 to vector<16xf32>
        %max3A_653 = arith.maximumf %sub3A_650, %max3A_652 : vector<16xf32>
        %mul3A_654 = arith.mulf %max3A_653, %get3A_534 : vector<16xf32>
        %swap3A_655 = arith.index_cast %scan3A_530 : i32 to index
        %swap3A_656 = arith.constant 64 : index
        %swap3A_657 = tpu.vector_load %arg22[%swap3A_655, %swap3A_656] {strides = array<i32>} : memref<16x128xf32, #tpu.memory_space<vmem>>, vector<1x16xf32>,
        %swap3A_658 = vector.shape_cast %swap3A_657 : vector<1x16xf32> to vector<16xf32>
        %swap3A_659 = vector.shape_cast %mul3A_654 : vector<16xf32> to vector<1x16xf32>
        tpu.vector_store %arg22[%swap3A_655, %swap3A_656], %swap3A_659 {strides = array<i32>} : memref<16x128xf32, #tpu.memory_space<vmem>>, vector<1x16xf32>,
        %sub3A_660 = arith.constant 5.000000e+00 : f32
        %sub3A_661 = vector.broadcast %sub3A_660 : f32 to vector<16xf32>
        %sub3A_662 = arith.subf %gather3A_579, %sub3A_661 : vector<16xf32>
        %mul3A_663 = arith.mulf %sub3A_662, %sub3A_662 : vector<16xf32>
        %sub3A_664 = arith.constant 1.000000e+00 : f32
        %sub3A_665 = vector.broadcast %sub3A_664 : f32 to vector<16xf32>
        %sub3A_666 = arith.subf %sub3A_665, %mul3A_663 : vector<16xf32>
        %max3A_667 = arith.constant 0.000000e+00 : f32
        %max3A_668 = vector.broadcast %max3A_667 : f32 to vector<16xf32>
        %max3A_669 = arith.maximumf %sub3A_666, %max3A_668 : vector<16xf32>
        %mul3A_670 = arith.mulf %max3A_669, %get3A_534 : vector<16xf32>
        %swap3A_671 = arith.index_cast %scan3A_530 : i32 to index
        %swap3A_672 = arith.constant 80 : index
        %swap3A_673 = tpu.vector_load %arg22[%swap3A_671, %swap3A_672] {strides = array<i32>} : memref<16x128xf32, #tpu.memory_space<vmem>>, vector<1x16xf32>,
        %swap3A_674 = vector.shape_cast %swap3A_673 : vector<1x16xf32> to vector<16xf32>
        %swap3A_675 = vector.shape_cast %mul3A_670 : vector<16xf32> to vector<1x16xf32>
        tpu.vector_store %arg22[%swap3A_671, %swap3A_672], %swap3A_675 {strides = array<i32>} : memref<16x128xf32, #tpu.memory_space<vmem>>, vector<1x16xf32>,
        %sub3A_676 = arith.constant 6.000000e+00 : f32
        %sub3A_677 = vector.broadcast %sub3A_676 : f32 to vector<16xf32>
        %sub3A_678 = arith.subf %gather3A_579, %sub3A_677 : vector<16xf32>
        %mul3A_679 = arith.mulf %sub3A_678, %sub3A_678 : vector<16xf32>
        %sub3A_680 = arith.constant 1.000000e+00 : f32
        %sub3A_681 = vector.broadcast %sub3A_680 : f32 to vector<16xf32>
        %sub3A_682 = arith.subf %sub3A_681, %mul3A_679 : vector<16xf32>
        %max3A_683 = arith.constant 0.000000e+00 : f32
        %max3A_684 = vector.broadcast %max3A_683 : f32 to vector<16xf32>
        %max3A_685 = arith.maximumf %sub3A_682, %max3A_684 : vector<16xf32>
        %mul3A_686 = arith.mulf %max3A_685, %get3A_534 : vector<16xf32>
        %swap3A_687 = arith.index_cast %scan3A_530 : i32 to index
        %swap3A_688 = arith.constant 96 : index
        %swap3A_689 = tpu.vector_load %arg22[%swap3A_687, %swap3A_688] {strides = array<i32>} : memref<16x128xf32, #tpu.memory_space<vmem>>, vector<1x16xf32>,
        %swap3A_690 = vector.shape_cast %swap3A_689 : vector<1x16xf32> to vector<16xf32>
        %swap3A_691 = vector.shape_cast %mul3A_686 : vector<16xf32> to vector<1x16xf32>
        tpu.vector_store %arg22[%swap3A_687, %swap3A_688], %swap3A_691 {strides = array<i32>} : memref<16x128xf32, #tpu.memory_space<vmem>>, vector<1x16xf32>,
        %sub3A_692 = arith.constant 7.000000e+00 : f32
        %sub3A_693 = vector.broadcast %sub3A_692 : f32 to vector<16xf32>
        %sub3A_694 = arith.subf %gather3A_579, %sub3A_693 : vector<16xf32>
        %mul3A_695 = arith.mulf %sub3A_694, %sub3A_694 : vector<16xf32>
        %sub3A_696 = arith.constant 1.000000e+00 : f32
        %sub3A_697 = vector.broadcast %sub3A_696 : f32 to vector<16xf32>
        %sub3A_698 = arith.subf %sub3A_697, %mul3A_695 : vector<16xf32>
        %max3A_699 = arith.constant 0.000000e+00 : f32
        %max3A_700 = vector.broadcast %max3A_699 : f32 to vector<16xf32>
        %max3A_701 = arith.maximumf %sub3A_698, %max3A_700 : vector<16xf32>
        %mul3A_702 = arith.mulf %max3A_701, %get3A_534 : vector<16xf32>
        %swap3A_703 = arith.index_cast %scan3A_530 : i32 to index
        %swap3A_704 = arith.constant 112 : index
        %swap3A_705 = tpu.vector_load %arg22[%swap3A_703, %swap3A_704] {strides = array<i32>} : memref<16x128xf32, #tpu.memory_space<vmem>>, vector<1x16xf32>,
        %swap3A_706 = vector.shape_cast %swap3A_705 : vector<1x16xf32> to vector<16xf32>
        %swap3A_707 = vector.shape_cast %mul3A_702 : vector<16xf32> to vector<1x16xf32>
        tpu.vector_store %arg22[%swap3A_703, %swap3A_704], %swap3A_707 {strides = array<i32>} : memref<16x128xf32, #tpu.memory_space<vmem>>, vector<1x16xf32>,
      }
      %scan3A_380 = arith.constant 16 : i32
      "tpu.region"() ({
        %run_scoped3A = tpu.sem_alloc : memref<!tpu.dma_semaphore, #tpu.memory_space<semaphore_mem>>
        %dma_start3A_530 = arith.constant 0 : i32
        %dma_start3A_531 = arith.constant 0 : i32
        %dma_start3A_532 = tpu.memref_slice %arg26[%dma_start3A_530, %dma_start3A_531] : memref<10016x128xf32, #tpu.memory_space<vmem_shared>> -> memref<10016x128xf32, #tpu.memory_space<vmem_shared>>
        tpu.enqueue_indirect_dma source(%arg21 : memref<16x128xf32, #tpu.memory_space<vmem>>) target(%dma_start3A_532 : memref<10016x128xf32, #tpu.memory_space<vmem_shared>>) offsets(%arg11 : memref<16xi32, #tpu.memory_space<vmem>>) semaphore(%run_scoped3A : memref<!tpu.dma_semaphore, #tpu.memory_space<semaphore_mem>>) {add = true}
        %dma_wait3A_533 = arith.constant 0 : i32
        %dma_wait3A_534 = arith.constant 0 : i32
        %dma_wait3A_535 = tpu.memref_slice %arg26[%dma_wait3A_533, %dma_wait3A_534] : memref<10016x128xf32, #tpu.memory_space<vmem_shared>> -> memref<10016x128xf32, #tpu.memory_space<vmem_shared>>
        tpu.wait_indirect_dma semaphore(%run_scoped3A : memref<!tpu.dma_semaphore, #tpu.memory_space<semaphore_mem>>) src(%arg21 : memref<16x128xf32, #tpu.memory_space<vmem>>) dst(%dma_wait3A_535 : memref<10016x128xf32, #tpu.memory_space<vmem_shared>>)
        tpu.yield
      }) : () -> ()
      "tpu.region"() ({
        %run_scoped3A = tpu.sem_alloc : memref<!tpu.dma_semaphore, #tpu.memory_space<semaphore_mem>>
        %dma_start3A_530 = arith.constant 0 : i32
        %dma_start3A_531 = arith.constant 0 : i32
        %dma_start3A_532 = tpu.memref_slice %arg27[%dma_start3A_530, %dma_start3A_531] : memref<1280x128xf32, #tpu.memory_space<vmem_shared>> -> memref<1280x128xf32, #tpu.memory_space<vmem_shared>>
        tpu.enqueue_indirect_dma source(%arg22 : memref<16x128xf32, #tpu.memory_space<vmem>>) target(%dma_start3A_532 : memref<1280x128xf32, #tpu.memory_space<vmem_shared>>) offsets(%arg19 : memref<16xi32, #tpu.memory_space<vmem>>) semaphore(%run_scoped3A : memref<!tpu.dma_semaphore, #tpu.memory_space<semaphore_mem>>) {add = true}
        %dma_wait3A_533 = arith.constant 0 : i32
        %dma_wait3A_534 = arith.constant 0 : i32
        %dma_wait3A_535 = tpu.memref_slice %arg27[%dma_wait3A_533, %dma_wait3A_534] : memref<1280x128xf32, #tpu.memory_space<vmem_shared>> -> memref<1280x128xf32, #tpu.memory_space<vmem_shared>>
        tpu.wait_indirect_dma semaphore(%run_scoped3A : memref<!tpu.dma_semaphore, #tpu.memory_space<semaphore_mem>>) src(%arg22 : memref<16x128xf32, #tpu.memory_space<vmem>>) dst(%dma_wait3A_535 : memref<1280x128xf32, #tpu.memory_space<vmem_shared>>)
        tpu.yield
      }) : () -> ()
      %mul3A_381 = arith.constant 2 : i32
      %mul3A_382 = arith.muli %mul3A_381, %scan3A_233 : i32
      %add3A_383 = arith.constant 2 : i32
      %add3A_384 = arith.addi %mul3A_382, %add3A_383 : i32
      %mul3A_385 = arith.constant 32 : i32
      %mul3A_386 = arith.muli %mul3A_385, %add3A_384 : i32
      %add3A_387 = arith.addi %add3A, %mul3A_386 : i32
      %mul3A_388 = arith.constant 16 : i32
      %mul3A_389 = arith.muli %add3A_387, %mul3A_388 : i32
      "tpu.region"() ({
        %run_scoped3A = tpu.sem_alloc : memref<!tpu.dma_semaphore, #tpu.memory_space<semaphore_mem>>
        %dma_start3A_530 = tpu.memref_slice %arg5[%mul3A_389] : memref<321024xi32, #tpu.memory_space<hbm>> -> memref<16xi32, #tpu.memory_space<hbm>>
        %dma_start3A_531 = tpu.memref_slice %arg5[%mul3A_389] : memref<321024xi32, #tpu.memory_space<hbm>> -> memref<16xi32, #tpu.memory_space<hbm>>
        tpu.enqueue_dma source(%dma_start3A_531 : memref<16xi32, #tpu.memory_space<hbm>>) target(%arg9 : memref<16xi32, #tpu.memory_space<vmem>>) target_semaphore(%run_scoped3A : memref<!tpu.dma_semaphore, #tpu.memory_space<semaphore_mem>>)
        %dma_wait3A_532 = tpu.memref_slice %arg5[%mul3A_389] : memref<321024xi32, #tpu.memory_space<hbm>> -> memref<16xi32, #tpu.memory_space<hbm>>
        %dma_wait3A_533 = tpu.memref_slice %arg5[%mul3A_389] : memref<321024xi32, #tpu.memory_space<hbm>> -> memref<16xi32, #tpu.memory_space<hbm>>
        tpu.wait_dma2 semaphore(%run_scoped3A : memref<!tpu.dma_semaphore, #tpu.memory_space<semaphore_mem>>) src(%dma_wait3A_533 : memref<16xi32, #tpu.memory_space<hbm>>) dst(%arg9 : memref<16xi32, #tpu.memory_space<vmem>>)
        tpu.yield
      }) : () -> ()
      "tpu.region"() ({
        %run_scoped3A = tpu.sem_alloc : memref<!tpu.dma_semaphore, #tpu.memory_space<semaphore_mem>>
        %dma_start3A_530 = tpu.memref_slice %arg6[%mul3A_389] : memref<321024xi32, #tpu.memory_space<hbm>> -> memref<16xi32, #tpu.memory_space<hbm>>
        %dma_start3A_531 = tpu.memref_slice %arg6[%mul3A_389] : memref<321024xi32, #tpu.memory_space<hbm>> -> memref<16xi32, #tpu.memory_space<hbm>>
        tpu.enqueue_dma source(%dma_start3A_531 : memref<16xi32, #tpu.memory_space<hbm>>) target(%arg11 : memref<16xi32, #tpu.memory_space<vmem>>) target_semaphore(%run_scoped3A : memref<!tpu.dma_semaphore, #tpu.memory_space<semaphore_mem>>)
        %dma_wait3A_532 = tpu.memref_slice %arg6[%mul3A_389] : memref<321024xi32, #tpu.memory_space<hbm>> -> memref<16xi32, #tpu.memory_space<hbm>>
        %dma_wait3A_533 = tpu.memref_slice %arg6[%mul3A_389] : memref<321024xi32, #tpu.memory_space<hbm>> -> memref<16xi32, #tpu.memory_space<hbm>>
        tpu.wait_dma2 semaphore(%run_scoped3A : memref<!tpu.dma_semaphore, #tpu.memory_space<semaphore_mem>>) src(%dma_wait3A_533 : memref<16xi32, #tpu.memory_space<hbm>>) dst(%arg11 : memref<16xi32, #tpu.memory_space<vmem>>)
        tpu.yield
      }) : () -> ()
      %dma_start3A_390 = arith.constant 0 : i32
      %dma_start3A_391 = arith.constant 0 : i32
      %dma_start3A_392 = tpu.memref_slice %arg2[%dma_start3A_390, %dma_start3A_391] : memref<10000x256xf32, #tpu.memory_space<hbm>> -> memref<10000x256xf32, #tpu.memory_space<hbm>>
      tpu.enqueue_indirect_dma source(%dma_start3A_392 : memref<10000x256xf32, #tpu.memory_space<hbm>>) target(%arg13 : memref<16x256xf32, #tpu.memory_space<vmem>>) offsets(%arg9 : memref<16xi32, #tpu.memory_space<vmem>>) semaphore(%arg28 : memref<!tpu.dma_semaphore, #tpu.memory_space<semaphore_mem>>)
      %dma_start3A_393 = arith.constant 0 : i32
      %dma_start3A_394 = arith.constant 0 : i32
      %dma_start3A_395 = tpu.memref_slice %arg3[%dma_start3A_393, %dma_start3A_394] : memref<10000x128xf32, #tpu.memory_space<hbm>> -> memref<10000x128xf32, #tpu.memory_space<hbm>>
      tpu.enqueue_indirect_dma source(%dma_start3A_395 : memref<10000x128xf32, #tpu.memory_space<hbm>>) target(%arg15 : memref<16x128xf32, #tpu.memory_space<vmem>>) offsets(%arg11 : memref<16xi32, #tpu.memory_space<vmem>>) semaphore(%arg30 : memref<!tpu.dma_semaphore, #tpu.memory_space<semaphore_mem>>)
      %dma_start3A_396 = arith.constant 0 : i32
      %dma_start3A_397 = tpu.memref_slice %arg4[%mul3A_389, %dma_start3A_396] : memref<321024x128xf32, #tpu.memory_space<hbm>> -> memref<16x128xf32, #tpu.memory_space<hbm>>
      %dma_start3A_398 = arith.constant 0 : i32
      %dma_start3A_399 = tpu.memref_slice %arg4[%mul3A_389, %dma_start3A_398] : memref<321024x128xf32, #tpu.memory_space<hbm>> -> memref<16x128xf32, #tpu.memory_space<hbm>>
      tpu.enqueue_dma source(%dma_start3A_399 : memref<16x128xf32, #tpu.memory_space<hbm>>) target(%arg17 : memref<16x128xf32, #tpu.memory_space<vmem>>) target_semaphore(%arg32 : memref<!tpu.dma_semaphore, #tpu.memory_space<semaphore_mem>>)
      %mul3A_400 = arith.constant 2 : i32
      %mul3A_401 = arith.muli %mul3A_400, %scan3A_233 : i32
      %add3A_402 = arith.constant 1 : i32
      %add3A_403 = arith.addi %mul3A_401, %add3A_402 : i32
      %mul3A_404 = arith.constant 32 : i32
      %mul3A_405 = arith.muli %mul3A_404, %add3A_403 : i32
      %add3A_406 = arith.addi %add3A, %mul3A_405 : i32
      %mul3A_407 = arith.constant 16 : i32
      %mul3A_408 = arith.muli %add3A_406, %mul3A_407 : i32
      %dma_wait3A_409 = arith.constant 0 : i32
      %dma_wait3A_410 = arith.constant 0 : i32
      %dma_wait3A_411 = tpu.memref_slice %arg2[%dma_wait3A_409, %dma_wait3A_410] : memref<10000x256xf32, #tpu.memory_space<hbm>> -> memref<16x256xf32, #tpu.memory_space<hbm>>
      %dma_wait3A_412 = arith.constant 0 : i32
      %dma_wait3A_413 = arith.constant 0 : i32
      %dma_wait3A_414 = tpu.memref_slice %arg2[%dma_wait3A_412, %dma_wait3A_413] : memref<10000x256xf32, #tpu.memory_space<hbm>> -> memref<16x256xf32, #tpu.memory_space<hbm>>
      tpu.wait_dma2 semaphore(%arg29 : memref<!tpu.dma_semaphore, #tpu.memory_space<semaphore_mem>>) src(%dma_wait3A_414 : memref<16x256xf32, #tpu.memory_space<hbm>>) dst(%arg14 : memref<16x256xf32, #tpu.memory_space<vmem>>)
      %dma_wait3A_415 = arith.constant 0 : i32
      %dma_wait3A_416 = arith.constant 0 : i32
      %dma_wait3A_417 = tpu.memref_slice %arg3[%dma_wait3A_415, %dma_wait3A_416] : memref<10000x128xf32, #tpu.memory_space<hbm>> -> memref<16x128xf32, #tpu.memory_space<hbm>>
      %dma_wait3A_418 = arith.constant 0 : i32
      %dma_wait3A_419 = arith.constant 0 : i32
      %dma_wait3A_420 = tpu.memref_slice %arg3[%dma_wait3A_418, %dma_wait3A_419] : memref<10000x128xf32, #tpu.memory_space<hbm>> -> memref<16x128xf32, #tpu.memory_space<hbm>>
      tpu.wait_dma2 semaphore(%arg31 : memref<!tpu.dma_semaphore, #tpu.memory_space<semaphore_mem>>) src(%dma_wait3A_420 : memref<16x128xf32, #tpu.memory_space<hbm>>) dst(%arg16 : memref<16x128xf32, #tpu.memory_space<vmem>>)
      %dma_wait3A_421 = arith.constant 0 : i32
      %dma_wait3A_422 = arith.constant 0 : i32
      %dma_wait3A_423 = tpu.memref_slice %arg4[%dma_wait3A_421, %dma_wait3A_422] : memref<321024x128xf32, #tpu.memory_space<hbm>> -> memref<16x128xf32, #tpu.memory_space<hbm>>
      %dma_wait3A_424 = arith.constant 0 : i32
      %dma_wait3A_425 = arith.constant 0 : i32
      %dma_wait3A_426 = tpu.memref_slice %arg4[%dma_wait3A_424, %dma_wait3A_425] : memref<321024x128xf32, #tpu.memory_space<hbm>> -> memref<16x128xf32, #tpu.memory_space<hbm>>
      tpu.wait_dma2 semaphore(%arg33 : memref<!tpu.dma_semaphore, #tpu.memory_space<semaphore_mem>>) src(%dma_wait3A_426 : memref<16x128xf32, #tpu.memory_space<hbm>>) dst(%arg18 : memref<16x128xf32, #tpu.memory_space<vmem>>)
      %scan3A_427 = arith.constant 0 : i32
      %scan3A_428 = arith.constant 0 : i32
      %mul3A_429 = arith.constant 16 : i32
      %mul3A_430 = arith.muli %scan3A_428, %mul3A_429 : i32
      %get3A_431 = arith.index_cast %mul3A_430 : i32 to index
      %get3A_432 = tpu.vector_load %arg12[%get3A_431] {strides = array<i32>} : memref<16xi32, #tpu.memory_space<vmem>>, vector<16xi32>,
      %get3A_433 = vector.shape_cast %get3A_432 : vector<16xi32> to vector<16xi32>
      %convert_element_type3A_434 = arith.sitofp %get3A_433 : vector<16xi32> to vector<16xf32>
      %broadcast_in_dim3A_435 = arith.constant 0.000000e+00 : f32
      %broadcast_in_dim3A_436 = vector.broadcast %broadcast_in_dim3A_435 : f32 to vector<16xf32>
      %sub3A_437 = arith.constant 1.249000e+03 : f32
      %sub3A_438 = vector.broadcast %sub3A_437 : f32 to vector<16xf32>
      %sub3A_439 = arith.subf %convert_element_type3A_434, %sub3A_438 : vector<16xf32>
      %jit3A_440 = arith.constant 0.000000e+00 : f32
      %jit3A_441 = arith.constant 1.000000e+00 : f32
      %max3A_442 = vector.broadcast %jit3A_440 : f32 to vector<16xf32>
      %max3A_443 = arith.maximumf %max3A_442, %sub3A_439 : vector<16xf32>
      %min3A_444 = vector.broadcast %jit3A_441 : f32 to vector<16xf32>
      %min3A_445 = arith.minimumf %min3A_444, %max3A_443 : vector<16xf32>
      %add3A_446 = arith.addf %broadcast_in_dim3A_436, %min3A_445 : vector<16xf32>
      %sub3A_447 = arith.constant 2.499000e+03 : f32
      %sub3A_448 = vector.broadcast %sub3A_447 : f32 to vector<16xf32>
      %sub3A_449 = arith.subf %convert_element_type3A_434, %sub3A_448 : vector<16xf32>
      %jit3A_450 = arith.constant 0.000000e+00 : f32
      %jit3A_451 = arith.constant 1.000000e+00 : f32
      %max3A_452 = vector.broadcast %jit3A_450 : f32 to vector<16xf32>
      %max3A_453 = arith.maximumf %max3A_452, %sub3A_449 : vector<16xf32>
      %min3A_454 = vector.broadcast %jit3A_451 : f32 to vector<16xf32>
      %min3A_455 = arith.minimumf %min3A_454, %max3A_453 : vector<16xf32>
      %add3A_456 = arith.addf %add3A_446, %min3A_455 : vector<16xf32>
      %sub3A_457 = arith.constant 3.749000e+03 : f32
      %sub3A_458 = vector.broadcast %sub3A_457 : f32 to vector<16xf32>
      %sub3A_459 = arith.subf %convert_element_type3A_434, %sub3A_458 : vector<16xf32>
      %jit3A_460 = arith.constant 0.000000e+00 : f32
      %jit3A_461 = arith.constant 1.000000e+00 : f32
      %max3A_462 = vector.broadcast %jit3A_460 : f32 to vector<16xf32>
      %max3A_463 = arith.maximumf %max3A_462, %sub3A_459 : vector<16xf32>
      %min3A_464 = vector.broadcast %jit3A_461 : f32 to vector<16xf32>
      %min3A_465 = arith.minimumf %min3A_464, %max3A_463 : vector<16xf32>
      %add3A_466 = arith.addf %add3A_456, %min3A_465 : vector<16xf32>
      %sub3A_467 = arith.constant 4.999000e+03 : f32
      %sub3A_468 = vector.broadcast %sub3A_467 : f32 to vector<16xf32>
      %sub3A_469 = arith.subf %convert_element_type3A_434, %sub3A_468 : vector<16xf32>
      %jit3A_470 = arith.constant 0.000000e+00 : f32
      %jit3A_471 = arith.constant 1.000000e+00 : f32
      %max3A_472 = vector.broadcast %jit3A_470 : f32 to vector<16xf32>
      %max3A_473 = arith.maximumf %max3A_472, %sub3A_469 : vector<16xf32>
      %min3A_474 = vector.broadcast %jit3A_471 : f32 to vector<16xf32>
      %min3A_475 = arith.minimumf %min3A_474, %max3A_473 : vector<16xf32>
      %add3A_476 = arith.addf %add3A_466, %min3A_475 : vector<16xf32>
      %sub3A_477 = arith.constant 6.249000e+03 : f32
      %sub3A_478 = vector.broadcast %sub3A_477 : f32 to vector<16xf32>
      %sub3A_479 = arith.subf %convert_element_type3A_434, %sub3A_478 : vector<16xf32>
      %jit3A_480 = arith.constant 0.000000e+00 : f32
      %jit3A_481 = arith.constant 1.000000e+00 : f32
      %max3A_482 = vector.broadcast %jit3A_480 : f32 to vector<16xf32>
      %max3A_483 = arith.maximumf %max3A_482, %sub3A_479 : vector<16xf32>
      %min3A_484 = vector.broadcast %jit3A_481 : f32 to vector<16xf32>
      %min3A_485 = arith.minimumf %min3A_484, %max3A_483 : vector<16xf32>
      %add3A_486 = arith.addf %add3A_476, %min3A_485 : vector<16xf32>
      %sub3A_487 = arith.constant 7.499000e+03 : f32
      %sub3A_488 = vector.broadcast %sub3A_487 : f32 to vector<16xf32>
      %sub3A_489 = arith.subf %convert_element_type3A_434, %sub3A_488 : vector<16xf32>
      %jit3A_490 = arith.constant 0.000000e+00 : f32
      %jit3A_491 = arith.constant 1.000000e+00 : f32
      %max3A_492 = vector.broadcast %jit3A_490 : f32 to vector<16xf32>
      %max3A_493 = arith.maximumf %max3A_492, %sub3A_489 : vector<16xf32>
      %min3A_494 = vector.broadcast %jit3A_491 : f32 to vector<16xf32>
      %min3A_495 = arith.minimumf %min3A_494, %max3A_493 : vector<16xf32>
      %add3A_496 = arith.addf %add3A_486, %min3A_495 : vector<16xf32>
      %sub3A_497 = arith.constant 8.749000e+03 : f32
      %sub3A_498 = vector.broadcast %sub3A_497 : f32 to vector<16xf32>
      %sub3A_499 = arith.subf %convert_element_type3A_434, %sub3A_498 : vector<16xf32>
      %jit3A_500 = arith.constant 0.000000e+00 : f32
      %jit3A_501 = arith.constant 1.000000e+00 : f32
      %max3A_502 = vector.broadcast %jit3A_500 : f32 to vector<16xf32>
      %max3A_503 = arith.maximumf %max3A_502, %sub3A_499 : vector<16xf32>
      %min3A_504 = vector.broadcast %jit3A_501 : f32 to vector<16xf32>
      %min3A_505 = arith.minimumf %min3A_504, %max3A_503 : vector<16xf32>
      %add3A_506 = arith.addf %add3A_496, %min3A_505 : vector<16xf32>
      %mul3A_507 = arith.constant 1.250000e+03 : f32
      %mul3A_508 = vector.broadcast %mul3A_507 : f32 to vector<16xf32>
      %mul3A_509 = arith.mulf %mul3A_508, %add3A_506 : vector<16xf32>
      %sub3A_510 = arith.subf %convert_element_type3A_434, %mul3A_509 : vector<16xf32>
      %convert_element_type3A_511 = arith.fptosi %sub3A_510 : vector<16xf32> to vector<16xi32>
      %mul3A_512 = arith.constant 16 : i32
      %mul3A_513 = arith.muli %scan3A_428, %mul3A_512 : i32
      %swap3A_514 = arith.index_cast %mul3A_513 : i32 to index
      %swap3A_515 = tpu.vector_load %arg19[%swap3A_514] {strides = array<i32>} : memref<16xi32, #tpu.memory_space<vmem>>, vector<16xi32>,
      %swap3A_516 = vector.shape_cast %swap3A_515 : vector<16xi32> to vector<16xi32>
      %swap3A_517 = vector.shape_cast %convert_element_type3A_511 : vector<16xi32> to vector<16xi32>
      tpu.vector_store %arg19[%swap3A_514], %swap3A_517 {strides = array<i32>} : memref<16xi32, #tpu.memory_space<vmem>>, vector<16xi32>,
      %swap3A_518 = arith.index_cast %scan3A_428 : i32 to index
      %swap3A_519 = arith.constant 0 : index
      %swap3A_520 = tpu.vector_load %arg23[%swap3A_518, %swap3A_519] {strides = array<i32>} : memref<1x16xf32, #tpu.memory_space<vmem>>, vector<1x16xf32>,
      %swap3A_521 = vector.shape_cast %swap3A_520 : vector<1x16xf32> to vector<16xf32>
      %swap3A_522 = vector.shape_cast %add3A_506 : vector<16xf32> to vector<1x16xf32>
      tpu.vector_store %arg23[%swap3A_518, %swap3A_519], %swap3A_522 {strides = array<i32>} : memref<1x16xf32, #tpu.memory_space<vmem>>, vector<1x16xf32>,
      %scan3A_523 = arith.constant 1 : i32
      %scan3A_524 = arith.constant 0 : i32
      %scan3A_525 = arith.constant 0 : i32
      %scan3A_526 = arith.constant 16 : i32
      %scan3A_527 = arith.addi %scan3A_525, %scan3A_526 : i32
      %scan3A_528 = arith.constant 1 : i32
      scf.for %scan3A_530 = %scan3A_525 to %scan3A_527 step %scan3A_528  : i32 {
        %get3A_531 = arith.index_cast %scan3A_530 : i32 to index
        %get3A_532 = arith.constant 0 : index
        %get3A_533 = tpu.vector_load %arg24[%get3A_531, %get3A_532] {strides = array<i32>} : memref<16x16xf32, #tpu.memory_space<vmem>>, vector<1x16xf32>,
        %get3A_534 = vector.shape_cast %get3A_533 : vector<1x16xf32> to vector<16xf32>
        %jit3A_535 = arith.constant 16 : i32
        %div3A_536 = arith.divsi %scan3A_530, %jit3A_535 : i32
        %sign3A_537 = arith.constant 0 : i32
        %sign3A_538 = arith.cmpi sgt, %scan3A_530, %sign3A_537 : i32
        %sign3A_539 = arith.extui %sign3A_538 : i1 to i32
        %sign3A_540 = arith.constant 0 : i32
        %sign3A_541 = arith.cmpi slt, %scan3A_530, %sign3A_540 : i32
        %sign3A_542 = arith.extui %sign3A_541 : i1 to i32
        %sign3A_543 = arith.subi %sign3A_539, %sign3A_542 : i32
        %sign3A_544 = arith.constant 0 : i32
        %sign3A_545 = arith.cmpi sgt, %jit3A_535, %sign3A_544 : i32
        %sign3A_546 = arith.extui %sign3A_545 : i1 to i32
        %sign3A_547 = arith.constant 0 : i32
        %sign3A_548 = arith.cmpi slt, %jit3A_535, %sign3A_547 : i32
        %sign3A_549 = arith.extui %sign3A_548 : i1 to i32
        %sign3A_550 = arith.subi %sign3A_546, %sign3A_549 : i32
        %ne3A_551 = arith.cmpi ne, %sign3A_543, %sign3A_550 : i32
        %rem3A_552 = arith.remsi %scan3A_530, %jit3A_535 : i32
        %ne3A_553 = arith.constant 0 : i32
        %ne3A_554 = arith.cmpi ne, %rem3A_552, %ne3A_553 : i32
        %and3A_555 = arith.andi %ne3A_551, %ne3A_554 : i1
        %sub3A_556 = arith.constant 1 : i32
        %sub3A_557 = arith.subi %div3A_536, %sub3A_556 : i32
        %select_n3A_558 = arith.select %and3A_555, %sub3A_557, %div3A_536 : i32
        %get3A_559 = arith.index_cast %select_n3A_558 : i32 to index
        %get3A_560 = arith.constant 0 : index
        %get3A_561 = tpu.vector_load %arg23[%get3A_559, %get3A_560] {strides = array<i32>} : memref<1x16xf32, #tpu.memory_space<vmem>>, vector<1x16xf32>,
        %get3A_562 = vector.shape_cast %get3A_561 : vector<1x16xf32> to vector<16xf32>
        %jit3A_563 = arith.constant 16 : i32
        %eq3A = arith.constant 0 : i32
        %eq3A_564 = arith.cmpi eq, %jit3A_563, %eq3A : i32
        %jit3A_565 = arith.constant 1 : i32
        %select_n3A_566 = arith.select %eq3A_564, %jit3A_565, %jit3A_563 : i32
        %rem3A_567 = arith.remsi %scan3A_530, %select_n3A_566 : i32
        %ne3A_568 = arith.constant 0 : i32
        %ne3A_569 = arith.cmpi ne, %rem3A_567, %ne3A_568 : i32
        %lt3A = arith.constant 0 : i32
        %lt3A_570 = arith.cmpi slt, %rem3A_567, %lt3A : i32
        %lt3A_571 = arith.constant 0 : i32
        %lt3A_572 = arith.cmpi slt, %select_n3A_566, %lt3A_571 : i32
        %ne3A_573 = arith.xori %lt3A_570, %lt3A_572 : i1
        %and3A_574 = arith.andi %ne3A_573, %ne3A_569 : i1
        %add3A_575 = arith.addi %rem3A_567, %select_n3A_566 : i32
        %select_n3A_576 = arith.select %and3A_574, %add3A_575, %rem3A_567 : i32
        %broadcast_in_dim3A_577 = vector.broadcast %select_n3A_576 : i32 to vector<16xi32>
        %broadcast_in_dim3A_578 = vector.shape_cast %broadcast_in_dim3A_577 : vector<16xi32> to vector<16x1xi32>
        %gather3A = vector.shape_cast %broadcast_in_dim3A_578 : vector<16x1xi32> to vector<16xi32>
        %gather3A_579 = tpu.dynamic_gather %get3A_562[%gather3A] in [0] : vector<16xf32>, vector<16xi32> -> vector<16xf32>
        %sub3A_580 = arith.constant 0.000000e+00 : f32
        %sub3A_581 = vector.broadcast %sub3A_580 : f32 to vector<16xf32>
        %sub3A_582 = arith.subf %gather3A_579, %sub3A_581 : vector<16xf32>
        %mul3A_583 = arith.mulf %sub3A_582, %sub3A_582 : vector<16xf32>
        %sub3A_584 = arith.constant 1.000000e+00 : f32
        %sub3A_585 = vector.broadcast %sub3A_584 : f32 to vector<16xf32>
        %sub3A_586 = arith.subf %sub3A_585, %mul3A_583 : vector<16xf32>
        %max3A_587 = arith.constant 0.000000e+00 : f32
        %max3A_588 = vector.broadcast %max3A_587 : f32 to vector<16xf32>
        %max3A_589 = arith.maximumf %sub3A_586, %max3A_588 : vector<16xf32>
        %mul3A_590 = arith.mulf %max3A_589, %get3A_534 : vector<16xf32>
        %swap3A_591 = arith.index_cast %scan3A_530 : i32 to index
        %swap3A_592 = arith.constant 0 : index
        %swap3A_593 = tpu.vector_load %arg22[%swap3A_591, %swap3A_592] {strides = array<i32>} : memref<16x128xf32, #tpu.memory_space<vmem>>, vector<1x16xf32>,
        %swap3A_594 = vector.shape_cast %swap3A_593 : vector<1x16xf32> to vector<16xf32>
        %swap3A_595 = vector.shape_cast %mul3A_590 : vector<16xf32> to vector<1x16xf32>
        tpu.vector_store %arg22[%swap3A_591, %swap3A_592], %swap3A_595 {strides = array<i32>} : memref<16x128xf32, #tpu.memory_space<vmem>>, vector<1x16xf32>,
        %sub3A_596 = arith.constant 1.000000e+00 : f32
        %sub3A_597 = vector.broadcast %sub3A_596 : f32 to vector<16xf32>
        %sub3A_598 = arith.subf %gather3A_579, %sub3A_597 : vector<16xf32>
        %mul3A_599 = arith.mulf %sub3A_598, %sub3A_598 : vector<16xf32>
        %sub3A_600 = arith.constant 1.000000e+00 : f32
        %sub3A_601 = vector.broadcast %sub3A_600 : f32 to vector<16xf32>
        %sub3A_602 = arith.subf %sub3A_601, %mul3A_599 : vector<16xf32>
        %max3A_603 = arith.constant 0.000000e+00 : f32
        %max3A_604 = vector.broadcast %max3A_603 : f32 to vector<16xf32>
        %max3A_605 = arith.maximumf %sub3A_602, %max3A_604 : vector<16xf32>
        %mul3A_606 = arith.mulf %max3A_605, %get3A_534 : vector<16xf32>
        %swap3A_607 = arith.index_cast %scan3A_530 : i32 to index
        %swap3A_608 = arith.constant 16 : index
        %swap3A_609 = tpu.vector_load %arg22[%swap3A_607, %swap3A_608] {strides = array<i32>} : memref<16x128xf32, #tpu.memory_space<vmem>>, vector<1x16xf32>,
        %swap3A_610 = vector.shape_cast %swap3A_609 : vector<1x16xf32> to vector<16xf32>
        %swap3A_611 = vector.shape_cast %mul3A_606 : vector<16xf32> to vector<1x16xf32>
        tpu.vector_store %arg22[%swap3A_607, %swap3A_608], %swap3A_611 {strides = array<i32>} : memref<16x128xf32, #tpu.memory_space<vmem>>, vector<1x16xf32>,
        %sub3A_612 = arith.constant 2.000000e+00 : f32
        %sub3A_613 = vector.broadcast %sub3A_612 : f32 to vector<16xf32>
        %sub3A_614 = arith.subf %gather3A_579, %sub3A_613 : vector<16xf32>
        %mul3A_615 = arith.mulf %sub3A_614, %sub3A_614 : vector<16xf32>
        %sub3A_616 = arith.constant 1.000000e+00 : f32
        %sub3A_617 = vector.broadcast %sub3A_616 : f32 to vector<16xf32>
        %sub3A_618 = arith.subf %sub3A_617, %mul3A_615 : vector<16xf32>
        %max3A_619 = arith.constant 0.000000e+00 : f32
        %max3A_620 = vector.broadcast %max3A_619 : f32 to vector<16xf32>
        %max3A_621 = arith.maximumf %sub3A_618, %max3A_620 : vector<16xf32>
        %mul3A_622 = arith.mulf %max3A_621, %get3A_534 : vector<16xf32>
        %swap3A_623 = arith.index_cast %scan3A_530 : i32 to index
        %swap3A_624 = arith.constant 32 : index
        %swap3A_625 = tpu.vector_load %arg22[%swap3A_623, %swap3A_624] {strides = array<i32>} : memref<16x128xf32, #tpu.memory_space<vmem>>, vector<1x16xf32>,
        %swap3A_626 = vector.shape_cast %swap3A_625 : vector<1x16xf32> to vector<16xf32>
        %swap3A_627 = vector.shape_cast %mul3A_622 : vector<16xf32> to vector<1x16xf32>
        tpu.vector_store %arg22[%swap3A_623, %swap3A_624], %swap3A_627 {strides = array<i32>} : memref<16x128xf32, #tpu.memory_space<vmem>>, vector<1x16xf32>,
        %sub3A_628 = arith.constant 3.000000e+00 : f32
        %sub3A_629 = vector.broadcast %sub3A_628 : f32 to vector<16xf32>
        %sub3A_630 = arith.subf %gather3A_579, %sub3A_629 : vector<16xf32>
        %mul3A_631 = arith.mulf %sub3A_630, %sub3A_630 : vector<16xf32>
        %sub3A_632 = arith.constant 1.000000e+00 : f32
        %sub3A_633 = vector.broadcast %sub3A_632 : f32 to vector<16xf32>
        %sub3A_634 = arith.subf %sub3A_633, %mul3A_631 : vector<16xf32>
        %max3A_635 = arith.constant 0.000000e+00 : f32
        %max3A_636 = vector.broadcast %max3A_635 : f32 to vector<16xf32>
        %max3A_637 = arith.maximumf %sub3A_634, %max3A_636 : vector<16xf32>
        %mul3A_638 = arith.mulf %max3A_637, %get3A_534 : vector<16xf32>
        %swap3A_639 = arith.index_cast %scan3A_530 : i32 to index
        %swap3A_640 = arith.constant 48 : index
        %swap3A_641 = tpu.vector_load %arg22[%swap3A_639, %swap3A_640] {strides = array<i32>} : memref<16x128xf32, #tpu.memory_space<vmem>>, vector<1x16xf32>,
        %swap3A_642 = vector.shape_cast %swap3A_641 : vector<1x16xf32> to vector<16xf32>
        %swap3A_643 = vector.shape_cast %mul3A_638 : vector<16xf32> to vector<1x16xf32>
        tpu.vector_store %arg22[%swap3A_639, %swap3A_640], %swap3A_643 {strides = array<i32>} : memref<16x128xf32, #tpu.memory_space<vmem>>, vector<1x16xf32>,
        %sub3A_644 = arith.constant 4.000000e+00 : f32
        %sub3A_645 = vector.broadcast %sub3A_644 : f32 to vector<16xf32>
        %sub3A_646 = arith.subf %gather3A_579, %sub3A_645 : vector<16xf32>
        %mul3A_647 = arith.mulf %sub3A_646, %sub3A_646 : vector<16xf32>
        %sub3A_648 = arith.constant 1.000000e+00 : f32
        %sub3A_649 = vector.broadcast %sub3A_648 : f32 to vector<16xf32>
        %sub3A_650 = arith.subf %sub3A_649, %mul3A_647 : vector<16xf32>
        %max3A_651 = arith.constant 0.000000e+00 : f32
        %max3A_652 = vector.broadcast %max3A_651 : f32 to vector<16xf32>
        %max3A_653 = arith.maximumf %sub3A_650, %max3A_652 : vector<16xf32>
        %mul3A_654 = arith.mulf %max3A_653, %get3A_534 : vector<16xf32>
        %swap3A_655 = arith.index_cast %scan3A_530 : i32 to index
        %swap3A_656 = arith.constant 64 : index
        %swap3A_657 = tpu.vector_load %arg22[%swap3A_655, %swap3A_656] {strides = array<i32>} : memref<16x128xf32, #tpu.memory_space<vmem>>, vector<1x16xf32>,
        %swap3A_658 = vector.shape_cast %swap3A_657 : vector<1x16xf32> to vector<16xf32>
        %swap3A_659 = vector.shape_cast %mul3A_654 : vector<16xf32> to vector<1x16xf32>
        tpu.vector_store %arg22[%swap3A_655, %swap3A_656], %swap3A_659 {strides = array<i32>} : memref<16x128xf32, #tpu.memory_space<vmem>>, vector<1x16xf32>,
        %sub3A_660 = arith.constant 5.000000e+00 : f32
        %sub3A_661 = vector.broadcast %sub3A_660 : f32 to vector<16xf32>
        %sub3A_662 = arith.subf %gather3A_579, %sub3A_661 : vector<16xf32>
        %mul3A_663 = arith.mulf %sub3A_662, %sub3A_662 : vector<16xf32>
        %sub3A_664 = arith.constant 1.000000e+00 : f32
        %sub3A_665 = vector.broadcast %sub3A_664 : f32 to vector<16xf32>
        %sub3A_666 = arith.subf %sub3A_665, %mul3A_663 : vector<16xf32>
        %max3A_667 = arith.constant 0.000000e+00 : f32
        %max3A_668 = vector.broadcast %max3A_667 : f32 to vector<16xf32>
        %max3A_669 = arith.maximumf %sub3A_666, %max3A_668 : vector<16xf32>
        %mul3A_670 = arith.mulf %max3A_669, %get3A_534 : vector<16xf32>
        %swap3A_671 = arith.index_cast %scan3A_530 : i32 to index
        %swap3A_672 = arith.constant 80 : index
        %swap3A_673 = tpu.vector_load %arg22[%swap3A_671, %swap3A_672] {strides = array<i32>} : memref<16x128xf32, #tpu.memory_space<vmem>>, vector<1x16xf32>,
        %swap3A_674 = vector.shape_cast %swap3A_673 : vector<1x16xf32> to vector<16xf32>
        %swap3A_675 = vector.shape_cast %mul3A_670 : vector<16xf32> to vector<1x16xf32>
        tpu.vector_store %arg22[%swap3A_671, %swap3A_672], %swap3A_675 {strides = array<i32>} : memref<16x128xf32, #tpu.memory_space<vmem>>, vector<1x16xf32>,
        %sub3A_676 = arith.constant 6.000000e+00 : f32
        %sub3A_677 = vector.broadcast %sub3A_676 : f32 to vector<16xf32>
        %sub3A_678 = arith.subf %gather3A_579, %sub3A_677 : vector<16xf32>
        %mul3A_679 = arith.mulf %sub3A_678, %sub3A_678 : vector<16xf32>
        %sub3A_680 = arith.constant 1.000000e+00 : f32
        %sub3A_681 = vector.broadcast %sub3A_680 : f32 to vector<16xf32>
        %sub3A_682 = arith.subf %sub3A_681, %mul3A_679 : vector<16xf32>
        %max3A_683 = arith.constant 0.000000e+00 : f32
        %max3A_684 = vector.broadcast %max3A_683 : f32 to vector<16xf32>
        %max3A_685 = arith.maximumf %sub3A_682, %max3A_684 : vector<16xf32>
        %mul3A_686 = arith.mulf %max3A_685, %get3A_534 : vector<16xf32>
        %swap3A_687 = arith.index_cast %scan3A_530 : i32 to index
        %swap3A_688 = arith.constant 96 : index
        %swap3A_689 = tpu.vector_load %arg22[%swap3A_687, %swap3A_688] {strides = array<i32>} : memref<16x128xf32, #tpu.memory_space<vmem>>, vector<1x16xf32>,
        %swap3A_690 = vector.shape_cast %swap3A_689 : vector<1x16xf32> to vector<16xf32>
        %swap3A_691 = vector.shape_cast %mul3A_686 : vector<16xf32> to vector<1x16xf32>
        tpu.vector_store %arg22[%swap3A_687, %swap3A_688], %swap3A_691 {strides = array<i32>} : memref<16x128xf32, #tpu.memory_space<vmem>>, vector<1x16xf32>,
        %sub3A_692 = arith.constant 7.000000e+00 : f32
        %sub3A_693 = vector.broadcast %sub3A_692 : f32 to vector<16xf32>
        %sub3A_694 = arith.subf %gather3A_579, %sub3A_693 : vector<16xf32>
        %mul3A_695 = arith.mulf %sub3A_694, %sub3A_694 : vector<16xf32>
        %sub3A_696 = arith.constant 1.000000e+00 : f32
        %sub3A_697 = vector.broadcast %sub3A_696 : f32 to vector<16xf32>
        %sub3A_698 = arith.subf %sub3A_697, %mul3A_695 : vector<16xf32>
        %max3A_699 = arith.constant 0.000000e+00 : f32
        %max3A_700 = vector.broadcast %max3A_699 : f32 to vector<16xf32>
        %max3A_701 = arith.maximumf %sub3A_698, %max3A_700 : vector<16xf32>
        %mul3A_702 = arith.mulf %max3A_701, %get3A_534 : vector<16xf32>
        %swap3A_703 = arith.index_cast %scan3A_530 : i32 to index
        %swap3A_704 = arith.constant 112 : index
        %swap3A_705 = tpu.vector_load %arg22[%swap3A_703, %swap3A_704] {strides = array<i32>} : memref<16x128xf32, #tpu.memory_space<vmem>>, vector<1x16xf32>,
        %swap3A_706 = vector.shape_cast %swap3A_705 : vector<1x16xf32> to vector<16xf32>
        %swap3A_707 = vector.shape_cast %mul3A_702 : vector<16xf32> to vector<1x16xf32>
        tpu.vector_store %arg22[%swap3A_703, %swap3A_704], %swap3A_707 {strides = array<i32>} : memref<16x128xf32, #tpu.memory_space<vmem>>, vector<1x16xf32>,
      }
      %scan3A_529 = arith.constant 16 : i32
      "tpu.region"() ({
        %run_scoped3A = tpu.sem_alloc : memref<!tpu.dma_semaphore, #tpu.memory_space<semaphore_mem>>
        %dma_start3A_530 = arith.constant 0 : i32
        %dma_start3A_531 = arith.constant 0 : i32
        %dma_start3A_532 = tpu.memref_slice %arg26[%dma_start3A_530, %dma_start3A_531] : memref<10016x128xf32, #tpu.memory_space<vmem_shared>> -> memref<10016x128xf32, #tpu.memory_space<vmem_shared>>
        tpu.enqueue_indirect_dma source(%arg21 : memref<16x128xf32, #tpu.memory_space<vmem>>) target(%dma_start3A_532 : memref<10016x128xf32, #tpu.memory_space<vmem_shared>>) offsets(%arg12 : memref<16xi32, #tpu.memory_space<vmem>>) semaphore(%run_scoped3A : memref<!tpu.dma_semaphore, #tpu.memory_space<semaphore_mem>>) {add = true}
        %dma_wait3A_533 = arith.constant 0 : i32
        %dma_wait3A_534 = arith.constant 0 : i32
        %dma_wait3A_535 = tpu.memref_slice %arg26[%dma_wait3A_533, %dma_wait3A_534] : memref<10016x128xf32, #tpu.memory_space<vmem_shared>> -> memref<10016x128xf32, #tpu.memory_space<vmem_shared>>
        tpu.wait_indirect_dma semaphore(%run_scoped3A : memref<!tpu.dma_semaphore, #tpu.memory_space<semaphore_mem>>) src(%arg21 : memref<16x128xf32, #tpu.memory_space<vmem>>) dst(%dma_wait3A_535 : memref<10016x128xf32, #tpu.memory_space<vmem_shared>>)
        tpu.yield
      }) : () -> ()
      "tpu.region"() ({
        %run_scoped3A = tpu.sem_alloc : memref<!tpu.dma_semaphore, #tpu.memory_space<semaphore_mem>>
        %dma_start3A_530 = arith.constant 0 : i32
        %dma_start3A_531 = arith.constant 0 : i32
        %dma_start3A_532 = tpu.memref_slice %arg27[%dma_start3A_530, %dma_start3A_531] : memref<1280x128xf32, #tpu.memory_space<vmem_shared>> -> memref<1280x128xf32, #tpu.memory_space<vmem_shared>>
        tpu.enqueue_indirect_dma source(%arg22 : memref<16x128xf32, #tpu.memory_space<vmem>>) target(%dma_start3A_532 : memref<1280x128xf32, #tpu.memory_space<vmem_shared>>) offsets(%arg19 : memref<16xi32, #tpu.memory_space<vmem>>) semaphore(%run_scoped3A : memref<!tpu.dma_semaphore, #tpu.memory_space<semaphore_mem>>) {add = true}
        %dma_wait3A_533 = arith.constant 0 : i32
        %dma_wait3A_534 = arith.constant 0 : i32
        %dma_wait3A_535 = tpu.memref_slice %arg27[%dma_wait3A_533, %dma_wait3A_534] : memref<1280x128xf32, #tpu.memory_space<vmem_shared>> -> memref<1280x128xf32, #tpu.memory_space<vmem_shared>>
        tpu.wait_indirect_dma semaphore(%run_scoped3A : memref<!tpu.dma_semaphore, #tpu.memory_space<semaphore_mem>>) src(%arg22 : memref<16x128xf32, #tpu.memory_space<vmem>>) dst(%dma_wait3A_535 : memref<1280x128xf32, #tpu.memory_space<vmem_shared>>)
        tpu.yield
      }) : () -> ()
    }
    %scan3A_92 = arith.constant 313 : i32
    %add3A_93 = arith.constant 20032 : i32
    %add3A_94 = arith.addi %add3A, %add3A_93 : i32
    %mul3A_95 = arith.constant 16 : i32
    %mul3A_96 = arith.muli %add3A_94, %mul3A_95 : i32
    %dma_wait3A = arith.constant 0 : i32
    %dma_wait3A_97 = arith.constant 0 : i32
    %dma_wait3A_98 = tpu.memref_slice %arg2[%dma_wait3A, %dma_wait3A_97] : memref<10000x256xf32, #tpu.memory_space<hbm>> -> memref<16x256xf32, #tpu.memory_space<hbm>>
    %dma_wait3A_99 = arith.constant 0 : i32
    %dma_wait3A_100 = arith.constant 0 : i32
    %dma_wait3A_101 = tpu.memref_slice %arg2[%dma_wait3A_99, %dma_wait3A_100] : memref<10000x256xf32, #tpu.memory_space<hbm>> -> memref<16x256xf32, #tpu.memory_space<hbm>>
    tpu.wait_dma2 semaphore(%arg28 : memref<!tpu.dma_semaphore, #tpu.memory_space<semaphore_mem>>) src(%dma_wait3A_101 : memref<16x256xf32, #tpu.memory_space<hbm>>) dst(%arg13 : memref<16x256xf32, #tpu.memory_space<vmem>>)
    %dma_wait3A_102 = arith.constant 0 : i32
    %dma_wait3A_103 = arith.constant 0 : i32
    %dma_wait3A_104 = tpu.memref_slice %arg3[%dma_wait3A_102, %dma_wait3A_103] : memref<10000x128xf32, #tpu.memory_space<hbm>> -> memref<16x128xf32, #tpu.memory_space<hbm>>
    %dma_wait3A_105 = arith.constant 0 : i32
    %dma_wait3A_106 = arith.constant 0 : i32
    %dma_wait3A_107 = tpu.memref_slice %arg3[%dma_wait3A_105, %dma_wait3A_106] : memref<10000x128xf32, #tpu.memory_space<hbm>> -> memref<16x128xf32, #tpu.memory_space<hbm>>
    tpu.wait_dma2 semaphore(%arg30 : memref<!tpu.dma_semaphore, #tpu.memory_space<semaphore_mem>>) src(%dma_wait3A_107 : memref<16x128xf32, #tpu.memory_space<hbm>>) dst(%arg15 : memref<16x128xf32, #tpu.memory_space<vmem>>)
    %dma_wait3A_108 = arith.constant 0 : i32
    %dma_wait3A_109 = arith.constant 0 : i32
    %dma_wait3A_110 = tpu.memref_slice %arg4[%dma_wait3A_108, %dma_wait3A_109] : memref<321024x128xf32, #tpu.memory_space<hbm>> -> memref<16x128xf32, #tpu.memory_space<hbm>>
    %dma_wait3A_111 = arith.constant 0 : i32
    %dma_wait3A_112 = arith.constant 0 : i32
    %dma_wait3A_113 = tpu.memref_slice %arg4[%dma_wait3A_111, %dma_wait3A_112] : memref<321024x128xf32, #tpu.memory_space<hbm>> -> memref<16x128xf32, #tpu.memory_space<hbm>>
    tpu.wait_dma2 semaphore(%arg32 : memref<!tpu.dma_semaphore, #tpu.memory_space<semaphore_mem>>) src(%dma_wait3A_113 : memref<16x128xf32, #tpu.memory_space<hbm>>) dst(%arg17 : memref<16x128xf32, #tpu.memory_space<vmem>>)
    %scan3A_114 = arith.constant 0 : i32
    %scan3A_115 = arith.constant 0 : i32
    %mul3A_116 = arith.constant 16 : i32
    %mul3A_117 = arith.muli %scan3A_115, %mul3A_116 : i32
    %get3A = arith.index_cast %mul3A_117 : i32 to index
    %get3A_118 = tpu.vector_load %arg11[%get3A] {strides = array<i32>} : memref<16xi32, #tpu.memory_space<vmem>>, vector<16xi32>,
    %get3A_119 = vector.shape_cast %get3A_118 : vector<16xi32> to vector<16xi32>
    %convert_element_type3A = arith.sitofp %get3A_119 : vector<16xi32> to vector<16xf32>
    %broadcast_in_dim3A_120 = arith.constant 0.000000e+00 : f32
    %broadcast_in_dim3A_121 = vector.broadcast %broadcast_in_dim3A_120 : f32 to vector<16xf32>
    %sub3A_122 = arith.constant 1.249000e+03 : f32
    %sub3A_123 = vector.broadcast %sub3A_122 : f32 to vector<16xf32>
    %sub3A_124 = arith.subf %convert_element_type3A, %sub3A_123 : vector<16xf32>
    %jit3A_125 = arith.constant 0.000000e+00 : f32
    %jit3A_126 = arith.constant 1.000000e+00 : f32
    %max3A = vector.broadcast %jit3A_125 : f32 to vector<16xf32>
    %max3A_127 = arith.maximumf %max3A, %sub3A_124 : vector<16xf32>
    %min3A = vector.broadcast %jit3A_126 : f32 to vector<16xf32>
    %min3A_128 = arith.minimumf %min3A, %max3A_127 : vector<16xf32>
    %add3A_129 = arith.addf %broadcast_in_dim3A_121, %min3A_128 : vector<16xf32>
    %sub3A_130 = arith.constant 2.499000e+03 : f32
    %sub3A_131 = vector.broadcast %sub3A_130 : f32 to vector<16xf32>
    %sub3A_132 = arith.subf %convert_element_type3A, %sub3A_131 : vector<16xf32>
    %jit3A_133 = arith.constant 0.000000e+00 : f32
    %jit3A_134 = arith.constant 1.000000e+00 : f32
    %max3A_135 = vector.broadcast %jit3A_133 : f32 to vector<16xf32>
    %max3A_136 = arith.maximumf %max3A_135, %sub3A_132 : vector<16xf32>
    %min3A_137 = vector.broadcast %jit3A_134 : f32 to vector<16xf32>
    %min3A_138 = arith.minimumf %min3A_137, %max3A_136 : vector<16xf32>
    %add3A_139 = arith.addf %add3A_129, %min3A_138 : vector<16xf32>
    %sub3A_140 = arith.constant 3.749000e+03 : f32
    %sub3A_141 = vector.broadcast %sub3A_140 : f32 to vector<16xf32>
    %sub3A_142 = arith.subf %convert_element_type3A, %sub3A_141 : vector<16xf32>
    %jit3A_143 = arith.constant 0.000000e+00 : f32
    %jit3A_144 = arith.constant 1.000000e+00 : f32
    %max3A_145 = vector.broadcast %jit3A_143 : f32 to vector<16xf32>
    %max3A_146 = arith.maximumf %max3A_145, %sub3A_142 : vector<16xf32>
    %min3A_147 = vector.broadcast %jit3A_144 : f32 to vector<16xf32>
    %min3A_148 = arith.minimumf %min3A_147, %max3A_146 : vector<16xf32>
    %add3A_149 = arith.addf %add3A_139, %min3A_148 : vector<16xf32>
    %sub3A_150 = arith.constant 4.999000e+03 : f32
    %sub3A_151 = vector.broadcast %sub3A_150 : f32 to vector<16xf32>
    %sub3A_152 = arith.subf %convert_element_type3A, %sub3A_151 : vector<16xf32>
    %jit3A_153 = arith.constant 0.000000e+00 : f32
    %jit3A_154 = arith.constant 1.000000e+00 : f32
    %max3A_155 = vector.broadcast %jit3A_153 : f32 to vector<16xf32>
    %max3A_156 = arith.maximumf %max3A_155, %sub3A_152 : vector<16xf32>
    %min3A_157 = vector.broadcast %jit3A_154 : f32 to vector<16xf32>
    %min3A_158 = arith.minimumf %min3A_157, %max3A_156 : vector<16xf32>
    %add3A_159 = arith.addf %add3A_149, %min3A_158 : vector<16xf32>
    %sub3A_160 = arith.constant 6.249000e+03 : f32
    %sub3A_161 = vector.broadcast %sub3A_160 : f32 to vector<16xf32>
    %sub3A_162 = arith.subf %convert_element_type3A, %sub3A_161 : vector<16xf32>
    %jit3A_163 = arith.constant 0.000000e+00 : f32
    %jit3A_164 = arith.constant 1.000000e+00 : f32
    %max3A_165 = vector.broadcast %jit3A_163 : f32 to vector<16xf32>
    %max3A_166 = arith.maximumf %max3A_165, %sub3A_162 : vector<16xf32>
    %min3A_167 = vector.broadcast %jit3A_164 : f32 to vector<16xf32>
    %min3A_168 = arith.minimumf %min3A_167, %max3A_166 : vector<16xf32>
    %add3A_169 = arith.addf %add3A_159, %min3A_168 : vector<16xf32>
    %sub3A_170 = arith.constant 7.499000e+03 : f32
    %sub3A_171 = vector.broadcast %sub3A_170 : f32 to vector<16xf32>
    %sub3A_172 = arith.subf %convert_element_type3A, %sub3A_171 : vector<16xf32>
    %jit3A_173 = arith.constant 0.000000e+00 : f32
    %jit3A_174 = arith.constant 1.000000e+00 : f32
    %max3A_175 = vector.broadcast %jit3A_173 : f32 to vector<16xf32>
    %max3A_176 = arith.maximumf %max3A_175, %sub3A_172 : vector<16xf32>
    %min3A_177 = vector.broadcast %jit3A_174 : f32 to vector<16xf32>
    %min3A_178 = arith.minimumf %min3A_177, %max3A_176 : vector<16xf32>
    %add3A_179 = arith.addf %add3A_169, %min3A_178 : vector<16xf32>
    %sub3A_180 = arith.constant 8.749000e+03 : f32
    %sub3A_181 = vector.broadcast %sub3A_180 : f32 to vector<16xf32>
    %sub3A_182 = arith.subf %convert_element_type3A, %sub3A_181 : vector<16xf32>
    %jit3A_183 = arith.constant 0.000000e+00 : f32
    %jit3A_184 = arith.constant 1.000000e+00 : f32
    %max3A_185 = vector.broadcast %jit3A_183 : f32 to vector<16xf32>
    %max3A_186 = arith.maximumf %max3A_185, %sub3A_182 : vector<16xf32>
    %min3A_187 = vector.broadcast %jit3A_184 : f32 to vector<16xf32>
    %min3A_188 = arith.minimumf %min3A_187, %max3A_186 : vector<16xf32>
    %add3A_189 = arith.addf %add3A_179, %min3A_188 : vector<16xf32>
    %mul3A_190 = arith.constant 1.250000e+03 : f32
    %mul3A_191 = vector.broadcast %mul3A_190 : f32 to vector<16xf32>
    %mul3A_192 = arith.mulf %mul3A_191, %add3A_189 : vector<16xf32>
    %sub3A_193 = arith.subf %convert_element_type3A, %mul3A_192 : vector<16xf32>
    %convert_element_type3A_194 = arith.fptosi %sub3A_193 : vector<16xf32> to vector<16xi32>
    %mul3A_195 = arith.constant 16 : i32
    %mul3A_196 = arith.muli %scan3A_115, %mul3A_195 : i32
    %swap3A = arith.index_cast %mul3A_196 : i32 to index
    %swap3A_197 = tpu.vector_load %arg19[%swap3A] {strides = array<i32>} : memref<16xi32, #tpu.memory_space<vmem>>, vector<16xi32>,
    %swap3A_198 = vector.shape_cast %swap3A_197 : vector<16xi32> to vector<16xi32>
    %swap3A_199 = vector.shape_cast %convert_element_type3A_194 : vector<16xi32> to vector<16xi32>
    tpu.vector_store %arg19[%swap3A], %swap3A_199 {strides = array<i32>} : memref<16xi32, #tpu.memory_space<vmem>>, vector<16xi32>,
    %swap3A_200 = arith.index_cast %scan3A_115 : i32 to index
    %swap3A_201 = arith.constant 0 : index
    %swap3A_202 = tpu.vector_load %arg23[%swap3A_200, %swap3A_201] {strides = array<i32>} : memref<1x16xf32, #tpu.memory_space<vmem>>, vector<1x16xf32>,
    %swap3A_203 = vector.shape_cast %swap3A_202 : vector<1x16xf32> to vector<16xf32>
    %swap3A_204 = vector.shape_cast %add3A_189 : vector<16xf32> to vector<1x16xf32>
    tpu.vector_store %arg23[%swap3A_200, %swap3A_201], %swap3A_204 {strides = array<i32>} : memref<1x16xf32, #tpu.memory_space<vmem>>, vector<1x16xf32>,
    %scan3A_205 = arith.constant 1 : i32
    %scan3A_206 = arith.constant 0 : i32
    %scan3A_207 = arith.constant 0 : i32
    %scan3A_208 = arith.constant 16 : i32
    %scan3A_209 = arith.addi %scan3A_207, %scan3A_208 : i32
    %scan3A_210 = arith.constant 1 : i32
    scf.for %scan3A_233 = %scan3A_207 to %scan3A_209 step %scan3A_210  : i32 {
      %get3A_234 = arith.index_cast %scan3A_233 : i32 to index
      %get3A_235 = arith.constant 0 : index
      %get3A_236 = tpu.vector_load %arg24[%get3A_234, %get3A_235] {strides = array<i32>} : memref<16x16xf32, #tpu.memory_space<vmem>>, vector<1x16xf32>,
      %get3A_237 = vector.shape_cast %get3A_236 : vector<1x16xf32> to vector<16xf32>
      %jit3A_238 = arith.constant 16 : i32
      %div3A_239 = arith.divsi %scan3A_233, %jit3A_238 : i32
      %sign3A_240 = arith.constant 0 : i32
      %sign3A_241 = arith.cmpi sgt, %scan3A_233, %sign3A_240 : i32
      %sign3A_242 = arith.extui %sign3A_241 : i1 to i32
      %sign3A_243 = arith.constant 0 : i32
      %sign3A_244 = arith.cmpi slt, %scan3A_233, %sign3A_243 : i32
      %sign3A_245 = arith.extui %sign3A_244 : i1 to i32
      %sign3A_246 = arith.subi %sign3A_242, %sign3A_245 : i32
      %sign3A_247 = arith.constant 0 : i32
      %sign3A_248 = arith.cmpi sgt, %jit3A_238, %sign3A_247 : i32
      %sign3A_249 = arith.extui %sign3A_248 : i1 to i32
      %sign3A_250 = arith.constant 0 : i32
      %sign3A_251 = arith.cmpi slt, %jit3A_238, %sign3A_250 : i32
      %sign3A_252 = arith.extui %sign3A_251 : i1 to i32
      %sign3A_253 = arith.subi %sign3A_249, %sign3A_252 : i32
      %ne3A_254 = arith.cmpi ne, %sign3A_246, %sign3A_253 : i32
      %rem3A_255 = arith.remsi %scan3A_233, %jit3A_238 : i32
      %ne3A_256 = arith.constant 0 : i32
      %ne3A_257 = arith.cmpi ne, %rem3A_255, %ne3A_256 : i32
      %and3A_258 = arith.andi %ne3A_254, %ne3A_257 : i1
      %sub3A_259 = arith.constant 1 : i32
      %sub3A_260 = arith.subi %div3A_239, %sub3A_259 : i32
      %select_n3A_261 = arith.select %and3A_258, %sub3A_260, %div3A_239 : i32
      %get3A_262 = arith.index_cast %select_n3A_261 : i32 to index
      %get3A_263 = arith.constant 0 : index
      %get3A_264 = tpu.vector_load %arg23[%get3A_262, %get3A_263] {strides = array<i32>} : memref<1x16xf32, #tpu.memory_space<vmem>>, vector<1x16xf32>,
      %get3A_265 = vector.shape_cast %get3A_264 : vector<1x16xf32> to vector<16xf32>
      %jit3A_266 = arith.constant 16 : i32
      %eq3A = arith.constant 0 : i32
      %eq3A_267 = arith.cmpi eq, %jit3A_266, %eq3A : i32
      %jit3A_268 = arith.constant 1 : i32
      %select_n3A_269 = arith.select %eq3A_267, %jit3A_268, %jit3A_266 : i32
      %rem3A_270 = arith.remsi %scan3A_233, %select_n3A_269 : i32
      %ne3A_271 = arith.constant 0 : i32
      %ne3A_272 = arith.cmpi ne, %rem3A_270, %ne3A_271 : i32
      %lt3A = arith.constant 0 : i32
      %lt3A_273 = arith.cmpi slt, %rem3A_270, %lt3A : i32
      %lt3A_274 = arith.constant 0 : i32
      %lt3A_275 = arith.cmpi slt, %select_n3A_269, %lt3A_274 : i32
      %ne3A_276 = arith.xori %lt3A_273, %lt3A_275 : i1
      %and3A_277 = arith.andi %ne3A_276, %ne3A_272 : i1
      %add3A_278 = arith.addi %rem3A_270, %select_n3A_269 : i32
      %select_n3A_279 = arith.select %and3A_277, %add3A_278, %rem3A_270 : i32
      %broadcast_in_dim3A_280 = vector.broadcast %select_n3A_279 : i32 to vector<16xi32>
      %broadcast_in_dim3A_281 = vector.shape_cast %broadcast_in_dim3A_280 : vector<16xi32> to vector<16x1xi32>
      %gather3A = vector.shape_cast %broadcast_in_dim3A_281 : vector<16x1xi32> to vector<16xi32>
      %gather3A_282 = tpu.dynamic_gather %get3A_265[%gather3A] in [0] : vector<16xf32>, vector<16xi32> -> vector<16xf32>
      %sub3A_283 = arith.constant 0.000000e+00 : f32
      %sub3A_284 = vector.broadcast %sub3A_283 : f32 to vector<16xf32>
      %sub3A_285 = arith.subf %gather3A_282, %sub3A_284 : vector<16xf32>
      %mul3A_286 = arith.mulf %sub3A_285, %sub3A_285 : vector<16xf32>
      %sub3A_287 = arith.constant 1.000000e+00 : f32
      %sub3A_288 = vector.broadcast %sub3A_287 : f32 to vector<16xf32>
      %sub3A_289 = arith.subf %sub3A_288, %mul3A_286 : vector<16xf32>
      %max3A_290 = arith.constant 0.000000e+00 : f32
      %max3A_291 = vector.broadcast %max3A_290 : f32 to vector<16xf32>
      %max3A_292 = arith.maximumf %sub3A_289, %max3A_291 : vector<16xf32>
      %mul3A_293 = arith.mulf %max3A_292, %get3A_237 : vector<16xf32>
      %swap3A_294 = arith.index_cast %scan3A_233 : i32 to index
      %swap3A_295 = arith.constant 0 : index
      %swap3A_296 = tpu.vector_load %arg22[%swap3A_294, %swap3A_295] {strides = array<i32>} : memref<16x128xf32, #tpu.memory_space<vmem>>, vector<1x16xf32>,
      %swap3A_297 = vector.shape_cast %swap3A_296 : vector<1x16xf32> to vector<16xf32>
      %swap3A_298 = vector.shape_cast %mul3A_293 : vector<16xf32> to vector<1x16xf32>
      tpu.vector_store %arg22[%swap3A_294, %swap3A_295], %swap3A_298 {strides = array<i32>} : memref<16x128xf32, #tpu.memory_space<vmem>>, vector<1x16xf32>,
      %sub3A_299 = arith.constant 1.000000e+00 : f32
      %sub3A_300 = vector.broadcast %sub3A_299 : f32 to vector<16xf32>
      %sub3A_301 = arith.subf %gather3A_282, %sub3A_300 : vector<16xf32>
      %mul3A_302 = arith.mulf %sub3A_301, %sub3A_301 : vector<16xf32>
      %sub3A_303 = arith.constant 1.000000e+00 : f32
      %sub3A_304 = vector.broadcast %sub3A_303 : f32 to vector<16xf32>
      %sub3A_305 = arith.subf %sub3A_304, %mul3A_302 : vector<16xf32>
      %max3A_306 = arith.constant 0.000000e+00 : f32
      %max3A_307 = vector.broadcast %max3A_306 : f32 to vector<16xf32>
      %max3A_308 = arith.maximumf %sub3A_305, %max3A_307 : vector<16xf32>
      %mul3A_309 = arith.mulf %max3A_308, %get3A_237 : vector<16xf32>
      %swap3A_310 = arith.index_cast %scan3A_233 : i32 to index
      %swap3A_311 = arith.constant 16 : index
      %swap3A_312 = tpu.vector_load %arg22[%swap3A_310, %swap3A_311] {strides = array<i32>} : memref<16x128xf32, #tpu.memory_space<vmem>>, vector<1x16xf32>,
      %swap3A_313 = vector.shape_cast %swap3A_312 : vector<1x16xf32> to vector<16xf32>
      %swap3A_314 = vector.shape_cast %mul3A_309 : vector<16xf32> to vector<1x16xf32>
      tpu.vector_store %arg22[%swap3A_310, %swap3A_311], %swap3A_314 {strides = array<i32>} : memref<16x128xf32, #tpu.memory_space<vmem>>, vector<1x16xf32>,
      %sub3A_315 = arith.constant 2.000000e+00 : f32
      %sub3A_316 = vector.broadcast %sub3A_315 : f32 to vector<16xf32>
      %sub3A_317 = arith.subf %gather3A_282, %sub3A_316 : vector<16xf32>
      %mul3A_318 = arith.mulf %sub3A_317, %sub3A_317 : vector<16xf32>
      %sub3A_319 = arith.constant 1.000000e+00 : f32
      %sub3A_320 = vector.broadcast %sub3A_319 : f32 to vector<16xf32>
      %sub3A_321 = arith.subf %sub3A_320, %mul3A_318 : vector<16xf32>
      %max3A_322 = arith.constant 0.000000e+00 : f32
      %max3A_323 = vector.broadcast %max3A_322 : f32 to vector<16xf32>
      %max3A_324 = arith.maximumf %sub3A_321, %max3A_323 : vector<16xf32>
      %mul3A_325 = arith.mulf %max3A_324, %get3A_237 : vector<16xf32>
      %swap3A_326 = arith.index_cast %scan3A_233 : i32 to index
      %swap3A_327 = arith.constant 32 : index
      %swap3A_328 = tpu.vector_load %arg22[%swap3A_326, %swap3A_327] {strides = array<i32>} : memref<16x128xf32, #tpu.memory_space<vmem>>, vector<1x16xf32>,
      %swap3A_329 = vector.shape_cast %swap3A_328 : vector<1x16xf32> to vector<16xf32>
      %swap3A_330 = vector.shape_cast %mul3A_325 : vector<16xf32> to vector<1x16xf32>
      tpu.vector_store %arg22[%swap3A_326, %swap3A_327], %swap3A_330 {strides = array<i32>} : memref<16x128xf32, #tpu.memory_space<vmem>>, vector<1x16xf32>,
      %sub3A_331 = arith.constant 3.000000e+00 : f32
      %sub3A_332 = vector.broadcast %sub3A_331 : f32 to vector<16xf32>
      %sub3A_333 = arith.subf %gather3A_282, %sub3A_332 : vector<16xf32>
      %mul3A_334 = arith.mulf %sub3A_333, %sub3A_333 : vector<16xf32>
      %sub3A_335 = arith.constant 1.000000e+00 : f32
      %sub3A_336 = vector.broadcast %sub3A_335 : f32 to vector<16xf32>
      %sub3A_337 = arith.subf %sub3A_336, %mul3A_334 : vector<16xf32>
      %max3A_338 = arith.constant 0.000000e+00 : f32
      %max3A_339 = vector.broadcast %max3A_338 : f32 to vector<16xf32>
      %max3A_340 = arith.maximumf %sub3A_337, %max3A_339 : vector<16xf32>
      %mul3A_341 = arith.mulf %max3A_340, %get3A_237 : vector<16xf32>
      %swap3A_342 = arith.index_cast %scan3A_233 : i32 to index
      %swap3A_343 = arith.constant 48 : index
      %swap3A_344 = tpu.vector_load %arg22[%swap3A_342, %swap3A_343] {strides = array<i32>} : memref<16x128xf32, #tpu.memory_space<vmem>>, vector<1x16xf32>,
      %swap3A_345 = vector.shape_cast %swap3A_344 : vector<1x16xf32> to vector<16xf32>
      %swap3A_346 = vector.shape_cast %mul3A_341 : vector<16xf32> to vector<1x16xf32>
      tpu.vector_store %arg22[%swap3A_342, %swap3A_343], %swap3A_346 {strides = array<i32>} : memref<16x128xf32, #tpu.memory_space<vmem>>, vector<1x16xf32>,
      %sub3A_347 = arith.constant 4.000000e+00 : f32
      %sub3A_348 = vector.broadcast %sub3A_347 : f32 to vector<16xf32>
      %sub3A_349 = arith.subf %gather3A_282, %sub3A_348 : vector<16xf32>
      %mul3A_350 = arith.mulf %sub3A_349, %sub3A_349 : vector<16xf32>
      %sub3A_351 = arith.constant 1.000000e+00 : f32
      %sub3A_352 = vector.broadcast %sub3A_351 : f32 to vector<16xf32>
      %sub3A_353 = arith.subf %sub3A_352, %mul3A_350 : vector<16xf32>
      %max3A_354 = arith.constant 0.000000e+00 : f32
      %max3A_355 = vector.broadcast %max3A_354 : f32 to vector<16xf32>
      %max3A_356 = arith.maximumf %sub3A_353, %max3A_355 : vector<16xf32>
      %mul3A_357 = arith.mulf %max3A_356, %get3A_237 : vector<16xf32>
      %swap3A_358 = arith.index_cast %scan3A_233 : i32 to index
      %swap3A_359 = arith.constant 64 : index
      %swap3A_360 = tpu.vector_load %arg22[%swap3A_358, %swap3A_359] {strides = array<i32>} : memref<16x128xf32, #tpu.memory_space<vmem>>, vector<1x16xf32>,
      %swap3A_361 = vector.shape_cast %swap3A_360 : vector<1x16xf32> to vector<16xf32>
      %swap3A_362 = vector.shape_cast %mul3A_357 : vector<16xf32> to vector<1x16xf32>
      tpu.vector_store %arg22[%swap3A_358, %swap3A_359], %swap3A_362 {strides = array<i32>} : memref<16x128xf32, #tpu.memory_space<vmem>>, vector<1x16xf32>,
      %sub3A_363 = arith.constant 5.000000e+00 : f32
      %sub3A_364 = vector.broadcast %sub3A_363 : f32 to vector<16xf32>
      %sub3A_365 = arith.subf %gather3A_282, %sub3A_364 : vector<16xf32>
      %mul3A_366 = arith.mulf %sub3A_365, %sub3A_365 : vector<16xf32>
      %sub3A_367 = arith.constant 1.000000e+00 : f32
      %sub3A_368 = vector.broadcast %sub3A_367 : f32 to vector<16xf32>
      %sub3A_369 = arith.subf %sub3A_368, %mul3A_366 : vector<16xf32>
      %max3A_370 = arith.constant 0.000000e+00 : f32
      %max3A_371 = vector.broadcast %max3A_370 : f32 to vector<16xf32>
      %max3A_372 = arith.maximumf %sub3A_369, %max3A_371 : vector<16xf32>
      %mul3A_373 = arith.mulf %max3A_372, %get3A_237 : vector<16xf32>
      %swap3A_374 = arith.index_cast %scan3A_233 : i32 to index
      %swap3A_375 = arith.constant 80 : index
      %swap3A_376 = tpu.vector_load %arg22[%swap3A_374, %swap3A_375] {strides = array<i32>} : memref<16x128xf32, #tpu.memory_space<vmem>>, vector<1x16xf32>,
      %swap3A_377 = vector.shape_cast %swap3A_376 : vector<1x16xf32> to vector<16xf32>
      %swap3A_378 = vector.shape_cast %mul3A_373 : vector<16xf32> to vector<1x16xf32>
      tpu.vector_store %arg22[%swap3A_374, %swap3A_375], %swap3A_378 {strides = array<i32>} : memref<16x128xf32, #tpu.memory_space<vmem>>, vector<1x16xf32>,
      %sub3A_379 = arith.constant 6.000000e+00 : f32
      %sub3A_380 = vector.broadcast %sub3A_379 : f32 to vector<16xf32>
      %sub3A_381 = arith.subf %gather3A_282, %sub3A_380 : vector<16xf32>
      %mul3A_382 = arith.mulf %sub3A_381, %sub3A_381 : vector<16xf32>
      %sub3A_383 = arith.constant 1.000000e+00 : f32
      %sub3A_384 = vector.broadcast %sub3A_383 : f32 to vector<16xf32>
      %sub3A_385 = arith.subf %sub3A_384, %mul3A_382 : vector<16xf32>
      %max3A_386 = arith.constant 0.000000e+00 : f32
      %max3A_387 = vector.broadcast %max3A_386 : f32 to vector<16xf32>
      %max3A_388 = arith.maximumf %sub3A_385, %max3A_387 : vector<16xf32>
      %mul3A_389 = arith.mulf %max3A_388, %get3A_237 : vector<16xf32>
      %swap3A_390 = arith.index_cast %scan3A_233 : i32 to index
      %swap3A_391 = arith.constant 96 : index
      %swap3A_392 = tpu.vector_load %arg22[%swap3A_390, %swap3A_391] {strides = array<i32>} : memref<16x128xf32, #tpu.memory_space<vmem>>, vector<1x16xf32>,
      %swap3A_393 = vector.shape_cast %swap3A_392 : vector<1x16xf32> to vector<16xf32>
      %swap3A_394 = vector.shape_cast %mul3A_389 : vector<16xf32> to vector<1x16xf32>
      tpu.vector_store %arg22[%swap3A_390, %swap3A_391], %swap3A_394 {strides = array<i32>} : memref<16x128xf32, #tpu.memory_space<vmem>>, vector<1x16xf32>,
      %sub3A_395 = arith.constant 7.000000e+00 : f32
      %sub3A_396 = vector.broadcast %sub3A_395 : f32 to vector<16xf32>
      %sub3A_397 = arith.subf %gather3A_282, %sub3A_396 : vector<16xf32>
      %mul3A_398 = arith.mulf %sub3A_397, %sub3A_397 : vector<16xf32>
      %sub3A_399 = arith.constant 1.000000e+00 : f32
      %sub3A_400 = vector.broadcast %sub3A_399 : f32 to vector<16xf32>
      %sub3A_401 = arith.subf %sub3A_400, %mul3A_398 : vector<16xf32>
      %max3A_402 = arith.constant 0.000000e+00 : f32
      %max3A_403 = vector.broadcast %max3A_402 : f32 to vector<16xf32>
      %max3A_404 = arith.maximumf %sub3A_401, %max3A_403 : vector<16xf32>
      %mul3A_405 = arith.mulf %max3A_404, %get3A_237 : vector<16xf32>
      %swap3A_406 = arith.index_cast %scan3A_233 : i32 to index
      %swap3A_407 = arith.constant 112 : index
      %swap3A_408 = tpu.vector_load %arg22[%swap3A_406, %swap3A_407] {strides = array<i32>} : memref<16x128xf32, #tpu.memory_space<vmem>>, vector<1x16xf32>,
      %swap3A_409 = vector.shape_cast %swap3A_408 : vector<1x16xf32> to vector<16xf32>
      %swap3A_410 = vector.shape_cast %mul3A_405 : vector<16xf32> to vector<1x16xf32>
      tpu.vector_store %arg22[%swap3A_406, %swap3A_407], %swap3A_410 {strides = array<i32>} : memref<16x128xf32, #tpu.memory_space<vmem>>, vector<1x16xf32>,
    }
    %scan3A_211 = arith.constant 16 : i32
    "tpu.region"() ({
      %run_scoped3A = tpu.sem_alloc : memref<!tpu.dma_semaphore, #tpu.memory_space<semaphore_mem>>
      %dma_start3A_233 = arith.constant 0 : i32
      %dma_start3A_234 = arith.constant 0 : i32
      %dma_start3A_235 = tpu.memref_slice %arg26[%dma_start3A_233, %dma_start3A_234] : memref<10016x128xf32, #tpu.memory_space<vmem_shared>> -> memref<10016x128xf32, #tpu.memory_space<vmem_shared>>
      tpu.enqueue_indirect_dma source(%arg21 : memref<16x128xf32, #tpu.memory_space<vmem>>) target(%dma_start3A_235 : memref<10016x128xf32, #tpu.memory_space<vmem_shared>>) offsets(%arg11 : memref<16xi32, #tpu.memory_space<vmem>>) semaphore(%run_scoped3A : memref<!tpu.dma_semaphore, #tpu.memory_space<semaphore_mem>>) {add = true}
      %dma_wait3A_236 = arith.constant 0 : i32
      %dma_wait3A_237 = arith.constant 0 : i32
      %dma_wait3A_238 = tpu.memref_slice %arg26[%dma_wait3A_236, %dma_wait3A_237] : memref<10016x128xf32, #tpu.memory_space<vmem_shared>> -> memref<10016x128xf32, #tpu.memory_space<vmem_shared>>
      tpu.wait_indirect_dma semaphore(%run_scoped3A : memref<!tpu.dma_semaphore, #tpu.memory_space<semaphore_mem>>) src(%arg21 : memref<16x128xf32, #tpu.memory_space<vmem>>) dst(%dma_wait3A_238 : memref<10016x128xf32, #tpu.memory_space<vmem_shared>>)
      tpu.yield
    }) : () -> ()
    "tpu.region"() ({
      %run_scoped3A = tpu.sem_alloc : memref<!tpu.dma_semaphore, #tpu.memory_space<semaphore_mem>>
      %dma_start3A_233 = arith.constant 0 : i32
      %dma_start3A_234 = arith.constant 0 : i32
      %dma_start3A_235 = tpu.memref_slice %arg27[%dma_start3A_233, %dma_start3A_234] : memref<1280x128xf32, #tpu.memory_space<vmem_shared>> -> memref<1280x128xf32, #tpu.memory_space<vmem_shared>>
      tpu.enqueue_indirect_dma source(%arg22 : memref<16x128xf32, #tpu.memory_space<vmem>>) target(%dma_start3A_235 : memref<1280x128xf32, #tpu.memory_space<vmem_shared>>) offsets(%arg19 : memref<16xi32, #tpu.memory_space<vmem>>) semaphore(%run_scoped3A : memref<!tpu.dma_semaphore, #tpu.memory_space<semaphore_mem>>) {add = true}
      %dma_wait3A_236 = arith.constant 0 : i32
      %dma_wait3A_237 = arith.constant 0 : i32
      %dma_wait3A_238 = tpu.memref_slice %arg27[%dma_wait3A_236, %dma_wait3A_237] : memref<1280x128xf32, #tpu.memory_space<vmem_shared>> -> memref<1280x128xf32, #tpu.memory_space<vmem_shared>>
      tpu.wait_indirect_dma semaphore(%run_scoped3A : memref<!tpu.dma_semaphore, #tpu.memory_space<semaphore_mem>>) src(%arg22 : memref<16x128xf32, #tpu.memory_space<vmem>>) dst(%dma_wait3A_238 : memref<1280x128xf32, #tpu.memory_space<vmem_shared>>)
      tpu.yield
    }) : () -> ()
    %barrier3A_212 = arith.constant 0 : index
    tpu.barrier barrier_id(%barrier3A_212)
    %while3A_213 = arith.constant 0 : i32
    %while3A_214 = arith.constant 0 : i32
    %while3A_215 = arith.subi %select_n3A, %while3A_214 : i32
    %while3A_216 = arith.addi %while3A_214, %while3A_215 : i32
    %while3A_217 = arith.constant 1 : i32
    %while3A_218 = arith.divsi %while3A_215, %while3A_217 : i32
    %while3A_219 = arith.muli %while3A_218, %while3A_217 : i32
    %while3A_220 = arith.addi %while3A_214, %while3A_219 : i32
    %while3A_221 = arith.constant 1 : i32
    scf.for %while3A_233 = %while3A_214 to %while3A_220 step %while3A_221  : i32 {
      %mul3A_234 = arith.constant 16 : i32
      %mul3A_235 = arith.muli %mul3A_234, %while3A_233 : i32
      %add3A_236 = arith.addi %arg1, %mul3A_235 : i32
      %mul3A_237 = arith.constant 80 : i32
      %mul3A_238 = arith.muli %add3A_236, %mul3A_237 : i32
      %mul3A_239 = arith.constant 80 : i32
      %mul3A_240 = arith.muli %add3A_236, %mul3A_239 : i32
      "tpu.region"() ({
        %run_scoped3A = tpu.sem_alloc : memref<!tpu.dma_semaphore, #tpu.memory_space<semaphore_mem>>
        %dma_start3A_241 = arith.constant 0 : i32
        %dma_start3A_242 = tpu.memref_slice %arg7[%arg0, %mul3A_240, %dma_start3A_241] : memref<2x10000x128xf32, #tpu.memory_space<hbm>> -> memref<1x80x128xf32, #tpu.memory_space<hbm>>
        %dma_start3A_243 = tpu.memref_squeeze %dma_start3A_242 : memref<1x80x128xf32, #tpu.memory_space<hbm>> -> memref<80x128xf32, #tpu.memory_space<hbm>>
        %dma_start3A_244 = arith.constant 0 : i32
        %dma_start3A_245 = tpu.memref_slice %arg26[%mul3A_238, %dma_start3A_244] : memref<10016x128xf32, #tpu.memory_space<vmem_shared>> -> memref<80x128xf32, #tpu.memory_space<vmem_shared>>
        tpu.enqueue_dma source(%dma_start3A_245 : memref<80x128xf32, #tpu.memory_space<vmem_shared>>) target(%dma_start3A_243 : memref<80x128xf32, #tpu.memory_space<hbm>>) target_semaphore(%run_scoped3A : memref<!tpu.dma_semaphore, #tpu.memory_space<semaphore_mem>>)
        %dma_wait3A_246 = arith.constant 0 : i32
        %dma_wait3A_247 = tpu.memref_slice %arg7[%arg0, %mul3A_240, %dma_wait3A_246] : memref<2x10000x128xf32, #tpu.memory_space<hbm>> -> memref<1x80x128xf32, #tpu.memory_space<hbm>>
        %dma_wait3A_248 = tpu.memref_squeeze %dma_wait3A_247 : memref<1x80x128xf32, #tpu.memory_space<hbm>> -> memref<80x128xf32, #tpu.memory_space<hbm>>
        %dma_wait3A_249 = arith.constant 0 : i32
        %dma_wait3A_250 = tpu.memref_slice %arg26[%mul3A_238, %dma_wait3A_249] : memref<10016x128xf32, #tpu.memory_space<vmem_shared>> -> memref<80x128xf32, #tpu.memory_space<vmem_shared>>
        tpu.wait_dma2 semaphore(%run_scoped3A : memref<!tpu.dma_semaphore, #tpu.memory_space<semaphore_mem>>) src(%dma_wait3A_250 : memref<80x128xf32, #tpu.memory_space<vmem_shared>>) dst(%dma_wait3A_248 : memref<80x128xf32, #tpu.memory_space<hbm>>)
        tpu.yield
      }) : () -> ()
    }
    %while3A_222 = arith.constant 1 : i32
    scf.for %while3A_233 = %while3A_220 to %while3A_216 step %while3A_222  : i32 {
      %mul3A_234 = arith.constant 16 : i32
      %mul3A_235 = arith.muli %mul3A_234, %while3A_233 : i32
      %add3A_236 = arith.addi %arg1, %mul3A_235 : i32
      %mul3A_237 = arith.constant 80 : i32
      %mul3A_238 = arith.muli %add3A_236, %mul3A_237 : i32
      %mul3A_239 = arith.constant 80 : i32
      %mul3A_240 = arith.muli %add3A_236, %mul3A_239 : i32
      "tpu.region"() ({
        %run_scoped3A = tpu.sem_alloc : memref<!tpu.dma_semaphore, #tpu.memory_space<semaphore_mem>>
        %dma_start3A_241 = arith.constant 0 : i32
        %dma_start3A_242 = tpu.memref_slice %arg7[%arg0, %mul3A_240, %dma_start3A_241] : memref<2x10000x128xf32, #tpu.memory_space<hbm>> -> memref<1x80x128xf32, #tpu.memory_space<hbm>>
        %dma_start3A_243 = tpu.memref_squeeze %dma_start3A_242 : memref<1x80x128xf32, #tpu.memory_space<hbm>> -> memref<80x128xf32, #tpu.memory_space<hbm>>
        %dma_start3A_244 = arith.constant 0 : i32
        %dma_start3A_245 = tpu.memref_slice %arg26[%mul3A_238, %dma_start3A_244] : memref<10016x128xf32, #tpu.memory_space<vmem_shared>> -> memref<80x128xf32, #tpu.memory_space<vmem_shared>>
        tpu.enqueue_dma source(%dma_start3A_245 : memref<80x128xf32, #tpu.memory_space<vmem_shared>>) target(%dma_start3A_243 : memref<80x128xf32, #tpu.memory_space<hbm>>) target_semaphore(%run_scoped3A : memref<!tpu.dma_semaphore, #tpu.memory_space<semaphore_mem>>)
        %dma_wait3A_246 = arith.constant 0 : i32
        %dma_wait3A_247 = tpu.memref_slice %arg7[%arg0, %mul3A_240, %dma_wait3A_246] : memref<2x10000x128xf32, #tpu.memory_space<hbm>> -> memref<1x80x128xf32, #tpu.memory_space<hbm>>
        %dma_wait3A_248 = tpu.memref_squeeze %dma_wait3A_247 : memref<1x80x128xf32, #tpu.memory_space<hbm>> -> memref<80x128xf32, #tpu.memory_space<hbm>>
        %dma_wait3A_249 = arith.constant 0 : i32
        %dma_wait3A_250 = tpu.memref_slice %arg26[%mul3A_238, %dma_wait3A_249] : memref<10016x128xf32, #tpu.memory_space<vmem_shared>> -> memref<80x128xf32, #tpu.memory_space<vmem_shared>>
        tpu.wait_dma2 semaphore(%run_scoped3A : memref<!tpu.dma_semaphore, #tpu.memory_space<semaphore_mem>>) src(%dma_wait3A_250 : memref<80x128xf32, #tpu.memory_space<vmem_shared>>) dst(%dma_wait3A_248 : memref<80x128xf32, #tpu.memory_space<hbm>>)
        tpu.yield
      }) : () -> ()
    }
    %while3A_223 = arith.constant 0 : i32
    %while3A_224 = arith.constant 0 : i32
    %while3A_225 = arith.subi %select_n3A_63, %while3A_224 : i32
    %while3A_226 = arith.addi %while3A_224, %while3A_225 : i32
    %while3A_227 = arith.constant 1 : i32
    %while3A_228 = arith.divsi %while3A_225, %while3A_227 : i32
    %while3A_229 = arith.muli %while3A_228, %while3A_227 : i32
    %while3A_230 = arith.addi %while3A_224, %while3A_229 : i32
    %while3A_231 = arith.constant 1 : i32
    scf.for %while3A_233 = %while3A_224 to %while3A_230 step %while3A_231  : i32 {
      %mul3A_234 = arith.constant 16 : i32
      %mul3A_235 = arith.muli %mul3A_234, %while3A_233 : i32
      %add3A_236 = arith.addi %arg1, %mul3A_235 : i32
      %mul3A_237 = arith.constant 80 : i32
      %mul3A_238 = arith.muli %add3A_236, %mul3A_237 : i32
      %mul3A_239 = arith.constant 80 : i32
      %mul3A_240 = arith.muli %add3A_236, %mul3A_239 : i32
      "tpu.region"() ({
        %run_scoped3A = tpu.sem_alloc : memref<!tpu.dma_semaphore, #tpu.memory_space<semaphore_mem>>
        %dma_start3A_241 = arith.constant 0 : i32
        %dma_start3A_242 = tpu.memref_slice %arg8[%arg0, %mul3A_240, %dma_start3A_241] : memref<2x1280x128xf32, #tpu.memory_space<hbm>> -> memref<1x80x128xf32, #tpu.memory_space<hbm>>
        %dma_start3A_243 = tpu.memref_squeeze %dma_start3A_242 : memref<1x80x128xf32, #tpu.memory_space<hbm>> -> memref<80x128xf32, #tpu.memory_space<hbm>>
        %dma_start3A_244 = arith.constant 0 : i32
        %dma_start3A_245 = tpu.memref_slice %arg27[%mul3A_238, %dma_start3A_244] : memref<1280x128xf32, #tpu.memory_space<vmem_shared>> -> memref<80x128xf32, #tpu.memory_space<vmem_shared>>
        tpu.enqueue_dma source(%dma_start3A_245 : memref<80x128xf32, #tpu.memory_space<vmem_shared>>) target(%dma_start3A_243 : memref<80x128xf32, #tpu.memory_space<hbm>>) target_semaphore(%run_scoped3A : memref<!tpu.dma_semaphore, #tpu.memory_space<semaphore_mem>>)
        %dma_wait3A_246 = arith.constant 0 : i32
        %dma_wait3A_247 = tpu.memref_slice %arg8[%arg0, %mul3A_240, %dma_wait3A_246] : memref<2x1280x128xf32, #tpu.memory_space<hbm>> -> memref<1x80x128xf32, #tpu.memory_space<hbm>>
        %dma_wait3A_248 = tpu.memref_squeeze %dma_wait3A_247 : memref<1x80x128xf32, #tpu.memory_space<hbm>> -> memref<80x128xf32, #tpu.memory_space<hbm>>
        %dma_wait3A_249 = arith.constant 0 : i32
        %dma_wait3A_250 = tpu.memref_slice %arg27[%mul3A_238, %dma_wait3A_249] : memref<1280x128xf32, #tpu.memory_space<vmem_shared>> -> memref<80x128xf32, #tpu.memory_space<vmem_shared>>
        tpu.wait_dma2 semaphore(%run_scoped3A : memref<!tpu.dma_semaphore, #tpu.memory_space<semaphore_mem>>) src(%dma_wait3A_250 : memref<80x128xf32, #tpu.memory_space<vmem_shared>>) dst(%dma_wait3A_248 : memref<80x128xf32, #tpu.memory_space<hbm>>)
        tpu.yield
      }) : () -> ()
    }
    %while3A_232 = arith.constant 1 : i32
    scf.for %while3A_233 = %while3A_230 to %while3A_226 step %while3A_232  : i32 {
      %mul3A_234 = arith.constant 16 : i32
      %mul3A_235 = arith.muli %mul3A_234, %while3A_233 : i32
      %add3A_236 = arith.addi %arg1, %mul3A_235 : i32
      %mul3A_237 = arith.constant 80 : i32
      %mul3A_238 = arith.muli %add3A_236, %mul3A_237 : i32
      %mul3A_239 = arith.constant 80 : i32
      %mul3A_240 = arith.muli %add3A_236, %mul3A_239 : i32
      "tpu.region"() ({
        %run_scoped3A = tpu.sem_alloc : memref<!tpu.dma_semaphore, #tpu.memory_space<semaphore_mem>>
        %dma_start3A_241 = arith.constant 0 : i32
        %dma_start3A_242 = tpu.memref_slice %arg8[%arg0, %mul3A_240, %dma_start3A_241] : memref<2x1280x128xf32, #tpu.memory_space<hbm>> -> memref<1x80x128xf32, #tpu.memory_space<hbm>>
        %dma_start3A_243 = tpu.memref_squeeze %dma_start3A_242 : memref<1x80x128xf32, #tpu.memory_space<hbm>> -> memref<80x128xf32, #tpu.memory_space<hbm>>
        %dma_start3A_244 = arith.constant 0 : i32
        %dma_start3A_245 = tpu.memref_slice %arg27[%mul3A_238, %dma_start3A_244] : memref<1280x128xf32, #tpu.memory_space<vmem_shared>> -> memref<80x128xf32, #tpu.memory_space<vmem_shared>>
        tpu.enqueue_dma source(%dma_start3A_245 : memref<80x128xf32, #tpu.memory_space<vmem_shared>>) target(%dma_start3A_243 : memref<80x128xf32, #tpu.memory_space<hbm>>) target_semaphore(%run_scoped3A : memref<!tpu.dma_semaphore, #tpu.memory_space<semaphore_mem>>)
        %dma_wait3A_246 = arith.constant 0 : i32
        %dma_wait3A_247 = tpu.memref_slice %arg8[%arg0, %mul3A_240, %dma_wait3A_246] : memref<2x1280x128xf32, #tpu.memory_space<hbm>> -> memref<1x80x128xf32, #tpu.memory_space<hbm>>
        %dma_wait3A_248 = tpu.memref_squeeze %dma_wait3A_247 : memref<1x80x128xf32, #tpu.memory_space<hbm>> -> memref<80x128xf32, #tpu.memory_space<hbm>>
        %dma_wait3A_249 = arith.constant 0 : i32
        %dma_wait3A_250 = tpu.memref_slice %arg27[%mul3A_238, %dma_wait3A_249] : memref<1280x128xf32, #tpu.memory_space<vmem_shared>> -> memref<80x128xf32, #tpu.memory_space<vmem_shared>>
        tpu.wait_dma2 semaphore(%run_scoped3A : memref<!tpu.dma_semaphore, #tpu.memory_space<semaphore_mem>>) src(%dma_wait3A_250 : memref<80x128xf32, #tpu.memory_space<vmem_shared>>) dst(%dma_wait3A_248 : memref<80x128xf32, #tpu.memory_space<hbm>>)
        tpu.yield
      }) : () -> ()
    }
    return
  }
}

module attributes {stable_mosaic.version = 14 : i64} {
  func.func @_prep_body(%arg0: memref<10000x128xf32, #tpu.memory_space<vmem>>, %arg1: memref<128x128xf32, #tpu.memory_space<vmem>>, %arg2: memref<1x128xf32, #tpu.memory_space<vmem>>, %arg3: memref<128x128xf32, #tpu.memory_space<vmem>>, %arg4: memref<128x128xf32, #tpu.memory_space<vmem>>, %arg5: memref<128x128xf32, #tpu.memory_space<vmem>>, %arg6: memref<10000x128xf32, #tpu.memory_space<vmem>>, %arg7: memref<10000x128xf32, #tpu.memory_space<vmem>>, %arg8: memref<10000x256xf32, #tpu.memory_space<vmem>>) attributes {dimension_semantics = [], scalar_prefetch = 0 : i64, scratch_operands = 0 : i64, tpu.core_type = #tpu.core_type<tc>} {
    %get3A = arith.constant 0 : index
    %get3A_0 = arith.constant 0 : index
    %get3A_1 = vector.load %arg0[%get3A, %get3A_0] : memref<10000x128xf32, #tpu.memory_space<vmem>>, vector<10000x128xf32>
    %get3A_2 = arith.constant 0 : index
    %get3A_3 = arith.constant 0 : index
    %get3A_4 = vector.load %arg1[%get3A_2, %get3A_3] : memref<128x128xf32, #tpu.memory_space<vmem>>, vector<128x128xf32>
    %dot_general3A = arith.constant dense<0.000000e+00> : vector<10000x128xf32>
    %dot_general3A_5 = tpu.matmul %get3A_1, %get3A_4, %dot_general3A {dimension_numbers = #tpu.dot_dimension_numbers<[1], [0], [0], [1], [0, 0, 1, 1], [], []>, transpose_lhs_hint = false} : vector<10000x128xf32>, vector<128x128xf32>, vector<10000x128xf32> -> vector<10000x128xf32>
    %get3A_6 = arith.constant 0 : index
    %get3A_7 = arith.constant 0 : index
    %get3A_8 = vector.load %arg2[%get3A_6, %get3A_7] : memref<1x128xf32, #tpu.memory_space<vmem>>, vector<1x128xf32>
    %add3A = vector.broadcast %get3A_8 : vector<1x128xf32> to vector<10000x128xf32>
    %add3A_9 = arith.addf %dot_general3A_5, %add3A : vector<10000x128xf32>
    %swap3A = arith.constant 0 : index
    %swap3A_10 = arith.constant 0 : index
    %swap3A_11 = vector.load %arg6[%swap3A, %swap3A_10] : memref<10000x128xf32, #tpu.memory_space<vmem>>, vector<10000x128xf32>
    tpu.vector_store %arg6[%swap3A, %swap3A_10], %add3A_9 {strides = array<i32>} : memref<10000x128xf32, #tpu.memory_space<vmem>>, vector<10000x128xf32>,
    %get3A_12 = arith.constant 0 : index
    %get3A_13 = arith.constant 0 : index
    %get3A_14 = vector.load %arg3[%get3A_12, %get3A_13] : memref<128x128xf32, #tpu.memory_space<vmem>>, vector<128x128xf32>
    %dot_general3A_15 = arith.constant dense<0.000000e+00> : vector<10000x128xf32>
    %dot_general3A_16 = tpu.matmul %add3A_9, %get3A_14, %dot_general3A_15 {dimension_numbers = #tpu.dot_dimension_numbers<[1], [0], [0], [1], [0, 0, 1, 1], [], []>, transpose_lhs_hint = false} : vector<10000x128xf32>, vector<128x128xf32>, vector<10000x128xf32> -> vector<10000x128xf32>
    %swap3A_17 = arith.constant 0 : index
    %swap3A_18 = arith.constant 0 : index
    %swap3A_19 = vector.load %arg7[%swap3A_17, %swap3A_18] : memref<10000x128xf32, #tpu.memory_space<vmem>>, vector<10000x128xf32>
    tpu.vector_store %arg7[%swap3A_17, %swap3A_18], %dot_general3A_16 {strides = array<i32>} : memref<10000x128xf32, #tpu.memory_space<vmem>>, vector<10000x128xf32>,
    %get3A_20 = arith.constant 0 : index
    %get3A_21 = arith.constant 0 : index
    %get3A_22 = vector.load %arg4[%get3A_20, %get3A_21] : memref<128x128xf32, #tpu.memory_space<vmem>>, vector<128x128xf32>
    %dot_general3A_23 = arith.constant dense<0.000000e+00> : vector<10000x128xf32>
    %dot_general3A_24 = tpu.matmul %add3A_9, %get3A_22, %dot_general3A_23 {dimension_numbers = #tpu.dot_dimension_numbers<[1], [0], [0], [1], [0, 0, 1, 1], [], []>, transpose_lhs_hint = false} : vector<10000x128xf32>, vector<128x128xf32>, vector<10000x128xf32> -> vector<10000x128xf32>
    %swap3A_25 = arith.constant 0 : index
    %swap3A_26 = arith.constant 0 : index
    %swap3A_27 = vector.load %arg8[%swap3A_25, %swap3A_26] : memref<10000x256xf32, #tpu.memory_space<vmem>>, vector<10000x128xf32>
    tpu.vector_store %arg8[%swap3A_25, %swap3A_26], %dot_general3A_24 {strides = array<i32>} : memref<10000x256xf32, #tpu.memory_space<vmem>>, vector<10000x128xf32>,
    %get3A_28 = arith.constant 0 : index
    %get3A_29 = arith.constant 0 : index
    %get3A_30 = vector.load %arg5[%get3A_28, %get3A_29] : memref<128x128xf32, #tpu.memory_space<vmem>>, vector<128x128xf32>
    %dot_general3A_31 = arith.constant dense<0.000000e+00> : vector<10000x128xf32>
    %dot_general3A_32 = tpu.matmul %add3A_9, %get3A_30, %dot_general3A_31 {dimension_numbers = #tpu.dot_dimension_numbers<[1], [0], [0], [1], [0, 0, 1, 1], [], []>, transpose_lhs_hint = false} : vector<10000x128xf32>, vector<128x128xf32>, vector<10000x128xf32> -> vector<10000x128xf32>
    %swap3A_33 = arith.constant 0 : index
    %swap3A_34 = arith.constant 128 : index
    %swap3A_35 = vector.load %arg8[%swap3A_33, %swap3A_34] : memref<10000x256xf32, #tpu.memory_space<vmem>>, vector<10000x128xf32>
    tpu.vector_store %arg8[%swap3A_33, %swap3A_34], %dot_general3A_32 {strides = array<i32>} : memref<10000x256xf32, #tpu.memory_space<vmem>>, vector<10000x128xf32>,
    return
  }
}

module attributes {stable_mosaic.version = 14 : i64} {
  func.func @_node1_body(%arg0: memref<2x10000x128xf32, #tpu.memory_space<vmem>>, %arg1: memref<2x1280x128xf32, #tpu.memory_space<vmem>>, %arg2: memref<8x128x8xf32, #tpu.memory_space<vmem>>, %arg3: memref<8x128xf32, #tpu.memory_space<vmem>>, %arg4: memref<10000x128xf32, #tpu.memory_space<vmem>>, %arg5: memref<128x128xf32, #tpu.memory_space<vmem>>, %arg6: memref<1x128xf32, #tpu.memory_space<vmem>>, %arg7: memref<1x128xf32, #tpu.memory_space<vmem>>, %arg8: memref<1x128xf32, #tpu.memory_space<vmem>>, %arg9: memref<128x256xf32, #tpu.memory_space<vmem>>, %arg10: memref<1x256xf32, #tpu.memory_space<vmem>>, %arg11: memref<256x128xf32, #tpu.memory_space<vmem>>, %arg12: memref<1x128xf32, #tpu.memory_space<vmem>>, %arg13: memref<1x128xf32, #tpu.memory_space<vmem>>, %arg14: memref<1x128xf32, #tpu.memory_space<vmem>>, %arg15: memref<128x128xf32, #tpu.memory_space<vmem>>, %arg16: memref<128x128xf32, #tpu.memory_space<vmem>>, %arg17: memref<128x128xf32, #tpu.memory_space<vmem>>, %arg18: memref<10000x128xf32, #tpu.memory_space<vmem>>, %arg19: memref<10000x128xf32, #tpu.memory_space<vmem>>, %arg20: memref<10000x256xf32, #tpu.memory_space<vmem>>) attributes {dimension_semantics = [], scalar_prefetch = 0 : i64, scratch_operands = 0 : i64, tpu.core_type = #tpu.core_type<tc>} {
    %get3A = arith.constant 0 : index
    %get3A_0 = arith.constant 0 : index
    %get3A_1 = arith.constant 0 : index
    %get3A_2 = vector.load %arg0[%get3A, %get3A_0, %get3A_1] : memref<2x10000x128xf32, #tpu.memory_space<vmem>>, vector<2x10000x128xf32>
    %get3A_3 = arith.constant 0 : index
    %get3A_4 = arith.constant 0 : index
    %get3A_5 = arith.constant 0 : index
    %get3A_6 = vector.load %arg1[%get3A_3, %get3A_4, %get3A_5] : memref<2x1280x128xf32, #tpu.memory_space<vmem>>, vector<2x1280x128xf32>
    %get3A_7 = arith.constant 0 : index
    %get3A_8 = arith.constant 0 : index
    %get3A_9 = arith.constant 0 : index
    %get3A_10 = vector.load %arg2[%get3A_7, %get3A_8, %get3A_9] : memref<8x128x8xf32, #tpu.memory_space<vmem>>, vector<8x128x8xf32>
    %get3A_11 = arith.constant 0 : index
    %get3A_12 = arith.constant 0 : index
    %get3A_13 = vector.load %arg3[%get3A_11, %get3A_12] : memref<8x128xf32, #tpu.memory_space<vmem>>, vector<8x128xf32>
    %slice3A = vector.extract_strided_slice %get3A_2 {offsets = [0, 0, 0], sizes = [1, 10000, 128], strides = [1, 1, 1]} : vector<2x10000x128xf32> to vector<1x10000x128xf32>
    %squeeze3A = vector.shape_cast %slice3A : vector<1x10000x128xf32> to vector<10000x128xf32>
    %slice3A_14 = vector.extract_strided_slice %get3A_2 {offsets = [1, 0, 0], sizes = [1, 10000, 128], strides = [1, 1, 1]} : vector<2x10000x128xf32> to vector<1x10000x128xf32>
    %squeeze3A_15 = vector.shape_cast %slice3A_14 : vector<1x10000x128xf32> to vector<10000x128xf32>
    %add3A = arith.addf %squeeze3A, %squeeze3A_15 : vector<10000x128xf32>
    %slice3A_16 = vector.extract_strided_slice %get3A_6 {offsets = [0, 0, 0], sizes = [1, 1250, 128], strides = [1, 1, 1]} : vector<2x1280x128xf32> to vector<1x1250x128xf32>
    %squeeze3A_17 = vector.shape_cast %slice3A_16 : vector<1x1250x128xf32> to vector<1250x128xf32>
    %slice3A_18 = vector.extract_strided_slice %get3A_6 {offsets = [1, 0, 0], sizes = [1, 1250, 128], strides = [1, 1, 1]} : vector<2x1280x128xf32> to vector<1x1250x128xf32>
    %squeeze3A_19 = vector.shape_cast %slice3A_18 : vector<1x1250x128xf32> to vector<1250x128xf32>
    %add3A_20 = arith.addf %squeeze3A_17, %squeeze3A_19 : vector<1250x128xf32>
    %slice3A_21 = vector.extract_strided_slice %get3A_10 {offsets = [0, 0, 0], sizes = [1, 128, 8], strides = [1, 1, 1]} : vector<8x128x8xf32> to vector<1x128x8xf32>
    %squeeze3A_22 = vector.shape_cast %slice3A_21 : vector<1x128x8xf32> to vector<128x8xf32>
    %dot_general3A = arith.constant dense<0.000000e+00> : vector<1250x8xf32>
    %dot_general3A_23 = tpu.matmul %add3A_20, %squeeze3A_22, %dot_general3A {dimension_numbers = #tpu.dot_dimension_numbers<[1], [0], [0], [1], [0, 0, 1, 1], [], []>, transpose_lhs_hint = false} : vector<1250x128xf32>, vector<128x8xf32>, vector<1250x8xf32> -> vector<1250x8xf32>
    %slice3A_24 = vector.extract_strided_slice %get3A_10 {offsets = [1, 0, 0], sizes = [1, 128, 8], strides = [1, 1, 1]} : vector<8x128x8xf32> to vector<1x128x8xf32>
    %squeeze3A_25 = vector.shape_cast %slice3A_24 : vector<1x128x8xf32> to vector<128x8xf32>
    %dot_general3A_26 = arith.constant dense<0.000000e+00> : vector<1250x8xf32>
    %dot_general3A_27 = tpu.matmul %add3A_20, %squeeze3A_25, %dot_general3A_26 {dimension_numbers = #tpu.dot_dimension_numbers<[1], [0], [0], [1], [0, 0, 1, 1], [], []>, transpose_lhs_hint = false} : vector<1250x128xf32>, vector<128x8xf32>, vector<1250x8xf32> -> vector<1250x8xf32>
    %slice3A_28 = vector.extract_strided_slice %get3A_10 {offsets = [2, 0, 0], sizes = [1, 128, 8], strides = [1, 1, 1]} : vector<8x128x8xf32> to vector<1x128x8xf32>
    %squeeze3A_29 = vector.shape_cast %slice3A_28 : vector<1x128x8xf32> to vector<128x8xf32>
    %dot_general3A_30 = arith.constant dense<0.000000e+00> : vector<1250x8xf32>
    %dot_general3A_31 = tpu.matmul %add3A_20, %squeeze3A_29, %dot_general3A_30 {dimension_numbers = #tpu.dot_dimension_numbers<[1], [0], [0], [1], [0, 0, 1, 1], [], []>, transpose_lhs_hint = false} : vector<1250x128xf32>, vector<128x8xf32>, vector<1250x8xf32> -> vector<1250x8xf32>
    %slice3A_32 = vector.extract_strided_slice %get3A_10 {offsets = [3, 0, 0], sizes = [1, 128, 8], strides = [1, 1, 1]} : vector<8x128x8xf32> to vector<1x128x8xf32>
    %squeeze3A_33 = vector.shape_cast %slice3A_32 : vector<1x128x8xf32> to vector<128x8xf32>
    %dot_general3A_34 = arith.constant dense<0.000000e+00> : vector<1250x8xf32>
    %dot_general3A_35 = tpu.matmul %add3A_20, %squeeze3A_33, %dot_general3A_34 {dimension_numbers = #tpu.dot_dimension_numbers<[1], [0], [0], [1], [0, 0, 1, 1], [], []>, transpose_lhs_hint = false} : vector<1250x128xf32>, vector<128x8xf32>, vector<1250x8xf32> -> vector<1250x8xf32>
    %slice3A_36 = vector.extract_strided_slice %get3A_10 {offsets = [4, 0, 0], sizes = [1, 128, 8], strides = [1, 1, 1]} : vector<8x128x8xf32> to vector<1x128x8xf32>
    %squeeze3A_37 = vector.shape_cast %slice3A_36 : vector<1x128x8xf32> to vector<128x8xf32>
    %dot_general3A_38 = arith.constant dense<0.000000e+00> : vector<1250x8xf32>
    %dot_general3A_39 = tpu.matmul %add3A_20, %squeeze3A_37, %dot_general3A_38 {dimension_numbers = #tpu.dot_dimension_numbers<[1], [0], [0], [1], [0, 0, 1, 1], [], []>, transpose_lhs_hint = false} : vector<1250x128xf32>, vector<128x8xf32>, vector<1250x8xf32> -> vector<1250x8xf32>
    %slice3A_40 = vector.extract_strided_slice %get3A_10 {offsets = [5, 0, 0], sizes = [1, 128, 8], strides = [1, 1, 1]} : vector<8x128x8xf32> to vector<1x128x8xf32>
    %squeeze3A_41 = vector.shape_cast %slice3A_40 : vector<1x128x8xf32> to vector<128x8xf32>
    %dot_general3A_42 = arith.constant dense<0.000000e+00> : vector<1250x8xf32>
    %dot_general3A_43 = tpu.matmul %add3A_20, %squeeze3A_41, %dot_general3A_42 {dimension_numbers = #tpu.dot_dimension_numbers<[1], [0], [0], [1], [0, 0, 1, 1], [], []>, transpose_lhs_hint = false} : vector<1250x128xf32>, vector<128x8xf32>, vector<1250x8xf32> -> vector<1250x8xf32>
    %slice3A_44 = vector.extract_strided_slice %get3A_10 {offsets = [6, 0, 0], sizes = [1, 128, 8], strides = [1, 1, 1]} : vector<8x128x8xf32> to vector<1x128x8xf32>
    %squeeze3A_45 = vector.shape_cast %slice3A_44 : vector<1x128x8xf32> to vector<128x8xf32>
    %dot_general3A_46 = arith.constant dense<0.000000e+00> : vector<1250x8xf32>
    %dot_general3A_47 = tpu.matmul %add3A_20, %squeeze3A_45, %dot_general3A_46 {dimension_numbers = #tpu.dot_dimension_numbers<[1], [0], [0], [1], [0, 0, 1, 1], [], []>, transpose_lhs_hint = false} : vector<1250x128xf32>, vector<128x8xf32>, vector<1250x8xf32> -> vector<1250x8xf32>
    %slice3A_48 = vector.extract_strided_slice %get3A_10 {offsets = [7, 0, 0], sizes = [1, 128, 8], strides = [1, 1, 1]} : vector<8x128x8xf32> to vector<1x128x8xf32>
    %squeeze3A_49 = vector.shape_cast %slice3A_48 : vector<1x128x8xf32> to vector<128x8xf32>
    %dot_general3A_50 = arith.constant dense<0.000000e+00> : vector<1250x8xf32>
    %dot_general3A_51 = tpu.matmul %add3A_20, %squeeze3A_49, %dot_general3A_50 {dimension_numbers = #tpu.dot_dimension_numbers<[1], [0], [0], [1], [0, 0, 1, 1], [], []>, transpose_lhs_hint = false} : vector<1250x128xf32>, vector<128x8xf32>, vector<1250x8xf32> -> vector<1250x8xf32>
    %concatenate3A = tpu.concatenate %dot_general3A_23, %dot_general3A_27, %dot_general3A_31, %dot_general3A_35, %dot_general3A_39, %dot_general3A_43, %dot_general3A_47, %dot_general3A_51 in 0 : vector<1250x8xf32>, vector<1250x8xf32>, vector<1250x8xf32>, vector<1250x8xf32>, vector<1250x8xf32>, vector<1250x8xf32>, vector<1250x8xf32>, vector<1250x8xf32> -> vector<10000x8xf32>
    %add3A_52 = arith.constant 9.99999997E-7 : f32
    %add3A_53 = vector.broadcast %add3A_52 : f32 to vector<10000x8xf32>
    %add3A_54 = arith.addf %concatenate3A, %add3A_53 : vector<10000x8xf32>
    %div3A = arith.constant 1.000000e+00 : f32
    %div3A_55 = vector.broadcast %div3A : f32 to vector<10000x8xf32>
    %div3A_56 = arith.divf %div3A_55, %add3A_54 : vector<10000x8xf32>
    %dot_general3A_57 = arith.constant dense<0.000000e+00> : vector<10000x128xf32>
    %dot_general3A_58 = tpu.matmul %div3A_56, %get3A_13, %dot_general3A_57 {dimension_numbers = #tpu.dot_dimension_numbers<[1], [0], [0], [1], [0, 0, 1, 1], [], []>, transpose_lhs_hint = false} : vector<10000x8xf32>, vector<8x128xf32>, vector<10000x128xf32> -> vector<10000x128xf32>
    %mul3A = arith.mulf %add3A, %dot_general3A_58 : vector<10000x128xf32>
    %get3A_59 = arith.constant 0 : index
    %get3A_60 = arith.constant 0 : index
    %get3A_61 = vector.load %arg4[%get3A_59, %get3A_60] : memref<10000x128xf32, #tpu.memory_space<vmem>>, vector<10000x128xf32>
    %get3A_62 = arith.constant 0 : index
    %get3A_63 = arith.constant 0 : index
    %get3A_64 = vector.load %arg5[%get3A_62, %get3A_63] : memref<128x128xf32, #tpu.memory_space<vmem>>, vector<128x128xf32>
    %dot_general3A_65 = arith.constant dense<0.000000e+00> : vector<10000x128xf32>
    %dot_general3A_66 = tpu.matmul %mul3A, %get3A_64, %dot_general3A_65 {dimension_numbers = #tpu.dot_dimension_numbers<[1], [0], [0], [1], [0, 0, 1, 1], [], []>, transpose_lhs_hint = false} : vector<10000x128xf32>, vector<128x128xf32>, vector<10000x128xf32> -> vector<10000x128xf32>
    %add3A_67 = arith.addf %get3A_61, %dot_general3A_66 : vector<10000x128xf32>
    %get3A_68 = arith.constant 0 : index
    %get3A_69 = arith.constant 0 : index
    %get3A_70 = vector.load %arg6[%get3A_68, %get3A_69] : memref<1x128xf32, #tpu.memory_space<vmem>>, vector<1x128xf32>
    %add3A_71 = vector.broadcast %get3A_70 : vector<1x128xf32> to vector<10000x128xf32>
    %add3A_72 = arith.addf %add3A_67, %add3A_71 : vector<10000x128xf32>
    %get3A_73 = arith.constant 0 : index
    %get3A_74 = arith.constant 0 : index
    %get3A_75 = vector.load %arg7[%get3A_73, %get3A_74] : memref<1x128xf32, #tpu.memory_space<vmem>>, vector<1x128xf32>
    %get3A_76 = arith.constant 0 : index
    %get3A_77 = arith.constant 0 : index
    %get3A_78 = vector.load %arg8[%get3A_76, %get3A_77] : memref<1x128xf32, #tpu.memory_space<vmem>>, vector<1x128xf32>
    %reduce_sum3A = arith.constant dense<0.000000e+00> : vector<10000xf32>
    %reduce_sum3A_79 = vector.multi_reduction <add>, %add3A_72, %reduce_sum3A [1] : vector<10000x128xf32> to vector<10000xf32>
    %broadcast_in_dim3A = vector.shape_cast %reduce_sum3A_79 : vector<10000xf32> to vector<10000x1xf32>
    %div3A_80 = arith.constant 1.280000e+02 : f32
    %div3A_81 = vector.broadcast %div3A_80 : f32 to vector<10000x1xf32>
    %div3A_82 = arith.divf %broadcast_in_dim3A, %div3A_81 : vector<10000x1xf32>
    %sub3A = vector.broadcast %div3A_82 : vector<10000x1xf32> to vector<10000x128xf32>
    %sub3A_83 = arith.subf %add3A_72, %sub3A : vector<10000x128xf32>
    %integer_pow3A = arith.mulf %sub3A_83, %sub3A_83 : vector<10000x128xf32>
    %reduce_sum3A_84 = arith.constant dense<0.000000e+00> : vector<10000xf32>
    %reduce_sum3A_85 = vector.multi_reduction <add>, %integer_pow3A, %reduce_sum3A_84 [1] : vector<10000x128xf32> to vector<10000xf32>
    %broadcast_in_dim3A_86 = vector.shape_cast %reduce_sum3A_85 : vector<10000xf32> to vector<10000x1xf32>
    %div3A_87 = arith.constant 1.280000e+02 : f32
    %div3A_88 = vector.broadcast %div3A_87 : f32 to vector<10000x1xf32>
    %div3A_89 = arith.divf %broadcast_in_dim3A_86, %div3A_88 : vector<10000x1xf32>
    %sub3A_90 = vector.broadcast %div3A_82 : vector<10000x1xf32> to vector<10000x128xf32>
    %sub3A_91 = arith.subf %add3A_72, %sub3A_90 : vector<10000x128xf32>
    %add3A_92 = arith.constant 9.99999974E-6 : f32
    %add3A_93 = vector.broadcast %add3A_92 : f32 to vector<10000x1xf32>
    %add3A_94 = arith.addf %div3A_89, %add3A_93 : vector<10000x1xf32>
    %sqrt3A = math.sqrt %add3A_94 : vector<10000x1xf32>
    %div3A_95 = vector.broadcast %sqrt3A : vector<10000x1xf32> to vector<10000x128xf32>
    %div3A_96 = arith.divf %sub3A_91, %div3A_95 : vector<10000x128xf32>
    %mul3A_97 = vector.broadcast %get3A_75 : vector<1x128xf32> to vector<10000x128xf32>
    %mul3A_98 = arith.mulf %div3A_96, %mul3A_97 : vector<10000x128xf32>
    %add3A_99 = vector.broadcast %get3A_78 : vector<1x128xf32> to vector<10000x128xf32>
    %add3A_100 = arith.addf %mul3A_98, %add3A_99 : vector<10000x128xf32>
    %get3A_101 = arith.constant 0 : index
    %get3A_102 = arith.constant 0 : index
    %get3A_103 = vector.load %arg9[%get3A_101, %get3A_102] : memref<128x256xf32, #tpu.memory_space<vmem>>, vector<128x256xf32>
    %dot_general3A_104 = arith.constant dense<0.000000e+00> : vector<10000x256xf32>
    %dot_general3A_105 = tpu.matmul %add3A_100, %get3A_103, %dot_general3A_104 {dimension_numbers = #tpu.dot_dimension_numbers<[1], [0], [0], [1], [0, 0, 1, 1], [], []>, transpose_lhs_hint = false} : vector<10000x128xf32>, vector<128x256xf32>, vector<10000x256xf32> -> vector<10000x256xf32>
    %get3A_106 = arith.constant 0 : index
    %get3A_107 = arith.constant 0 : index
    %get3A_108 = vector.load %arg10[%get3A_106, %get3A_107] : memref<1x256xf32, #tpu.memory_space<vmem>>, vector<1x256xf32>
    %add3A_109 = vector.broadcast %get3A_108 : vector<1x256xf32> to vector<10000x256xf32>
    %add3A_110 = arith.addf %dot_general3A_105, %add3A_109 : vector<10000x256xf32>
    %max3A = arith.constant 0.000000e+00 : f32
    %max3A_111 = vector.broadcast %max3A : f32 to vector<10000x256xf32>
    %max3A_112 = arith.maximumf %add3A_110, %max3A_111 : vector<10000x256xf32>
    %get3A_113 = arith.constant 0 : index
    %get3A_114 = arith.constant 0 : index
    %get3A_115 = vector.load %arg11[%get3A_113, %get3A_114] : memref<256x128xf32, #tpu.memory_space<vmem>>, vector<256x128xf32>
    %dot_general3A_116 = arith.constant dense<0.000000e+00> : vector<10000x128xf32>
    %dot_general3A_117 = tpu.matmul %max3A_112, %get3A_115, %dot_general3A_116 {dimension_numbers = #tpu.dot_dimension_numbers<[1], [0], [0], [1], [0, 0, 1, 1], [], []>, transpose_lhs_hint = false} : vector<10000x256xf32>, vector<256x128xf32>, vector<10000x128xf32> -> vector<10000x128xf32>
    %add3A_118 = arith.addf %add3A_100, %dot_general3A_117 : vector<10000x128xf32>
    %get3A_119 = arith.constant 0 : index
    %get3A_120 = arith.constant 0 : index
    %get3A_121 = vector.load %arg12[%get3A_119, %get3A_120] : memref<1x128xf32, #tpu.memory_space<vmem>>, vector<1x128xf32>
    %add3A_122 = vector.broadcast %get3A_121 : vector<1x128xf32> to vector<10000x128xf32>
    %add3A_123 = arith.addf %add3A_118, %add3A_122 : vector<10000x128xf32>
    %get3A_124 = arith.constant 0 : index
    %get3A_125 = arith.constant 0 : index
    %get3A_126 = vector.load %arg13[%get3A_124, %get3A_125] : memref<1x128xf32, #tpu.memory_space<vmem>>, vector<1x128xf32>
    %get3A_127 = arith.constant 0 : index
    %get3A_128 = arith.constant 0 : index
    %get3A_129 = vector.load %arg14[%get3A_127, %get3A_128] : memref<1x128xf32, #tpu.memory_space<vmem>>, vector<1x128xf32>
    %reduce_sum3A_130 = arith.constant dense<0.000000e+00> : vector<10000xf32>
    %reduce_sum3A_131 = vector.multi_reduction <add>, %add3A_123, %reduce_sum3A_130 [1] : vector<10000x128xf32> to vector<10000xf32>
    %broadcast_in_dim3A_132 = vector.shape_cast %reduce_sum3A_131 : vector<10000xf32> to vector<10000x1xf32>
    %div3A_133 = arith.constant 1.280000e+02 : f32
    %div3A_134 = vector.broadcast %div3A_133 : f32 to vector<10000x1xf32>
    %div3A_135 = arith.divf %broadcast_in_dim3A_132, %div3A_134 : vector<10000x1xf32>
    %sub3A_136 = vector.broadcast %div3A_135 : vector<10000x1xf32> to vector<10000x128xf32>
    %sub3A_137 = arith.subf %add3A_123, %sub3A_136 : vector<10000x128xf32>
    %integer_pow3A_138 = arith.mulf %sub3A_137, %sub3A_137 : vector<10000x128xf32>
    %reduce_sum3A_139 = arith.constant dense<0.000000e+00> : vector<10000xf32>
    %reduce_sum3A_140 = vector.multi_reduction <add>, %integer_pow3A_138, %reduce_sum3A_139 [1] : vector<10000x128xf32> to vector<10000xf32>
    %broadcast_in_dim3A_141 = vector.shape_cast %reduce_sum3A_140 : vector<10000xf32> to vector<10000x1xf32>
    %div3A_142 = arith.constant 1.280000e+02 : f32
    %div3A_143 = vector.broadcast %div3A_142 : f32 to vector<10000x1xf32>
    %div3A_144 = arith.divf %broadcast_in_dim3A_141, %div3A_143 : vector<10000x1xf32>
    %sub3A_145 = vector.broadcast %div3A_135 : vector<10000x1xf32> to vector<10000x128xf32>
    %sub3A_146 = arith.subf %add3A_123, %sub3A_145 : vector<10000x128xf32>
    %add3A_147 = arith.constant 9.99999974E-6 : f32
    %add3A_148 = vector.broadcast %add3A_147 : f32 to vector<10000x1xf32>
    %add3A_149 = arith.addf %div3A_144, %add3A_148 : vector<10000x1xf32>
    %sqrt3A_150 = math.sqrt %add3A_149 : vector<10000x1xf32>
    %div3A_151 = vector.broadcast %sqrt3A_150 : vector<10000x1xf32> to vector<10000x128xf32>
    %div3A_152 = arith.divf %sub3A_146, %div3A_151 : vector<10000x128xf32>
    %mul3A_153 = vector.broadcast %get3A_126 : vector<1x128xf32> to vector<10000x128xf32>
    %mul3A_154 = arith.mulf %div3A_152, %mul3A_153 : vector<10000x128xf32>
    %add3A_155 = vector.broadcast %get3A_129 : vector<1x128xf32> to vector<10000x128xf32>
    %add3A_156 = arith.addf %mul3A_154, %add3A_155 : vector<10000x128xf32>
    %swap3A = arith.constant 0 : index
    %swap3A_157 = arith.constant 0 : index
    %swap3A_158 = vector.load %arg18[%swap3A, %swap3A_157] : memref<10000x128xf32, #tpu.memory_space<vmem>>, vector<10000x128xf32>
    tpu.vector_store %arg18[%swap3A, %swap3A_157], %add3A_156 {strides = array<i32>} : memref<10000x128xf32, #tpu.memory_space<vmem>>, vector<10000x128xf32>,
    %get3A_159 = arith.constant 0 : index
    %get3A_160 = arith.constant 0 : index
    %get3A_161 = vector.load %arg15[%get3A_159, %get3A_160] : memref<128x128xf32, #tpu.memory_space<vmem>>, vector<128x128xf32>
    %dot_general3A_162 = arith.constant dense<0.000000e+00> : vector<10000x128xf32>
    %dot_general3A_163 = tpu.matmul %add3A_156, %get3A_161, %dot_general3A_162 {dimension_numbers = #tpu.dot_dimension_numbers<[1], [0], [0], [1], [0, 0, 1, 1], [], []>, transpose_lhs_hint = false} : vector<10000x128xf32>, vector<128x128xf32>, vector<10000x128xf32> -> vector<10000x128xf32>
    %swap3A_164 = arith.constant 0 : index
    %swap3A_165 = arith.constant 0 : index
    %swap3A_166 = vector.load %arg19[%swap3A_164, %swap3A_165] : memref<10000x128xf32, #tpu.memory_space<vmem>>, vector<10000x128xf32>
    tpu.vector_store %arg19[%swap3A_164, %swap3A_165], %dot_general3A_163 {strides = array<i32>} : memref<10000x128xf32, #tpu.memory_space<vmem>>, vector<10000x128xf32>,
    %get3A_167 = arith.constant 0 : index
    %get3A_168 = arith.constant 0 : index
    %get3A_169 = vector.load %arg16[%get3A_167, %get3A_168] : memref<128x128xf32, #tpu.memory_space<vmem>>, vector<128x128xf32>
    %dot_general3A_170 = arith.constant dense<0.000000e+00> : vector<10000x128xf32>
    %dot_general3A_171 = tpu.matmul %add3A_156, %get3A_169, %dot_general3A_170 {dimension_numbers = #tpu.dot_dimension_numbers<[1], [0], [0], [1], [0, 0, 1, 1], [], []>, transpose_lhs_hint = false} : vector<10000x128xf32>, vector<128x128xf32>, vector<10000x128xf32> -> vector<10000x128xf32>
    %swap3A_172 = arith.constant 0 : index
    %swap3A_173 = arith.constant 0 : index
    %swap3A_174 = vector.load %arg20[%swap3A_172, %swap3A_173] : memref<10000x256xf32, #tpu.memory_space<vmem>>, vector<10000x128xf32>
    tpu.vector_store %arg20[%swap3A_172, %swap3A_173], %dot_general3A_171 {strides = array<i32>} : memref<10000x256xf32, #tpu.memory_space<vmem>>, vector<10000x128xf32>,
    %get3A_175 = arith.constant 0 : index
    %get3A_176 = arith.constant 0 : index
    %get3A_177 = vector.load %arg17[%get3A_175, %get3A_176] : memref<128x128xf32, #tpu.memory_space<vmem>>, vector<128x128xf32>
    %dot_general3A_178 = arith.constant dense<0.000000e+00> : vector<10000x128xf32>
    %dot_general3A_179 = tpu.matmul %add3A_156, %get3A_177, %dot_general3A_178 {dimension_numbers = #tpu.dot_dimension_numbers<[1], [0], [0], [1], [0, 0, 1, 1], [], []>, transpose_lhs_hint = false} : vector<10000x128xf32>, vector<128x128xf32>, vector<10000x128xf32> -> vector<10000x128xf32>
    %swap3A_180 = arith.constant 0 : index
    %swap3A_181 = arith.constant 128 : index
    %swap3A_182 = vector.load %arg20[%swap3A_180, %swap3A_181] : memref<10000x256xf32, #tpu.memory_space<vmem>>, vector<10000x128xf32>
    tpu.vector_store %arg20[%swap3A_180, %swap3A_181], %dot_general3A_179 {strides = array<i32>} : memref<10000x256xf32, #tpu.memory_space<vmem>>, vector<10000x128xf32>,
    return
  }
}

module attributes {stable_mosaic.version = 14 : i64} {
  func.func @_edge_chain_body(%arg0: i32, %arg1: memref<512x128xf32, #tpu.memory_space<vmem>>, %arg2: memref<128x128xf32, #tpu.memory_space<vmem>>, %arg3: memref<1x128xf32, #tpu.memory_space<vmem>>, %arg4: memref<1x128xf32, #tpu.memory_space<vmem>>, %arg5: memref<1x128xf32, #tpu.memory_space<vmem>>, %arg6: memref<128x256xf32, #tpu.memory_space<vmem>>, %arg7: memref<1x256xf32, #tpu.memory_space<vmem>>, %arg8: memref<256x128xf32, #tpu.memory_space<vmem>>, %arg9: memref<1x128xf32, #tpu.memory_space<vmem>>, %arg10: memref<1x128xf32, #tpu.memory_space<vmem>>, %arg11: memref<1x128xf32, #tpu.memory_space<vmem>>, %arg12: memref<128x128xf32, #tpu.memory_space<vmem>>, %arg13: memref<512x128xf32, #tpu.memory_space<vmem>>) attributes {dimension_semantics = [#tpu.dimension_semantics<arbitrary>], iteration_bounds = array<i64: 627>, scalar_prefetch = 0 : i64, scratch_operands = 0 : i64, tpu.core_type = #tpu.core_type<tc>, window_params = [{transform_indices = @transform_0, window_bounds = array<i64: 512, 128>}, {pipeline_mode = #tpu.pipeline_mode<synchronous>, transform_indices = @transform_1, window_bounds = array<i64: 128, 128>}, {pipeline_mode = #tpu.pipeline_mode<synchronous>, transform_indices = @transform_2, window_bounds = array<i64: 1, 128>}, {pipeline_mode = #tpu.pipeline_mode<synchronous>, transform_indices = @transform_3, window_bounds = array<i64: 1, 128>}, {pipeline_mode = #tpu.pipeline_mode<synchronous>, transform_indices = @transform_4, window_bounds = array<i64: 1, 128>}, {pipeline_mode = #tpu.pipeline_mode<synchronous>, transform_indices = @transform_5, window_bounds = array<i64: 128, 256>}, {pipeline_mode = #tpu.pipeline_mode<synchronous>, transform_indices = @transform_6, window_bounds = array<i64: 1, 256>}, {pipeline_mode = #tpu.pipeline_mode<synchronous>, transform_indices = @transform_7, window_bounds = array<i64: 256, 128>}, {pipeline_mode = #tpu.pipeline_mode<synchronous>, transform_indices = @transform_8, window_bounds = array<i64: 1, 128>}, {pipeline_mode = #tpu.pipeline_mode<synchronous>, transform_indices = @transform_9, window_bounds = array<i64: 1, 128>}, {pipeline_mode = #tpu.pipeline_mode<synchronous>, transform_indices = @transform_10, window_bounds = array<i64: 1, 128>}, {pipeline_mode = #tpu.pipeline_mode<synchronous>, transform_indices = @transform_11, window_bounds = array<i64: 128, 128>}, {transform_indices = @transform_12, window_bounds = array<i64: 512, 128>}]} {
    %get3A = arith.constant 0 : index
    %get3A_0 = arith.constant 0 : index
    %get3A_1 = vector.load %arg1[%get3A, %get3A_0] : memref<512x128xf32, #tpu.memory_space<vmem>>, vector<512x128xf32>
    %get3A_2 = arith.constant 0 : index
    %get3A_3 = arith.constant 0 : index
    %get3A_4 = vector.load %arg2[%get3A_2, %get3A_3] : memref<128x128xf32, #tpu.memory_space<vmem>>, vector<128x128xf32>
    %dot_general3A = arith.constant dense<0.000000e+00> : vector<512x128xf32>
    %dot_general3A_5 = tpu.matmul %get3A_1, %get3A_4, %dot_general3A {dimension_numbers = #tpu.dot_dimension_numbers<[1], [0], [0], [1], [0, 0, 1, 1], [], []>, transpose_lhs_hint = false} : vector<512x128xf32>, vector<128x128xf32>, vector<512x128xf32> -> vector<512x128xf32>
    %get3A_6 = arith.constant 0 : index
    %get3A_7 = arith.constant 0 : index
    %get3A_8 = vector.load %arg3[%get3A_6, %get3A_7] : memref<1x128xf32, #tpu.memory_space<vmem>>, vector<1x128xf32>
    %add3A = vector.broadcast %get3A_8 : vector<1x128xf32> to vector<512x128xf32>
    %add3A_9 = arith.addf %dot_general3A_5, %add3A : vector<512x128xf32>
    %get3A_10 = arith.constant 0 : index
    %get3A_11 = arith.constant 0 : index
    %get3A_12 = vector.load %arg4[%get3A_10, %get3A_11] : memref<1x128xf32, #tpu.memory_space<vmem>>, vector<1x128xf32>
    %get3A_13 = arith.constant 0 : index
    %get3A_14 = arith.constant 0 : index
    %get3A_15 = vector.load %arg5[%get3A_13, %get3A_14] : memref<1x128xf32, #tpu.memory_space<vmem>>, vector<1x128xf32>
    %reduce_sum3A = arith.constant dense<0.000000e+00> : vector<512xf32>
    %reduce_sum3A_16 = vector.multi_reduction <add>, %add3A_9, %reduce_sum3A [1] : vector<512x128xf32> to vector<512xf32>
    %broadcast_in_dim3A = vector.shape_cast %reduce_sum3A_16 : vector<512xf32> to vector<512x1xf32>
    %div3A = arith.constant 1.280000e+02 : f32
    %div3A_17 = vector.broadcast %div3A : f32 to vector<512x1xf32>
    %div3A_18 = arith.divf %broadcast_in_dim3A, %div3A_17 : vector<512x1xf32>
    %sub3A = vector.broadcast %div3A_18 : vector<512x1xf32> to vector<512x128xf32>
    %sub3A_19 = arith.subf %add3A_9, %sub3A : vector<512x128xf32>
    %integer_pow3A = arith.mulf %sub3A_19, %sub3A_19 : vector<512x128xf32>
    %reduce_sum3A_20 = arith.constant dense<0.000000e+00> : vector<512xf32>
    %reduce_sum3A_21 = vector.multi_reduction <add>, %integer_pow3A, %reduce_sum3A_20 [1] : vector<512x128xf32> to vector<512xf32>
    %broadcast_in_dim3A_22 = vector.shape_cast %reduce_sum3A_21 : vector<512xf32> to vector<512x1xf32>
    %div3A_23 = arith.constant 1.280000e+02 : f32
    %div3A_24 = vector.broadcast %div3A_23 : f32 to vector<512x1xf32>
    %div3A_25 = arith.divf %broadcast_in_dim3A_22, %div3A_24 : vector<512x1xf32>
    %sub3A_26 = vector.broadcast %div3A_18 : vector<512x1xf32> to vector<512x128xf32>
    %sub3A_27 = arith.subf %add3A_9, %sub3A_26 : vector<512x128xf32>
    %add3A_28 = arith.constant 9.99999974E-6 : f32
    %add3A_29 = vector.broadcast %add3A_28 : f32 to vector<512x1xf32>
    %add3A_30 = arith.addf %div3A_25, %add3A_29 : vector<512x1xf32>
    %sqrt3A = math.sqrt %add3A_30 : vector<512x1xf32>
    %div3A_31 = vector.broadcast %sqrt3A : vector<512x1xf32> to vector<512x128xf32>
    %div3A_32 = arith.divf %sub3A_27, %div3A_31 : vector<512x128xf32>
    %mul3A = vector.broadcast %get3A_12 : vector<1x128xf32> to vector<512x128xf32>
    %mul3A_33 = arith.mulf %div3A_32, %mul3A : vector<512x128xf32>
    %add3A_34 = vector.broadcast %get3A_15 : vector<1x128xf32> to vector<512x128xf32>
    %add3A_35 = arith.addf %mul3A_33, %add3A_34 : vector<512x128xf32>
    %get3A_36 = arith.constant 0 : index
    %get3A_37 = arith.constant 0 : index
    %get3A_38 = vector.load %arg6[%get3A_36, %get3A_37] : memref<128x256xf32, #tpu.memory_space<vmem>>, vector<128x256xf32>
    %dot_general3A_39 = arith.constant dense<0.000000e+00> : vector<512x256xf32>
    %dot_general3A_40 = tpu.matmul %add3A_35, %get3A_38, %dot_general3A_39 {dimension_numbers = #tpu.dot_dimension_numbers<[1], [0], [0], [1], [0, 0, 1, 1], [], []>, transpose_lhs_hint = false} : vector<512x128xf32>, vector<128x256xf32>, vector<512x256xf32> -> vector<512x256xf32>
    %get3A_41 = arith.constant 0 : index
    %get3A_42 = arith.constant 0 : index
    %get3A_43 = vector.load %arg7[%get3A_41, %get3A_42] : memref<1x256xf32, #tpu.memory_space<vmem>>, vector<1x256xf32>
    %add3A_44 = vector.broadcast %get3A_43 : vector<1x256xf32> to vector<512x256xf32>
    %add3A_45 = arith.addf %dot_general3A_40, %add3A_44 : vector<512x256xf32>
    %max3A = arith.constant 0.000000e+00 : f32
    %max3A_46 = vector.broadcast %max3A : f32 to vector<512x256xf32>
    %max3A_47 = arith.maximumf %add3A_45, %max3A_46 : vector<512x256xf32>
    %get3A_48 = arith.constant 0 : index
    %get3A_49 = arith.constant 0 : index
    %get3A_50 = vector.load %arg8[%get3A_48, %get3A_49] : memref<256x128xf32, #tpu.memory_space<vmem>>, vector<256x128xf32>
    %dot_general3A_51 = arith.constant dense<0.000000e+00> : vector<512x128xf32>
    %dot_general3A_52 = tpu.matmul %max3A_47, %get3A_50, %dot_general3A_51 {dimension_numbers = #tpu.dot_dimension_numbers<[1], [0], [0], [1], [0, 0, 1, 1], [], []>, transpose_lhs_hint = false} : vector<512x256xf32>, vector<256x128xf32>, vector<512x128xf32> -> vector<512x128xf32>
    %add3A_53 = arith.addf %add3A_35, %dot_general3A_52 : vector<512x128xf32>
    %get3A_54 = arith.constant 0 : index
    %get3A_55 = arith.constant 0 : index
    %get3A_56 = vector.load %arg9[%get3A_54, %get3A_55] : memref<1x128xf32, #tpu.memory_space<vmem>>, vector<1x128xf32>
    %add3A_57 = vector.broadcast %get3A_56 : vector<1x128xf32> to vector<512x128xf32>
    %add3A_58 = arith.addf %add3A_53, %add3A_57 : vector<512x128xf32>
    %get3A_59 = arith.constant 0 : index
    %get3A_60 = arith.constant 0 : index
    %get3A_61 = vector.load %arg10[%get3A_59, %get3A_60] : memref<1x128xf32, #tpu.memory_space<vmem>>, vector<1x128xf32>
    %get3A_62 = arith.constant 0 : index
    %get3A_63 = arith.constant 0 : index
    %get3A_64 = vector.load %arg11[%get3A_62, %get3A_63] : memref<1x128xf32, #tpu.memory_space<vmem>>, vector<1x128xf32>
    %reduce_sum3A_65 = arith.constant dense<0.000000e+00> : vector<512xf32>
    %reduce_sum3A_66 = vector.multi_reduction <add>, %add3A_58, %reduce_sum3A_65 [1] : vector<512x128xf32> to vector<512xf32>
    %broadcast_in_dim3A_67 = vector.shape_cast %reduce_sum3A_66 : vector<512xf32> to vector<512x1xf32>
    %div3A_68 = arith.constant 1.280000e+02 : f32
    %div3A_69 = vector.broadcast %div3A_68 : f32 to vector<512x1xf32>
    %div3A_70 = arith.divf %broadcast_in_dim3A_67, %div3A_69 : vector<512x1xf32>
    %sub3A_71 = vector.broadcast %div3A_70 : vector<512x1xf32> to vector<512x128xf32>
    %sub3A_72 = arith.subf %add3A_58, %sub3A_71 : vector<512x128xf32>
    %integer_pow3A_73 = arith.mulf %sub3A_72, %sub3A_72 : vector<512x128xf32>
    %reduce_sum3A_74 = arith.constant dense<0.000000e+00> : vector<512xf32>
    %reduce_sum3A_75 = vector.multi_reduction <add>, %integer_pow3A_73, %reduce_sum3A_74 [1] : vector<512x128xf32> to vector<512xf32>
    %broadcast_in_dim3A_76 = vector.shape_cast %reduce_sum3A_75 : vector<512xf32> to vector<512x1xf32>
    %div3A_77 = arith.constant 1.280000e+02 : f32
    %div3A_78 = vector.broadcast %div3A_77 : f32 to vector<512x1xf32>
    %div3A_79 = arith.divf %broadcast_in_dim3A_76, %div3A_78 : vector<512x1xf32>
    %sub3A_80 = vector.broadcast %div3A_70 : vector<512x1xf32> to vector<512x128xf32>
    %sub3A_81 = arith.subf %add3A_58, %sub3A_80 : vector<512x128xf32>
    %add3A_82 = arith.constant 9.99999974E-6 : f32
    %add3A_83 = vector.broadcast %add3A_82 : f32 to vector<512x1xf32>
    %add3A_84 = arith.addf %div3A_79, %add3A_83 : vector<512x1xf32>
    %sqrt3A_85 = math.sqrt %add3A_84 : vector<512x1xf32>
    %div3A_86 = vector.broadcast %sqrt3A_85 : vector<512x1xf32> to vector<512x128xf32>
    %div3A_87 = arith.divf %sub3A_81, %div3A_86 : vector<512x128xf32>
    %mul3A_88 = vector.broadcast %get3A_61 : vector<1x128xf32> to vector<512x128xf32>
    %mul3A_89 = arith.mulf %div3A_87, %mul3A_88 : vector<512x128xf32>
    %add3A_90 = vector.broadcast %get3A_64 : vector<1x128xf32> to vector<512x128xf32>
    %add3A_91 = arith.addf %mul3A_89, %add3A_90 : vector<512x128xf32>
    %get3A_92 = arith.constant 0 : index
    %get3A_93 = arith.constant 0 : index
    %get3A_94 = vector.load %arg12[%get3A_92, %get3A_93] : memref<128x128xf32, #tpu.memory_space<vmem>>, vector<128x128xf32>
    %dot_general3A_95 = arith.constant dense<0.000000e+00> : vector<512x128xf32>
    %dot_general3A_96 = tpu.matmul %add3A_91, %get3A_94, %dot_general3A_95 {dimension_numbers = #tpu.dot_dimension_numbers<[1], [0], [0], [1], [0, 0, 1, 1], [], []>, transpose_lhs_hint = false} : vector<512x128xf32>, vector<128x128xf32>, vector<512x128xf32> -> vector<512x128xf32>
    %swap3A = arith.constant 0 : index
    %swap3A_97 = arith.constant 0 : index
    %swap3A_98 = vector.load %arg13[%swap3A, %swap3A_97] : memref<512x128xf32, #tpu.memory_space<vmem>>, vector<512x128xf32>
    tpu.vector_store %arg13[%swap3A, %swap3A_97], %dot_general3A_96 {strides = array<i32>} : memref<512x128xf32, #tpu.memory_space<vmem>>, vector<512x128xf32>,
    return
  }
  func.func @transform_0(%arg0: i32) -> (i32, i32) {
    %c0_i32 = arith.constant 0 : i32
    %c0_i32_0 = arith.constant 0 : i32
    return %arg0, %c0_i32 : i32, i32
  }
  func.func @transform_1(%arg0: i32) -> (i32, i32) {
    %c0_i32 = arith.constant 0 : i32
    %c0_i32_0 = arith.constant 0 : i32
    %c0_i32_1 = arith.constant 0 : i32
    return %c0_i32, %c0_i32_0 : i32, i32
  }
  func.func @transform_2(%arg0: i32) -> (i32, i32) {
    %c0_i32 = arith.constant 0 : i32
    %c0_i32_0 = arith.constant 0 : i32
    %c0_i32_1 = arith.constant 0 : i32
    return %c0_i32, %c0_i32_0 : i32, i32
  }
  func.func @transform_3(%arg0: i32) -> (i32, i32) {
    %c0_i32 = arith.constant 0 : i32
    %c0_i32_0 = arith.constant 0 : i32
    %c0_i32_1 = arith.constant 0 : i32
    return %c0_i32, %c0_i32_0 : i32, i32
  }
  func.func @transform_4(%arg0: i32) -> (i32, i32) {
    %c0_i32 = arith.constant 0 : i32
    %c0_i32_0 = arith.constant 0 : i32
    %c0_i32_1 = arith.constant 0 : i32
    return %c0_i32, %c0_i32_0 : i32, i32
  }
  func.func @transform_5(%arg0: i32) -> (i32, i32) {
    %c0_i32 = arith.constant 0 : i32
    %c0_i32_0 = arith.constant 0 : i32
    %c0_i32_1 = arith.constant 0 : i32
    return %c0_i32, %c0_i32_0 : i32, i32
  }
  func.func @transform_6(%arg0: i32) -> (i32, i32) {
    %c0_i32 = arith.constant 0 : i32
    %c0_i32_0 = arith.constant 0 : i32
    %c0_i32_1 = arith.constant 0 : i32
    return %c0_i32, %c0_i32_0 : i32, i32
  }
  func.func @transform_7(%arg0: i32) -> (i32, i32) {
    %c0_i32 = arith.constant 0 : i32
    %c0_i32_0 = arith.constant 0 : i32
    %c0_i32_1 = arith.constant 0 : i32
    return %c0_i32, %c0_i32_0 : i32, i32
  }
  func.func @transform_8(%arg0: i32) -> (i32, i32) {
    %c0_i32 = arith.constant 0 : i32
    %c0_i32_0 = arith.constant 0 : i32
    %c0_i32_1 = arith.constant 0 : i32
    return %c0_i32, %c0_i32_0 : i32, i32
  }
  func.func @transform_9(%arg0: i32) -> (i32, i32) {
    %c0_i32 = arith.constant 0 : i32
    %c0_i32_0 = arith.constant 0 : i32
    %c0_i32_1 = arith.constant 0 : i32
    return %c0_i32, %c0_i32_0 : i32, i32
  }
  func.func @transform_10(%arg0: i32) -> (i32, i32) {
    %c0_i32 = arith.constant 0 : i32
    %c0_i32_0 = arith.constant 0 : i32
    %c0_i32_1 = arith.constant 0 : i32
    return %c0_i32, %c0_i32_0 : i32, i32
  }
  func.func @transform_11(%arg0: i32) -> (i32, i32) {
    %c0_i32 = arith.constant 0 : i32
    %c0_i32_0 = arith.constant 0 : i32
    %c0_i32_1 = arith.constant 0 : i32
    return %c0_i32, %c0_i32_0 : i32, i32
  }
  func.func @transform_12(%arg0: i32) -> (i32, i32) {
    %c0_i32 = arith.constant 0 : i32
    %c0_i32_0 = arith.constant 0 : i32
    return %arg0, %c0_i32 : i32, i32
  }
}

module attributes {stable_mosaic.version = 14 : i64} {
  func.func @_node2_body(%arg0: memref<2x10000x128xf32, #tpu.memory_space<vmem>>, %arg1: memref<2x1280x128xf32, #tpu.memory_space<vmem>>, %arg2: memref<8x128x8xf32, #tpu.memory_space<vmem>>, %arg3: memref<8x128xf32, #tpu.memory_space<vmem>>, %arg4: memref<10000x128xf32, #tpu.memory_space<vmem>>, %arg5: memref<128x128xf32, #tpu.memory_space<vmem>>, %arg6: memref<1x128xf32, #tpu.memory_space<vmem>>, %arg7: memref<1x128xf32, #tpu.memory_space<vmem>>, %arg8: memref<1x128xf32, #tpu.memory_space<vmem>>, %arg9: memref<128x256xf32, #tpu.memory_space<vmem>>, %arg10: memref<1x256xf32, #tpu.memory_space<vmem>>, %arg11: memref<256x128xf32, #tpu.memory_space<vmem>>, %arg12: memref<1x128xf32, #tpu.memory_space<vmem>>, %arg13: memref<1x128xf32, #tpu.memory_space<vmem>>, %arg14: memref<1x128xf32, #tpu.memory_space<vmem>>, %arg15: memref<128x64xf32, #tpu.memory_space<vmem>>, %arg16: memref<1x64xf32, #tpu.memory_space<vmem>>, %arg17: memref<64x32xf32, #tpu.memory_space<vmem>>, %arg18: memref<1x32xf32, #tpu.memory_space<vmem>>, %arg19: memref<32x1xf32, #tpu.memory_space<vmem>>, %arg20: memref<1x1xf32, #tpu.memory_space<vmem>>, %arg21: memref<1x1xf32, #tpu.memory_space<vmem>>) attributes {dimension_semantics = [], scalar_prefetch = 0 : i64, scratch_operands = 0 : i64, tpu.core_type = #tpu.core_type<tc>} {
    %get3A = arith.constant 0 : index
    %get3A_0 = arith.constant 0 : index
    %get3A_1 = arith.constant 0 : index
    %get3A_2 = vector.load %arg0[%get3A, %get3A_0, %get3A_1] : memref<2x10000x128xf32, #tpu.memory_space<vmem>>, vector<2x10000x128xf32>
    %get3A_3 = arith.constant 0 : index
    %get3A_4 = arith.constant 0 : index
    %get3A_5 = arith.constant 0 : index
    %get3A_6 = vector.load %arg1[%get3A_3, %get3A_4, %get3A_5] : memref<2x1280x128xf32, #tpu.memory_space<vmem>>, vector<2x1280x128xf32>
    %get3A_7 = arith.constant 0 : index
    %get3A_8 = arith.constant 0 : index
    %get3A_9 = arith.constant 0 : index
    %get3A_10 = vector.load %arg2[%get3A_7, %get3A_8, %get3A_9] : memref<8x128x8xf32, #tpu.memory_space<vmem>>, vector<8x128x8xf32>
    %get3A_11 = arith.constant 0 : index
    %get3A_12 = arith.constant 0 : index
    %get3A_13 = vector.load %arg3[%get3A_11, %get3A_12] : memref<8x128xf32, #tpu.memory_space<vmem>>, vector<8x128xf32>
    %slice3A = vector.extract_strided_slice %get3A_2 {offsets = [0, 0, 0], sizes = [1, 10000, 128], strides = [1, 1, 1]} : vector<2x10000x128xf32> to vector<1x10000x128xf32>
    %squeeze3A = vector.shape_cast %slice3A : vector<1x10000x128xf32> to vector<10000x128xf32>
    %slice3A_14 = vector.extract_strided_slice %get3A_2 {offsets = [1, 0, 0], sizes = [1, 10000, 128], strides = [1, 1, 1]} : vector<2x10000x128xf32> to vector<1x10000x128xf32>
    %squeeze3A_15 = vector.shape_cast %slice3A_14 : vector<1x10000x128xf32> to vector<10000x128xf32>
    %add3A = arith.addf %squeeze3A, %squeeze3A_15 : vector<10000x128xf32>
    %slice3A_16 = vector.extract_strided_slice %get3A_6 {offsets = [0, 0, 0], sizes = [1, 1250, 128], strides = [1, 1, 1]} : vector<2x1280x128xf32> to vector<1x1250x128xf32>
    %squeeze3A_17 = vector.shape_cast %slice3A_16 : vector<1x1250x128xf32> to vector<1250x128xf32>
    %slice3A_18 = vector.extract_strided_slice %get3A_6 {offsets = [1, 0, 0], sizes = [1, 1250, 128], strides = [1, 1, 1]} : vector<2x1280x128xf32> to vector<1x1250x128xf32>
    %squeeze3A_19 = vector.shape_cast %slice3A_18 : vector<1x1250x128xf32> to vector<1250x128xf32>
    %add3A_20 = arith.addf %squeeze3A_17, %squeeze3A_19 : vector<1250x128xf32>
    %slice3A_21 = vector.extract_strided_slice %get3A_10 {offsets = [0, 0, 0], sizes = [1, 128, 8], strides = [1, 1, 1]} : vector<8x128x8xf32> to vector<1x128x8xf32>
    %squeeze3A_22 = vector.shape_cast %slice3A_21 : vector<1x128x8xf32> to vector<128x8xf32>
    %dot_general3A = arith.constant dense<0.000000e+00> : vector<1250x8xf32>
    %dot_general3A_23 = tpu.matmul %add3A_20, %squeeze3A_22, %dot_general3A {dimension_numbers = #tpu.dot_dimension_numbers<[1], [0], [0], [1], [0, 0, 1, 1], [], []>, transpose_lhs_hint = false} : vector<1250x128xf32>, vector<128x8xf32>, vector<1250x8xf32> -> vector<1250x8xf32>
    %slice3A_24 = vector.extract_strided_slice %get3A_10 {offsets = [1, 0, 0], sizes = [1, 128, 8], strides = [1, 1, 1]} : vector<8x128x8xf32> to vector<1x128x8xf32>
    %squeeze3A_25 = vector.shape_cast %slice3A_24 : vector<1x128x8xf32> to vector<128x8xf32>
    %dot_general3A_26 = arith.constant dense<0.000000e+00> : vector<1250x8xf32>
    %dot_general3A_27 = tpu.matmul %add3A_20, %squeeze3A_25, %dot_general3A_26 {dimension_numbers = #tpu.dot_dimension_numbers<[1], [0], [0], [1], [0, 0, 1, 1], [], []>, transpose_lhs_hint = false} : vector<1250x128xf32>, vector<128x8xf32>, vector<1250x8xf32> -> vector<1250x8xf32>
    %slice3A_28 = vector.extract_strided_slice %get3A_10 {offsets = [2, 0, 0], sizes = [1, 128, 8], strides = [1, 1, 1]} : vector<8x128x8xf32> to vector<1x128x8xf32>
    %squeeze3A_29 = vector.shape_cast %slice3A_28 : vector<1x128x8xf32> to vector<128x8xf32>
    %dot_general3A_30 = arith.constant dense<0.000000e+00> : vector<1250x8xf32>
    %dot_general3A_31 = tpu.matmul %add3A_20, %squeeze3A_29, %dot_general3A_30 {dimension_numbers = #tpu.dot_dimension_numbers<[1], [0], [0], [1], [0, 0, 1, 1], [], []>, transpose_lhs_hint = false} : vector<1250x128xf32>, vector<128x8xf32>, vector<1250x8xf32> -> vector<1250x8xf32>
    %slice3A_32 = vector.extract_strided_slice %get3A_10 {offsets = [3, 0, 0], sizes = [1, 128, 8], strides = [1, 1, 1]} : vector<8x128x8xf32> to vector<1x128x8xf32>
    %squeeze3A_33 = vector.shape_cast %slice3A_32 : vector<1x128x8xf32> to vector<128x8xf32>
    %dot_general3A_34 = arith.constant dense<0.000000e+00> : vector<1250x8xf32>
    %dot_general3A_35 = tpu.matmul %add3A_20, %squeeze3A_33, %dot_general3A_34 {dimension_numbers = #tpu.dot_dimension_numbers<[1], [0], [0], [1], [0, 0, 1, 1], [], []>, transpose_lhs_hint = false} : vector<1250x128xf32>, vector<128x8xf32>, vector<1250x8xf32> -> vector<1250x8xf32>
    %slice3A_36 = vector.extract_strided_slice %get3A_10 {offsets = [4, 0, 0], sizes = [1, 128, 8], strides = [1, 1, 1]} : vector<8x128x8xf32> to vector<1x128x8xf32>
    %squeeze3A_37 = vector.shape_cast %slice3A_36 : vector<1x128x8xf32> to vector<128x8xf32>
    %dot_general3A_38 = arith.constant dense<0.000000e+00> : vector<1250x8xf32>
    %dot_general3A_39 = tpu.matmul %add3A_20, %squeeze3A_37, %dot_general3A_38 {dimension_numbers = #tpu.dot_dimension_numbers<[1], [0], [0], [1], [0, 0, 1, 1], [], []>, transpose_lhs_hint = false} : vector<1250x128xf32>, vector<128x8xf32>, vector<1250x8xf32> -> vector<1250x8xf32>
    %slice3A_40 = vector.extract_strided_slice %get3A_10 {offsets = [5, 0, 0], sizes = [1, 128, 8], strides = [1, 1, 1]} : vector<8x128x8xf32> to vector<1x128x8xf32>
    %squeeze3A_41 = vector.shape_cast %slice3A_40 : vector<1x128x8xf32> to vector<128x8xf32>
    %dot_general3A_42 = arith.constant dense<0.000000e+00> : vector<1250x8xf32>
    %dot_general3A_43 = tpu.matmul %add3A_20, %squeeze3A_41, %dot_general3A_42 {dimension_numbers = #tpu.dot_dimension_numbers<[1], [0], [0], [1], [0, 0, 1, 1], [], []>, transpose_lhs_hint = false} : vector<1250x128xf32>, vector<128x8xf32>, vector<1250x8xf32> -> vector<1250x8xf32>
    %slice3A_44 = vector.extract_strided_slice %get3A_10 {offsets = [6, 0, 0], sizes = [1, 128, 8], strides = [1, 1, 1]} : vector<8x128x8xf32> to vector<1x128x8xf32>
    %squeeze3A_45 = vector.shape_cast %slice3A_44 : vector<1x128x8xf32> to vector<128x8xf32>
    %dot_general3A_46 = arith.constant dense<0.000000e+00> : vector<1250x8xf32>
    %dot_general3A_47 = tpu.matmul %add3A_20, %squeeze3A_45, %dot_general3A_46 {dimension_numbers = #tpu.dot_dimension_numbers<[1], [0], [0], [1], [0, 0, 1, 1], [], []>, transpose_lhs_hint = false} : vector<1250x128xf32>, vector<128x8xf32>, vector<1250x8xf32> -> vector<1250x8xf32>
    %slice3A_48 = vector.extract_strided_slice %get3A_10 {offsets = [7, 0, 0], sizes = [1, 128, 8], strides = [1, 1, 1]} : vector<8x128x8xf32> to vector<1x128x8xf32>
    %squeeze3A_49 = vector.shape_cast %slice3A_48 : vector<1x128x8xf32> to vector<128x8xf32>
    %dot_general3A_50 = arith.constant dense<0.000000e+00> : vector<1250x8xf32>
    %dot_general3A_51 = tpu.matmul %add3A_20, %squeeze3A_49, %dot_general3A_50 {dimension_numbers = #tpu.dot_dimension_numbers<[1], [0], [0], [1], [0, 0, 1, 1], [], []>, transpose_lhs_hint = false} : vector<1250x128xf32>, vector<128x8xf32>, vector<1250x8xf32> -> vector<1250x8xf32>
    %concatenate3A = tpu.concatenate %dot_general3A_23, %dot_general3A_27, %dot_general3A_31, %dot_general3A_35, %dot_general3A_39, %dot_general3A_43, %dot_general3A_47, %dot_general3A_51 in 0 : vector<1250x8xf32>, vector<1250x8xf32>, vector<1250x8xf32>, vector<1250x8xf32>, vector<1250x8xf32>, vector<1250x8xf32>, vector<1250x8xf32>, vector<1250x8xf32> -> vector<10000x8xf32>
    %add3A_52 = arith.constant 9.99999997E-7 : f32
    %add3A_53 = vector.broadcast %add3A_52 : f32 to vector<10000x8xf32>
    %add3A_54 = arith.addf %concatenate3A, %add3A_53 : vector<10000x8xf32>
    %div3A = arith.constant 1.000000e+00 : f32
    %div3A_55 = vector.broadcast %div3A : f32 to vector<10000x8xf32>
    %div3A_56 = arith.divf %div3A_55, %add3A_54 : vector<10000x8xf32>
    %dot_general3A_57 = arith.constant dense<0.000000e+00> : vector<10000x128xf32>
    %dot_general3A_58 = tpu.matmul %div3A_56, %get3A_13, %dot_general3A_57 {dimension_numbers = #tpu.dot_dimension_numbers<[1], [0], [0], [1], [0, 0, 1, 1], [], []>, transpose_lhs_hint = false} : vector<10000x8xf32>, vector<8x128xf32>, vector<10000x128xf32> -> vector<10000x128xf32>
    %mul3A = arith.mulf %add3A, %dot_general3A_58 : vector<10000x128xf32>
    %get3A_59 = arith.constant 0 : index
    %get3A_60 = arith.constant 0 : index
    %get3A_61 = vector.load %arg4[%get3A_59, %get3A_60] : memref<10000x128xf32, #tpu.memory_space<vmem>>, vector<10000x128xf32>
    %get3A_62 = arith.constant 0 : index
    %get3A_63 = arith.constant 0 : index
    %get3A_64 = vector.load %arg5[%get3A_62, %get3A_63] : memref<128x128xf32, #tpu.memory_space<vmem>>, vector<128x128xf32>
    %dot_general3A_65 = arith.constant dense<0.000000e+00> : vector<10000x128xf32>
    %dot_general3A_66 = tpu.matmul %mul3A, %get3A_64, %dot_general3A_65 {dimension_numbers = #tpu.dot_dimension_numbers<[1], [0], [0], [1], [0, 0, 1, 1], [], []>, transpose_lhs_hint = false} : vector<10000x128xf32>, vector<128x128xf32>, vector<10000x128xf32> -> vector<10000x128xf32>
    %add3A_67 = arith.addf %get3A_61, %dot_general3A_66 : vector<10000x128xf32>
    %get3A_68 = arith.constant 0 : index
    %get3A_69 = arith.constant 0 : index
    %get3A_70 = vector.load %arg6[%get3A_68, %get3A_69] : memref<1x128xf32, #tpu.memory_space<vmem>>, vector<1x128xf32>
    %add3A_71 = vector.broadcast %get3A_70 : vector<1x128xf32> to vector<10000x128xf32>
    %add3A_72 = arith.addf %add3A_67, %add3A_71 : vector<10000x128xf32>
    %get3A_73 = arith.constant 0 : index
    %get3A_74 = arith.constant 0 : index
    %get3A_75 = vector.load %arg7[%get3A_73, %get3A_74] : memref<1x128xf32, #tpu.memory_space<vmem>>, vector<1x128xf32>
    %get3A_76 = arith.constant 0 : index
    %get3A_77 = arith.constant 0 : index
    %get3A_78 = vector.load %arg8[%get3A_76, %get3A_77] : memref<1x128xf32, #tpu.memory_space<vmem>>, vector<1x128xf32>
    %reduce_sum3A = arith.constant dense<0.000000e+00> : vector<10000xf32>
    %reduce_sum3A_79 = vector.multi_reduction <add>, %add3A_72, %reduce_sum3A [1] : vector<10000x128xf32> to vector<10000xf32>
    %broadcast_in_dim3A = vector.shape_cast %reduce_sum3A_79 : vector<10000xf32> to vector<10000x1xf32>
    %div3A_80 = arith.constant 1.280000e+02 : f32
    %div3A_81 = vector.broadcast %div3A_80 : f32 to vector<10000x1xf32>
    %div3A_82 = arith.divf %broadcast_in_dim3A, %div3A_81 : vector<10000x1xf32>
    %sub3A = vector.broadcast %div3A_82 : vector<10000x1xf32> to vector<10000x128xf32>
    %sub3A_83 = arith.subf %add3A_72, %sub3A : vector<10000x128xf32>
    %integer_pow3A = arith.mulf %sub3A_83, %sub3A_83 : vector<10000x128xf32>
    %reduce_sum3A_84 = arith.constant dense<0.000000e+00> : vector<10000xf32>
    %reduce_sum3A_85 = vector.multi_reduction <add>, %integer_pow3A, %reduce_sum3A_84 [1] : vector<10000x128xf32> to vector<10000xf32>
    %broadcast_in_dim3A_86 = vector.shape_cast %reduce_sum3A_85 : vector<10000xf32> to vector<10000x1xf32>
    %div3A_87 = arith.constant 1.280000e+02 : f32
    %div3A_88 = vector.broadcast %div3A_87 : f32 to vector<10000x1xf32>
    %div3A_89 = arith.divf %broadcast_in_dim3A_86, %div3A_88 : vector<10000x1xf32>
    %sub3A_90 = vector.broadcast %div3A_82 : vector<10000x1xf32> to vector<10000x128xf32>
    %sub3A_91 = arith.subf %add3A_72, %sub3A_90 : vector<10000x128xf32>
    %add3A_92 = arith.constant 9.99999974E-6 : f32
    %add3A_93 = vector.broadcast %add3A_92 : f32 to vector<10000x1xf32>
    %add3A_94 = arith.addf %div3A_89, %add3A_93 : vector<10000x1xf32>
    %sqrt3A = math.sqrt %add3A_94 : vector<10000x1xf32>
    %div3A_95 = vector.broadcast %sqrt3A : vector<10000x1xf32> to vector<10000x128xf32>
    %div3A_96 = arith.divf %sub3A_91, %div3A_95 : vector<10000x128xf32>
    %mul3A_97 = vector.broadcast %get3A_75 : vector<1x128xf32> to vector<10000x128xf32>
    %mul3A_98 = arith.mulf %div3A_96, %mul3A_97 : vector<10000x128xf32>
    %add3A_99 = vector.broadcast %get3A_78 : vector<1x128xf32> to vector<10000x128xf32>
    %add3A_100 = arith.addf %mul3A_98, %add3A_99 : vector<10000x128xf32>
    %get3A_101 = arith.constant 0 : index
    %get3A_102 = arith.constant 0 : index
    %get3A_103 = vector.load %arg9[%get3A_101, %get3A_102] : memref<128x256xf32, #tpu.memory_space<vmem>>, vector<128x256xf32>
    %dot_general3A_104 = arith.constant dense<0.000000e+00> : vector<10000x256xf32>
    %dot_general3A_105 = tpu.matmul %add3A_100, %get3A_103, %dot_general3A_104 {dimension_numbers = #tpu.dot_dimension_numbers<[1], [0], [0], [1], [0, 0, 1, 1], [], []>, transpose_lhs_hint = false} : vector<10000x128xf32>, vector<128x256xf32>, vector<10000x256xf32> -> vector<10000x256xf32>
    %get3A_106 = arith.constant 0 : index
    %get3A_107 = arith.constant 0 : index
    %get3A_108 = vector.load %arg10[%get3A_106, %get3A_107] : memref<1x256xf32, #tpu.memory_space<vmem>>, vector<1x256xf32>
    %add3A_109 = vector.broadcast %get3A_108 : vector<1x256xf32> to vector<10000x256xf32>
    %add3A_110 = arith.addf %dot_general3A_105, %add3A_109 : vector<10000x256xf32>
    %max3A = arith.constant 0.000000e+00 : f32
    %max3A_111 = vector.broadcast %max3A : f32 to vector<10000x256xf32>
    %max3A_112 = arith.maximumf %add3A_110, %max3A_111 : vector<10000x256xf32>
    %get3A_113 = arith.constant 0 : index
    %get3A_114 = arith.constant 0 : index
    %get3A_115 = vector.load %arg11[%get3A_113, %get3A_114] : memref<256x128xf32, #tpu.memory_space<vmem>>, vector<256x128xf32>
    %dot_general3A_116 = arith.constant dense<0.000000e+00> : vector<10000x128xf32>
    %dot_general3A_117 = tpu.matmul %max3A_112, %get3A_115, %dot_general3A_116 {dimension_numbers = #tpu.dot_dimension_numbers<[1], [0], [0], [1], [0, 0, 1, 1], [], []>, transpose_lhs_hint = false} : vector<10000x256xf32>, vector<256x128xf32>, vector<10000x128xf32> -> vector<10000x128xf32>
    %add3A_118 = arith.addf %add3A_100, %dot_general3A_117 : vector<10000x128xf32>
    %get3A_119 = arith.constant 0 : index
    %get3A_120 = arith.constant 0 : index
    %get3A_121 = vector.load %arg12[%get3A_119, %get3A_120] : memref<1x128xf32, #tpu.memory_space<vmem>>, vector<1x128xf32>
    %add3A_122 = vector.broadcast %get3A_121 : vector<1x128xf32> to vector<10000x128xf32>
    %add3A_123 = arith.addf %add3A_118, %add3A_122 : vector<10000x128xf32>
    %get3A_124 = arith.constant 0 : index
    %get3A_125 = arith.constant 0 : index
    %get3A_126 = vector.load %arg13[%get3A_124, %get3A_125] : memref<1x128xf32, #tpu.memory_space<vmem>>, vector<1x128xf32>
    %get3A_127 = arith.constant 0 : index
    %get3A_128 = arith.constant 0 : index
    %get3A_129 = vector.load %arg14[%get3A_127, %get3A_128] : memref<1x128xf32, #tpu.memory_space<vmem>>, vector<1x128xf32>
    %reduce_sum3A_130 = arith.constant dense<0.000000e+00> : vector<10000xf32>
    %reduce_sum3A_131 = vector.multi_reduction <add>, %add3A_123, %reduce_sum3A_130 [1] : vector<10000x128xf32> to vector<10000xf32>
    %broadcast_in_dim3A_132 = vector.shape_cast %reduce_sum3A_131 : vector<10000xf32> to vector<10000x1xf32>
    %div3A_133 = arith.constant 1.280000e+02 : f32
    %div3A_134 = vector.broadcast %div3A_133 : f32 to vector<10000x1xf32>
    %div3A_135 = arith.divf %broadcast_in_dim3A_132, %div3A_134 : vector<10000x1xf32>
    %sub3A_136 = vector.broadcast %div3A_135 : vector<10000x1xf32> to vector<10000x128xf32>
    %sub3A_137 = arith.subf %add3A_123, %sub3A_136 : vector<10000x128xf32>
    %integer_pow3A_138 = arith.mulf %sub3A_137, %sub3A_137 : vector<10000x128xf32>
    %reduce_sum3A_139 = arith.constant dense<0.000000e+00> : vector<10000xf32>
    %reduce_sum3A_140 = vector.multi_reduction <add>, %integer_pow3A_138, %reduce_sum3A_139 [1] : vector<10000x128xf32> to vector<10000xf32>
    %broadcast_in_dim3A_141 = vector.shape_cast %reduce_sum3A_140 : vector<10000xf32> to vector<10000x1xf32>
    %div3A_142 = arith.constant 1.280000e+02 : f32
    %div3A_143 = vector.broadcast %div3A_142 : f32 to vector<10000x1xf32>
    %div3A_144 = arith.divf %broadcast_in_dim3A_141, %div3A_143 : vector<10000x1xf32>
    %sub3A_145 = vector.broadcast %div3A_135 : vector<10000x1xf32> to vector<10000x128xf32>
    %sub3A_146 = arith.subf %add3A_123, %sub3A_145 : vector<10000x128xf32>
    %add3A_147 = arith.constant 9.99999974E-6 : f32
    %add3A_148 = vector.broadcast %add3A_147 : f32 to vector<10000x1xf32>
    %add3A_149 = arith.addf %div3A_144, %add3A_148 : vector<10000x1xf32>
    %sqrt3A_150 = math.sqrt %add3A_149 : vector<10000x1xf32>
    %div3A_151 = vector.broadcast %sqrt3A_150 : vector<10000x1xf32> to vector<10000x128xf32>
    %div3A_152 = arith.divf %sub3A_146, %div3A_151 : vector<10000x128xf32>
    %mul3A_153 = vector.broadcast %get3A_126 : vector<1x128xf32> to vector<10000x128xf32>
    %mul3A_154 = arith.mulf %div3A_152, %mul3A_153 : vector<10000x128xf32>
    %add3A_155 = vector.broadcast %get3A_129 : vector<1x128xf32> to vector<10000x128xf32>
    %add3A_156 = arith.addf %mul3A_154, %add3A_155 : vector<10000x128xf32>
    %reduce_sum3A_157 = arith.constant dense<0.000000e+00> : vector<128xf32>
    %reduce_sum3A_158 = vector.multi_reduction <add>, %add3A_156, %reduce_sum3A_157 [0] : vector<10000x128xf32> to vector<128xf32>
    %broadcast_in_dim3A_159 = vector.shape_cast %reduce_sum3A_158 : vector<128xf32> to vector<1x128xf32>
    %div3A_160 = arith.constant 1.000000e+04 : f32
    %div3A_161 = vector.broadcast %div3A_160 : f32 to vector<1x128xf32>
    %div3A_162 = arith.divf %broadcast_in_dim3A_159, %div3A_161 : vector<1x128xf32>
    %get3A_163 = arith.constant 0 : index
    %get3A_164 = arith.constant 0 : index
    %get3A_165 = vector.load %arg15[%get3A_163, %get3A_164] : memref<128x64xf32, #tpu.memory_space<vmem>>, vector<128x64xf32>
    %dot_general3A_166 = arith.constant dense<0.000000e+00> : vector<1x64xf32>
    %dot_general3A_167 = tpu.matmul %div3A_162, %get3A_165, %dot_general3A_166 {dimension_numbers = #tpu.dot_dimension_numbers<[1], [0], [0], [1], [0, 0, 1, 1], [], []>, transpose_lhs_hint = false} : vector<1x128xf32>, vector<128x64xf32>, vector<1x64xf32> -> vector<1x64xf32>
    %get3A_168 = arith.constant 0 : index
    %get3A_169 = arith.constant 0 : index
    %get3A_170 = vector.load %arg16[%get3A_168, %get3A_169] : memref<1x64xf32, #tpu.memory_space<vmem>>, vector<1x64xf32>
    %add3A_171 = arith.addf %dot_general3A_167, %get3A_170 : vector<1x64xf32>
    %max3A_172 = arith.constant 0.000000e+00 : f32
    %max3A_173 = vector.broadcast %max3A_172 : f32 to vector<1x64xf32>
    %max3A_174 = arith.maximumf %add3A_171, %max3A_173 : vector<1x64xf32>
    %get3A_175 = arith.constant 0 : index
    %get3A_176 = arith.constant 0 : index
    %get3A_177 = vector.load %arg17[%get3A_175, %get3A_176] : memref<64x32xf32, #tpu.memory_space<vmem>>, vector<64x32xf32>
    %dot_general3A_178 = arith.constant dense<0.000000e+00> : vector<1x32xf32>
    %dot_general3A_179 = tpu.matmul %max3A_174, %get3A_177, %dot_general3A_178 {dimension_numbers = #tpu.dot_dimension_numbers<[1], [0], [0], [1], [0, 0, 1, 1], [], []>, transpose_lhs_hint = false} : vector<1x64xf32>, vector<64x32xf32>, vector<1x32xf32> -> vector<1x32xf32>
    %get3A_180 = arith.constant 0 : index
    %get3A_181 = arith.constant 0 : index
    %get3A_182 = vector.load %arg18[%get3A_180, %get3A_181] : memref<1x32xf32, #tpu.memory_space<vmem>>, vector<1x32xf32>
    %add3A_183 = arith.addf %dot_general3A_179, %get3A_182 : vector<1x32xf32>
    %max3A_184 = arith.constant 0.000000e+00 : f32
    %max3A_185 = vector.broadcast %max3A_184 : f32 to vector<1x32xf32>
    %max3A_186 = arith.maximumf %add3A_183, %max3A_185 : vector<1x32xf32>
    %get3A_187 = arith.constant 0 : index
    %get3A_188 = arith.constant 0 : index
    %get3A_189 = vector.load %arg19[%get3A_187, %get3A_188] : memref<32x1xf32, #tpu.memory_space<vmem>>, vector<32x1xf32>
    %dot_general3A_190 = arith.constant dense<0.000000e+00> : vector<1x1xf32>
    %dot_general3A_191 = tpu.matmul %max3A_186, %get3A_189, %dot_general3A_190 {dimension_numbers = #tpu.dot_dimension_numbers<[1], [0], [0], [1], [0, 0, 1, 1], [], []>, transpose_lhs_hint = false} : vector<1x32xf32>, vector<32x1xf32>, vector<1x1xf32> -> vector<1x1xf32>
    %get3A_192 = arith.constant 0 : index
    %get3A_193 = arith.constant 0 : index
    %get3A_194 = vector.load %arg20[%get3A_192, %get3A_193] : memref<1x1xf32, #tpu.memory_space<vmem>>, vector<1x1xf32>
    %add3A_195 = arith.addf %dot_general3A_191, %get3A_194 : vector<1x1xf32>
    %swap3A = arith.constant 0 : index
    %swap3A_196 = arith.constant 0 : index
    %swap3A_197 = vector.load %arg21[%swap3A, %swap3A_196] : memref<1x1xf32, #tpu.memory_space<vmem>>, vector<1x1xf32>
    tpu.vector_store %arg21[%swap3A, %swap3A_196], %add3A_195 {strides = array<i32>} : memref<1x1xf32, #tpu.memory_space<vmem>>, vector<1x1xf32>,
    return
  }
}

</mosaic_0001>

<sc_bundles>
// kernel: kernel.11.cloned.1.call-start
scs
__scs_entry_jumppad:
0x0: {  	(pc) =	sbr.rel $0x88, $3  }
0x1: {  	(tag) =	ssettag $0x0;
	lr =	simm.s32 $0x1  }
0x2: {  	[smem:$0x3F6F] =	sst lr;
	_ =	strace $0xD0000000  }
0x3: {  	_ = 	snop  }
0x4: {  	_ = 	snop  }
0x5: {  	_ = 	snop  }
0x6: {  	_ = 	snop  }
0x7: {  	_ = 	snop  }
__scs_overlays_trampoline_lowered:
0x8: {  	[smem:$0x3F7E] =	sst s0  }
0x9: {  	[smem:$0x3F7F] =	sst s1  }
0xa: {  	[smem:$0x3F80] =	sst s2  }
0xb: {  	[smem:$0x3F81] =	sst s3  }
0xc: {  	[smem:$0x3F82] =	sst s4  }
0xd: {  	[smem:$0x3F83] =	sst s5  }
0xe: {  	[smem:$0x3F84] =	sst s6  }
0xf: {  	[smem:$0x3F85] =	sst s7  }
0x10: {  	[smem:$0x3F86] =	sst s8  }
0x11: {  	[smem:$0x3F87] =	sst s9;
	s0 =	simm.s32 @!p0 $0x0  }
0x12: {  	s1 =	sld [smem:$0x3F6D];
	s0 =	simm.s32 @p0 $0x1  }
0x13: {  	[smem:$0x3F88] =	sst s0;
	s0 =	simm.s32 @!p1 $0x0  }
0x14: {  	s2 =	sld [smem:$0x3F6C];
	s0 =	simm.s32 @p1 $0x1  }
0x15: {  	[smem:$0x3F89] =	sst s0;
	s0 =	simm.s32 @!p2 $0x0  }
0x16: {  	s3 =	sld [smem:$0x3FDB];
	s0 =	simm.s32 @p2 $0x1  }
0x17: {  	s4 =	simm.s32 $0x1BF5;
	[smem:$0x3F8B] =	sst s0  }
0x18: {  	s0 =	sld [smem:$0x3F6E];
	_ =	swait.ge [sflag:s4], $0x0  }
0x19: {  	s7 =	sld [smem:$0x3F6F]  }
0x1a: {  	s8 =	sadd.s32 $0xFFFFE003, lr  }
0x1b: {  	s9 =	sadd.s32 $0xFFFFFEF7, lr;
	s5 =	simm.s32 $0xFFFFFFFF;
	p2 =	slt.u32 s8, $0xFFFFF086  }
0x1c: {  	p1 =	slt.u32 s9, $0xF7A;
	s5 =	simm.s32 @!p2 $0x0  }
0x1d: {  	s5 =	simm.s32 @p1 $0x1;
	p0 =	seq.s32 s7, s2  }
0x1e: {  	s7 =	smul.u32 @!p0 $0xF7A, s2;
	p2 =	seq.s32 @!p0 s5, $0x0  }
0x1f: {  	s9 =	smul.u32 $0xF7A, s1;
	s8 =	simm.s32 @!p0 $0x1BF5;
	p2 =	por !p2, p0  }
0x20: {  	[sflag:s8] =	ssyncset.s32 @!p0 $0xFFFFF086;
	s6 =	sadd.s32 @!p0 s3, s7;
	s7 =	simm.s32 @!p0 $0x108  }
0x21: {  	s3 =	sadd.s32 s3, s9;
	s6 =	sadd.s32 @!p0 $0x88, s6;
	s7 =	simm.s32 @p2 $0x1082  }
0x22: {  	[simem:s7], [sflag:s8] =	dma.local @!p0 [hbm:s6], $0xF7A  }
0x23: {  	s9 =	sor.u32 $0xD0000000, s2;
	s6 =	simm.s32 $0x108;
	_ =	swait.ge @!p0 [sflag:s8], $0x0  }
0x24: {  	s3 =	sadd.s32 $0x88, s3;
	s6 =	simm.s32 @!p1 $0x1082;
	[sflag:s4] =	ssyncset.s32 $0xFFFFF086  }
0x25: {  	[simem:s6], [sflag:s4] =	dma.local [hbm:s3], $0xF7A  }
0x26: {  	[smem:$0x3F6F] =	sst s1;
	(tag) =	ssettag s2;
	_ =	strace s9  }
0x27: {  	s1 =	sld [smem:$0x3F7F]  }
0x28: {  	s2 =	sld [smem:$0x3F80]  }
0x29: {  	s4 =	sld [smem:$0x3F82]  }
0x2a: {  	p0 =	seq.s32 s5, $0x0;
	s5 =	sld [smem:$0x3F83]  }
0x2b: {  	s6 =	sld [smem:$0x3F84]  }
0x2c: {  	s7 =	sld [smem:$0x3F85]  }
0x2d: {  	s3 =	simm.s32 $0x108;
	s8 =	sld [smem:$0x3F86]  }
0x2e: {  	s3 =	simm.s32 @!p0 $0x1082;
	s9 =	sld [smem:$0x3F87]  }
0x2f: {  	lr =	sadd.s32 s0, s3;
	s0 =	sld [smem:$0x3F7E]  }
0x30: {  	s3 =	sld [smem:$0x3F81]  }
0x31: {  	[smem:$0x3F8A] =	sst s10  }
0x32: {  	s10 =	sld [smem:$0x3F88];
	_ =	sdelay $0x3  }
0x33: {  	p0 =	seq.s32 s10, $0x1;
	s10 =	sld [smem:$0x3F8A];
	_ =	sdelay $0x3  }
0x34: {  	[smem:$0x3F8A] =	sst s10  }
0x35: {  	s10 =	sld [smem:$0x3F89];
	_ =	sdelay $0x3  }
0x36: {  	p1 =	seq.s32 s10, $0x1;
	s10 =	sld [smem:$0x3F8A];
	_ =	sdelay $0x3  }
0x37: {  	[smem:$0x3F8A] =	sst s10  }
0x38: {  	s10 =	sld [smem:$0x3F8B]  }
0x39: {  	_ = 	snop;
	(pc) =	sbr.ind lr, $3  }
0x3a: {  	_ = 	snop  }
0x3b: {  	_ = 	snop  }
0x3c: {  	p2 =	seq.s32 s10, $0x1;
	s10 =	sld [smem:$0x3F8A]  }
0x3d: {  	_ =	shalt  }
0x3e: {  	_ =	shalt  }
0x3f: {  	_ =	shalt  }
0x40: {  	_ =	shalt  }
0x41: {  	_ =	shalt  }
0x42: {  	_ =	shalt  }
0x43: {  	_ =	shalt  }
0x44: {  	_ =	shalt  }
0x45: {  	_ =	shalt  }
0x46: {  	_ =	shalt  }
0x47: {  	_ =	shalt  }
0x48: {  	_ =	shalt  }
0x49: {  	_ =	shalt  }
0x4a: {  	_ =	shalt  }
0x4b: {  	_ =	shalt  }
0x4c: {  	_ =	shalt  }
0x4d: {  	_ =	shalt  }
0x4e: {  	_ =	shalt  }
0x4f: {  	_ =	shalt  }
0x50: {  	_ =	shalt  }
0x51: {  	_ =	shalt  }
0x52: {  	_ =	shalt  }
0x53: {  	_ =	shalt  }
0x54: {  	_ =	shalt  }
0x55: {  	_ =	shalt  }
0x56: {  	_ =	shalt  }
0x57: {  	_ =	shalt  }
0x58: {  	_ =	shalt  }
0x59: {  	_ =	shalt  }
0x5a: {  	_ =	shalt  }
0x5b: {  	_ =	shalt  }
0x5c: {  	_ =	shalt  }
0x5d: {  	_ =	shalt  }
0x5e: {  	_ =	shalt  }
0x5f: {  	_ =	shalt  }
0x60: {  	_ =	shalt  }
0x61: {  	_ =	shalt  }
0x62: {  	_ =	shalt  }
0x63: {  	_ =	shalt  }
0x64: {  	_ =	shalt  }
0x65: {  	_ =	shalt  }
0x66: {  	_ =	shalt  }
0x67: {  	_ =	shalt  }
0x68: {  	_ =	shalt  }
0x69: {  	_ =	shalt  }
0x6a: {  	_ =	shalt  }
0x6b: {  	_ =	shalt  }
0x6c: {  	_ =	shalt  }
0x6d: {  	_ =	shalt  }
0x6e: {  	_ =	shalt  }
0x6f: {  	_ =	shalt  }
0x70: {  	_ =	shalt  }
0x71: {  	_ =	shalt  }
0x72: {  	_ =	shalt  }
0x73: {  	_ =	shalt  }
0x74: {  	_ =	shalt  }
0x75: {  	_ =	shalt  }
0x76: {  	_ =	shalt  }
0x77: {  	_ =	shalt  }
0x78: {  	_ =	shalt  }
0x79: {  	_ =	shalt  }
0x7a: {  	_ =	shalt  }
0x7b: {  	_ =	shalt  }
0x7c: {  	_ =	shalt  }
0x7d: {  	_ =	shalt  }
0x7e: {  	_ =	shalt  }
0x7f: {  	_ =	shalt  }
0x80: {  	_ =	shalt  }
0x81: {  	_ =	shalt  }
0x82: {  	_ =	shalt  }
0x83: {  	_ =	shalt  }
0x84: {  	_ =	shalt  }
0x85: {  	_ =	shalt  }
0x86: {  	_ =	shalt  }
0x87: {  	_ =	shalt  }
.Lfunc_end0:
.L_simem_size_0:
called_computation.1_lowered:
.L_overlay_start_0:
0x88: {  	s2 =	sld [smem:$0x3FD9]  }
0x89: {  	s3 =	sld [smem:$0x3FFE];
	_ =	sdelay $0x1  }
0x8a: {  	s1 =	srdreg.scid  }
0x8b: {  	s0 =	sand.u32 $0x1, s1  }
0x8c: {  	s16 =	sshll.u32 s0, $0xA;
	s2 =	sadd.s32 s3, s2  }
0x8d: {  	s2 =	sadd.s32 s2, s16  }
0x8e: {  	[smem:$0x3F96] =	sst s2  }
0x8f: {  	_ = 	snop  }
0x90: {  	(tm) =	ssettm $0x1  }
0x91: {  	s17 =	sld [smem:$0x3FFB];
	_ =	sdelay $0x3  }
0x92: {  	_ =	strace s17  }
0x93: {  	s2 =	sld [smem:$0x3FFC];
	_ =	sdelay $0x3  }
0x94: {  	_ =	strace s2  }
0x95: {  	s2 =	sld [smem:$0x3FFD];
	_ =	sdelay $0x3  }
0x96: {  	_ =	strace s2  }
0x97: {  	_ =	strace $0x8FFFFFFF  }
0x98: {  	s18 =	sld [smem:$0x3FDB];
	_ =	sdelay $0x1  }
0x99: {  	s19 =	simm.s32 $_scs_section_size  }
0x9a: {  	s4 =	simm.s32 $_size__tile_overlayer_lowered;
	s5 =	simm.s32 $_tile_overlayer_lowered  }
0x9b: {  	s22 =	simm.s32 $0x1BFF;
	s21 =	sshll.u32 s5, $0x1;
	s2 =	sadd.s32 s19, s18  }
0x9c: {  	s6 =	simm.s32 $0x0;
	s20 =	sshll.u32 s4, $0x1;
	s4 =	sadd.s32 s21, s2  }
0x9d: {  	[timem:s6], [sflag:s22] =	dma.local [hbm:s4], s20  }
0x9e: {  	_ =	swait.ge [sflag:s22], s20  }
0x9f: {  	s3 =	ssub.s32 $0x0, s20;
	[sflag:s22] =	ssyncset.done $0x0  }
0xa0: {  	[sflag:s22] =	ssyncadd.s32 s3;
	_ =	sdelay $0x1  }
0xa1: {  	s23 =	simm.s32 $0x1B8B  }
0xa2: {  	_ =	swait.ge [sflag:s23], $0x1  }
0xa3: {  	[sflag:s23] =	ssyncset.done $0x0  }
0xa4: {  	s25 =	simm.s32 $0x1B8E;
	s24 =	sld [smem:$0x3FFE];
	[sflag:s23] =	ssyncadd.s32 $0xFFFFFFFF  }
0xa5: {  	s26 =	simm.s32 $execute0_lowered;
	[smem:$0x3FD2] =	sst s25  }
0xa6: {  	s4 =	sshll.u32 s26, $0x1;
	_ =	strace $0x80000049;
	[dreg:$0x1] =	wrdreg $0xFFFFFFFF  }
0xa7: {  	s28 =	simm.s32 $_size_execute0_lowered;
	s2 =	sadd.s32 s2, s4;
	[dreg:$0x0] =	wrdreg $0x0  }
0xa8: {  	s4 =	sshll.u32 s28, $0x1;
	[dreg:$0x2] =	wrdreg s2  }
0xa9: {  	[dreg:$0x3] =	wrdreg s4  }
0xaa: {  	[dreg:$0x4] =	wrdreg $0xC0  }
0xab: {  	_ =	task [dreg:s6], $0x5FFFF  }
0xac: {  	[dreg:$0x1] =	wrdreg $0xFFFFFFFF  }
0xad: {  	[dreg:$0x0] =	wrdreg $0x60  }
0xae: {  	[dreg:$0x2] =	wrdreg s24  }
0xaf: {  	[dreg:$0x3] =	wrdreg $0x83000  }
0xb0: {  	[dreg:$0x4] =	wrdreg $0x1BC000  }
0xb1: {  	[dreg:$0x5] =	wrdreg $0x9  }
0xb2: {  	_ =	task.clear_ibuf [dreg:s6], $0x6FFFF;
	_ =	strace $0x90000049  }
0xb3: {  	s29 =	simm.s32 $0x9;
	_ =	strace $0x8000004B  }
0xb4: {  	_ =	swait.ge [sflag:s29], $0x1  }
0xb5: {  	[sflag:s29] =	ssyncadd.s32 $0xFFFFFFFF  }
0xb6: {  	_ =	strace $0x9000004B  }
0xb7: {  	_ =	sfence  }
0xb8: {  	s30 =	sld [smem:$0x0];
	_ =	sdelay $0x2  }
0xb9: {  	s31 =	sshll.u32 s1, $0xD;
	s1 =	sshrl.u32 s1, $0x2  }
0xba: {  	s3 =	sand.u32 $0x4000, s31;
	s1 =	sadd.s32 s1, s30  }
0xbb: {  	s0 =	sor.u32 s3, s0;
	s1 =	sshll.u32 s1, $0x11  }
0xbc: {  	s0 =	sor.u32 s1, s0  }
0xbd: {  	s0 =	sadd.s32 $0x8F2B, s0  }
0xbe: {  	[sflag:s0] =	ssyncadd.remote.s32 $0x1  }
0xbf: {  	_ =	sfence.sel $0xFFFF  }
0xc0: {  	[dreg:$0x0] =	wrdreg $0xFFFFFFFF;
	(pc) =	sbr.abs _section_cstart, $3  }
0xc1: {  	[dreg:$0x1] =	wrdreg $0xFFFFFFFF  }
0xc2: {  	_ =	task.clear_ibuf [dreg:s6], $0x2FFFF;
	_ =	strace $0x9FFFFFFF  }
0xc3: {  	(tm) =	ssettm $0x7FFFFFFF  }
tec
execute0_lowered:
.L_overlay_start_1:
0x0: {  	(tag) =	ssettag $0x1  }
0x1: {  	s0 =	rddreg [dreg:$0x0]  }
0x2: {  	s29 =	rddreg [dreg:$0x1]  }
0x3: {  	s2 =	rddreg [dreg:$0x2];
	s1 =	srdreg.scid;
	s15 =	simm.s32 $0x0  }
0x4: {  	s13 =	stileid.u32;
	s31 =	simm.s32 $0x180;
	s14 =	simm.s32 $0x1  }
0x5: {  	s30 =	simm.s32 $0x6;
	s1 =	sand.u32 $0x1, s1;
	[smem:$0x7FF] =	sst s15  }
0x6: {  	s4 =	smul.u32 $0x2800, s13;
	s5 =	sadd.s32 $0x1C000, s0;
	s6 =	sadd.s32 $0x6A200, s0  }
0x7: {  	s7 =	sadd.s32 $0x5CF600, s0;
	s8 =	sadd.s32 $0x8400, s0;
	s12 =	smul.u32 $0xA000, s13  }
0x8: {  	s9 =	sadd.s32 $0x12200, s0;
	s18 =	ssub.s32 $0x8C, s13;
	s3 =	smul.u32 $0x138800, s1  }
0x9: {  	_ =	strace $0x8000004A;
	s10 =	smul.u32 $0x28000, s1;
	s16 =	ssub.s32 $0x2, s1  }
0xa: {  	s1 =	sshll.u32 s1, $0x4;
	s25 =	sshrl.u32 s18, $0x4;
	s11 =	sshrl.u32 s16, $0x1  }
0xb: {  	s1 =	sor.u32 s13, s1;
	s19 =	sshrl.u32 s12, $0x2;
	[dreg:$0x5] =	wrdreg s25  }
0xc: {  	s3 =	sadd.s32 s4, s3;
	s4 =	sadd.s32 s4, s10;
	s17 =	ssub.s32 s16, s11  }
0xd: {  	s12 =	sadd.s32 s19, s2;
	s20 =	sshll.u32 s1, $0x1;
	s22 =	sshll.u32 s1, $0x8  }
0xe: {  	s23 =	sor.u32 $0x40, s1;
	s18 =	sor.u32 $0x20, s1;
	s28 =	sadd.s32 s19, s29  }
0xf: {  	s16 =	simm.s32 $0x3;
	s11 =	simm.s32 $0x4280;
	s19 =	simm.s32 $0x2  }
0x10: {  	s3 =	sshrl.u32 s3, $0x3;
	s4 =	sshrl.u32 s4, $0x3;
	[dreg:$0xa] =	wrdreg s23  }
0x11: {  	s21 =	sadd.s32 s8, s20;
	s10 =	sadd.s32 s9, s20;
	[dreg:$0x6] =	wrdreg s12  }
0x12: {  	s24 =	smax.u32 s17, $0x1;
	s23 =	simm.s32 $0x100;
	[dreg:$0xd] =	wrdreg s28  }
0x13: {  	s17 =	simm.s32 $0x5;
	s20 =	simm.s32 $0x4200;
	[dreg:$0x7] =	wrdreg s21  }
0x14: {  	s3 =	sadd.s32 s3, s0;
	s0 =	sadd.s32 s4, s0;
	[dreg:$0x8] =	wrdreg s10  }
0x15: {  	s10 =	sadd.s32 s7, s22;
	[dreg:$0xc] =	wrdreg s24;
	s21 =	simm.s32 $0x5B00  }
0x16: {  	v3 =	vlaneseq.u32;
	s22 =	simm.s32 $0x7;
	[dreg:$0x9] =	wrdreg s10;
	s0 =	sadd.s32 $0x106800, s0  }
0x17: {  	v0 =	vimm.f32 $0.0e+00;
	vm0 =	vmmov $0xffff;
	v2 =	vshrl.u32 v3, $0x3;
	s4 =	simm.s32 $0x4;
	s26 =	sadd.s32 $0xB8600, s3;
	[dreg:$0xb] =	wrdreg s0  }
0x18: {  	v1 =	vand.u32 $0x7, v3;
	v3 =	vor.u32 $0x8, v3;
	v2 =	vmul.u32 $0x8, v2;
	s10 =	simm.s32 $0x4A80;
	[dreg:$0xe] =	wrdreg s26;
	s26 =	simm.s32 $0x10  }
.LBB2_1:
0x19: {  	s0 =	simm.s32 $0x0;
	s3 =	simm.s32 $0x200  }
.LBB2_2:
0x1a: {  	p0 =	seq.s32 s3, $0x9E00;
	[tilespmem:s0+$0x5B70] =	vst v0  }
0x1b: {  	[tilespmem:s0+$0x5B00] =	vst v0  }
0x1c: {  	[tilespmem:s0+$0x5B10] =	vst v0  }
.Ltmp0:
0x1d: {  	[tilespmem:s0+$0x5B20] =	vst v0;
	(pc) =	sbr.rel @!p0 .LBB2_2-.Ltmp0, $4  }
0x1e: {  	[tilespmem:s0+$0x5B30] =	vst v0  }
0x1f: {  	[tilespmem:s0+$0x5B40] =	vst v0  }
0x20: {  	[tilespmem:s0+$0x5B50] =	vst v0  }
0x21: {  	[tilespmem:s0+$0x5B60] =	vst v0;
	s0 =	sshra.s32 s3, $0x2;
	s3 =	sadd.s32 $0x200, s3  }
0x22: {  	[tilespmem:s0+$0x5B70] =	vst v0  }
0x23: {  	[tilespmem:s0+$0x5B00] =	vst v0  }
0x24: {  	[tilespmem:s0+$0x5B10] =	vst v0  }
0x25: {  	[tilespmem:s0+$0x5B20] =	vst v0  }
0x26: {  	[tilespmem:s0+$0x5B30] =	vst v0  }
0x27: {  	[tilespmem:s0+$0x5B40] =	vst v0;
	p0 =	seq.s32 s25, $0x1  }
.Ltmp1:
0x28: {  	[tilespmem:s0+$0x5B50] =	vst v0;
	(pc) =	sbr.rel @p0 .LBB2_5-.Ltmp1, $4  }
0x29: {  	[tilespmem:s0+$0x5B60] =	vst v0  }
0x2a: {  	[spmem:s28] =	stream.linear.scatter [tilespmem:s21], [sflag:$0x7], $0x2800, $0x38;
	[tilespmem:$0x1E400] =	vst v63  }
0x2b: {  	_ =	swait.ge [sflag:s22], $0x2800  }
0x2c: {  	s0 =	sadd.s32 $0xFFFFFFFF, s25;
	s3 =	smov.u32 s28;
	[sflag:s22] =	ssyncset.done $0x0  }
.LBB2_4:
0x2d: {  	p1 =	seq.s32 s0, $0x1;
	[sflag:s22] =	ssyncadd.s32 $0xFFFFD800;
	s3 =	sadd.s32 $0x28000, s3  }
.Ltmp2:
0x2e: {  	s0 =	sadd.s32 $0xFFFFFFFF, s0;
	(pc) =	sbr.rel @!p1 .LBB2_4-.Ltmp2, $4  }
0x2f: {  	_ = 	snop  }
0x30: {  	[spmem:s3] =	stream.linear.scatter [tilespmem:s21], [sflag:$0x7], $0x2800, $0x38;
	[tilespmem:$0x1E400] =	vst v63  }
0x31: {  	_ =	swait.ge [sflag:s22], $0x2800  }
0x32: {  	[sflag:s22] =	ssyncset.done $0x0  }
.LBB2_5:
0x33: {  	[dreg:$0x4] =	wrdreg s15;
	[sflag:s22] =	ssyncadd.s32 $0xFFFFD800  }
0x34: {  	[spmem:s12] =	stream.linear.scatter [tilespmem:s21], [sflag:$0x7], $0x2800, $0x38;
	[tilespmem:$0x1E400] =	vst v63  }
0x35: {  	_ =	swait.ge [sflag:s22], $0x2800  }
0x36: {  	[sflag:s22] =	ssyncset.done $0x0  }
0x37: {  	[sflag:s22] =	ssyncadd.s32 $0xFFFFD800  }
0x38: {  	[bflag:$0x0] =	sbarrier.arrive $0xFFFF  }
0x39: {  	s0 =	simm.s32 $0x0;
	s1 =	rddreg [dreg:$0x7]  }
0x3a: {  	[tilespmem:s0], [sflag:$0x7] =	stream.linear.gather [hbm4b:s1+s0], $0x10, $0x38;
	[tilespmem:$0x1E400] =	vst v63  }
0x3b: {  	_ =	swait.ge [sflag:s22], $0x10  }
0x3c: {  	[sflag:s22] =	ssyncset.done $0x0  }
0x3d: {  	s13 =	rddreg [dreg:$0x8];
	[sflag:s22] =	ssyncadd.s32 $0xFFFFFFF0  }
0x3e: {  	[tilespmem:s23], [sflag:$0x7] =	stream.linear.gather [hbm4b:s13+s0], $0x10, $0x38;
	[tilespmem:$0x1E400] =	vst v63  }
0x3f: {  	_ =	swait.ge [sflag:s22], $0x10  }
0x40: {  	[sflag:s22] =	ssyncset.done $0x0  }
0x41: {  	[sflag:s22] =	ssyncadd.s32 $0xFFFFFFF0  }
0x42: {  	v4 =	vld [tilespmem:$0x0];
	_ =	sdelay $0x4  }
0x43: {  	v5 =	vshll.u32 v4, $0x1  }
0x44: {  	v4 =	vand.u32 $0x7, v4;
	v5 =	vand.u32 $0xFFFFFFF0, v5  }
0x45: {  	v4 =	vor.u32 v4, v5  }
0x46: {  	v5 =	vperm.xlane v4, v1;
	_ =	sdelay $0x1  }
0x47: {  	v4 =	vperm.xlane v4, v3;
	v5 =	vadd.s32 v2, v5;
	_ =	sdelay $0x1  }
0x48: {  	v4 =	vadd.s32 v2, v4;
	_ =	sdelay $0x1  }
0x49: {  	s15 =	simm.s32 $0x200  }
0x4a: {  	[tilespmem:s15], [sflag:$0x1] =	stream.indirect_vreg.gather [hbm4b:s5+s0], $0x80, v5, vm0, $0xb8;
	[tilespmem:$0x1E400] =	vst v63  }
0x4b: {  	s24 =	simm.s32 $0xA00  }
0x4c: {  	[tilespmem:s24], [sflag:$0x1] =	stream.indirect_vreg.gather [hbm4b:s5+s0], $0x80, v4, vm0, $0xb8;
	[tilespmem:$0x1E400] =	vst v63  }
0x4d: {  	s25 =	simm.s32 $0x2200  }
0x4e: {  	[tilespmem:s25], [sflag:$0x3] =	stream.indirect.gather [hbm4b:s6+s26], $0x80, s23, s26, $0xb8;
	[tilespmem:$0x1E400] =	vst v63  }
0x4f: {  	s3 =	simm.s32 $0x3200;
	s28 =	rddreg [dreg:$0x9]  }
0x50: {  	[tilespmem:s3], [sflag:$0x5] =	stream.linear.gather [hbm4b:s28+s0], $0x800, $0x38;
	[tilespmem:$0x1E400] =	vst v63  }
0x51: {  	s3 =	simm.s32 $0x0  }
.LBB2_6:
0x52: {  	s12 =	sshll.u32 s3, $0x6  }
0x53: {  	s1 =	sor.u32 s18, s12  }
0x54: {  	s13 =	sshll.u32 s1, $0x1  }
0x55: {  	s25 =	simm.s32 $0x80;
	s24 =	sadd.s32 s8, s13  }
0x56: {  	[tilespmem:s25], [sflag:$0x7] =	stream.linear.gather [hbm4b:s24+s0], $0x10, $0x38;
	[tilespmem:$0x1E400] =	vst v63  }
0x57: {  	_ =	swait.ge [sflag:s22], $0x10  }
0x58: {  	[sflag:s22] =	ssyncset.done $0x0  }
0x59: {  	s13 =	sadd.s32 s9, s13;
	[sflag:s22] =	ssyncadd.s32 $0xFFFFFFF0  }
0x5a: {  	[tilespmem:s31], [sflag:$0x7] =	stream.linear.gather [hbm4b:s13+s0], $0x10, $0x38;
	[tilespmem:$0x1E400] =	vst v63  }
0x5b: {  	_ =	swait.ge [sflag:s22], $0x10  }
0x5c: {  	[sflag:s22] =	ssyncset.done $0x0  }
0x5d: {  	[sflag:s22] =	ssyncadd.s32 $0xFFFFFFF0  }
0x5e: {  	v4 =	vld [tilespmem:$0x80];
	_ =	sdelay $0x4  }
0x5f: {  	v5 =	vshll.u32 v4, $0x1  }
0x60: {  	v4 =	vand.u32 $0x7, v4;
	v5 =	vand.u32 $0xFFFFFFF0, v5  }
0x61: {  	v4 =	vor.u32 v4, v5  }
0x62: {  	v5 =	vperm.xlane v4, v1;
	_ =	sdelay $0x1  }
0x63: {  	v4 =	vperm.xlane v4, v3;
	v5 =	vadd.s32 v2, v5;
	_ =	sdelay $0x1  }
0x64: {  	v4 =	vadd.s32 v2, v4;
	_ =	sdelay $0x1  }
0x65: {  	s24 =	simm.s32 $0x1200  }
0x66: {  	[tilespmem:s24], [sflag:$0x2] =	stream.indirect_vreg.gather [hbm4b:s5+s0], $0x80, v5, vm0, $0xb8;
	[tilespmem:$0x1E400] =	vst v63  }
0x67: {  	s25 =	simm.s32 $0x1A00  }
0x68: {  	[tilespmem:s25], [sflag:$0x2] =	stream.indirect_vreg.gather [hbm4b:s5+s0], $0x80, v4, vm0, $0xb8;
	[tilespmem:$0x1E400] =	vst v63  }
0x69: {  	s1 =	sshll.u32 s1, $0x8;
	s24 =	simm.s32 $0x2A00  }
0x6a: {  	[tilespmem:s24], [sflag:$0x4] =	stream.indirect.gather [hbm4b:s6+s26], $0x80, s31, s26, $0xb8;
	[tilespmem:$0x1E400] =	vst v63  }
0x6b: {  	s1 =	sadd.s32 s7, s1;
	s25 =	simm.s32 $0x3A00  }
0x6c: {  	[tilespmem:s25], [sflag:$0x6] =	stream.linear.gather [hbm4b:s1+s0], $0x800, $0x38;
	[tilespmem:$0x1E400] =	vst v63  }
0x6d: {  	_ =	swait.ge [sflag:s14], $0x1000  }
0x6e: {  	[sflag:s14] =	ssyncset.done $0x0  }
0x6f: {  	[sflag:s14] =	ssyncadd.s32 $0xFFFFF000  }
0x70: {  	_ =	swait.ge [sflag:s16], $0x800  }
0x71: {  	[sflag:s16] =	ssyncset.done $0x0  }
0x72: {  	[sflag:s16] =	ssyncadd.s32 $0xFFFFF800  }
0x73: {  	_ =	swait.ge [sflag:s17], $0x800  }
0x74: {  	[sflag:s17] =	ssyncset.done $0x0  }
0x75: {  	[sflag:s17] =	ssyncadd.s32 $0xFFFFF800  }
0x76: {  	v4 =	vld [tilespmem:$0x100];
	_ =	sdelay $0x4  }
0x77: {  	v4 =	vcvt.s32.f32 v4;
	_ =	sdelay $0x1  }
0x78: {  	v5 =	vadd.f32 $-1.249000000e+03, v4;
	v6 =	vadd.f32 $-2.499000000e+03, v4;
	_ =	sdelay $0x1  }
0x79: {  	v7 =	vadd.f32 $-3.749000000e+03, v4;
	v5 =	vmax.f32 v5, $0.0e+00;
	v6 =	vmax.f32 v6, $0.0e+00  }
0x7a: {  	v5 =	vmin.f32 v5, $1.000000000e+00;
	v6 =	vmin.f32 v6, $1.000000000e+00  }
0x7b: {  	v5 =	vadd.f32 v6, v5;
	v6 =	vmax.f32 v7, $0.0e+00;
	v7 =	vadd.f32 $-4.999000000e+03, v4  }
0x7c: {  	v6 =	vmin.f32 v6, $1.000000000e+00  }
0x7d: {  	v5 =	vadd.f32 v5, v6;
	v6 =	vmax.f32 v7, $0.0e+00;
	v7 =	vadd.f32 $-6.249000000e+03, v4  }
0x7e: {  	v6 =	vmin.f32 v6, $1.000000000e+00  }
0x7f: {  	v5 =	vadd.f32 v5, v6;
	v6 =	vmax.f32 v7, $0.0e+00;
	v7 =	vadd.f32 $-7.499000000e+03, v4  }
0x80: {  	v6 =	vmin.f32 v6, $1.000000000e+00  }
0x81: {  	v5 =	vadd.f32 v5, v6;
	v6 =	vmax.f32 v7, $0.0e+00;
	v7 =	vadd.f32 $-8.749000000e+03, v4  }
0x82: {  	v6 =	vmin.f32 v6, $1.000000000e+00  }
0x83: {  	v5 =	vadd.f32 v5, v6;
	v6 =	vmax.f32 v7, $0.0e+00  }
0x84: {  	v6 =	vmin.f32 v6, $1.000000000e+00  }
0x85: {  	v5 =	vadd.f32 v5, v6;
	_ =	sdelay $0x1  }
0x86: {  	v6 =	vmul.f32 $-1.250000000e+03, v5;
	_ =	sdelay $0x1  }
0x87: {  	v4 =	vadd.f32 v6, v4;
	_ =	sdelay $0x1  }
0x88: {  	v4 =	vtrunc.f32 v4  }
0x89: {  	s15 =	smov.u32 s2;
	v4 =	vcvt.f32.s32 v4  }
0x8a: {  	s2 =	smov.u32 s29;
	s29 =	simm.s32 $0x1;
	s28 =	simm.s32 $0x5300;
	[tilespmem:$0x5280] =	vst v5  }
0x8b: {  	s13 =	simm.s32 $0x4AC0;
	s24 =	simm.s32 $0x5300;
	s25 =	simm.s32 $0x4AC0;
	v5 =	vld [tilespmem:$0x5280];
	[tilespmem:$0x4200] =	vst v4;
	v4 =	vmov s0  }
.LBB2_7:
0x8c: {  	_ =	sdelay $0x1  }
0x8d: {  	s1 =	smov.u32 s29  }
0x8e: {  	v6 =	vmov s29;
	s24 =	sadd.s32 $0x80, s24;
	s25 =	sadd.s32 $0x80, s25;
	s1 =	sadd.s32 $0x1, s29  }
0x8f: {  	p1 =	sne.s32 s29, $0xF;
	v5 =	vperm.xlane v5, v4;
	v4 =	vmov v6  }
0x90: {  	v6 =	vld [tilespmem:s28+$0x0];
	s28 =	smov.u32 s24  }
0x91: {  	v7 =	vmul.f32 v5, v5;
	v8 =	vadd.f32 $-5.000000000e+00, v5;
	v9 =	vadd.f32 $-7.000000000e+00, v5  }
0x92: {  	v10 =	vadd.f32 $-1.000000000e+00, v5;
	v11 =	vadd.f32 $-3.000000000e+00, v5  }
0x93: {  	v12 =	vadd.f32 $-2.000000000e+00, v5;
	v7 =	vsub.f32 $1.000000000e+00, v7;
	v8 =	vmul.f32 v8, v8  }
0x94: {  	v13 =	vadd.f32 $-4.000000000e+00, v5;
	v10 =	vmul.f32 v10, v10;
	v9 =	vmul.f32 v9, v9  }
0x95: {  	v12 =	vmul.f32 v12, v12;
	v7 =	vmax.f32 v7, $0.0e+00;
	v8 =	vsub.f32 $1.000000000e+00, v8  }
0x96: {  	v11 =	vmul.f32 v11, v11;
	v9 =	vsub.f32 $1.000000000e+00, v9;
	v7 =	vmul.f32 v7, v6  }
0x97: {  	v13 =	vmul.f32 v13, v13;
	v12 =	vsub.f32 $1.000000000e+00, v12;
	v8 =	vmax.f32 v8, $0.0e+00  }
0x98: {  	v5 =	vadd.f32 $-6.000000000e+00, v5;
	[tilespmem:s13+$0xFFFFFFC0] =	vst v7;
	v7 =	vsub.f32 $1.000000000e+00, v11;
	v8 =	vmul.f32 v8, v6  }
0x99: {  	v10 =	vsub.f32 $1.000000000e+00, v10;
	v11 =	vmax.f32 v12, $0.0e+00;
	v12 =	vsub.f32 $1.000000000e+00, v13  }
0x9a: {  	v5 =	vmul.f32 v5, v5;
	v11 =	vmul.f32 v11, v6;
	[tilespmem:s13+$0x10] =	vst v8;
	v8 =	vmax.f32 v9, $0.0e+00  }
0x9b: {  	v9 =	vmax.f32 v10, $0.0e+00;
	v10 =	vmax.f32 v12, $0.0e+00;
	v8 =	vmul.f32 v8, v6  }
0x9c: {  	v5 =	vsub.f32 $1.000000000e+00, v5;
	v9 =	vmul.f32 v9, v6;
	v10 =	vmul.f32 v10, v6;
	[tilespmem:s13+$0xFFFFFFE0] =	vst v11  }
0x9d: {  	v7 =	vmax.f32 v7, $0.0e+00;
	[tilespmem:s13+$0x30] =	vst v8  }
.Ltmp3:
0x9e: {  	v5 =	vmax.f32 v5, $0.0e+00;
	v7 =	vmul.f32 v7, v6;
	[tilespmem:s13+$0xFFFFFFD0] =	vst v9;
	(pc) =	sbr.rel @p1 .LBB2_7-.Ltmp3, $4  }
0x9f: {  	v5 =	vmul.f32 v5, v6;
	[tilespmem:s13+$0x0] =	vst v10  }
0xa0: {  	[tilespmem:s13+$0xFFFFFFF0] =	vst v7  }
0xa1: {  	[tilespmem:s13+$0x20] =	vst v5;
	s13 =	smov.u32 s25  }
0xa2: {  	s29 =	smov.u32 s1;
	v5 =	vld [tilespmem:$0x5280]  }
0xa3: {  	_ =	sdelay $0x3  }
0xa4: {  	v4 =	vperm.xlane v5, v4;
	_ =	sdelay $0x1  }
0xa5: {  	v7 =	vadd.f32 $-5.000000000e+00, v4;
	v8 =	vadd.f32 $-7.000000000e+00, v4  }
0xa6: {  	v9 =	vadd.f32 $-1.000000000e+00, v4;
	v10 =	vadd.f32 $-3.000000000e+00, v4  }
0xa7: {  	v5 =	vld [tilespmem:s28+$0x0];
	v6 =	vmul.f32 v4, v4;
	v11 =	vadd.f32 $-2.000000000e+00, v4;
	v12 =	vadd.f32 $-4.000000000e+00, v4  }
0xa8: {  	v4 =	vadd.f32 $-6.000000000e+00, v4;
	v7 =	vmul.f32 v7, v7;
	v9 =	vmul.f32 v9, v9  }
0xa9: {  	v6 =	vsub.f32 $1.000000000e+00, v6;
	v8 =	vmul.f32 v8, v8;
	v11 =	vmul.f32 v11, v11  }
0xaa: {  	v10 =	vmul.f32 v10, v10;
	v12 =	vmul.f32 v12, v12;
	v7 =	vsub.f32 $1.000000000e+00, v7  }
0xab: {  	v4 =	vmul.f32 v4, v4;
	v6 =	vmax.f32 v6, $0.0e+00;
	v11 =	vsub.f32 $1.000000000e+00, v11  }
0xac: {  	v8 =	vsub.f32 $1.000000000e+00, v8;
	v6 =	vmul.f32 v6, v5;
	v7 =	vmax.f32 v7, $0.0e+00  }
0xad: {  	v4 =	vsub.f32 $1.000000000e+00, v4;
	v11 =	vmax.f32 v11, $0.0e+00;
	v7 =	vmul.f32 v7, v5  }
0xae: {  	v9 =	vsub.f32 $1.000000000e+00, v9;
	v8 =	vmax.f32 v8, $0.0e+00;
	[tilespmem:s13+$0xFFFFFFC0] =	vst v6;
	v6 =	vmul.f32 v11, v5  }
0xaf: {  	v12 =	vsub.f32 $1.000000000e+00, v12;
	v4 =	vmax.f32 v4, $0.0e+00;
	v8 =	vmul.f32 v8, v5;
	[tilespmem:s13+$0x10] =	vst v7  }
0xb0: {  	v10 =	vsub.f32 $1.000000000e+00, v10;
	v4 =	vmul.f32 v4, v5;
	v7 =	vmax.f32 v9, $0.0e+00;
	[tilespmem:s13+$0xFFFFFFE0] =	vst v6  }
0xb1: {  	v62 =	vmax.f32 v12, $0.0e+00;
	[tilespmem:s13+$0x30] =	vst v8;
	v7 =	vmul.f32 v7, v5  }
0xb2: {  	v63 =	vmax.f32 v10, $0.0e+00;
	v6 =	vmul.f32 v62, v5;
	[tilespmem:s13+$0x20] =	vst v4  }
0xb3: {  	[tilespmem:s13+$0xFFFFFFD0] =	vst v7;
	v7 =	vmul.f32 v63, v5  }
0xb4: {  	[tilespmem:s13+$0x0] =	vst v6  }
0xb5: {  	[tilespmem:s13+$0xFFFFFFF0] =	vst v7  }
0xb6: {  	[spmem:s2] =	stream.indirect.scatter.add.f32 [tilespmem:s11], [sflag:$0x7], $0x80, s23, s26, $0xb8;
	[tilespmem:$0x1E400] =	vst v63  }
0xb7: {  	_ =	swait.ge [sflag:s22], $0x800  }
0xb8: {  	[sflag:s22] =	ssyncset.done $0x0  }
0xb9: {  	[sflag:s22] =	ssyncadd.s32 $0xFFFFF800  }
0xba: {  	[spmem:s15] =	stream.indirect.scatter.add.f32 [tilespmem:s10], [sflag:$0x7], $0x80, s20, s26, $0xb8;
	[tilespmem:$0x1E400] =	vst v63  }
0xbb: {  	_ =	swait.ge [sflag:s22], $0x800  }
0xbc: {  	s1 =	rddreg [dreg:$0xa]  }
0xbd: {  	s1 =	sadd.s32 s1, s12  }
0xbe: {  	[sflag:s22] =	ssyncset.done $0x0;
	s28 =	sshll.u32 s1, $0x1  }
0xbf: {  	[sflag:s22] =	ssyncadd.s32 $0xFFFFF800;
	s12 =	simm.s32 $0x0;
	s24 =	sadd.s32 s8, s28  }
0xc0: {  	[tilespmem:s12], [sflag:$0x7] =	stream.linear.gather [hbm4b:s24+s12], $0x10, $0x38;
	[tilespmem:$0x1E400] =	vst v63  }
0xc1: {  	_ =	swait.ge [sflag:s22], $0x10  }
0xc2: {  	[sflag:s22] =	ssyncset.done $0x0  }
0xc3: {  	s13 =	sadd.s32 s9, s28;
	[sflag:s22] =	ssyncadd.s32 $0xFFFFFFF0  }
0xc4: {  	[tilespmem:s23], [sflag:$0x7] =	stream.linear.gather [hbm4b:s13+s12], $0x10, $0x38;
	[tilespmem:$0x1E400] =	vst v63  }
0xc5: {  	_ =	swait.ge [sflag:s22], $0x10  }
0xc6: {  	[sflag:s22] =	ssyncset.done $0x0  }
0xc7: {  	[sflag:s22] =	ssyncadd.s32 $0xFFFFFFF0  }
0xc8: {  	v4 =	vld [tilespmem:$0x0];
	_ =	sdelay $0x4  }
0xc9: {  	v5 =	vshll.u32 v4, $0x1  }
0xca: {  	v4 =	vand.u32 $0x7, v4;
	v5 =	vand.u32 $0xFFFFFFF0, v5  }
0xcb: {  	v4 =	vor.u32 v4, v5  }
0xcc: {  	v5 =	vperm.xlane v4, v1;
	_ =	sdelay $0x1  }
0xcd: {  	v4 =	vperm.xlane v4, v3;
	v5 =	vadd.s32 v2, v5;
	_ =	sdelay $0x1  }
0xce: {  	v4 =	vadd.s32 v2, v4;
	_ =	sdelay $0x1  }
0xcf: {  	s29 =	smov.u32 s2;
	s2 =	smov.u32 s15;
	s15 =	simm.s32 $0x200  }
0xd0: {  	[tilespmem:s15], [sflag:$0x1] =	stream.indirect_vreg.gather [hbm4b:s5+s12], $0x80, v5, vm0, $0xb8;
	[tilespmem:$0x1E400] =	vst v63  }
0xd1: {  	s24 =	simm.s32 $0xA00  }
0xd2: {  	[tilespmem:s24], [sflag:$0x1] =	stream.indirect_vreg.gather [hbm4b:s5+s12], $0x80, v4, vm0, $0xb8;
	[tilespmem:$0x1E400] =	vst v63  }
0xd3: {  	s25 =	simm.s32 $0x2200;
	s1 =	sshll.u32 s1, $0x8  }
0xd4: {  	[tilespmem:s25], [sflag:$0x3] =	stream.indirect.gather [hbm4b:s6+s26], $0x80, s23, s26, $0xb8;
	[tilespmem:$0x1E400] =	vst v63  }
0xd5: {  	s1 =	sadd.s32 s7, s1;
	s28 =	simm.s32 $0x3200  }
0xd6: {  	[tilespmem:s28], [sflag:$0x5] =	stream.linear.gather [hbm4b:s1+s12], $0x800, $0x38;
	[tilespmem:$0x1E400] =	vst v63  }
0xd7: {  	_ =	swait.ge [sflag:s19], $0x1000  }
0xd8: {  	[sflag:s19] =	ssyncset.done $0x0  }
0xd9: {  	[sflag:s19] =	ssyncadd.s32 $0xFFFFF000  }
0xda: {  	_ =	swait.ge [sflag:s4], $0x800  }
0xdb: {  	[sflag:s4] =	ssyncset.done $0x0  }
0xdc: {  	[sflag:s4] =	ssyncadd.s32 $0xFFFFF800  }
0xdd: {  	_ =	swait.ge [sflag:s30], $0x800  }
0xde: {  	[sflag:s30] =	ssyncset.done $0x0  }
0xdf: {  	[sflag:s30] =	ssyncadd.s32 $0xFFFFF800  }
0xe0: {  	v4 =	vld [tilespmem:$0x180];
	_ =	sdelay $0x4  }
0xe1: {  	v4 =	vcvt.s32.f32 v4;
	_ =	sdelay $0x1  }
0xe2: {  	v5 =	vadd.f32 $-1.249000000e+03, v4;
	v6 =	vadd.f32 $-2.499000000e+03, v4;
	_ =	sdelay $0x1  }
0xe3: {  	v7 =	vadd.f32 $-3.749000000e+03, v4;
	v5 =	vmax.f32 v5, $0.0e+00;
	v6 =	vmax.f32 v6, $0.0e+00  }
0xe4: {  	v5 =	vmin.f32 v5, $1.000000000e+00;
	v6 =	vmin.f32 v6, $1.000000000e+00  }
0xe5: {  	v5 =	vadd.f32 v6, v5;
	v6 =	vmax.f32 v7, $0.0e+00;
	v7 =	vadd.f32 $-4.999000000e+03, v4  }
0xe6: {  	v6 =	vmin.f32 v6, $1.000000000e+00  }
0xe7: {  	v5 =	vadd.f32 v5, v6;
	v6 =	vmax.f32 v7, $0.0e+00;
	v7 =	vadd.f32 $-6.249000000e+03, v4  }
0xe8: {  	v6 =	vmin.f32 v6, $1.000000000e+00  }
0xe9: {  	v5 =	vadd.f32 v5, v6;
	v6 =	vmax.f32 v7, $0.0e+00;
	v7 =	vadd.f32 $-7.499000000e+03, v4  }
0xea: {  	v6 =	vmin.f32 v6, $1.000000000e+00  }
0xeb: {  	v5 =	vadd.f32 v5, v6;
	v6 =	vmax.f32 v7, $0.0e+00;
	v7 =	vadd.f32 $-8.749000000e+03, v4  }
0xec: {  	v6 =	vmin.f32 v6, $1.000000000e+00  }
0xed: {  	v5 =	vadd.f32 v5, v6;
	v6 =	vmax.f32 v7, $0.0e+00  }
0xee: {  	v6 =	vmin.f32 v6, $1.000000000e+00  }
0xef: {  	v5 =	vadd.f32 v5, v6;
	_ =	sdelay $0x1  }
0xf0: {  	v6 =	vmul.f32 $-1.250000000e+03, v5;
	_ =	sdelay $0x1  }
0xf1: {  	v4 =	vadd.f32 v6, v4;
	_ =	sdelay $0x1  }
0xf2: {  	v4 =	vtrunc.f32 v4  }
0xf3: {  	v4 =	vcvt.f32.s32 v4  }
0xf4: {  	s13 =	simm.s32 $0x5300;
	s24 =	simm.s32 $0x4AC0;
	[tilespmem:$0x5280] =	vst v5  }
0xf5: {  	s25 =	simm.s32 $0x5300;
	s1 =	simm.s32 $0x1;
	v5 =	vld [tilespmem:$0x5280];
	[tilespmem:$0x4200] =	vst v4;
	v4 =	vmov s12;
	s12 =	simm.s32 $0x4AC0  }
.LBB2_9:
0xf6: {  	_ =	sdelay $0x1  }
0xf7: {  	s28 =	smov.u32 s1  }
0xf8: {  	v6 =	vmov s1;
	s13 =	sadd.s32 $0x80, s13;
	s24 =	sadd.s32 $0x80, s24;
	s28 =	sadd.s32 $0x1, s1  }
0xf9: {  	p1 =	sne.s32 s1, $0xF;
	v5 =	vperm.xlane v5, v4;
	v4 =	vmov v6  }
0xfa: {  	v6 =	vld [tilespmem:s25+$0x0];
	s25 =	smov.u32 s13  }
0xfb: {  	v7 =	vmul.f32 v5, v5;
	v8 =	vadd.f32 $-5.000000000e+00, v5;
	v9 =	vadd.f32 $-7.000000000e+00, v5  }
0xfc: {  	v10 =	vadd.f32 $-1.000000000e+00, v5;
	v11 =	vadd.f32 $-3.000000000e+00, v5  }
0xfd: {  	v12 =	vadd.f32 $-2.000000000e+00, v5;
	v7 =	vsub.f32 $1.000000000e+00, v7;
	v8 =	vmul.f32 v8, v8  }
0xfe: {  	v13 =	vadd.f32 $-4.000000000e+00, v5;
	v10 =	vmul.f32 v10, v10;
	v9 =	vmul.f32 v9, v9  }
0xff: {  	v12 =	vmul.f32 v12, v12;
	v7 =	vmax.f32 v7, $0.0e+00;
	v8 =	vsub.f32 $1.000000000e+00, v8  }
0x100: {  	v11 =	vmul.f32 v11, v11;
	v9 =	vsub.f32 $1.000000000e+00, v9;
	v7 =	vmul.f32 v7, v6  }
0x101: {  	v13 =	vmul.f32 v13, v13;
	v12 =	vsub.f32 $1.000000000e+00, v12;
	v8 =	vmax.f32 v8, $0.0e+00  }
0x102: {  	v5 =	vadd.f32 $-6.000000000e+00, v5;
	[tilespmem:s12+$0xFFFFFFC0] =	vst v7;
	v7 =	vsub.f32 $1.000000000e+00, v11;
	v8 =	vmul.f32 v8, v6  }
0x103: {  	v10 =	vsub.f32 $1.000000000e+00, v10;
	v11 =	vmax.f32 v12, $0.0e+00;
	v12 =	vsub.f32 $1.000000000e+00, v13  }
0x104: {  	v5 =	vmul.f32 v5, v5;
	v11 =	vmul.f32 v11, v6;
	[tilespmem:s12+$0x10] =	vst v8;
	v8 =	vmax.f32 v9, $0.0e+00  }
0x105: {  	v9 =	vmax.f32 v10, $0.0e+00;
	v10 =	vmax.f32 v12, $0.0e+00;
	v8 =	vmul.f32 v8, v6  }
0x106: {  	v5 =	vsub.f32 $1.000000000e+00, v5;
	v9 =	vmul.f32 v9, v6;
	v10 =	vmul.f32 v10, v6;
	[tilespmem:s12+$0xFFFFFFE0] =	vst v11  }
0x107: {  	v7 =	vmax.f32 v7, $0.0e+00;
	[tilespmem:s12+$0x30] =	vst v8  }
.Ltmp4:
0x108: {  	v5 =	vmax.f32 v5, $0.0e+00;
	v7 =	vmul.f32 v7, v6;
	[tilespmem:s12+$0xFFFFFFD0] =	vst v9;
	(pc) =	sbr.rel @p1 .LBB2_9-.Ltmp4, $4  }
0x109: {  	v5 =	vmul.f32 v5, v6;
	[tilespmem:s12+$0x0] =	vst v10  }
0x10a: {  	[tilespmem:s12+$0xFFFFFFF0] =	vst v7  }
0x10b: {  	[tilespmem:s12+$0x20] =	vst v5;
	s12 =	smov.u32 s24  }
0x10c: {  	s1 =	smov.u32 s28;
	v5 =	vld [tilespmem:$0x5280]  }
0x10d: {  	_ =	sdelay $0x3  }
0x10e: {  	v4 =	vperm.xlane v5, v4;
	_ =	sdelay $0x1  }
0x10f: {  	v7 =	vadd.f32 $-5.000000000e+00, v4;
	v8 =	vadd.f32 $-7.000000000e+00, v4  }
0x110: {  	v9 =	vadd.f32 $-1.000000000e+00, v4;
	v10 =	vadd.f32 $-3.000000000e+00, v4  }
0x111: {  	v5 =	vld [tilespmem:s25+$0x0];
	v6 =	vmul.f32 v4, v4;
	v11 =	vadd.f32 $-2.000000000e+00, v4;
	v12 =	vadd.f32 $-4.000000000e+00, v4  }
0x112: {  	v4 =	vadd.f32 $-6.000000000e+00, v4;
	v7 =	vmul.f32 v7, v7;
	v9 =	vmul.f32 v9, v9  }
0x113: {  	v6 =	vsub.f32 $1.000000000e+00, v6;
	v8 =	vmul.f32 v8, v8;
	v11 =	vmul.f32 v11, v11  }
0x114: {  	v10 =	vmul.f32 v10, v10;
	v12 =	vmul.f32 v12, v12;
	v7 =	vsub.f32 $1.000000000e+00, v7  }
0x115: {  	v4 =	vmul.f32 v4, v4;
	v6 =	vmax.f32 v6, $0.0e+00;
	v11 =	vsub.f32 $1.000000000e+00, v11  }
0x116: {  	v8 =	vsub.f32 $1.000000000e+00, v8;
	v6 =	vmul.f32 v6, v5;
	v7 =	vmax.f32 v7, $0.0e+00  }
0x117: {  	v12 =	vsub.f32 $1.000000000e+00, v12;
	v11 =	vmax.f32 v11, $0.0e+00;
	v7 =	vmul.f32 v7, v5  }
0x118: {  	v10 =	vsub.f32 $1.000000000e+00, v10;
	v8 =	vmax.f32 v8, $0.0e+00;
	[tilespmem:s12+$0xFFFFFFC0] =	vst v6;
	v58 =	vmul.f32 v11, v5  }
0x119: {  	v4 =	vsub.f32 $1.000000000e+00, v4;
	v60 =	vmax.f32 v12, $0.0e+00;
	v8 =	vmul.f32 v8, v5;
	[tilespmem:s12+$0x10] =	vst v7  }
0x11a: {  	v9 =	vsub.f32 $1.000000000e+00, v9;
	v62 =	vmax.f32 v10, $0.0e+00;
	v61 =	vmul.f32 v60, v5;
	[tilespmem:s12+$0xFFFFFFE0] =	vst v58  }
0x11b: {  	v4 =	vmax.f32 v4, $0.0e+00;
	v63 =	vmul.f32 v62, v5;
	[tilespmem:s12+$0x30] =	vst v8  }
0x11c: {  	v59 =	vmax.f32 v9, $0.0e+00;
	v4 =	vmul.f32 v4, v5;
	[tilespmem:s12+$0x0] =	vst v61  }
0x11d: {  	v7 =	vmul.f32 v59, v5;
	[tilespmem:s12+$0xFFFFFFF0] =	vst v63  }
0x11e: {  	[tilespmem:s12+$0x20] =	vst v4  }
0x11f: {  	[tilespmem:s12+$0xFFFFFFD0] =	vst v7  }
0x120: {  	[spmem:s29] =	stream.indirect.scatter.add.f32 [tilespmem:s11], [sflag:$0x7], $0x80, s31, s26, $0xb8;
	[tilespmem:$0x1E400] =	vst v63  }
0x121: {  	s3 =	sadd.s32 $0x1, s3;
	_ =	swait.ge [sflag:s22], $0x800  }
0x122: {  	p1 =	sne.s32 s3, $0x139;
	[sflag:s22] =	ssyncset.done $0x0  }
.Ltmp5:
0x123: {  	[sflag:s22] =	ssyncadd.s32 $0xFFFFF800;
	(pc) =	sbr.rel @p1 .LBB2_6-.Ltmp5, $4  }
0x124: {  	[spmem:s2] =	stream.indirect.scatter.add.f32 [tilespmem:s10], [sflag:$0x7], $0x80, s20, s26, $0xb8;
	[tilespmem:$0x1E400] =	vst v63  }
0x125: {  	_ =	swait.ge [sflag:s22], $0x800  }
0x126: {  	[sflag:s22] =	ssyncset.done $0x0  }
0x127: {  	[sflag:s22] =	ssyncadd.s32 $0xFFFFF800  }
0x128: {  	_ =	swait.ge [sflag:s14], $0x1000  }
0x129: {  	[sflag:s14] =	ssyncset.done $0x0  }
0x12a: {  	[sflag:s14] =	ssyncadd.s32 $0xFFFFF000  }
0x12b: {  	_ =	swait.ge [sflag:s16], $0x800  }
0x12c: {  	[sflag:s16] =	ssyncset.done $0x0  }
0x12d: {  	[sflag:s16] =	ssyncadd.s32 $0xFFFFF800  }
0x12e: {  	_ =	swait.ge [sflag:s17], $0x800  }
0x12f: {  	[sflag:s17] =	ssyncset.done $0x0  }
0x130: {  	[sflag:s17] =	ssyncadd.s32 $0xFFFFF800  }
0x131: {  	v4 =	vld [tilespmem:$0x100];
	_ =	sdelay $0x4  }
0x132: {  	v4 =	vcvt.s32.f32 v4;
	_ =	sdelay $0x1  }
0x133: {  	v5 =	vadd.f32 $-1.249000000e+03, v4;
	v6 =	vadd.f32 $-2.499000000e+03, v4;
	_ =	sdelay $0x1  }
0x134: {  	v7 =	vadd.f32 $-3.749000000e+03, v4;
	v5 =	vmax.f32 v5, $0.0e+00;
	v6 =	vmax.f32 v6, $0.0e+00  }
0x135: {  	v5 =	vmin.f32 v5, $1.000000000e+00;
	v6 =	vmin.f32 v6, $1.000000000e+00  }
0x136: {  	v5 =	vadd.f32 v6, v5;
	v6 =	vmax.f32 v7, $0.0e+00;
	v7 =	vadd.f32 $-4.999000000e+03, v4  }
0x137: {  	v6 =	vmin.f32 v6, $1.000000000e+00  }
0x138: {  	v5 =	vadd.f32 v5, v6;
	v6 =	vmax.f32 v7, $0.0e+00;
	v7 =	vadd.f32 $-6.249000000e+03, v4  }
0x139: {  	v6 =	vmin.f32 v6, $1.000000000e+00  }
0x13a: {  	v5 =	vadd.f32 v5, v6;
	v6 =	vmax.f32 v7, $0.0e+00;
	v7 =	vadd.f32 $-7.499000000e+03, v4  }
0x13b: {  	v6 =	vmin.f32 v6, $1.000000000e+00  }
0x13c: {  	v5 =	vadd.f32 v5, v6;
	v6 =	vmax.f32 v7, $0.0e+00;
	v7 =	vadd.f32 $-8.749000000e+03, v4  }
0x13d: {  	v6 =	vmin.f32 v6, $1.000000000e+00  }
0x13e: {  	v5 =	vadd.f32 v5, v6;
	v6 =	vmax.f32 v7, $0.0e+00  }
0x13f: {  	v6 =	vmin.f32 v6, $1.000000000e+00  }
0x140: {  	v5 =	vadd.f32 v5, v6;
	_ =	sdelay $0x1  }
0x141: {  	v6 =	vmul.f32 $-1.250000000e+03, v5;
	_ =	sdelay $0x1  }
0x142: {  	v4 =	vadd.f32 v6, v4;
	_ =	sdelay $0x1  }
0x143: {  	v4 =	vtrunc.f32 v4  }
0x144: {  	v4 =	vcvt.f32.s32 v4  }
0x145: {  	s0 =	simm.s32 $0x0;
	s3 =	simm.s32 $0x5300;
	s12 =	simm.s32 $0x4AC0;
	[tilespmem:$0x5280] =	vst v5  }
0x146: {  	s1 =	simm.s32 $0x1;
	s13 =	simm.s32 $0x5300;
	v5 =	vld [tilespmem:$0x5280];
	[tilespmem:$0x4200] =	vst v4;
	v4 =	vmov s0;
	s0 =	simm.s32 $0x4AC0  }
.LBB2_12:
0x147: {  	_ =	sdelay $0x1  }
0x148: {  	s24 =	smov.u32 s1  }
0x149: {  	v6 =	vmov s1;
	s3 =	sadd.s32 $0x80, s3;
	s12 =	sadd.s32 $0x80, s12;
	s24 =	sadd.s32 $0x1, s1  }
0x14a: {  	p1 =	sne.s32 s1, $0xF;
	v5 =	vperm.xlane v5, v4;
	v4 =	vmov v6  }
0x14b: {  	v6 =	vld [tilespmem:s13+$0x0];
	s13 =	smov.u32 s3  }
0x14c: {  	v7 =	vmul.f32 v5, v5;
	v8 =	vadd.f32 $-5.000000000e+00, v5;
	v9 =	vadd.f32 $-7.000000000e+00, v5  }
0x14d: {  	v10 =	vadd.f32 $-1.000000000e+00, v5;
	v11 =	vadd.f32 $-3.000000000e+00, v5  }
0x14e: {  	v12 =	vadd.f32 $-2.000000000e+00, v5;
	v7 =	vsub.f32 $1.000000000e+00, v7;
	v8 =	vmul.f32 v8, v8  }
0x14f: {  	v13 =	vadd.f32 $-4.000000000e+00, v5;
	v10 =	vmul.f32 v10, v10;
	v9 =	vmul.f32 v9, v9  }
0x150: {  	v12 =	vmul.f32 v12, v12;
	v7 =	vmax.f32 v7, $0.0e+00;
	v8 =	vsub.f32 $1.000000000e+00, v8  }
0x151: {  	v11 =	vmul.f32 v11, v11;
	v9 =	vsub.f32 $1.000000000e+00, v9;
	v7 =	vmul.f32 v7, v6  }
0x152: {  	v13 =	vmul.f32 v13, v13;
	v12 =	vsub.f32 $1.000000000e+00, v12;
	v8 =	vmax.f32 v8, $0.0e+00  }
0x153: {  	v5 =	vadd.f32 $-6.000000000e+00, v5;
	[tilespmem:s0+$0xFFFFFFC0] =	vst v7;
	v7 =	vsub.f32 $1.000000000e+00, v11;
	v8 =	vmul.f32 v8, v6  }
0x154: {  	v10 =	vsub.f32 $1.000000000e+00, v10;
	v11 =	vmax.f32 v12, $0.0e+00;
	v12 =	vsub.f32 $1.000000000e+00, v13  }
0x155: {  	v5 =	vmul.f32 v5, v5;
	v11 =	vmul.f32 v11, v6;
	[tilespmem:s0+$0x10] =	vst v8;
	v8 =	vmax.f32 v9, $0.0e+00  }
0x156: {  	v9 =	vmax.f32 v10, $0.0e+00;
	v10 =	vmax.f32 v12, $0.0e+00;
	v8 =	vmul.f32 v8, v6  }
0x157: {  	v5 =	vsub.f32 $1.000000000e+00, v5;
	v9 =	vmul.f32 v9, v6;
	v10 =	vmul.f32 v10, v6;
	[tilespmem:s0+$0xFFFFFFE0] =	vst v11  }
0x158: {  	v7 =	vmax.f32 v7, $0.0e+00;
	[tilespmem:s0+$0x30] =	vst v8  }
.Ltmp6:
0x159: {  	v5 =	vmax.f32 v5, $0.0e+00;
	v7 =	vmul.f32 v7, v6;
	[tilespmem:s0+$0xFFFFFFD0] =	vst v9;
	(pc) =	sbr.rel @p1 .LBB2_12-.Ltmp6, $4  }
0x15a: {  	v5 =	vmul.f32 v5, v6;
	[tilespmem:s0+$0x0] =	vst v10  }
0x15b: {  	[tilespmem:s0+$0xFFFFFFF0] =	vst v7  }
0x15c: {  	[tilespmem:s0+$0x20] =	vst v5;
	s0 =	smov.u32 s12  }
0x15d: {  	s1 =	smov.u32 s24;
	v5 =	vld [tilespmem:$0x5280]  }
0x15e: {  	_ =	sdelay $0x3  }
0x15f: {  	v4 =	vperm.xlane v5, v4;
	_ =	sdelay $0x1  }
0x160: {  	v7 =	vadd.f32 $-5.000000000e+00, v4;
	v8 =	vadd.f32 $-7.000000000e+00, v4  }
0x161: {  	v9 =	vadd.f32 $-1.000000000e+00, v4;
	v10 =	vadd.f32 $-3.000000000e+00, v4  }
0x162: {  	v5 =	vld [tilespmem:s13+$0x0];
	v6 =	vmul.f32 v4, v4;
	v11 =	vadd.f32 $-2.000000000e+00, v4;
	v12 =	vadd.f32 $-4.000000000e+00, v4  }
0x163: {  	v4 =	vadd.f32 $-6.000000000e+00, v4;
	v7 =	vmul.f32 v7, v7;
	v9 =	vmul.f32 v9, v9  }
0x164: {  	v6 =	vsub.f32 $1.000000000e+00, v6;
	v8 =	vmul.f32 v8, v8;
	v11 =	vmul.f32 v11, v11  }
0x165: {  	v10 =	vmul.f32 v10, v10;
	v12 =	vmul.f32 v12, v12;
	v7 =	vsub.f32 $1.000000000e+00, v7  }
0x166: {  	v4 =	vmul.f32 v4, v4;
	v6 =	vmax.f32 v6, $0.0e+00;
	v11 =	vsub.f32 $1.000000000e+00, v11  }
0x167: {  	v8 =	vsub.f32 $1.000000000e+00, v8;
	v6 =	vmul.f32 v6, v5;
	v7 =	vmax.f32 v7, $0.0e+00  }
0x168: {  	v12 =	vsub.f32 $1.000000000e+00, v12;
	v11 =	vmax.f32 v11, $0.0e+00;
	v7 =	vmul.f32 v7, v5  }
0x169: {  	v10 =	vsub.f32 $1.000000000e+00, v10;
	v8 =	vmax.f32 v8, $0.0e+00;
	[tilespmem:s0+$0xFFFFFFC0] =	vst v6;
	v58 =	vmul.f32 v11, v5  }
0x16a: {  	v4 =	vsub.f32 $1.000000000e+00, v4;
	v60 =	vmax.f32 v12, $0.0e+00;
	v8 =	vmul.f32 v8, v5;
	[tilespmem:s0+$0x10] =	vst v7  }
0x16b: {  	v9 =	vsub.f32 $1.000000000e+00, v9;
	v62 =	vmax.f32 v10, $0.0e+00;
	v61 =	vmul.f32 v60, v5;
	[tilespmem:s0+$0xFFFFFFE0] =	vst v58  }
0x16c: {  	v4 =	vmax.f32 v4, $0.0e+00;
	v63 =	vmul.f32 v62, v5;
	[tilespmem:s0+$0x30] =	vst v8  }
0x16d: {  	v59 =	vmax.f32 v9, $0.0e+00;
	v4 =	vmul.f32 v4, v5;
	[tilespmem:s0+$0x0] =	vst v61  }
0x16e: {  	v7 =	vmul.f32 v59, v5;
	[tilespmem:s0+$0xFFFFFFF0] =	vst v63  }
0x16f: {  	[tilespmem:s0+$0x20] =	vst v4  }
0x170: {  	[tilespmem:s0+$0xFFFFFFD0] =	vst v7  }
0x171: {  	[spmem:s29] =	stream.indirect.scatter.add.f32 [tilespmem:s11], [sflag:$0x7], $0x80, s23, s26, $0xb8;
	[tilespmem:$0x1E400] =	vst v63  }
0x172: {  	_ =	swait.ge [sflag:s22], $0x800  }
0x173: {  	[sflag:s22] =	ssyncset.done $0x0  }
0x174: {  	[sflag:s22] =	ssyncadd.s32 $0xFFFFF800  }
0x175: {  	[spmem:s2] =	stream.indirect.scatter.add.f32 [tilespmem:s10], [sflag:$0x7], $0x80, s20, s26, $0xb8;
	[tilespmem:$0x1E400] =	vst v63  }
0x176: {  	_ =	swait.ge [sflag:s22], $0x800  }
0x177: {  	[sflag:s22] =	ssyncset.done $0x0  }
0x178: {  	[sflag:s22] =	ssyncadd.s32 $0xFFFFF800  }
0x179: {  	[bflag:$0x0] =	sbarrier.arrive $0xFFFF  }
0x17a: {  	s13 =	stileid.u32;
	s15 =	rddreg [dreg:$0x4]  }
.Ltmp7:
0x17b: {  	s0 =	sshll.u32 s13, $0x6;
	s25 =	rddreg [dreg:$0x5];
	(pc) =	sbr.rel @p0 .LBB2_15-.Ltmp7, $4  }
0x17c: {  	s3 =	sor.u32 $0x1C07, s0;
	s28 =	rddreg [dreg:$0xd]  }
0x17d: {  	s24 =	rddreg [dreg:$0xe];
	s1 =	sshrl.u32 s28, $0x3;
	s12 =	sadd.s32 $0xFFFFFFFF, s25  }
0x17e: {  	[hbm:s24], [sflag:s3] =	dma.local [spmem:s1], $0x500  }
0x17f: {  	s13 =	sadd.s32 $0x5000, s24;
	s24 =	smov.u32 s28;
	_ =	swait.ge [sflag:s22], $0x500  }
.LBB2_14:
0x180: {  	[sflag:s22] =	ssyncset.done $0x0  }
0x181: {  	s24 =	sadd.s32 $0x28000, s24;
	s3 =	sor.u32 $0x1C07, s0;
	p0 =	seq.s32 s12, $0x1  }
.Ltmp8:
0x182: {  	s1 =	sshrl.u32 s24, $0x3;
	[sflag:s22] =	ssyncadd.s32 $0xFFFFFB00;
	(pc) =	sbr.rel @!p0 .LBB2_14-.Ltmp8, $3  }
0x183: {  	[hbm:s13], [sflag:s3] =	dma.local [spmem:s1], $0x500  }
0x184: {  	s12 =	sadd.s32 $0xFFFFFFFF, s12;
	_ =	sdelay $0x1  }
0x185: {  	s13 =	sadd.s32 $0x5000, s13;
	_ =	swait.ge [sflag:s22], $0x500  }
.LBB2_15:
0x186: {  	[sflag:s22] =	ssyncset.done $0x0;
	s12 =	rddreg [dreg:$0x6]  }
0x187: {  	s1 =	rddreg [dreg:$0xb];
	[sflag:s22] =	ssyncadd.s32 $0xFFFFFB00;
	s0 =	sshrl.u32 s12, $0x3  }
0x188: {  	[hbm:s1], [sflag:s3] =	dma.local [spmem:s0], $0x500  }
0x189: {  	_ =	swait.ge [sflag:s22], $0x500  }
0x18a: {  	s15 =	sadd.s32 $0x1, s15;
	s24 =	rddreg [dreg:$0xc]  }
0x18b: {  	p0 =	seq.s32 s15, s24  }
.Ltmp9:
0x18c: {  	_ = 	snop;
	(pc) =	sbr.rel @!p0 .LBB2_1-.Ltmp9, $3  }
0x18d: {  	_ =	sdelay $0x1  }
0x18e: {  	[sflag:s22] =	ssyncset.done $0x0  }
0x18f: {  	[sflag:s22] =	ssyncadd.s32 $0xFFFFFB00  }
0x190: {  	_ =	sfence.sel $0x180000  }
0x191: {  	[bflag:$0x0] =	sbarrier.arrive $0xFFFF  }
0x192: {  	_ =	strace $0x9000004A  }
0x193: {  	s0 =	stileid.u32;
	[bflag:$0x2] =	sbarrier.arrive $0xFFFF  }
0x194: {  	p0 =	sne.s32 s0, $0x0;
	s0 =	rddreg [dreg:$0x3]  }
0x195: {  	s0 =	sadd.s32 @!p0 $0x100000, s0  }
0x196: {  	[sflag:s0] =	ssyncadd.tile.s32 @!p0 $0x1;
	_ =	shalt  }
.Lfunc_end2:
_tile_overlayer_lowered:
.L_overlay_start_2:
0x197: {  	(tag) =	ssettag $0x2  }
0x198: {  	s0 =	rddreg [dreg:$0x0];
	s2 =	stileid.u32  }
0x199: {  	s1 =	rddreg [dreg:$0x1];
	p0 =	sne.s32 s2, $0x0  }
0x19a: {  	s3 =	rddreg [dreg:$0x2];
	[bflag:$0x3] =	sbarrier.arrive $0xFFFF;
	s2 =	simm.s32 @!p0 $0x1C07  }
0x19b: {  	[timem:s3], [sflag:s2] =	dma.local @!p0 [hbm:s0], s1  }
0x19c: {  	s0 =	simm.s32 @!p0 $0x7  }
0x19d: {  	_ =	swait.ge @!p0 [sflag:s0], s1  }
0x19e: {  	s1 =	ssub.s32 @!p0 $0x0, s1;
	[sflag:s0] =	ssyncset.done @!p0 $0x0  }
0x19f: {  	[sflag:s0] =	ssyncadd.s32 @!p0 s1  }
0x1a0: {  	[bflag:$0x3] =	sbarrier.arrive $0xFFFF  }
0x1a1: {  	_ =	shalt  }

// kernel: kernel.8.cloned.1.call-start
scs
__scs_entry_jumppad:
0x0: {  	(pc) =	sbr.rel $0x88, $3  }
0x1: {  	(tag) =	ssettag $0x0;
	lr =	simm.s32 $0x1  }
0x2: {  	[smem:$0x3F6F] =	sst lr;
	_ =	strace $0xD0000000  }
0x3: {  	_ = 	snop  }
0x4: {  	_ = 	snop  }
0x5: {  	_ = 	snop  }
0x6: {  	_ = 	snop  }
0x7: {  	_ = 	snop  }
__scs_overlays_trampoline_lowered:
0x8: {  	[smem:$0x3F7E] =	sst s0  }
0x9: {  	[smem:$0x3F7F] =	sst s1  }
0xa: {  	[smem:$0x3F80] =	sst s2  }
0xb: {  	[smem:$0x3F81] =	sst s3  }
0xc: {  	[smem:$0x3F82] =	sst s4  }
0xd: {  	[smem:$0x3F83] =	sst s5  }
0xe: {  	[smem:$0x3F84] =	sst s6  }
0xf: {  	[smem:$0x3F85] =	sst s7  }
0x10: {  	[smem:$0x3F86] =	sst s8  }
0x11: {  	[smem:$0x3F87] =	sst s9;
	s0 =	simm.s32 @!p0 $0x0  }
0x12: {  	s1 =	sld [smem:$0x3F6D];
	s0 =	simm.s32 @p0 $0x1  }
0x13: {  	[smem:$0x3F88] =	sst s0;
	s0 =	simm.s32 @!p1 $0x0  }
0x14: {  	s2 =	sld [smem:$0x3F6C];
	s0 =	simm.s32 @p1 $0x1  }
0x15: {  	[smem:$0x3F89] =	sst s0;
	s0 =	simm.s32 @!p2 $0x0  }
0x16: {  	s3 =	sld [smem:$0x3FDB];
	s0 =	simm.s32 @p2 $0x1  }
0x17: {  	s4 =	simm.s32 $0x1BF5;
	[smem:$0x3F8B] =	sst s0  }
0x18: {  	s0 =	sld [smem:$0x3F6E];
	_ =	swait.ge [sflag:s4], $0x0  }
0x19: {  	s7 =	sld [smem:$0x3F6F]  }
0x1a: {  	s8 =	sadd.s32 $0xFFFFE003, lr  }
0x1b: {  	s9 =	sadd.s32 $0xFFFFFEF7, lr;
	s5 =	simm.s32 $0xFFFFFFFF;
	p2 =	slt.u32 s8, $0xFFFFF086  }
0x1c: {  	p1 =	slt.u32 s9, $0xF7A;
	s5 =	simm.s32 @!p2 $0x0  }
0x1d: {  	s5 =	simm.s32 @p1 $0x1;
	p0 =	seq.s32 s7, s2  }
0x1e: {  	s7 =	smul.u32 @!p0 $0xF7A, s2;
	p2 =	seq.s32 @!p0 s5, $0x0  }
0x1f: {  	s9 =	smul.u32 $0xF7A, s1;
	s8 =	simm.s32 @!p0 $0x1BF5;
	p2 =	por !p2, p0  }
0x20: {  	[sflag:s8] =	ssyncset.s32 @!p0 $0xFFFFF086;
	s6 =	sadd.s32 @!p0 s3, s7;
	s7 =	simm.s32 @!p0 $0x108  }
0x21: {  	s3 =	sadd.s32 s3, s9;
	s6 =	sadd.s32 @!p0 $0x88, s6;
	s7 =	simm.s32 @p2 $0x1082  }
0x22: {  	[simem:s7], [sflag:s8] =	dma.local @!p0 [hbm:s6], $0xF7A  }
0x23: {  	s9 =	sor.u32 $0xD0000000, s2;
	s6 =	simm.s32 $0x108;
	_ =	swait.ge @!p0 [sflag:s8], $0x0  }
0x24: {  	s3 =	sadd.s32 $0x88, s3;
	s6 =	simm.s32 @!p1 $0x1082;
	[sflag:s4] =	ssyncset.s32 $0xFFFFF086  }
0x25: {  	[simem:s6], [sflag:s4] =	dma.local [hbm:s3], $0xF7A  }
0x26: {  	[smem:$0x3F6F] =	sst s1;
	(tag) =	ssettag s2;
	_ =	strace s9  }
0x27: {  	s1 =	sld [smem:$0x3F7F]  }
0x28: {  	s2 =	sld [smem:$0x3F80]  }
0x29: {  	s4 =	sld [smem:$0x3F82]  }
0x2a: {  	p0 =	seq.s32 s5, $0x0;
	s5 =	sld [smem:$0x3F83]  }
0x2b: {  	s6 =	sld [smem:$0x3F84]  }
0x2c: {  	s7 =	sld [smem:$0x3F85]  }
0x2d: {  	s3 =	simm.s32 $0x108;
	s8 =	sld [smem:$0x3F86]  }
0x2e: {  	s3 =	simm.s32 @!p0 $0x1082;
	s9 =	sld [smem:$0x3F87]  }
0x2f: {  	lr =	sadd.s32 s0, s3;
	s0 =	sld [smem:$0x3F7E]  }
0x30: {  	s3 =	sld [smem:$0x3F81]  }
0x31: {  	[smem:$0x3F8A] =	sst s10  }
0x32: {  	s10 =	sld [smem:$0x3F88];
	_ =	sdelay $0x3  }
0x33: {  	p0 =	seq.s32 s10, $0x1;
	s10 =	sld [smem:$0x3F8A];
	_ =	sdelay $0x3  }
0x34: {  	[smem:$0x3F8A] =	sst s10  }
0x35: {  	s10 =	sld [smem:$0x3F89];
	_ =	sdelay $0x3  }
0x36: {  	p1 =	seq.s32 s10, $0x1;
	s10 =	sld [smem:$0x3F8A];
	_ =	sdelay $0x3  }
0x37: {  	[smem:$0x3F8A] =	sst s10  }
0x38: {  	s10 =	sld [smem:$0x3F8B]  }
0x39: {  	_ = 	snop;
	(pc) =	sbr.ind lr, $3  }
0x3a: {  	_ = 	snop  }
0x3b: {  	_ = 	snop  }
0x3c: {  	p2 =	seq.s32 s10, $0x1;
	s10 =	sld [smem:$0x3F8A]  }
0x3d: {  	_ =	shalt  }
0x3e: {  	_ =	shalt  }
0x3f: {  	_ =	shalt  }
0x40: {  	_ =	shalt  }
0x41: {  	_ =	shalt  }
0x42: {  	_ =	shalt  }
0x43: {  	_ =	shalt  }
0x44: {  	_ =	shalt  }
0x45: {  	_ =	shalt  }
0x46: {  	_ =	shalt  }
0x47: {  	_ =	shalt  }
0x48: {  	_ =	shalt  }
0x49: {  	_ =	shalt  }
0x4a: {  	_ =	shalt  }
0x4b: {  	_ =	shalt  }
0x4c: {  	_ =	shalt  }
0x4d: {  	_ =	shalt  }
0x4e: {  	_ =	shalt  }
0x4f: {  	_ =	shalt  }
0x50: {  	_ =	shalt  }
0x51: {  	_ =	shalt  }
0x52: {  	_ =	shalt  }
0x53: {  	_ =	shalt  }
0x54: {  	_ =	shalt  }
0x55: {  	_ =	shalt  }
0x56: {  	_ =	shalt  }
0x57: {  	_ =	shalt  }
0x58: {  	_ =	shalt  }
0x59: {  	_ =	shalt  }
0x5a: {  	_ =	shalt  }
0x5b: {  	_ =	shalt  }
0x5c: {  	_ =	shalt  }
0x5d: {  	_ =	shalt  }
0x5e: {  	_ =	shalt  }
0x5f: {  	_ =	shalt  }
0x60: {  	_ =	shalt  }
0x61: {  	_ =	shalt  }
0x62: {  	_ =	shalt  }
0x63: {  	_ =	shalt  }
0x64: {  	_ =	shalt  }
0x65: {  	_ =	shalt  }
0x66: {  	_ =	shalt  }
0x67: {  	_ =	shalt  }
0x68: {  	_ =	shalt  }
0x69: {  	_ =	shalt  }
0x6a: {  	_ =	shalt  }
0x6b: {  	_ =	shalt  }
0x6c: {  	_ =	shalt  }
0x6d: {  	_ =	shalt  }
0x6e: {  	_ =	shalt  }
0x6f: {  	_ =	shalt  }
0x70: {  	_ =	shalt  }
0x71: {  	_ =	shalt  }
0x72: {  	_ =	shalt  }
0x73: {  	_ =	shalt  }
0x74: {  	_ =	shalt  }
0x75: {  	_ =	shalt  }
0x76: {  	_ =	shalt  }
0x77: {  	_ =	shalt  }
0x78: {  	_ =	shalt  }
0x79: {  	_ =	shalt  }
0x7a: {  	_ =	shalt  }
0x7b: {  	_ =	shalt  }
0x7c: {  	_ =	shalt  }
0x7d: {  	_ =	shalt  }
0x7e: {  	_ =	shalt  }
0x7f: {  	_ =	shalt  }
0x80: {  	_ =	shalt  }
0x81: {  	_ =	shalt  }
0x82: {  	_ =	shalt  }
0x83: {  	_ =	shalt  }
0x84: {  	_ =	shalt  }
0x85: {  	_ =	shalt  }
0x86: {  	_ =	shalt  }
0x87: {  	_ =	shalt  }
.Lfunc_end0:
.L_simem_size_0:
called_computation_lowered:
.L_overlay_start_0:
0x88: {  	s2 =	sld [smem:$0x3FD9]  }
0x89: {  	s3 =	sld [smem:$0x3FFE];
	_ =	sdelay $0x1  }
0x8a: {  	s1 =	srdreg.scid  }
0x8b: {  	s0 =	sand.u32 $0x1, s1  }
0x8c: {  	s16 =	sshll.u32 s0, $0xA;
	s2 =	sadd.s32 s3, s2  }
0x8d: {  	s2 =	sadd.s32 s2, s16  }
0x8e: {  	[smem:$0x3F96] =	sst s2  }
0x8f: {  	_ = 	snop  }
0x90: {  	(tm) =	ssettm $0x1  }
0x91: {  	s17 =	sld [smem:$0x3FFB];
	_ =	sdelay $0x3  }
0x92: {  	_ =	strace s17  }
0x93: {  	s2 =	sld [smem:$0x3FFC];
	_ =	sdelay $0x3  }
0x94: {  	_ =	strace s2  }
0x95: {  	s2 =	sld [smem:$0x3FFD];
	_ =	sdelay $0x3  }
0x96: {  	_ =	strace s2  }
0x97: {  	_ =	strace $0x8FFFFFFF  }
0x98: {  	s18 =	sld [smem:$0x3FDB];
	_ =	sdelay $0x1  }
0x99: {  	s19 =	simm.s32 $_scs_section_size  }
0x9a: {  	s4 =	simm.s32 $_size__tile_overlayer_lowered;
	s5 =	simm.s32 $_tile_overlayer_lowered  }
0x9b: {  	s22 =	simm.s32 $0x1BFF;
	s21 =	sshll.u32 s5, $0x1;
	s2 =	sadd.s32 s19, s18  }
0x9c: {  	s6 =	simm.s32 $0x0;
	s20 =	sshll.u32 s4, $0x1;
	s4 =	sadd.s32 s21, s2  }
0x9d: {  	[timem:s6], [sflag:s22] =	dma.local [hbm:s4], s20  }
0x9e: {  	_ =	swait.ge [sflag:s22], s20  }
0x9f: {  	s3 =	ssub.s32 $0x0, s20;
	[sflag:s22] =	ssyncset.done $0x0  }
0xa0: {  	[sflag:s22] =	ssyncadd.s32 s3;
	_ =	sdelay $0x1  }
0xa1: {  	s23 =	simm.s32 $0x1B8B  }
0xa2: {  	_ =	swait.ge [sflag:s23], $0x1  }
0xa3: {  	[sflag:s23] =	ssyncset.done $0x0  }
0xa4: {  	s25 =	simm.s32 $0x1B8E;
	s24 =	sld [smem:$0x3FFE];
	[sflag:s23] =	ssyncadd.s32 $0xFFFFFFFF  }
0xa5: {  	s26 =	simm.s32 $execute0_lowered;
	[smem:$0x3FD2] =	sst s25  }
0xa6: {  	s4 =	sshll.u32 s26, $0x1;
	_ =	strace $0x80000046;
	[dreg:$0x1] =	wrdreg $0xFFFFFFFF  }
0xa7: {  	s28 =	simm.s32 $_size_execute0_lowered;
	s2 =	sadd.s32 s2, s4;
	[dreg:$0x0] =	wrdreg $0x0  }
0xa8: {  	s4 =	sshll.u32 s28, $0x1;
	[dreg:$0x2] =	wrdreg s2  }
0xa9: {  	[dreg:$0x3] =	wrdreg s4  }
0xaa: {  	[dreg:$0x4] =	wrdreg $0xC0  }
0xab: {  	_ =	task [dreg:s6], $0x5FFFF  }
0xac: {  	[dreg:$0x1] =	wrdreg $0xFFFFFFFF  }
0xad: {  	[dreg:$0x0] =	wrdreg $0x60  }
0xae: {  	[dreg:$0x2] =	wrdreg s24  }
0xaf: {  	[dreg:$0x3] =	wrdreg $0x7B000  }
0xb0: {  	[dreg:$0x4] =	wrdreg $0x1B4000  }
0xb1: {  	[dreg:$0x5] =	wrdreg $0x9  }
0xb2: {  	_ =	task.clear_ibuf [dreg:s6], $0x6FFFF;
	_ =	strace $0x90000046  }
0xb3: {  	s29 =	simm.s32 $0x9;
	_ =	strace $0x80000048  }
0xb4: {  	_ =	swait.ge [sflag:s29], $0x1  }
0xb5: {  	[sflag:s29] =	ssyncadd.s32 $0xFFFFFFFF  }
0xb6: {  	_ =	strace $0x90000048  }
0xb7: {  	_ =	sfence  }
0xb8: {  	s30 =	sld [smem:$0x0];
	_ =	sdelay $0x2  }
0xb9: {  	s31 =	sshll.u32 s1, $0xD;
	s1 =	sshrl.u32 s1, $0x2  }
0xba: {  	s3 =	sand.u32 $0x4000, s31;
	s1 =	sadd.s32 s1, s30  }
0xbb: {  	s0 =	sor.u32 s3, s0;
	s1 =	sshll.u32 s1, $0x11  }
0xbc: {  	s0 =	sor.u32 s1, s0  }
0xbd: {  	s0 =	sadd.s32 $0x8F2B, s0  }
0xbe: {  	[sflag:s0] =	ssyncadd.remote.s32 $0x1  }
0xbf: {  	_ =	sfence.sel $0xFFFF  }
0xc0: {  	[dreg:$0x0] =	wrdreg $0xFFFFFFFF;
	(pc) =	sbr.abs _section_cstart, $3  }
0xc1: {  	[dreg:$0x1] =	wrdreg $0xFFFFFFFF  }
0xc2: {  	_ =	task.clear_ibuf [dreg:s6], $0x2FFFF;
	_ =	strace $0x9FFFFFFF  }
0xc3: {  	(tm) =	ssettm $0x7FFFFFFF  }
tec
execute0_lowered:
.L_overlay_start_1:
0x0: {  	(tag) =	ssettag $0x1  }
0x1: {  	s0 =	rddreg [dreg:$0x0]  }
0x2: {  	s29 =	rddreg [dreg:$0x1]  }
0x3: {  	s9 =	rddreg [dreg:$0x2]  }
0x4: {  	s1 =	srdreg.scid;
	s3 =	simm.s32 $0x0;
	s11 =	stileid.u32  }
0x5: {  	s28 =	simm.s32 $0x10;
	s31 =	simm.s32 $0x180;
	s1 =	sand.u32 $0x1, s1  }
0x6: {  	[smem:$0x7FF] =	sst s3;
	s14 =	smul.u32 $0x2800, s11;
	s5 =	sadd.s32 $0x1C000, s0  }
0x7: {  	s6 =	sadd.s32 $0x6A200, s0;
	s7 =	sadd.s32 $0x8400, s0;
	s8 =	sadd.s32 $0x12200, s0  }
0x8: {  	s12 =	sadd.s32 $0x91400, s0;
	s10 =	smul.u32 $0xA000, s11;
	s17 =	ssub.s32 $0x8C, s11  }
0x9: {  	s13 =	simm.s32 $0x1;
	s2 =	smul.u32 $0x138800, s1;
	_ =	strace $0x80000047  }
0xa: {  	s4 =	smul.u32 $0x28000, s1;
	s15 =	ssub.s32 $0x2, s1;
	s1 =	sshll.u32 s1, $0x4  }
0xb: {  	s16 =	sshrl.u32 s15, $0x1;
	s1 =	sor.u32 s11, s1;
	s18 =	sshrl.u32 s10, $0x2  }
0xc: {  	s11 =	simm.s32 $0x3200;
	s2 =	sadd.s32 s14, s2;
	s3 =	sadd.s32 s14, s4  }
0xd: {  	s14 =	sshrl.u32 s17, $0x4;
	s19 =	sshll.u32 s1, $0x1;
	s25 =	sadd.s32 s18, s9  }
0xe: {  	s21 =	sshll.u32 s1, $0x8;
	s22 =	sor.u32 $0x40, s1;
	s26 =	sor.u32 $0x20, s1  }
0xf: {  	s17 =	simm.s32 $0x3280;
	s2 =	sshrl.u32 s2, $0x3;
	s3 =	sshrl.u32 s3, $0x3  }
0x10: {  	s20 =	sadd.s32 s7, s19;
	s10 =	sadd.s32 s8, s19;
	[dreg:$0x8] =	wrdreg s22  }
0x11: {  	s23 =	sadd.s32 s12, s21;
	[dreg:$0xc] =	wrdreg s26;
	s26 =	sadd.s32 s18, s29  }
0x12: {  	s22 =	simm.s32 $0x5300;
	s18 =	simm.s32 $0x3A80;
	[dreg:$0x4] =	wrdreg s14  }
0x13: {  	s21 =	simm.s32 $0x4280;
	[dreg:$0x5] =	wrdreg s25;
	s2 =	sadd.s32 s2, s0  }
0x14: {  	s0 =	sadd.s32 s3, s0;
	s3 =	ssub.s32 s15, s16;
	[dreg:$0x6] =	wrdreg s20  }
0x15: {  	[dreg:$0x7] =	wrdreg s10;
	s15 =	smov.u32 s12;
	s19 =	smov.u32 s23  }
0x16: {  	s10 =	sadd.s32 $0x4E4000, s23;
	s23 =	simm.s32 $0x5;
	[dreg:$0xd] =	wrdreg s26  }
0x17: {  	s16 =	simm.s32 $0x3;
	[dreg:$0x9] =	wrdreg s10;
	s0 =	sadd.s32 $0x577400, s0  }
0x18: {  	v3 =	vlaneseq.u32;
	s20 =	simm.s32 $0x4;
	s24 =	smax.u32 s3, $0x1;
	[dreg:$0xa] =	wrdreg s0  }
0x19: {  	v0 =	vimm.f32 $0.0e+00;
	vm0 =	vmmov $0xffff;
	v2 =	vshrl.u32 v3, $0x3;
	s30 =	sadd.s32 $0x581400, s2;
	s10 =	simm.s32 $0x2;
	[dreg:$0xb] =	wrdreg s24  }
0x1a: {  	v1 =	vand.u32 $0x7, v3;
	v3 =	vor.u32 $0x8, v3;
	v2 =	vmul.u32 $0x8, v2;
	s3 =	simm.s32 $0x0;
	[dreg:$0xe] =	wrdreg s30;
	s24 =	simm.s32 $0x100  }
.LBB2_1:
0x1b: {  	[dreg:$0xf] =	wrdreg s3;
	s0 =	simm.s32 $0x0;
	s1 =	simm.s32 $0x200  }
.LBB2_2:
0x1c: {  	p0 =	seq.s32 s1, $0x9E00;
	[tilespmem:s0+$0x5370] =	vst v0  }
0x1d: {  	[tilespmem:s0+$0x5300] =	vst v0  }
0x1e: {  	[tilespmem:s0+$0x5310] =	vst v0  }
.Ltmp0:
0x1f: {  	[tilespmem:s0+$0x5320] =	vst v0;
	(pc) =	sbr.rel @!p0 .LBB2_2-.Ltmp0, $4  }
0x20: {  	[tilespmem:s0+$0x5330] =	vst v0  }
0x21: {  	[tilespmem:s0+$0x5340] =	vst v0  }
0x22: {  	[tilespmem:s0+$0x5350] =	vst v0  }
0x23: {  	[tilespmem:s0+$0x5360] =	vst v0;
	s0 =	sshra.s32 s1, $0x2;
	s1 =	sadd.s32 $0x200, s1  }
0x24: {  	[tilespmem:s0+$0x5370] =	vst v0  }
0x25: {  	[tilespmem:s0+$0x5300] =	vst v0  }
0x26: {  	[tilespmem:s0+$0x5310] =	vst v0  }
0x27: {  	[tilespmem:s0+$0x5320] =	vst v0  }
0x28: {  	[tilespmem:s0+$0x5330] =	vst v0  }
0x29: {  	[tilespmem:s0+$0x5340] =	vst v0;
	p0 =	seq.s32 s14, $0x1  }
.Ltmp1:
0x2a: {  	[tilespmem:s0+$0x5350] =	vst v0;
	(pc) =	sbr.rel @p0 .LBB2_5-.Ltmp1, $4  }
0x2b: {  	[tilespmem:s0+$0x5360] =	vst v0  }
0x2c: {  	[spmem:s26] =	stream.linear.scatter [tilespmem:s22], [sflag:$0x5], $0x2800, $0x38;
	[tilespmem:$0x1DC00] =	vst v63  }
0x2d: {  	_ =	swait.ge [sflag:s23], $0x2800  }
0x2e: {  	s0 =	sadd.s32 $0xFFFFFFFF, s14;
	s1 =	smov.u32 s26;
	[sflag:s23] =	ssyncset.done $0x0  }
.LBB2_4:
0x2f: {  	p1 =	seq.s32 s0, $0x1;
	[sflag:s23] =	ssyncadd.s32 $0xFFFFD800;
	s1 =	sadd.s32 $0x28000, s1  }
.Ltmp2:
0x30: {  	s0 =	sadd.s32 $0xFFFFFFFF, s0;
	(pc) =	sbr.rel @!p1 .LBB2_4-.Ltmp2, $4  }
0x31: {  	_ = 	snop  }
0x32: {  	[spmem:s1] =	stream.linear.scatter [tilespmem:s22], [sflag:$0x5], $0x2800, $0x38;
	[tilespmem:$0x1DC00] =	vst v63  }
0x33: {  	_ =	swait.ge [sflag:s23], $0x2800  }
0x34: {  	[sflag:s23] =	ssyncset.done $0x0  }
.LBB2_5:
0x35: {  	[sflag:s23] =	ssyncadd.s32 $0xFFFFD800  }
0x36: {  	[spmem:s25] =	stream.linear.scatter [tilespmem:s22], [sflag:$0x5], $0x2800, $0x38;
	[tilespmem:$0x1DC00] =	vst v63  }
0x37: {  	_ =	swait.ge [sflag:s23], $0x2800  }
0x38: {  	[sflag:s23] =	ssyncset.done $0x0  }
0x39: {  	[sflag:s23] =	ssyncadd.s32 $0xFFFFD800  }
0x3a: {  	[bflag:$0x0] =	sbarrier.arrive $0xFFFF  }
0x3b: {  	s4 =	simm.s32 $0x0;
	s0 =	rddreg [dreg:$0x6]  }
0x3c: {  	[tilespmem:s4], [sflag:$0x5] =	stream.linear.gather [hbm4b:s0+s4], $0x10, $0x38;
	[tilespmem:$0x1DC00] =	vst v63  }
0x3d: {  	_ =	swait.ge [sflag:s23], $0x10  }
0x3e: {  	[sflag:s23] =	ssyncset.done $0x0  }
0x3f: {  	s12 =	rddreg [dreg:$0x7];
	[sflag:s23] =	ssyncadd.s32 $0xFFFFFFF0  }
0x40: {  	[tilespmem:s24], [sflag:$0x5] =	stream.linear.gather [hbm4b:s12+s4], $0x10, $0x38;
	[tilespmem:$0x1DC00] =	vst v63  }
0x41: {  	_ =	swait.ge [sflag:s23], $0x10  }
0x42: {  	[sflag:s23] =	ssyncset.done $0x0  }
0x43: {  	[sflag:s23] =	ssyncadd.s32 $0xFFFFFFF0  }
0x44: {  	v4 =	vld [tilespmem:$0x0];
	_ =	sdelay $0x4  }
0x45: {  	v5 =	vshll.u32 v4, $0x1  }
0x46: {  	v4 =	vand.u32 $0x7, v4;
	v5 =	vand.u32 $0xFFFFFFF0, v5  }
0x47: {  	v4 =	vor.u32 v4, v5  }
0x48: {  	v5 =	vperm.xlane v4, v1;
	_ =	sdelay $0x1  }
0x49: {  	v4 =	vperm.xlane v4, v3;
	v5 =	vadd.s32 v2, v5;
	_ =	sdelay $0x1  }
0x4a: {  	v4 =	vadd.s32 v2, v4;
	_ =	sdelay $0x1  }
0x4b: {  	s14 =	simm.s32 $0x200  }
0x4c: {  	[tilespmem:s14], [sflag:$0x1] =	stream.indirect_vreg.gather [hbm4b:s5+s4], $0x80, v5, vm0, $0xb8;
	[tilespmem:$0x1DC00] =	vst v63  }
0x4d: {  	s25 =	simm.s32 $0xA00  }
0x4e: {  	[tilespmem:s25], [sflag:$0x1] =	stream.indirect_vreg.gather [hbm4b:s5+s4], $0x80, v4, vm0, $0xb8;
	[tilespmem:$0x1DC00] =	vst v63  }
0x4f: {  	s26 =	simm.s32 $0x2200;
	s30 =	simm.s32 $0x0  }
0x50: {  	[tilespmem:s26], [sflag:$0x3] =	stream.indirect.gather [hbm4b:s6+s28], $0x80, s24, s28, $0xb8;
	[tilespmem:$0x1DC00] =	vst v63  }
.LBB2_6:
0x51: {  	s3 =	sshll.u32 s30, $0x6;
	s0 =	rddreg [dreg:$0xc]  }
0x52: {  	s0 =	sor.u32 s0, s3  }
0x53: {  	s1 =	sshll.u32 s0, $0x1  }
0x54: {  	s12 =	simm.s32 $0x80;
	s2 =	sadd.s32 s7, s1  }
0x55: {  	[tilespmem:s12], [sflag:$0x5] =	stream.linear.gather [hbm4b:s2+s4], $0x10, $0x38;
	[tilespmem:$0x1DC00] =	vst v63  }
0x56: {  	_ =	swait.ge [sflag:s23], $0x10  }
0x57: {  	[sflag:s23] =	ssyncset.done $0x0  }
0x58: {  	s1 =	sadd.s32 s8, s1;
	[sflag:s23] =	ssyncadd.s32 $0xFFFFFFF0  }
0x59: {  	[tilespmem:s31], [sflag:$0x5] =	stream.linear.gather [hbm4b:s1+s4], $0x10, $0x38;
	[tilespmem:$0x1DC00] =	vst v63  }
0x5a: {  	_ =	swait.ge [sflag:s23], $0x10  }
0x5b: {  	[sflag:s23] =	ssyncset.done $0x0  }
0x5c: {  	[sflag:s23] =	ssyncadd.s32 $0xFFFFFFF0  }
0x5d: {  	v4 =	vld [tilespmem:$0x80];
	_ =	sdelay $0x4  }
0x5e: {  	v5 =	vshll.u32 v4, $0x1  }
0x5f: {  	v4 =	vand.u32 $0x7, v4;
	v5 =	vand.u32 $0xFFFFFFF0, v5  }
0x60: {  	v4 =	vor.u32 v4, v5  }
0x61: {  	v5 =	vperm.xlane v4, v1;
	_ =	sdelay $0x1  }
0x62: {  	v4 =	vperm.xlane v4, v3;
	v5 =	vadd.s32 v2, v5;
	_ =	sdelay $0x1  }
0x63: {  	v4 =	vadd.s32 v2, v4;
	_ =	sdelay $0x1  }
0x64: {  	s12 =	simm.s32 $0x1200  }
0x65: {  	[tilespmem:s12], [sflag:$0x2] =	stream.indirect_vreg.gather [hbm4b:s5+s4], $0x80, v5, vm0, $0xb8;
	[tilespmem:$0x1DC00] =	vst v63  }
0x66: {  	s25 =	simm.s32 $0x1A00  }
0x67: {  	[tilespmem:s25], [sflag:$0x2] =	stream.indirect_vreg.gather [hbm4b:s5+s4], $0x80, v4, vm0, $0xb8;
	[tilespmem:$0x1DC00] =	vst v63  }
0x68: {  	s26 =	simm.s32 $0x2A00  }
0x69: {  	[tilespmem:s26], [sflag:$0x4] =	stream.indirect.gather [hbm4b:s6+s28], $0x80, s31, s28, $0xb8;
	[tilespmem:$0x1DC00] =	vst v63  }
0x6a: {  	_ =	swait.ge [sflag:s13], $0x1000  }
0x6b: {  	[sflag:s13] =	ssyncset.done $0x0  }
0x6c: {  	[sflag:s13] =	ssyncadd.s32 $0xFFFFF000  }
0x6d: {  	_ =	swait.ge [sflag:s16], $0x800  }
0x6e: {  	[sflag:s16] =	ssyncset.done $0x0  }
0x6f: {  	[sflag:s16] =	ssyncadd.s32 $0xFFFFF800  }
0x70: {  	v4 =	vld [tilespmem:$0x100];
	_ =	sdelay $0x4  }
0x71: {  	v4 =	vcvt.s32.f32 v4;
	_ =	sdelay $0x1  }
0x72: {  	v5 =	vadd.f32 $-1.249000000e+03, v4;
	v6 =	vadd.f32 $-2.499000000e+03, v4;
	_ =	sdelay $0x1  }
0x73: {  	v7 =	vadd.f32 $-3.749000000e+03, v4;
	v5 =	vmax.f32 v5, $0.0e+00;
	v6 =	vmax.f32 v6, $0.0e+00  }
0x74: {  	v5 =	vmin.f32 v5, $1.000000000e+00;
	v6 =	vmin.f32 v6, $1.000000000e+00  }
0x75: {  	v5 =	vadd.f32 v6, v5;
	v6 =	vmax.f32 v7, $0.0e+00;
	v7 =	vadd.f32 $-4.999000000e+03, v4  }
0x76: {  	v6 =	vmin.f32 v6, $1.000000000e+00  }
0x77: {  	v5 =	vadd.f32 v5, v6;
	v6 =	vmax.f32 v7, $0.0e+00;
	v7 =	vadd.f32 $-6.249000000e+03, v4  }
0x78: {  	v6 =	vmin.f32 v6, $1.000000000e+00  }
0x79: {  	v5 =	vadd.f32 v5, v6;
	v6 =	vmax.f32 v7, $0.0e+00;
	v7 =	vadd.f32 $-7.499000000e+03, v4  }
0x7a: {  	v6 =	vmin.f32 v6, $1.000000000e+00  }
0x7b: {  	v5 =	vadd.f32 v5, v6;
	v6 =	vmax.f32 v7, $0.0e+00;
	v7 =	vadd.f32 $-8.749000000e+03, v4  }
0x7c: {  	v6 =	vmin.f32 v6, $1.000000000e+00  }
0x7d: {  	v5 =	vadd.f32 v5, v6;
	v6 =	vmax.f32 v7, $0.0e+00  }
0x7e: {  	v6 =	vmin.f32 v6, $1.000000000e+00  }
0x7f: {  	v5 =	vadd.f32 v5, v6;
	_ =	sdelay $0x1  }
0x80: {  	v6 =	vmul.f32 $-1.250000000e+03, v5;
	_ =	sdelay $0x1  }
0x81: {  	v4 =	vadd.f32 v6, v4;
	_ =	sdelay $0x1  }
0x82: {  	v4 =	vtrunc.f32 v4  }
0x83: {  	s14 =	smov.u32 s9;
	v4 =	vcvt.f32.s32 v4  }
0x84: {  	s9 =	smov.u32 s29;
	s29 =	simm.s32 $0x4B00;
	s1 =	simm.s32 $0x1;
	[tilespmem:$0x4A80] =	vst v5  }
0x85: {  	s12 =	simm.s32 $0x42C0;
	s25 =	simm.s32 $0x4B00;
	s26 =	simm.s32 $0x42C0;
	v5 =	vld [tilespmem:$0x4A80];
	[tilespmem:$0x3200] =	vst v4;
	v4 =	vmov s4  }
.LBB2_7:
0x86: {  	_ =	sdelay $0x1  }
0x87: {  	s2 =	smov.u32 s1  }
0x88: {  	v6 =	vmov s1;
	s25 =	sadd.s32 $0x80, s25;
	s26 =	sadd.s32 $0x80, s26;
	s2 =	sadd.s32 $0x1, s1  }
0x89: {  	p1 =	sne.s32 s1, $0xF;
	v5 =	vperm.xlane v5, v4;
	v4 =	vmov v6  }
0x8a: {  	v6 =	vld [tilespmem:s29+$0x0];
	s29 =	smov.u32 s25  }
0x8b: {  	v7 =	vmul.f32 v5, v5;
	v8 =	vadd.f32 $-5.000000000e+00, v5;
	v9 =	vadd.f32 $-7.000000000e+00, v5  }
0x8c: {  	v10 =	vadd.f32 $-1.000000000e+00, v5;
	v11 =	vadd.f32 $-3.000000000e+00, v5  }
0x8d: {  	v12 =	vadd.f32 $-2.000000000e+00, v5;
	v7 =	vsub.f32 $1.000000000e+00, v7;
	v8 =	vmul.f32 v8, v8  }
0x8e: {  	v13 =	vadd.f32 $-4.000000000e+00, v5;
	v10 =	vmul.f32 v10, v10;
	v9 =	vmul.f32 v9, v9  }
0x8f: {  	v12 =	vmul.f32 v12, v12;
	v7 =	vmax.f32 v7, $0.0e+00;
	v8 =	vsub.f32 $1.000000000e+00, v8  }
0x90: {  	v11 =	vmul.f32 v11, v11;
	v9 =	vsub.f32 $1.000000000e+00, v9;
	v7 =	vmul.f32 v7, v6  }
0x91: {  	v13 =	vmul.f32 v13, v13;
	v12 =	vsub.f32 $1.000000000e+00, v12;
	v8 =	vmax.f32 v8, $0.0e+00  }
0x92: {  	v5 =	vadd.f32 $-6.000000000e+00, v5;
	[tilespmem:s12+$0xFFFFFFC0] =	vst v7;
	v7 =	vsub.f32 $1.000000000e+00, v11;
	v8 =	vmul.f32 v8, v6  }
0x93: {  	v10 =	vsub.f32 $1.000000000e+00, v10;
	v11 =	vmax.f32 v12, $0.0e+00;
	v12 =	vsub.f32 $1.000000000e+00, v13  }
0x94: {  	v5 =	vmul.f32 v5, v5;
	v11 =	vmul.f32 v11, v6;
	[tilespmem:s12+$0x10] =	vst v8;
	v8 =	vmax.f32 v9, $0.0e+00  }
0x95: {  	v9 =	vmax.f32 v10, $0.0e+00;
	v10 =	vmax.f32 v12, $0.0e+00;
	v8 =	vmul.f32 v8, v6  }
0x96: {  	v5 =	vsub.f32 $1.000000000e+00, v5;
	v9 =	vmul.f32 v9, v6;
	v10 =	vmul.f32 v10, v6;
	[tilespmem:s12+$0xFFFFFFE0] =	vst v11  }
0x97: {  	v7 =	vmax.f32 v7, $0.0e+00;
	[tilespmem:s12+$0x30] =	vst v8  }
.Ltmp3:
0x98: {  	v5 =	vmax.f32 v5, $0.0e+00;
	v7 =	vmul.f32 v7, v6;
	[tilespmem:s12+$0xFFFFFFD0] =	vst v9;
	(pc) =	sbr.rel @p1 .LBB2_7-.Ltmp3, $4  }
0x99: {  	v5 =	vmul.f32 v5, v6;
	[tilespmem:s12+$0x0] =	vst v10  }
0x9a: {  	[tilespmem:s12+$0xFFFFFFF0] =	vst v7  }
0x9b: {  	[tilespmem:s12+$0x20] =	vst v5;
	s12 =	smov.u32 s26  }
0x9c: {  	s1 =	smov.u32 s2;
	v5 =	vld [tilespmem:$0x4A80]  }
0x9d: {  	_ =	sdelay $0x3  }
0x9e: {  	v4 =	vperm.xlane v5, v4;
	_ =	sdelay $0x1  }
0x9f: {  	v7 =	vadd.f32 $-5.000000000e+00, v4;
	v8 =	vadd.f32 $-7.000000000e+00, v4  }
0xa0: {  	v9 =	vadd.f32 $-1.000000000e+00, v4;
	v10 =	vadd.f32 $-3.000000000e+00, v4  }
0xa1: {  	v5 =	vld [tilespmem:s29+$0x0];
	v6 =	vmul.f32 v4, v4;
	v11 =	vadd.f32 $-2.000000000e+00, v4;
	v12 =	vadd.f32 $-4.000000000e+00, v4  }
0xa2: {  	v4 =	vadd.f32 $-6.000000000e+00, v4;
	v7 =	vmul.f32 v7, v7;
	v9 =	vmul.f32 v9, v9  }
0xa3: {  	v6 =	vsub.f32 $1.000000000e+00, v6;
	v8 =	vmul.f32 v8, v8;
	v11 =	vmul.f32 v11, v11  }
0xa4: {  	v10 =	vmul.f32 v10, v10;
	v12 =	vmul.f32 v12, v12;
	v7 =	vsub.f32 $1.000000000e+00, v7  }
0xa5: {  	v4 =	vmul.f32 v4, v4;
	v6 =	vmax.f32 v6, $0.0e+00;
	v11 =	vsub.f32 $1.000000000e+00, v11  }
0xa6: {  	v8 =	vsub.f32 $1.000000000e+00, v8;
	v6 =	vmul.f32 v6, v5;
	v7 =	vmax.f32 v7, $0.0e+00  }
0xa7: {  	v4 =	vsub.f32 $1.000000000e+00, v4;
	v11 =	vmax.f32 v11, $0.0e+00;
	v7 =	vmul.f32 v7, v5  }
0xa8: {  	v9 =	vsub.f32 $1.000000000e+00, v9;
	v8 =	vmax.f32 v8, $0.0e+00;
	[tilespmem:s12+$0xFFFFFFC0] =	vst v6;
	v6 =	vmul.f32 v11, v5  }
0xa9: {  	v12 =	vsub.f32 $1.000000000e+00, v12;
	v4 =	vmax.f32 v4, $0.0e+00;
	v8 =	vmul.f32 v8, v5;
	[tilespmem:s12+$0x10] =	vst v7  }
0xaa: {  	v10 =	vsub.f32 $1.000000000e+00, v10;
	v4 =	vmul.f32 v4, v5;
	v7 =	vmax.f32 v9, $0.0e+00;
	[tilespmem:s12+$0xFFFFFFE0] =	vst v6  }
0xab: {  	v62 =	vmax.f32 v12, $0.0e+00;
	[tilespmem:s12+$0x30] =	vst v8;
	v7 =	vmul.f32 v7, v5  }
0xac: {  	v63 =	vmax.f32 v10, $0.0e+00;
	v6 =	vmul.f32 v62, v5;
	[tilespmem:s12+$0x20] =	vst v4  }
0xad: {  	[tilespmem:s12+$0xFFFFFFD0] =	vst v7;
	v7 =	vmul.f32 v63, v5  }
0xae: {  	s1 =	sshll.u32 s30, $0xE;
	[tilespmem:s12+$0x0] =	vst v6  }
0xaf: {  	s26 =	simm.s32 $0x0;
	s1 =	sadd.s32 s1, s19;
	[tilespmem:s12+$0xFFFFFFF0] =	vst v7  }
0xb0: {  	[hbm4b:s1+s26] =	stream.linear.scatter [tilespmem:s17], [sflag:$0x5], $0x800, $0x38;
	[tilespmem:$0x1DC00] =	vst v63  }
0xb1: {  	_ =	swait.ge [sflag:s23], $0x800  }
0xb2: {  	[sflag:s23] =	ssyncset.done $0x0  }
0xb3: {  	[sflag:s23] =	ssyncadd.s32 $0xFFFFF800  }
0xb4: {  	[spmem:s9] =	stream.indirect.scatter.add.f32 [tilespmem:s18], [sflag:$0x5], $0x80, s24, s28, $0xb8;
	[tilespmem:$0x1DC00] =	vst v63  }
0xb5: {  	_ =	swait.ge [sflag:s23], $0x800  }
0xb6: {  	[sflag:s23] =	ssyncset.done $0x0  }
0xb7: {  	[sflag:s23] =	ssyncadd.s32 $0xFFFFF800  }
0xb8: {  	[spmem:s14] =	stream.indirect.scatter.add.f32 [tilespmem:s21], [sflag:$0x5], $0x80, s11, s28, $0xb8;
	[tilespmem:$0x1DC00] =	vst v63  }
0xb9: {  	_ =	swait.ge [sflag:s23], $0x800  }
0xba: {  	s2 =	rddreg [dreg:$0x8]  }
0xbb: {  	s1 =	sadd.s32 s2, s3  }
0xbc: {  	[sflag:s23] =	ssyncset.done $0x0;
	s1 =	sshll.u32 s1, $0x1  }
0xbd: {  	[sflag:s23] =	ssyncadd.s32 $0xFFFFF800;
	s2 =	sadd.s32 s7, s1  }
0xbe: {  	[tilespmem:s26], [sflag:$0x5] =	stream.linear.gather [hbm4b:s2+s26], $0x10, $0x38;
	[tilespmem:$0x1DC00] =	vst v63  }
0xbf: {  	_ =	swait.ge [sflag:s23], $0x10  }
0xc0: {  	[sflag:s23] =	ssyncset.done $0x0  }
0xc1: {  	s1 =	sadd.s32 s8, s1;
	[sflag:s23] =	ssyncadd.s32 $0xFFFFFFF0  }
0xc2: {  	[tilespmem:s24], [sflag:$0x5] =	stream.linear.gather [hbm4b:s1+s26], $0x10, $0x38;
	[tilespmem:$0x1DC00] =	vst v63  }
0xc3: {  	_ =	swait.ge [sflag:s23], $0x10  }
0xc4: {  	[sflag:s23] =	ssyncset.done $0x0  }
0xc5: {  	[sflag:s23] =	ssyncadd.s32 $0xFFFFFFF0  }
0xc6: {  	v4 =	vld [tilespmem:$0x0];
	_ =	sdelay $0x4  }
0xc7: {  	v5 =	vshll.u32 v4, $0x1  }
0xc8: {  	v4 =	vand.u32 $0x7, v4;
	v5 =	vand.u32 $0xFFFFFFF0, v5  }
0xc9: {  	v4 =	vor.u32 v4, v5  }
0xca: {  	v5 =	vperm.xlane v4, v1;
	_ =	sdelay $0x1  }
0xcb: {  	v4 =	vperm.xlane v4, v3;
	v5 =	vadd.s32 v2, v5;
	_ =	sdelay $0x1  }
0xcc: {  	v4 =	vadd.s32 v2, v4;
	_ =	sdelay $0x1  }
0xcd: {  	s12 =	simm.s32 $0x200  }
0xce: {  	[tilespmem:s12], [sflag:$0x1] =	stream.indirect_vreg.gather [hbm4b:s5+s26], $0x80, v5, vm0, $0xb8;
	[tilespmem:$0x1DC00] =	vst v63  }
0xcf: {  	s29 =	smov.u32 s9;
	s9 =	smov.u32 s14;
	s14 =	simm.s32 $0xA00  }
0xd0: {  	[tilespmem:s14], [sflag:$0x1] =	stream.indirect_vreg.gather [hbm4b:s5+s26], $0x80, v4, vm0, $0xb8;
	[tilespmem:$0x1DC00] =	vst v63  }
0xd1: {  	s25 =	simm.s32 $0x2200  }
0xd2: {  	[tilespmem:s25], [sflag:$0x3] =	stream.indirect.gather [hbm4b:s6+s28], $0x80, s24, s28, $0xb8;
	[tilespmem:$0x1DC00] =	vst v63  }
0xd3: {  	_ =	swait.ge [sflag:s10], $0x1000  }
0xd4: {  	[sflag:s10] =	ssyncset.done $0x0  }
0xd5: {  	[sflag:s10] =	ssyncadd.s32 $0xFFFFF000  }
0xd6: {  	_ =	swait.ge [sflag:s20], $0x800  }
0xd7: {  	[sflag:s20] =	ssyncset.done $0x0  }
0xd8: {  	[sflag:s20] =	ssyncadd.s32 $0xFFFFF800  }
0xd9: {  	v4 =	vld [tilespmem:$0x180];
	_ =	sdelay $0x4  }
0xda: {  	v4 =	vcvt.s32.f32 v4;
	_ =	sdelay $0x1  }
0xdb: {  	v5 =	vadd.f32 $-1.249000000e+03, v4;
	v6 =	vadd.f32 $-2.499000000e+03, v4;
	_ =	sdelay $0x1  }
0xdc: {  	v7 =	vadd.f32 $-3.749000000e+03, v4;
	v5 =	vmax.f32 v5, $0.0e+00;
	v6 =	vmax.f32 v6, $0.0e+00  }
0xdd: {  	v5 =	vmin.f32 v5, $1.000000000e+00;
	v6 =	vmin.f32 v6, $1.000000000e+00  }
0xde: {  	v5 =	vadd.f32 v6, v5;
	v6 =	vmax.f32 v7, $0.0e+00;
	v7 =	vadd.f32 $-4.999000000e+03, v4  }
0xdf: {  	v6 =	vmin.f32 v6, $1.000000000e+00  }
0xe0: {  	v5 =	vadd.f32 v5, v6;
	v6 =	vmax.f32 v7, $0.0e+00;
	v7 =	vadd.f32 $-6.249000000e+03, v4  }
0xe1: {  	v6 =	vmin.f32 v6, $1.000000000e+00  }
0xe2: {  	v5 =	vadd.f32 v5, v6;
	v6 =	vmax.f32 v7, $0.0e+00;
	v7 =	vadd.f32 $-7.499000000e+03, v4  }
0xe3: {  	v6 =	vmin.f32 v6, $1.000000000e+00  }
0xe4: {  	v5 =	vadd.f32 v5, v6;
	v6 =	vmax.f32 v7, $0.0e+00;
	v7 =	vadd.f32 $-8.749000000e+03, v4  }
0xe5: {  	v6 =	vmin.f32 v6, $1.000000000e+00  }
0xe6: {  	v5 =	vadd.f32 v5, v6;
	v6 =	vmax.f32 v7, $0.0e+00  }
0xe7: {  	v6 =	vmin.f32 v6, $1.000000000e+00  }
0xe8: {  	v5 =	vadd.f32 v5, v6;
	_ =	sdelay $0x1  }
0xe9: {  	v6 =	vmul.f32 $-1.250000000e+03, v5;
	_ =	sdelay $0x1  }
0xea: {  	v4 =	vadd.f32 v6, v4;
	_ =	sdelay $0x1  }
0xeb: {  	v4 =	vtrunc.f32 v4  }
0xec: {  	v4 =	vcvt.f32.s32 v4  }
0xed: {  	s3 =	simm.s32 $0x42C0;
	s2 =	simm.s32 $0x1;
	[tilespmem:$0x4A80] =	vst v5  }
0xee: {  	s12 =	simm.s32 $0x4B00;
	s25 =	simm.s32 $0x42C0;
	v5 =	vld [tilespmem:$0x4A80];
	[tilespmem:$0x3200] =	vst v4;
	v4 =	vmov s26;
	s26 =	simm.s32 $0x4B00  }
.LBB2_9:
0xef: {  	_ =	sdelay $0x1  }
0xf0: {  	s1 =	smov.u32 s2  }
0xf1: {  	v6 =	vmov s2;
	s12 =	sadd.s32 $0x80, s12;
	s25 =	sadd.s32 $0x80, s25;
	s1 =	sadd.s32 $0x1, s2  }
0xf2: {  	p1 =	sne.s32 s2, $0xF;
	v5 =	vperm.xlane v5, v4;
	v4 =	vmov v6  }
0xf3: {  	v6 =	vld [tilespmem:s26+$0x0];
	s26 =	smov.u32 s12  }
0xf4: {  	v7 =	vmul.f32 v5, v5;
	v8 =	vadd.f32 $-5.000000000e+00, v5;
	v9 =	vadd.f32 $-7.000000000e+00, v5  }
0xf5: {  	v10 =	vadd.f32 $-1.000000000e+00, v5;
	v11 =	vadd.f32 $-3.000000000e+00, v5  }
0xf6: {  	v12 =	vadd.f32 $-2.000000000e+00, v5;
	v7 =	vsub.f32 $1.000000000e+00, v7;
	v8 =	vmul.f32 v8, v8  }
0xf7: {  	v13 =	vadd.f32 $-4.000000000e+00, v5;
	v10 =	vmul.f32 v10, v10;
	v9 =	vmul.f32 v9, v9  }
0xf8: {  	v12 =	vmul.f32 v12, v12;
	v7 =	vmax.f32 v7, $0.0e+00;
	v8 =	vsub.f32 $1.000000000e+00, v8  }
0xf9: {  	v11 =	vmul.f32 v11, v11;
	v9 =	vsub.f32 $1.000000000e+00, v9;
	v7 =	vmul.f32 v7, v6  }
0xfa: {  	v13 =	vmul.f32 v13, v13;
	v12 =	vsub.f32 $1.000000000e+00, v12;
	v8 =	vmax.f32 v8, $0.0e+00  }
0xfb: {  	v5 =	vadd.f32 $-6.000000000e+00, v5;
	[tilespmem:s3+$0xFFFFFFC0] =	vst v7;
	v7 =	vsub.f32 $1.000000000e+00, v11;
	v8 =	vmul.f32 v8, v6  }
0xfc: {  	v10 =	vsub.f32 $1.000000000e+00, v10;
	v11 =	vmax.f32 v12, $0.0e+00;
	v12 =	vsub.f32 $1.000000000e+00, v13  }
0xfd: {  	v5 =	vmul.f32 v5, v5;
	v11 =	vmul.f32 v11, v6;
	[tilespmem:s3+$0x10] =	vst v8;
	v8 =	vmax.f32 v9, $0.0e+00  }
0xfe: {  	v9 =	vmax.f32 v10, $0.0e+00;
	v10 =	vmax.f32 v12, $0.0e+00;
	v8 =	vmul.f32 v8, v6  }
0xff: {  	v5 =	vsub.f32 $1.000000000e+00, v5;
	v9 =	vmul.f32 v9, v6;
	v10 =	vmul.f32 v10, v6;
	[tilespmem:s3+$0xFFFFFFE0] =	vst v11  }
0x100: {  	v7 =	vmax.f32 v7, $0.0e+00;
	[tilespmem:s3+$0x30] =	vst v8  }
.Ltmp4:
0x101: {  	v5 =	vmax.f32 v5, $0.0e+00;
	v7 =	vmul.f32 v7, v6;
	[tilespmem:s3+$0xFFFFFFD0] =	vst v9;
	(pc) =	sbr.rel @p1 .LBB2_9-.Ltmp4, $4  }
0x102: {  	v5 =	vmul.f32 v5, v6;
	[tilespmem:s3+$0x0] =	vst v10  }
0x103: {  	[tilespmem:s3+$0xFFFFFFF0] =	vst v7  }
0x104: {  	[tilespmem:s3+$0x20] =	vst v5;
	s3 =	smov.u32 s25  }
0x105: {  	s2 =	smov.u32 s1;
	v5 =	vld [tilespmem:$0x4A80]  }
0x106: {  	_ =	sdelay $0x3  }
0x107: {  	v4 =	vperm.xlane v5, v4;
	_ =	sdelay $0x1  }
0x108: {  	v7 =	vadd.f32 $-5.000000000e+00, v4;
	v8 =	vadd.f32 $-7.000000000e+00, v4  }
0x109: {  	v9 =	vadd.f32 $-1.000000000e+00, v4;
	v10 =	vadd.f32 $-3.000000000e+00, v4  }
0x10a: {  	v5 =	vld [tilespmem:s26+$0x0];
	v6 =	vmul.f32 v4, v4;
	v11 =	vadd.f32 $-2.000000000e+00, v4;
	v12 =	vadd.f32 $-4.000000000e+00, v4  }
0x10b: {  	v4 =	vadd.f32 $-6.000000000e+00, v4;
	v7 =	vmul.f32 v7, v7;
	v9 =	vmul.f32 v9, v9  }
0x10c: {  	v6 =	vsub.f32 $1.000000000e+00, v6;
	v8 =	vmul.f32 v8, v8;
	v11 =	vmul.f32 v11, v11  }
0x10d: {  	v10 =	vmul.f32 v10, v10;
	v12 =	vmul.f32 v12, v12;
	v7 =	vsub.f32 $1.000000000e+00, v7  }
0x10e: {  	v4 =	vmul.f32 v4, v4;
	v6 =	vmax.f32 v6, $0.0e+00;
	v11 =	vsub.f32 $1.000000000e+00, v11  }
0x10f: {  	v8 =	vsub.f32 $1.000000000e+00, v8;
	v6 =	vmul.f32 v6, v5;
	v7 =	vmax.f32 v7, $0.0e+00  }
0x110: {  	v12 =	vsub.f32 $1.000000000e+00, v12;
	v11 =	vmax.f32 v11, $0.0e+00;
	v7 =	vmul.f32 v7, v5  }
0x111: {  	v10 =	vsub.f32 $1.000000000e+00, v10;
	v8 =	vmax.f32 v8, $0.0e+00;
	[tilespmem:s3+$0xFFFFFFC0] =	vst v6;
	v58 =	vmul.f32 v11, v5  }
0x112: {  	v4 =	vsub.f32 $1.000000000e+00, v4;
	v60 =	vmax.f32 v12, $0.0e+00;
	v8 =	vmul.f32 v8, v5;
	[tilespmem:s3+$0x10] =	vst v7  }
0x113: {  	v9 =	vsub.f32 $1.000000000e+00, v9;
	v62 =	vmax.f32 v10, $0.0e+00;
	v61 =	vmul.f32 v60, v5;
	[tilespmem:s3+$0xFFFFFFE0] =	vst v58  }
0x114: {  	v4 =	vmax.f32 v4, $0.0e+00;
	v63 =	vmul.f32 v62, v5;
	[tilespmem:s3+$0x30] =	vst v8  }
0x115: {  	v59 =	vmax.f32 v9, $0.0e+00;
	v4 =	vmul.f32 v4, v5;
	[tilespmem:s3+$0x0] =	vst v61  }
0x116: {  	v7 =	vmul.f32 v59, v5;
	[tilespmem:s3+$0xFFFFFFF0] =	vst v63  }
0x117: {  	s0 =	sshll.u32 s0, $0x8;
	[tilespmem:s3+$0x20] =	vst v4  }
0x118: {  	s1 =	simm.s32 $0x0;
	s0 =	sadd.s32 s15, s0;
	[tilespmem:s3+$0xFFFFFFD0] =	vst v7  }
0x119: {  	[hbm4b:s0+s1] =	stream.linear.scatter [tilespmem:s17], [sflag:$0x5], $0x800, $0x38;
	[tilespmem:$0x1DC00] =	vst v63  }
0x11a: {  	_ =	swait.ge [sflag:s23], $0x800  }
0x11b: {  	[sflag:s23] =	ssyncset.done $0x0  }
0x11c: {  	[sflag:s23] =	ssyncadd.s32 $0xFFFFF800  }
0x11d: {  	[spmem:s29] =	stream.indirect.scatter.add.f32 [tilespmem:s18], [sflag:$0x5], $0x80, s31, s28, $0xb8;
	[tilespmem:$0x1DC00] =	vst v63  }
0x11e: {  	s30 =	sadd.s32 $0x1, s30;
	_ =	swait.ge [sflag:s23], $0x800  }
0x11f: {  	p1 =	sne.s32 s30, $0x139;
	[sflag:s23] =	ssyncset.done $0x0  }
.Ltmp5:
0x120: {  	[sflag:s23] =	ssyncadd.s32 $0xFFFFF800;
	(pc) =	sbr.rel @p1 .LBB2_6-.Ltmp5, $4  }
0x121: {  	[spmem:s9] =	stream.indirect.scatter.add.f32 [tilespmem:s21], [sflag:$0x5], $0x80, s11, s28, $0xb8;
	[tilespmem:$0x1DC00] =	vst v63  }
0x122: {  	_ =	swait.ge [sflag:s23], $0x800  }
0x123: {  	[sflag:s23] =	ssyncset.done $0x0  }
0x124: {  	[sflag:s23] =	ssyncadd.s32 $0xFFFFF800  }
0x125: {  	_ =	swait.ge [sflag:s13], $0x1000  }
0x126: {  	[sflag:s13] =	ssyncset.done $0x0  }
0x127: {  	[sflag:s13] =	ssyncadd.s32 $0xFFFFF000  }
0x128: {  	_ =	swait.ge [sflag:s16], $0x800  }
0x129: {  	[sflag:s16] =	ssyncset.done $0x0  }
0x12a: {  	[sflag:s16] =	ssyncadd.s32 $0xFFFFF800  }
0x12b: {  	v4 =	vld [tilespmem:$0x100];
	_ =	sdelay $0x4  }
0x12c: {  	v4 =	vcvt.s32.f32 v4;
	_ =	sdelay $0x1  }
0x12d: {  	v5 =	vadd.f32 $-1.249000000e+03, v4;
	v6 =	vadd.f32 $-2.499000000e+03, v4;
	_ =	sdelay $0x1  }
0x12e: {  	v7 =	vadd.f32 $-3.749000000e+03, v4;
	v5 =	vmax.f32 v5, $0.0e+00;
	v6 =	vmax.f32 v6, $0.0e+00  }
0x12f: {  	v5 =	vmin.f32 v5, $1.000000000e+00;
	v6 =	vmin.f32 v6, $1.000000000e+00  }
0x130: {  	v5 =	vadd.f32 v6, v5;
	v6 =	vmax.f32 v7, $0.0e+00;
	v7 =	vadd.f32 $-4.999000000e+03, v4  }
0x131: {  	v6 =	vmin.f32 v6, $1.000000000e+00  }
0x132: {  	v5 =	vadd.f32 v5, v6;
	v6 =	vmax.f32 v7, $0.0e+00;
	v7 =	vadd.f32 $-6.249000000e+03, v4  }
0x133: {  	v6 =	vmin.f32 v6, $1.000000000e+00  }
0x134: {  	v5 =	vadd.f32 v5, v6;
	v6 =	vmax.f32 v7, $0.0e+00;
	v7 =	vadd.f32 $-7.499000000e+03, v4  }
0x135: {  	v6 =	vmin.f32 v6, $1.000000000e+00  }
0x136: {  	v5 =	vadd.f32 v5, v6;
	v6 =	vmax.f32 v7, $0.0e+00;
	v7 =	vadd.f32 $-8.749000000e+03, v4  }
0x137: {  	v6 =	vmin.f32 v6, $1.000000000e+00  }
0x138: {  	v5 =	vadd.f32 v5, v6;
	v6 =	vmax.f32 v7, $0.0e+00  }
0x139: {  	v6 =	vmin.f32 v6, $1.000000000e+00  }
0x13a: {  	v5 =	vadd.f32 v5, v6;
	_ =	sdelay $0x1  }
0x13b: {  	v6 =	vmul.f32 $-1.250000000e+03, v5;
	_ =	sdelay $0x1  }
0x13c: {  	v4 =	vadd.f32 v6, v4;
	_ =	sdelay $0x1  }
0x13d: {  	v4 =	vtrunc.f32 v4  }
0x13e: {  	v4 =	vcvt.f32.s32 v4  }
0x13f: {  	s0 =	simm.s32 $0x0;
	s3 =	simm.s32 $0x4B00;
	s4 =	simm.s32 $0x42C0;
	[tilespmem:$0x4A80] =	vst v5  }
0x140: {  	s2 =	simm.s32 $0x1;
	s12 =	simm.s32 $0x4B00;
	v5 =	vld [tilespmem:$0x4A80];
	[tilespmem:$0x3200] =	vst v4;
	v4 =	vmov s0;
	s0 =	simm.s32 $0x42C0  }
.LBB2_12:
0x141: {  	_ =	sdelay $0x1  }
0x142: {  	s1 =	smov.u32 s2  }
0x143: {  	v6 =	vmov s2;
	s3 =	sadd.s32 $0x80, s3;
	s4 =	sadd.s32 $0x80, s4;
	s1 =	sadd.s32 $0x1, s2  }
0x144: {  	p1 =	sne.s32 s2, $0xF;
	v5 =	vperm.xlane v5, v4;
	v4 =	vmov v6  }
0x145: {  	v6 =	vld [tilespmem:s12+$0x0];
	s12 =	smov.u32 s3  }
0x146: {  	v7 =	vmul.f32 v5, v5;
	v8 =	vadd.f32 $-5.000000000e+00, v5;
	v9 =	vadd.f32 $-7.000000000e+00, v5  }
0x147: {  	v10 =	vadd.f32 $-1.000000000e+00, v5;
	v11 =	vadd.f32 $-3.000000000e+00, v5  }
0x148: {  	v12 =	vadd.f32 $-2.000000000e+00, v5;
	v7 =	vsub.f32 $1.000000000e+00, v7;
	v8 =	vmul.f32 v8, v8  }
0x149: {  	v13 =	vadd.f32 $-4.000000000e+00, v5;
	v10 =	vmul.f32 v10, v10;
	v9 =	vmul.f32 v9, v9  }
0x14a: {  	v12 =	vmul.f32 v12, v12;
	v7 =	vmax.f32 v7, $0.0e+00;
	v8 =	vsub.f32 $1.000000000e+00, v8  }
0x14b: {  	v11 =	vmul.f32 v11, v11;
	v9 =	vsub.f32 $1.000000000e+00, v9;
	v7 =	vmul.f32 v7, v6  }
0x14c: {  	v13 =	vmul.f32 v13, v13;
	v12 =	vsub.f32 $1.000000000e+00, v12;
	v8 =	vmax.f32 v8, $0.0e+00  }
0x14d: {  	v5 =	vadd.f32 $-6.000000000e+00, v5;
	[tilespmem:s0+$0xFFFFFFC0] =	vst v7;
	v7 =	vsub.f32 $1.000000000e+00, v11;
	v8 =	vmul.f32 v8, v6  }
0x14e: {  	v10 =	vsub.f32 $1.000000000e+00, v10;
	v11 =	vmax.f32 v12, $0.0e+00;
	v12 =	vsub.f32 $1.000000000e+00, v13  }
0x14f: {  	v5 =	vmul.f32 v5, v5;
	v11 =	vmul.f32 v11, v6;
	[tilespmem:s0+$0x10] =	vst v8;
	v8 =	vmax.f32 v9, $0.0e+00  }
0x150: {  	v9 =	vmax.f32 v10, $0.0e+00;
	v10 =	vmax.f32 v12, $0.0e+00;
	v8 =	vmul.f32 v8, v6  }
0x151: {  	v5 =	vsub.f32 $1.000000000e+00, v5;
	v9 =	vmul.f32 v9, v6;
	v10 =	vmul.f32 v10, v6;
	[tilespmem:s0+$0xFFFFFFE0] =	vst v11  }
0x152: {  	v7 =	vmax.f32 v7, $0.0e+00;
	[tilespmem:s0+$0x30] =	vst v8  }
.Ltmp6:
0x153: {  	v5 =	vmax.f32 v5, $0.0e+00;
	v7 =	vmul.f32 v7, v6;
	[tilespmem:s0+$0xFFFFFFD0] =	vst v9;
	(pc) =	sbr.rel @p1 .LBB2_12-.Ltmp6, $4  }
0x154: {  	v5 =	vmul.f32 v5, v6;
	[tilespmem:s0+$0x0] =	vst v10  }
0x155: {  	[tilespmem:s0+$0xFFFFFFF0] =	vst v7  }
0x156: {  	[tilespmem:s0+$0x20] =	vst v5;
	s0 =	smov.u32 s4  }
0x157: {  	s2 =	smov.u32 s1;
	v5 =	vld [tilespmem:$0x4A80]  }
0x158: {  	_ =	sdelay $0x3  }
0x159: {  	v4 =	vperm.xlane v5, v4;
	_ =	sdelay $0x1  }
0x15a: {  	v7 =	vadd.f32 $-5.000000000e+00, v4;
	v8 =	vadd.f32 $-7.000000000e+00, v4  }
0x15b: {  	v9 =	vadd.f32 $-1.000000000e+00, v4;
	v10 =	vadd.f32 $-3.000000000e+00, v4  }
0x15c: {  	v5 =	vld [tilespmem:s12+$0x0];
	v6 =	vmul.f32 v4, v4;
	v11 =	vadd.f32 $-2.000000000e+00, v4;
	v12 =	vadd.f32 $-4.000000000e+00, v4  }
0x15d: {  	v4 =	vadd.f32 $-6.000000000e+00, v4;
	v7 =	vmul.f32 v7, v7;
	v9 =	vmul.f32 v9, v9  }
0x15e: {  	v6 =	vsub.f32 $1.000000000e+00, v6;
	v8 =	vmul.f32 v8, v8;
	v11 =	vmul.f32 v11, v11  }
0x15f: {  	v10 =	vmul.f32 v10, v10;
	v12 =	vmul.f32 v12, v12;
	v7 =	vsub.f32 $1.000000000e+00, v7  }
0x160: {  	v4 =	vmul.f32 v4, v4;
	v6 =	vmax.f32 v6, $0.0e+00;
	v11 =	vsub.f32 $1.000000000e+00, v11  }
0x161: {  	v8 =	vsub.f32 $1.000000000e+00, v8;
	v6 =	vmul.f32 v6, v5;
	v7 =	vmax.f32 v7, $0.0e+00  }
0x162: {  	v12 =	vsub.f32 $1.000000000e+00, v12;
	v11 =	vmax.f32 v11, $0.0e+00;
	v7 =	vmul.f32 v7, v5  }
0x163: {  	v10 =	vsub.f32 $1.000000000e+00, v10;
	v8 =	vmax.f32 v8, $0.0e+00;
	[tilespmem:s0+$0xFFFFFFC0] =	vst v6;
	v58 =	vmul.f32 v11, v5  }
0x164: {  	v4 =	vsub.f32 $1.000000000e+00, v4;
	v60 =	vmax.f32 v12, $0.0e+00;
	v8 =	vmul.f32 v8, v5;
	[tilespmem:s0+$0x10] =	vst v7  }
0x165: {  	v9 =	vsub.f32 $1.000000000e+00, v9;
	v62 =	vmax.f32 v10, $0.0e+00;
	v61 =	vmul.f32 v60, v5;
	[tilespmem:s0+$0xFFFFFFE0] =	vst v58  }
0x166: {  	v4 =	vmax.f32 v4, $0.0e+00;
	v63 =	vmul.f32 v62, v5;
	[tilespmem:s0+$0x30] =	vst v8  }
0x167: {  	v59 =	vmax.f32 v9, $0.0e+00;
	v4 =	vmul.f32 v4, v5;
	[tilespmem:s0+$0x0] =	vst v61  }
0x168: {  	v7 =	vmul.f32 v59, v5;
	[tilespmem:s0+$0xFFFFFFF0] =	vst v63  }
0x169: {  	[tilespmem:s0+$0x20] =	vst v4  }
0x16a: {  	s26 =	simm.s32 $0x0;
	s1 =	rddreg [dreg:$0x9];
	[tilespmem:s0+$0xFFFFFFD0] =	vst v7  }
0x16b: {  	[hbm4b:s1+s26] =	stream.linear.scatter [tilespmem:s17], [sflag:$0x5], $0x800, $0x38;
	[tilespmem:$0x1DC00] =	vst v63  }
0x16c: {  	_ =	swait.ge [sflag:s23], $0x800  }
0x16d: {  	[sflag:s23] =	ssyncset.done $0x0  }
0x16e: {  	[sflag:s23] =	ssyncadd.s32 $0xFFFFF800  }
0x16f: {  	[spmem:s29] =	stream.indirect.scatter.add.f32 [tilespmem:s18], [sflag:$0x5], $0x80, s24, s28, $0xb8;
	[tilespmem:$0x1DC00] =	vst v63  }
0x170: {  	_ =	swait.ge [sflag:s23], $0x800  }
0x171: {  	[sflag:s23] =	ssyncset.done $0x0  }
0x172: {  	[sflag:s23] =	ssyncadd.s32 $0xFFFFF800  }
0x173: {  	[spmem:s9] =	stream.indirect.scatter.add.f32 [tilespmem:s21], [sflag:$0x5], $0x80, s11, s28, $0xb8;
	[tilespmem:$0x1DC00] =	vst v63  }
0x174: {  	_ =	swait.ge [sflag:s23], $0x800  }
0x175: {  	[sflag:s23] =	ssyncset.done $0x0  }
0x176: {  	[sflag:s23] =	ssyncadd.s32 $0xFFFFF800  }
0x177: {  	[bflag:$0x0] =	sbarrier.arrive $0xFFFF  }
0x178: {  	s30 =	stileid.u32;
	s14 =	rddreg [dreg:$0x4]  }
.Ltmp7:
0x179: {  	s0 =	sshll.u32 s30, $0x6;
	s26 =	rddreg [dreg:$0xd];
	(pc) =	sbr.rel @p0 .LBB2_15-.Ltmp7, $4  }
0x17a: {  	s1 =	sor.u32 $0x1C05, s0;
	s4 =	rddreg [dreg:$0xe];
	s2 =	sshrl.u32 s26, $0x3  }
0x17b: {  	[hbm:s4], [sflag:s1] =	dma.local [spmem:s2], $0x500  }
0x17c: {  	s3 =	sadd.s32 $0xFFFFFFFF, s14;
	_ =	swait.ge [sflag:s23], $0x500  }
0x17d: {  	s12 =	smov.u32 s26;
	s4 =	sadd.s32 $0x5000, s4;
	s25 =	rddreg [dreg:$0x5]  }
.LBB2_14:
0x17e: {  	[sflag:s23] =	ssyncset.done $0x0  }
0x17f: {  	s12 =	sadd.s32 $0x28000, s12;
	s1 =	sor.u32 $0x1C05, s0;
	p0 =	seq.s32 s3, $0x1  }
.Ltmp8:
0x180: {  	s2 =	sshrl.u32 s12, $0x3;
	[sflag:s23] =	ssyncadd.s32 $0xFFFFFB00;
	(pc) =	sbr.rel @!p0 .LBB2_14-.Ltmp8, $3  }
0x181: {  	[hbm:s4], [sflag:s1] =	dma.local [spmem:s2], $0x500  }
0x182: {  	s3 =	sadd.s32 $0xFFFFFFFF, s3;
	_ =	sdelay $0x1  }
0x183: {  	s4 =	sadd.s32 $0x5000, s4;
	_ =	swait.ge [sflag:s23], $0x500  }
.LBB2_15:
0x184: {  	[sflag:s23] =	ssyncset.done $0x0;
	s3 =	rddreg [dreg:$0xf]  }
0x185: {  	s0 =	sshrl.u32 s25, $0x3;
	s2 =	rddreg [dreg:$0xa];
	[sflag:s23] =	ssyncadd.s32 $0xFFFFFB00  }
0x186: {  	[hbm:s2], [sflag:s1] =	dma.local [spmem:s0], $0x500  }
0x187: {  	_ =	swait.ge [sflag:s23], $0x500  }
0x188: {  	s3 =	sadd.s32 $0x1, s3;
	s30 =	rddreg [dreg:$0xb]  }
0x189: {  	p0 =	seq.s32 s3, s30  }
.Ltmp9:
0x18a: {  	_ = 	snop;
	(pc) =	sbr.rel @!p0 .LBB2_1-.Ltmp9, $3  }
0x18b: {  	_ =	sdelay $0x1  }
0x18c: {  	[sflag:s23] =	ssyncset.done $0x0  }
0x18d: {  	[sflag:s23] =	ssyncadd.s32 $0xFFFFFB00  }
0x18e: {  	_ =	sfence.sel $0x180000  }
0x18f: {  	[bflag:$0x0] =	sbarrier.arrive $0xFFFF  }
0x190: {  	_ =	strace $0x90000047  }
0x191: {  	s0 =	stileid.u32;
	[bflag:$0x2] =	sbarrier.arrive $0xFFFF  }
0x192: {  	p0 =	sne.s32 s0, $0x0;
	s0 =	rddreg [dreg:$0x3]  }
0x193: {  	s0 =	sadd.s32 @!p0 $0x100000, s0  }
0x194: {  	[sflag:s0] =	ssyncadd.tile.s32 @!p0 $0x1;
	_ =	shalt  }
.Lfunc_end2:
_tile_overlayer_lowered:
.L_overlay_start_2:
0x195: {  	(tag) =	ssettag $0x2  }
0x196: {  	s0 =	rddreg [dreg:$0x0];
	s2 =	stileid.u32  }
0x197: {  	s1 =	rddreg [dreg:$0x1];
	p0 =	sne.s32 s2, $0x0  }
0x198: {  	s3 =	rddreg [dreg:$0x2];
	[bflag:$0x3] =	sbarrier.arrive $0xFFFF;
	s2 =	simm.s32 @!p0 $0x1C05  }
0x199: {  	[timem:s3], [sflag:s2] =	dma.local @!p0 [hbm:s0], s1  }
0x19a: {  	s0 =	simm.s32 @!p0 $0x5  }
0x19b: {  	_ =	swait.ge @!p0 [sflag:s0], s1  }
0x19c: {  	s1 =	ssub.s32 @!p0 $0x0, s1;
	[sflag:s0] =	ssyncset.done @!p0 $0x0  }
0x19d: {  	[sflag:s0] =	ssyncadd.s32 @!p0 s1  }
0x19e: {  	[bflag:$0x3] =	sbarrier.arrive $0xFFFF  }
0x19f: {  	_ =	shalt  }

</sc_bundles>
